<compile_context>
chip_gen: v7x
topology: tpu7x:2x2x1
jax: 0.10.2.dev20260603
libtpu: 0.0.44.dev20260713+nightly
codegen_flags: <defaults>
</compile_context>

<pallas_src>
import functools

import jax
import jax.numpy as jnp
from jax import lax
from jax.experimental import pallas as pl
from jax.experimental.pallas import tpu as pltpu
from jax.experimental.pallas import tpu_sc as plsc

N = 10000
E = 320000
IN_DIM = 134
HID = 256

NC = 2
NS = 16
CH = 128
EPT = 10240
E_PAD = NC * NS * EPT
NPAD = 10240
D2 = 144
ROWS_PT = NPAD // NS

BM = 1024



def _deg_body(dst_hbm, w_hbm, out_hbm, deg_sh, dst_v, w_v, zb):
    cid = lax.axis_index("c")
    sid = lax.axis_index("s")
    z16 = jnp.zeros((16,), jnp.float32)

    def zfill(i, c):
        zb[pl.ds(i * 16, 16)] = z16
        return c
    lax.fori_loop(0, 640 // 16, zfill, 0)
    pltpu.sync_copy(zb, deg_sh.at[pl.ds(sid * 640, 640)])
    plsc.subcore_barrier()

    base = (cid * NS + sid) * EPT

    def chunk(i, c):
        off = base + i * CH
        pltpu.sync_copy(dst_hbm.at[pl.ds(off, CH)], dst_v)
        pltpu.sync_copy(w_hbm.at[pl.ds(off, CH)], w_v)
        pltpu.sync_copy(w_v, deg_sh.at[dst_v], add=True)
        return c
    lax.fori_loop(0, EPT // CH, chunk, 0)
    plsc.subcore_barrier()
    pltpu.sync_copy(deg_sh.at[pl.ds(sid * 640, 640)],
                    out_hbm.at[pl.ds(cid * NPAD + sid * 640, 640)])



def _make_agg_body(d, feature_split):
    nsl = d // 16
    chunks = (2 * EPT if feature_split else EPT) // CH

    def body(g_hbm, src_hbm, dst_hbm, w_hbm, out_hbm,
             acc_sh, src_v, dst_v, w_v, rows_v, zb, sem):
        cid = lax.axis_index("c")
        sid = lax.axis_index("s")
        z16 = jnp.zeros((16,), jnp.float32)

        def zfill(i, c):
            r = i // nsl
            j = i - r * nsl
            zb[r, pl.ds(j * 16, 16)] = z16
            return c
        lax.fori_loop(0, 32 * nsl, zfill, 0)

        def zcp(i, c):
            pltpu.sync_copy(zb, acc_sh.at[pl.ds(sid * ROWS_PT + i * 32, 32)])
            return c
        lax.fori_loop(0, ROWS_PT // 32, zcp, 0)
        plsc.subcore_barrier()

        if feature_split:
            ebase = sid * (2 * EPT)
            sbase = cid * E_PAD + ebase
        else:
            ebase = (cid * NS + sid) * EPT
            sbase = ebase

        def chunk(i, c):
            off = ebase + i * CH
            soff = sbase + i * CH
            pltpu.sync_copy(src_hbm.at[pl.ds(soff, CH)], src_v)
            pltpu.sync_copy(dst_hbm.at[pl.ds(off, CH)], dst_v)
            pltpu.sync_copy(w_hbm.at[pl.ds(off, CH)], w_v)
            pltpu.async_copy(g_hbm.at[src_v], rows_v, sem).wait()

            def grp(g, c2):
                wvec = w_v[pl.ds(g * 16, 16)]
                for k in range(16):
                    ws = wvec[k]
                    e = g * 16 + k
                    for j in range(nsl):
                        sl = pl.ds(j * 16, 16)
                        rows_v[e, sl] = rows_v[e, sl] * ws
                return c2
            lax.fori_loop(0, CH // 16, grp, 0)
            pltpu.sync_copy(rows_v, acc_sh.at[dst_v], add=True)
            return c
        lax.fori_loop(0, chunks, chunk, 0)
        plsc.subcore_barrier()
        pltpu.sync_copy(acc_sh.at[pl.ds(sid * ROWS_PT, ROWS_PT)],
                        out_hbm.at[pl.ds(cid * NPAD + sid * ROWS_PT, ROWS_PT)])

    return body


def _make_agg_call(d, feature_split):
    params = (None if d % 128 == 0
              else pltpu.CompilerParams(use_tc_tiling_on_sc=False))
    return pl.kernel(
        _make_agg_body(d, feature_split),
        out_type=jax.ShapeDtypeStruct((2 * NPAD, d), jnp.float32),
        mesh=plsc.VectorSubcoreMesh(core_axis_name="c", subcore_axis_name="s"),
        compiler_params=params,
        scratch_types=[
            pltpu.VMEM_SHARED((NPAD, d), jnp.float32),
            pltpu.VMEM((CH,), jnp.int32),
            pltpu.VMEM((CH,), jnp.int32),
            pltpu.VMEM((CH,), jnp.float32),
            pltpu.VMEM((CH, d), jnp.float32),
            pltpu.VMEM((32, d), jnp.float32),
            pltpu.SemaphoreType.DMA,
        ],
    )



def _tc1_body(x_ref, w_ref, d0_ref, d1_ref, dis_ref, g_ref):
    deg = d0_ref[...] + d1_ref[...] + 1.0
    dis = lax.rsqrt(deg)
    dis_ref[...] = dis
    h = lax.dot_general(x_ref[...], w_ref[...], (((1,), (0,)), ((), ())),
                        precision=lax.Precision.HIGHEST,
                        preferred_element_type=jnp.float32)
    g = h * dis
    g_ref[0, :, :] = g[:, :128]
    g_ref[1, :, :] = g[:, 128:]


def _tc2_body(a_ref, g1_ref, dis_ref, b1_ref, w2_ref, g2_ref):
    dis = dis_ref[...]
    zlo = jnp.maximum(dis * (a_ref[0] + g1_ref[0]) + b1_ref[0], 0.0)
    zhi = jnp.maximum(dis * (a_ref[1] + g1_ref[1]) + b1_ref[1], 0.0)
    dn = (((1,), (0,)), ((), ()))
    h2 = (lax.dot_general(zlo, w2_ref[0:128, :], dn,
                          precision=lax.Precision.HIGHEST,
                          preferred_element_type=jnp.float32)
          + lax.dot_general(zhi, w2_ref[128:256, :], dn,
                            precision=lax.Precision.HIGHEST,
                            preferred_element_type=jnp.float32))
    g2_ref[...] = h2 * dis


def _tc3_body(a_ref, g2_ref, dis_ref, b2_ref, o_ref):
    dis = dis_ref[...]
    val = dis * (a_ref[0] + a_ref[1] + g2_ref[...]) + b2_ref[...]
    o_ref[...] = val[:, :IN_DIM]



def kernel(x, edge_index, edge_weight, W1, b1, W2, b2):
    src = edge_index[0]
    dst = edge_index[1]
    npad = E_PAD - E
    padi = (jnp.arange(npad, dtype=jnp.int32) % N)
    src_p = jnp.concatenate([src, padi])
    dst_p = jnp.concatenate([dst, padi])
    w_p = jnp.concatenate([edge_weight, jnp.zeros((npad,), jnp.float32)])
    src2_p = jnp.concatenate([src_p, src_p + NPAD])

    x_pad = jnp.pad(x, ((0, NPAD - N), (0, HID - IN_DIM)))
    W1_pad = jnp.pad(W1, ((0, HID - IN_DIM), (0, 0)))
    W2_pad = jnp.pad(W2, ((0, 0), (0, D2 - IN_DIM)))
    b1s = b1.reshape(2, 1, 128)
    b2p = jnp.pad(b2, (0, D2 - IN_DIM)).reshape(1, D2)

    deg_call = pl.kernel(
        _deg_body,
        out_type=jax.ShapeDtypeStruct((2 * NPAD,), jnp.float32),
        mesh=plsc.VectorSubcoreMesh(core_axis_name="c", subcore_axis_name="s"),
        scratch_types=[
            pltpu.VMEM_SHARED((NPAD,), jnp.float32),
            pltpu.VMEM((CH,), jnp.int32),
            pltpu.VMEM((CH,), jnp.float32),
            pltpu.VMEM((640,), jnp.float32),
        ],
    )
    degp = deg_call(dst_p, w_p)
    d0 = degp[:NPAD].reshape(NPAD, 1)
    d1 = degp[NPAD:].reshape(NPAD, 1)

    tc1 = pl.pallas_call(
        _tc1_body,
        grid=(NPAD // BM,),
        in_specs=[
            pl.BlockSpec((BM, HID), lambda m: (m, 0)),
            pl.BlockSpec((HID, HID), lambda m: (0, 0)),
            pl.BlockSpec((BM, 1), lambda m: (m, 0)),
            pl.BlockSpec((BM, 1), lambda m: (m, 0)),
        ],
        out_specs=[
            pl.BlockSpec((BM, 1), lambda m: (m, 0)),
            pl.BlockSpec((2, BM, 128), lambda m: (0, m, 0)),
        ],
        out_shape=[
            jax.ShapeDtypeStruct((NPAD, 1), jnp.float32),
            jax.ShapeDtypeStruct((2, NPAD, 128), jnp.float32),
        ],
    )
    dis, g1 = tc1(x_pad, W1_pad, d0, d1)

    agg1_call = _make_agg_call(128, feature_split=True)
    agg1 = agg1_call(g1.reshape(2 * NPAD, 128), src2_p, dst_p, w_p)

    tc2 = pl.pallas_call(
        _tc2_body,
        grid=(NPAD // BM,),
        in_specs=[
            pl.BlockSpec((2, BM, 128), lambda m: (0, m, 0)),
            pl.BlockSpec((2, BM, 128), lambda m: (0, m, 0)),
            pl.BlockSpec((BM, 1), lambda m: (m, 0)),
            pl.BlockSpec((2, 1, 128), lambda m: (0, 0, 0)),
            pl.BlockSpec((HID, D2), lambda m: (0, 0)),
        ],
        out_specs=pl.BlockSpec((BM, D2), lambda m: (m, 0)),
        out_shape=jax.ShapeDtypeStruct((NPAD, D2), jnp.float32),
    )
    g2 = tc2(agg1.reshape(2, NPAD, 128), g1, dis, b1s, W2_pad)

    agg2_call = _make_agg_call(D2, feature_split=False)
    agg2 = agg2_call(g2, src_p, dst_p, w_p)

    tc3 = pl.pallas_call(
        _tc3_body,
        grid=(NPAD // BM,),
        in_specs=[
            pl.BlockSpec((2, BM, D2), lambda m: (0, m, 0)),
            pl.BlockSpec((BM, D2), lambda m: (m, 0)),
            pl.BlockSpec((BM, 1), lambda m: (m, 0)),
            pl.BlockSpec((1, D2), lambda m: (0, 0)),
        ],
        out_specs=pl.BlockSpec((BM, IN_DIM), lambda m: (m, 0)),
        out_shape=jax.ShapeDtypeStruct((NPAD, IN_DIM), jnp.float32),
    )
    out = tc3(agg2.reshape(2, NPAD, D2), g2, dis, b2p)
    return out[:N]

# --- scband reference (transcript-rebuilt; emitter-appended) ---
"""Pipeline reference for scband-spatial-dgnn-7919919694132 (READ-ONLY COPY).

The authoritative reference and input builder live on the scoring server;
editing this copy changes nothing except your own understanding.
"""

import jax, jax.numpy as jnp
import numpy as np

N = 10000
E = 320000
FEAT = 128
IN_DIM = FEAT + 6
HID = 256


def gcn_conv(x, W, b, src, dst, ew, num_nodes):
    # PyG GCNConv: add self-loops (weight 1), symmetric normalization, scatter-add to dst, then bias
    loop = jnp.arange(num_nodes, dtype=src.dtype)
    s = jnp.concatenate([src, loop])
    d = jnp.concatenate([dst, loop])
    w = jnp.concatenate([ew, jnp.ones((num_nodes,), dtype=ew.dtype)])
    deg = jnp.zeros((num_nodes,), dtype=x.dtype).at[d].add(w)
    dis = jnp.where(deg > 0, jax.lax.rsqrt(deg), 0.0)
    norm = dis[s] * w * dis[d]
    h = x @ W
    msg = h[s] * norm[:, None]
    out = jnp.zeros((num_nodes, W.shape[1]), dtype=x.dtype).at[d].add(msg)
    return out + b


def setup_inputs(seed: int = 0) -> dict:
    key = jax.random.key(seed)
    k1, k2, k3, k4, k5 = jax.random.split(key, 5)
    x = jax.random.normal(k1, (N, IN_DIM), dtype=jnp.float32)
    edge_index = jax.random.randint(k2, (2, E), 0, N, dtype=jnp.int32)
    edge_weight = jax.random.uniform(k3, (E,), dtype=jnp.float32)
    W1 = jax.random.normal(k4, (IN_DIM, HID), dtype=jnp.float32) * (1.0 / np.sqrt(IN_DIM))
    b1 = jnp.zeros((HID,), dtype=jnp.float32)
    W2 = jax.random.normal(k5, (HID, IN_DIM), dtype=jnp.float32) * (1.0 / np.sqrt(HID))
    b2 = jnp.zeros((IN_DIM,), dtype=jnp.float32)
    return {"x": x, "edge_index": edge_index, "edge_weight": edge_weight,
            "W1": W1, "b1": b1, "W2": W2, "b2": b2}


def reference(x, edge_index, edge_weight, W1, b1, W2, b2):
    src = edge_index[0]
    dst = edge_index[1]
    h = jax.nn.relu(gcn_conv(x, W1, b1, src, dst, edge_weight, N))
    out = gcn_conv(h, W2, b2, src, dst, edge_weight, N)
    return out

if __name__ == "__main__":
    import jax
    _d = setup_inputs()
    print(jax.jit(kernel)(*tuple(_d.values())))

</pallas_src>

<mosaic_0001>
#map = affine_map<(d0, d1) -> (0)>
module attributes {stable_mosaic.version = 14 : i64} {
  func.func @_deg_body(%arg0: i32, %arg1: i32, %arg2: memref<327680xi32, #tpu.memory_space<hbm>>, %arg3: memref<327680xf32, #tpu.memory_space<hbm>>, %arg4: memref<20480xf32, #tpu.memory_space<hbm>>, %arg5: memref<10240xf32, #tpu.memory_space<vmem_shared>>, %arg6: memref<128xi32, #tpu.memory_space<vmem>>, %arg7: memref<128xf32, #tpu.memory_space<vmem>>, %arg8: memref<640xf32, #tpu.memory_space<vmem>>) attributes {dimension_semantics = [#tpu.dimension_semantics<core_parallel>, #tpu.dimension_semantics<subcore_parallel>], iteration_bounds = array<i64: 2, 16>, scalar_prefetch = 0 : i64, scratch_operands = 4 : i64, tpu.core_type = #tpu.core_type<sc_vector_subcore>, window_params = [{transform_indices = #map}, {transform_indices = #map}, {transform_indices = #map}]} {
    %broadcast_in_dim3A = arith.constant 0.000000e+00 : f32
    %broadcast_in_dim3A_0 = vector.broadcast %broadcast_in_dim3A : f32 to vector<16xf32>
    %scan3A = arith.constant 0 : i32
    %scan3A_1 = arith.constant 0 : i32
    %scan3A_2 = arith.constant 40 : i32
    %scan3A_3 = arith.addi %scan3A_1, %scan3A_2 : i32
    %scan3A_4 = arith.constant 1 : i32
    scf.for %scan3A_25 = %scan3A_1 to %scan3A_3 step %scan3A_4  : i32 {
      %mul3A_26 = arith.constant 16 : i32
      %mul3A_27 = arith.muli %scan3A_25, %mul3A_26 : i32
      %swap3A = arith.index_cast %mul3A_27 : i32 to index
      %swap3A_28 = tpu.vector_load %arg8[%swap3A] {strides = array<i32>} : memref<640xf32, #tpu.memory_space<vmem>>, vector<16xf32>,
      %swap3A_29 = vector.shape_cast %swap3A_28 : vector<16xf32> to vector<16xf32>
      %swap3A_30 = vector.shape_cast %broadcast_in_dim3A_0 : vector<16xf32> to vector<16xf32>
      tpu.vector_store %arg8[%swap3A], %swap3A_30 {strides = array<i32>} : memref<640xf32, #tpu.memory_space<vmem>>, vector<16xf32>,
    }
    %scan3A_5 = arith.constant 40 : i32
    %mul3A = arith.constant 640 : i32
    %mul3A_6 = arith.muli %arg1, %mul3A : i32
    "tpu.region"() ({
      %run_scoped3A = tpu.sem_alloc : memref<!tpu.dma_semaphore, #tpu.memory_space<semaphore_mem>>
      %dma_start3A = tpu.memref_slice %arg5[%mul3A_6] : memref<10240xf32, #tpu.memory_space<vmem_shared>> -> memref<640xf32, #tpu.memory_space<vmem_shared>>
      %dma_start3A_25 = tpu.memref_slice %arg5[%mul3A_6] : memref<10240xf32, #tpu.memory_space<vmem_shared>> -> memref<640xf32, #tpu.memory_space<vmem_shared>>
      tpu.enqueue_dma source(%arg8 : memref<640xf32, #tpu.memory_space<vmem>>) target(%dma_start3A_25 : memref<640xf32, #tpu.memory_space<vmem_shared>>) target_semaphore(%run_scoped3A : memref<!tpu.dma_semaphore, #tpu.memory_space<semaphore_mem>>)
      %dma_wait3A = tpu.memref_slice %arg5[%mul3A_6] : memref<10240xf32, #tpu.memory_space<vmem_shared>> -> memref<640xf32, #tpu.memory_space<vmem_shared>>
      %dma_wait3A_26 = tpu.memref_slice %arg5[%mul3A_6] : memref<10240xf32, #tpu.memory_space<vmem_shared>> -> memref<640xf32, #tpu.memory_space<vmem_shared>>
      tpu.wait_dma2 semaphore(%run_scoped3A : memref<!tpu.dma_semaphore, #tpu.memory_space<semaphore_mem>>) src(%arg8 : memref<640xf32, #tpu.memory_space<vmem>>) dst(%dma_wait3A_26 : memref<640xf32, #tpu.memory_space<vmem_shared>>)
      tpu.yield
    }) : () -> ()
    %barrier3A = arith.constant 0 : index
    tpu.barrier barrier_id(%barrier3A)
    %mul3A_7 = arith.constant 16 : i32
    %mul3A_8 = arith.muli %arg0, %mul3A_7 : i32
    %add3A = arith.addi %mul3A_8, %arg1 : i32
    %mul3A_9 = arith.constant 10240 : i32
    %mul3A_10 = arith.muli %add3A, %mul3A_9 : i32
    %scan3A_11 = arith.constant 0 : i32
    %scan3A_12 = arith.constant 0 : i32
    %scan3A_13 = arith.constant 80 : i32
    %scan3A_14 = arith.addi %scan3A_12, %scan3A_13 : i32
    %scan3A_15 = arith.constant 1 : i32
    scf.for %scan3A_25 = %scan3A_12 to %scan3A_14 step %scan3A_15  : i32 {
      %mul3A_26 = arith.constant 128 : i32
      %mul3A_27 = arith.muli %scan3A_25, %mul3A_26 : i32
      %add3A_28 = arith.addi %mul3A_10, %mul3A_27 : i32
      "tpu.region"() ({
        %run_scoped3A = tpu.sem_alloc : memref<!tpu.dma_semaphore, #tpu.memory_space<semaphore_mem>>
        %dma_start3A = tpu.memref_slice %arg2[%add3A_28] : memref<327680xi32, #tpu.memory_space<hbm>> -> memref<128xi32, #tpu.memory_space<hbm>>
        %dma_start3A_29 = tpu.memref_slice %arg2[%add3A_28] : memref<327680xi32, #tpu.memory_space<hbm>> -> memref<128xi32, #tpu.memory_space<hbm>>
        tpu.enqueue_dma source(%dma_start3A_29 : memref<128xi32, #tpu.memory_space<hbm>>) target(%arg6 : memref<128xi32, #tpu.memory_space<vmem>>) target_semaphore(%run_scoped3A : memref<!tpu.dma_semaphore, #tpu.memory_space<semaphore_mem>>)
        %dma_wait3A = tpu.memref_slice %arg2[%add3A_28] : memref<327680xi32, #tpu.memory_space<hbm>> -> memref<128xi32, #tpu.memory_space<hbm>>
        %dma_wait3A_30 = tpu.memref_slice %arg2[%add3A_28] : memref<327680xi32, #tpu.memory_space<hbm>> -> memref<128xi32, #tpu.memory_space<hbm>>
        tpu.wait_dma2 semaphore(%run_scoped3A : memref<!tpu.dma_semaphore, #tpu.memory_space<semaphore_mem>>) src(%dma_wait3A_30 : memref<128xi32, #tpu.memory_space<hbm>>) dst(%arg6 : memref<128xi32, #tpu.memory_space<vmem>>)
        tpu.yield
      }) : () -> ()
      "tpu.region"() ({
        %run_scoped3A = tpu.sem_alloc : memref<!tpu.dma_semaphore, #tpu.memory_space<semaphore_mem>>
        %dma_start3A = tpu.memref_slice %arg3[%add3A_28] : memref<327680xf32, #tpu.memory_space<hbm>> -> memref<128xf32, #tpu.memory_space<hbm>>
        %dma_start3A_29 = tpu.memref_slice %arg3[%add3A_28] : memref<327680xf32, #tpu.memory_space<hbm>> -> memref<128xf32, #tpu.memory_space<hbm>>
        tpu.enqueue_dma source(%dma_start3A_29 : memref<128xf32, #tpu.memory_space<hbm>>) target(%arg7 : memref<128xf32, #tpu.memory_space<vmem>>) target_semaphore(%run_scoped3A : memref<!tpu.dma_semaphore, #tpu.memory_space<semaphore_mem>>)
        %dma_wait3A = tpu.memref_slice %arg3[%add3A_28] : memref<327680xf32, #tpu.memory_space<hbm>> -> memref<128xf32, #tpu.memory_space<hbm>>
        %dma_wait3A_30 = tpu.memref_slice %arg3[%add3A_28] : memref<327680xf32, #tpu.memory_space<hbm>> -> memref<128xf32, #tpu.memory_space<hbm>>
        tpu.wait_dma2 semaphore(%run_scoped3A : memref<!tpu.dma_semaphore, #tpu.memory_space<semaphore_mem>>) src(%dma_wait3A_30 : memref<128xf32, #tpu.memory_space<hbm>>) dst(%arg7 : memref<128xf32, #tpu.memory_space<vmem>>)
        tpu.yield
      }) : () -> ()
      "tpu.region"() ({
        %run_scoped3A = tpu.sem_alloc : memref<!tpu.dma_semaphore, #tpu.memory_space<semaphore_mem>>
        %dma_start3A = arith.constant 0 : i32
        %dma_start3A_29 = tpu.memref_slice %arg5[%dma_start3A] : memref<10240xf32, #tpu.memory_space<vmem_shared>> -> memref<10240xf32, #tpu.memory_space<vmem_shared>>
        tpu.enqueue_indirect_dma source(%arg7 : memref<128xf32, #tpu.memory_space<vmem>>) target(%dma_start3A_29 : memref<10240xf32, #tpu.memory_space<vmem_shared>>) offsets(%arg6 : memref<128xi32, #tpu.memory_space<vmem>>) semaphore(%run_scoped3A : memref<!tpu.dma_semaphore, #tpu.memory_space<semaphore_mem>>) {add = true}
        %dma_wait3A = arith.constant 0 : i32
        %dma_wait3A_30 = tpu.memref_slice %arg5[%dma_wait3A] : memref<10240xf32, #tpu.memory_space<vmem_shared>> -> memref<10240xf32, #tpu.memory_space<vmem_shared>>
        tpu.wait_indirect_dma semaphore(%run_scoped3A : memref<!tpu.dma_semaphore, #tpu.memory_space<semaphore_mem>>) src(%arg7 : memref<128xf32, #tpu.memory_space<vmem>>) dst(%dma_wait3A_30 : memref<10240xf32, #tpu.memory_space<vmem_shared>>)
        tpu.yield
      }) : () -> ()
    }
    %scan3A_16 = arith.constant 80 : i32
    %barrier3A_17 = arith.constant 0 : index
    tpu.barrier barrier_id(%barrier3A_17)
    %mul3A_18 = arith.constant 640 : i32
    %mul3A_19 = arith.muli %arg1, %mul3A_18 : i32
    %mul3A_20 = arith.constant 10240 : i32
    %mul3A_21 = arith.muli %arg0, %mul3A_20 : i32
    %mul3A_22 = arith.constant 640 : i32
    %mul3A_23 = arith.muli %arg1, %mul3A_22 : i32
    %add3A_24 = arith.addi %mul3A_21, %mul3A_23 : i32
    "tpu.region"() ({
      %run_scoped3A = tpu.sem_alloc : memref<!tpu.dma_semaphore, #tpu.memory_space<semaphore_mem>>
      %dma_start3A = tpu.memref_slice %arg4[%add3A_24] : memref<20480xf32, #tpu.memory_space<hbm>> -> memref<640xf32, #tpu.memory_space<hbm>>
      %dma_start3A_25 = tpu.memref_slice %arg5[%mul3A_19] : memref<10240xf32, #tpu.memory_space<vmem_shared>> -> memref<640xf32, #tpu.memory_space<vmem_shared>>
      tpu.enqueue_dma source(%dma_start3A_25 : memref<640xf32, #tpu.memory_space<vmem_shared>>) target(%dma_start3A : memref<640xf32, #tpu.memory_space<hbm>>) target_semaphore(%run_scoped3A : memref<!tpu.dma_semaphore, #tpu.memory_space<semaphore_mem>>)
      %dma_wait3A = tpu.memref_slice %arg4[%add3A_24] : memref<20480xf32, #tpu.memory_space<hbm>> -> memref<640xf32, #tpu.memory_space<hbm>>
      %dma_wait3A_26 = tpu.memref_slice %arg5[%mul3A_19] : memref<10240xf32, #tpu.memory_space<vmem_shared>> -> memref<640xf32, #tpu.memory_space<vmem_shared>>
      tpu.wait_dma2 semaphore(%run_scoped3A : memref<!tpu.dma_semaphore, #tpu.memory_space<semaphore_mem>>) src(%dma_wait3A_26 : memref<640xf32, #tpu.memory_space<vmem_shared>>) dst(%dma_wait3A : memref<640xf32, #tpu.memory_space<hbm>>)
      tpu.yield
    }) : () -> ()
    return
  }
}

#map = affine_map<(d0, d1) -> (0, 0)>
#map1 = affine_map<(d0, d1) -> (0)>
module attributes {stable_mosaic.version = 14 : i64} {
  func.func @body(%arg0: i32, %arg1: i32, %arg2: memref<20480x128xf32, #tpu.memory_space<hbm>>, %arg3: memref<655360xi32, #tpu.memory_space<hbm>>, %arg4: memref<327680xi32, #tpu.memory_space<hbm>>, %arg5: memref<327680xf32, #tpu.memory_space<hbm>>, %arg6: memref<20480x128xf32, #tpu.memory_space<hbm>>, %arg7: memref<10240x128xf32, #tpu.memory_space<vmem_shared>>, %arg8: memref<128xi32, #tpu.memory_space<vmem>>, %arg9: memref<128xi32, #tpu.memory_space<vmem>>, %arg10: memref<128xf32, #tpu.memory_space<vmem>>, %arg11: memref<128x128xf32, #tpu.memory_space<vmem>>, %arg12: memref<32x128xf32, #tpu.memory_space<vmem>>, %arg13: memref<!tpu.dma_semaphore, #tpu.memory_space<semaphore_mem>>) attributes {dimension_semantics = [#tpu.dimension_semantics<core_parallel>, #tpu.dimension_semantics<subcore_parallel>], iteration_bounds = array<i64: 2, 16>, scalar_prefetch = 0 : i64, scratch_operands = 7 : i64, tpu.core_type = #tpu.core_type<sc_vector_subcore>, window_params = [{transform_indices = #map}, {transform_indices = #map1}, {transform_indices = #map1}, {transform_indices = #map1}, {transform_indices = #map}]} {
    %broadcast_in_dim3A = arith.constant 0.000000e+00 : f32
    %broadcast_in_dim3A_0 = vector.broadcast %broadcast_in_dim3A : f32 to vector<16xf32>
    %scan3A = arith.constant 0 : i32
    %scan3A_1 = arith.constant 0 : i32
    %scan3A_2 = arith.constant 256 : i32
    %scan3A_3 = arith.addi %scan3A_1, %scan3A_2 : i32
    %scan3A_4 = arith.constant 1 : i32
    scf.for %scan3A_29 = %scan3A_1 to %scan3A_3 step %scan3A_4  : i32 {
      %jit3A = arith.constant 8 : i32
      %div3A = arith.divsi %scan3A_29, %jit3A : i32
      %sign3A = arith.constant 0 : i32
      %sign3A_30 = arith.cmpi sgt, %scan3A_29, %sign3A : i32
      %sign3A_31 = arith.extui %sign3A_30 : i1 to i32
      %sign3A_32 = arith.constant 0 : i32
      %sign3A_33 = arith.cmpi slt, %scan3A_29, %sign3A_32 : i32
      %sign3A_34 = arith.extui %sign3A_33 : i1 to i32
      %sign3A_35 = arith.subi %sign3A_31, %sign3A_34 : i32
      %sign3A_36 = arith.constant 0 : i32
      %sign3A_37 = arith.cmpi sgt, %jit3A, %sign3A_36 : i32
      %sign3A_38 = arith.extui %sign3A_37 : i1 to i32
      %sign3A_39 = arith.constant 0 : i32
      %sign3A_40 = arith.cmpi slt, %jit3A, %sign3A_39 : i32
      %sign3A_41 = arith.extui %sign3A_40 : i1 to i32
      %sign3A_42 = arith.subi %sign3A_38, %sign3A_41 : i32
      %ne3A = arith.cmpi ne, %sign3A_35, %sign3A_42 : i32
      %rem3A = arith.remsi %scan3A_29, %jit3A : i32
      %ne3A_43 = arith.constant 0 : i32
      %ne3A_44 = arith.cmpi ne, %rem3A, %ne3A_43 : i32
      %and3A = arith.andi %ne3A, %ne3A_44 : i1
      %sub3A = arith.constant 1 : i32
      %sub3A_45 = arith.subi %div3A, %sub3A : i32
      %select_n3A = arith.select %and3A, %sub3A_45, %div3A : i32
      %mul3A_46 = arith.constant 8 : i32
      %mul3A_47 = arith.muli %select_n3A, %mul3A_46 : i32
      %sub3A_48 = arith.subi %scan3A_29, %mul3A_47 : i32
      %mul3A_49 = arith.constant 16 : i32
      %mul3A_50 = arith.muli %sub3A_48, %mul3A_49 : i32
      %swap3A = arith.index_cast %select_n3A : i32 to index
      %swap3A_51 = arith.index_cast %mul3A_50 : i32 to index
      %swap3A_52 = tpu.vector_load %arg12[%swap3A, %swap3A_51] {strides = array<i32>} : memref<32x128xf32, #tpu.memory_space<vmem>>, vector<1x16xf32>,
      %swap3A_53 = vector.shape_cast %swap3A_52 : vector<1x16xf32> to vector<16xf32>
      %swap3A_54 = vector.shape_cast %broadcast_in_dim3A_0 : vector<16xf32> to vector<1x16xf32>
      tpu.vector_store %arg12[%swap3A, %swap3A_51], %swap3A_54 {strides = array<i32>} : memref<32x128xf32, #tpu.memory_space<vmem>>, vector<1x16xf32>,
    }
    %scan3A_5 = arith.constant 256 : i32
    %scan3A_6 = arith.constant 0 : i32
    %scan3A_7 = arith.constant 0 : i32
    %scan3A_8 = arith.constant 20 : i32
    %scan3A_9 = arith.addi %scan3A_7, %scan3A_8 : i32
    %scan3A_10 = arith.constant 1 : i32
    scf.for %scan3A_29 = %scan3A_7 to %scan3A_9 step %scan3A_10  : i32 {
      %mul3A_30 = arith.constant 640 : i32
      %mul3A_31 = arith.muli %arg1, %mul3A_30 : i32
      %mul3A_32 = arith.constant 32 : i32
      %mul3A_33 = arith.muli %scan3A_29, %mul3A_32 : i32
      %add3A_34 = arith.addi %mul3A_31, %mul3A_33 : i32
      "tpu.region"() ({
        %run_scoped3A = tpu.sem_alloc : memref<!tpu.dma_semaphore, #tpu.memory_space<semaphore_mem>>
        %dma_start3A = arith.constant 0 : i32
        %dma_start3A_35 = tpu.memref_slice %arg7[%add3A_34, %dma_start3A] : memref<10240x128xf32, #tpu.memory_space<vmem_shared>> -> memref<32x128xf32, #tpu.memory_space<vmem_shared>>
        %dma_start3A_36 = arith.constant 0 : i32
        %dma_start3A_37 = tpu.memref_slice %arg7[%add3A_34, %dma_start3A_36] : memref<10240x128xf32, #tpu.memory_space<vmem_shared>> -> memref<32x128xf32, #tpu.memory_space<vmem_shared>>
        tpu.enqueue_dma source(%arg12 : memref<32x128xf32, #tpu.memory_space<vmem>>) target(%dma_start3A_37 : memref<32x128xf32, #tpu.memory_space<vmem_shared>>) target_semaphore(%run_scoped3A : memref<!tpu.dma_semaphore, #tpu.memory_space<semaphore_mem>>)
        %dma_wait3A = arith.constant 0 : i32
        %dma_wait3A_38 = tpu.memref_slice %arg7[%add3A_34, %dma_wait3A] : memref<10240x128xf32, #tpu.memory_space<vmem_shared>> -> memref<32x128xf32, #tpu.memory_space<vmem_shared>>
        %dma_wait3A_39 = arith.constant 0 : i32
        %dma_wait3A_40 = tpu.memref_slice %arg7[%add3A_34, %dma_wait3A_39] : memref<10240x128xf32, #tpu.memory_space<vmem_shared>> -> memref<32x128xf32, #tpu.memory_space<vmem_shared>>
        tpu.wait_dma2 semaphore(%run_scoped3A : memref<!tpu.dma_semaphore, #tpu.memory_space<semaphore_mem>>) src(%arg12 : memref<32x128xf32, #tpu.memory_space<vmem>>) dst(%dma_wait3A_40 : memref<32x128xf32, #tpu.memory_space<vmem_shared>>)
        tpu.yield
      }) : () -> ()
    }
    %scan3A_11 = arith.constant 20 : i32
    %barrier3A = arith.constant 0 : index
    tpu.barrier barrier_id(%barrier3A)
    %mul3A = arith.constant 20480 : i32
    %mul3A_12 = arith.muli %arg1, %mul3A : i32
    %mul3A_13 = arith.constant 327680 : i32
    %mul3A_14 = arith.muli %arg0, %mul3A_13 : i32
    %add3A = arith.addi %mul3A_14, %mul3A_12 : i32
    %scan3A_15 = arith.constant 0 : i32
    %scan3A_16 = arith.constant 0 : i32
    %scan3A_17 = arith.constant 160 : i32
    %scan3A_18 = arith.addi %scan3A_16, %scan3A_17 : i32
    %scan3A_19 = arith.constant 1 : i32
    scf.for %scan3A_29 = %scan3A_16 to %scan3A_18 step %scan3A_19  : i32 {
      %mul3A_30 = arith.constant 128 : i32
      %mul3A_31 = arith.muli %scan3A_29, %mul3A_30 : i32
      %add3A_32 = arith.addi %mul3A_12, %mul3A_31 : i32
      %mul3A_33 = arith.constant 128 : i32
      %mul3A_34 = arith.muli %scan3A_29, %mul3A_33 : i32
      %add3A_35 = arith.addi %add3A, %mul3A_34 : i32
      "tpu.region"() ({
        %run_scoped3A = tpu.sem_alloc : memref<!tpu.dma_semaphore, #tpu.memory_space<semaphore_mem>>
        %dma_start3A_46 = tpu.memref_slice %arg3[%add3A_35] : memref<655360xi32, #tpu.memory_space<hbm>> -> memref<128xi32, #tpu.memory_space<hbm>>
        %dma_start3A_47 = tpu.memref_slice %arg3[%add3A_35] : memref<655360xi32, #tpu.memory_space<hbm>> -> memref<128xi32, #tpu.memory_space<hbm>>
        tpu.enqueue_dma source(%dma_start3A_47 : memref<128xi32, #tpu.memory_space<hbm>>) target(%arg8 : memref<128xi32, #tpu.memory_space<vmem>>) target_semaphore(%run_scoped3A : memref<!tpu.dma_semaphore, #tpu.memory_space<semaphore_mem>>)
        %dma_wait3A_48 = tpu.memref_slice %arg3[%add3A_35] : memref<655360xi32, #tpu.memory_space<hbm>> -> memref<128xi32, #tpu.memory_space<hbm>>
        %dma_wait3A_49 = tpu.memref_slice %arg3[%add3A_35] : memref<655360xi32, #tpu.memory_space<hbm>> -> memref<128xi32, #tpu.memory_space<hbm>>
        tpu.wait_dma2 semaphore(%run_scoped3A : memref<!tpu.dma_semaphore, #tpu.memory_space<semaphore_mem>>) src(%dma_wait3A_49 : memref<128xi32, #tpu.memory_space<hbm>>) dst(%arg8 : memref<128xi32, #tpu.memory_space<vmem>>)
        tpu.yield
      }) : () -> ()
      "tpu.region"() ({
        %run_scoped3A = tpu.sem_alloc : memref<!tpu.dma_semaphore, #tpu.memory_space<semaphore_mem>>
        %dma_start3A_46 = tpu.memref_slice %arg4[%add3A_32] : memref<327680xi32, #tpu.memory_space<hbm>> -> memref<128xi32, #tpu.memory_space<hbm>>
        %dma_start3A_47 = tpu.memref_slice %arg4[%add3A_32] : memref<327680xi32, #tpu.memory_space<hbm>> -> memref<128xi32, #tpu.memory_space<hbm>>
        tpu.enqueue_dma source(%dma_start3A_47 : memref<128xi32, #tpu.memory_space<hbm>>) target(%arg9 : memref<128xi32, #tpu.memory_space<vmem>>) target_semaphore(%run_scoped3A : memref<!tpu.dma_semaphore, #tpu.memory_space<semaphore_mem>>)
        %dma_wait3A_48 = tpu.memref_slice %arg4[%add3A_32] : memref<327680xi32, #tpu.memory_space<hbm>> -> memref<128xi32, #tpu.memory_space<hbm>>
        %dma_wait3A_49 = tpu.memref_slice %arg4[%add3A_32] : memref<327680xi32, #tpu.memory_space<hbm>> -> memref<128xi32, #tpu.memory_space<hbm>>
        tpu.wait_dma2 semaphore(%run_scoped3A : memref<!tpu.dma_semaphore, #tpu.memory_space<semaphore_mem>>) src(%dma_wait3A_49 : memref<128xi32, #tpu.memory_space<hbm>>) dst(%arg9 : memref<128xi32, #tpu.memory_space<vmem>>)
        tpu.yield
      }) : () -> ()
      "tpu.region"() ({
        %run_scoped3A = tpu.sem_alloc : memref<!tpu.dma_semaphore, #tpu.memory_space<semaphore_mem>>
        %dma_start3A_46 = tpu.memref_slice %arg5[%add3A_32] : memref<327680xf32, #tpu.memory_space<hbm>> -> memref<128xf32, #tpu.memory_space<hbm>>
        %dma_start3A_47 = tpu.memref_slice %arg5[%add3A_32] : memref<327680xf32, #tpu.memory_space<hbm>> -> memref<128xf32, #tpu.memory_space<hbm>>
        tpu.enqueue_dma source(%dma_start3A_47 : memref<128xf32, #tpu.memory_space<hbm>>) target(%arg10 : memref<128xf32, #tpu.memory_space<vmem>>) target_semaphore(%run_scoped3A : memref<!tpu.dma_semaphore, #tpu.memory_space<semaphore_mem>>)
        %dma_wait3A_48 = tpu.memref_slice %arg5[%add3A_32] : memref<327680xf32, #tpu.memory_space<hbm>> -> memref<128xf32, #tpu.memory_space<hbm>>
        %dma_wait3A_49 = tpu.memref_slice %arg5[%add3A_32] : memref<327680xf32, #tpu.memory_space<hbm>> -> memref<128xf32, #tpu.memory_space<hbm>>
        tpu.wait_dma2 semaphore(%run_scoped3A : memref<!tpu.dma_semaphore, #tpu.memory_space<semaphore_mem>>) src(%dma_wait3A_49 : memref<128xf32, #tpu.memory_space<hbm>>) dst(%arg10 : memref<128xf32, #tpu.memory_space<vmem>>)
        tpu.yield
      }) : () -> ()
      %dma_start3A = arith.constant 0 : i32
      %dma_start3A_36 = arith.constant 0 : i32
      %dma_start3A_37 = tpu.memref_slice %arg2[%dma_start3A, %dma_start3A_36] : memref<20480x128xf32, #tpu.memory_space<hbm>> -> memref<20480x128xf32, #tpu.memory_space<hbm>>
      tpu.enqueue_indirect_dma source(%dma_start3A_37 : memref<20480x128xf32, #tpu.memory_space<hbm>>) target(%arg11 : memref<128x128xf32, #tpu.memory_space<vmem>>) offsets(%arg8 : memref<128xi32, #tpu.memory_space<vmem>>) semaphore(%arg13 : memref<!tpu.dma_semaphore, #tpu.memory_space<semaphore_mem>>)
      %dma_wait3A = arith.constant 0 : i32
      %dma_wait3A_38 = arith.constant 0 : i32
      %dma_wait3A_39 = tpu.memref_slice %arg2[%dma_wait3A, %dma_wait3A_38] : memref<20480x128xf32, #tpu.memory_space<hbm>> -> memref<20480x128xf32, #tpu.memory_space<hbm>>
      tpu.wait_indirect_dma semaphore(%arg13 : memref<!tpu.dma_semaphore, #tpu.memory_space<semaphore_mem>>) src(%dma_wait3A_39 : memref<20480x128xf32, #tpu.memory_space<hbm>>) dst(%arg11 : memref<128x128xf32, #tpu.memory_space<vmem>>)
      %scan3A_40 = arith.constant 0 : i32
      %scan3A_41 = arith.constant 0 : i32
      %scan3A_42 = arith.constant 8 : i32
      %scan3A_43 = arith.addi %scan3A_41, %scan3A_42 : i32
      %scan3A_44 = arith.constant 1 : i32
      scf.for %scan3A_46 = %scan3A_41 to %scan3A_43 step %scan3A_44  : i32 {
        %mul3A_47 = arith.constant 16 : i32
        %mul3A_48 = arith.muli %scan3A_46, %mul3A_47 : i32
        %get3A = arith.index_cast %mul3A_48 : i32 to index
        %get3A_49 = tpu.vector_load %arg10[%get3A] {strides = array<i32>} : memref<128xf32, #tpu.memory_space<vmem>>, vector<16xf32>,
        %get3A_50 = vector.shape_cast %get3A_49 : vector<16xf32> to vector<16xf32>
        %slice3A = vector.extract_strided_slice %get3A_50 {offsets = [0], sizes = [1], strides = [1]} : vector<16xf32> to vector<1xf32>
        %squeeze3A = vector.extract %slice3A[0] : f32 from vector<1xf32>
        %mul3A_51 = arith.constant 16 : i32
        %mul3A_52 = arith.muli %scan3A_46, %mul3A_51 : i32
        %add3A_53 = arith.constant 0 : i32
        %add3A_54 = arith.addi %mul3A_52, %add3A_53 : i32
        %get3A_55 = arith.index_cast %add3A_54 : i32 to index
        %get3A_56 = arith.constant 0 : index
        %get3A_57 = tpu.vector_load %arg11[%get3A_55, %get3A_56] {strides = array<i32>} : memref<128x128xf32, #tpu.memory_space<vmem>>, vector<1x16xf32>,
        %get3A_58 = vector.shape_cast %get3A_57 : vector<1x16xf32> to vector<16xf32>
        %mul3A_59 = vector.broadcast %squeeze3A : f32 to vector<16xf32>
        %mul3A_60 = arith.mulf %get3A_58, %mul3A_59 : vector<16xf32>
        %swap3A = arith.index_cast %add3A_54 : i32 to index
        %swap3A_61 = arith.constant 0 : index
        %swap3A_62 = tpu.vector_load %arg11[%swap3A, %swap3A_61] {strides = array<i32>} : memref<128x128xf32, #tpu.memory_space<vmem>>, vector<1x16xf32>,
        %swap3A_63 = vector.shape_cast %swap3A_62 : vector<1x16xf32> to vector<16xf32>
        %swap3A_64 = vector.shape_cast %mul3A_60 : vector<16xf32> to vector<1x16xf32>
        tpu.vector_store %arg11[%swap3A, %swap3A_61], %swap3A_64 {strides = array<i32>} : memref<128x128xf32, #tpu.memory_space<vmem>>, vector<1x16xf32>,
        %get3A_65 = arith.index_cast %add3A_54 : i32 to index
        %get3A_66 = arith.constant 16 : index
        %get3A_67 = tpu.vector_load %arg11[%get3A_65, %get3A_66] {strides = array<i32>} : memref<128x128xf32, #tpu.memory_space<vmem>>, vector<1x16xf32>,
        %get3A_68 = vector.shape_cast %get3A_67 : vector<1x16xf32> to vector<16xf32>
        %mul3A_69 = vector.broadcast %squeeze3A : f32 to vector<16xf32>
        %mul3A_70 = arith.mulf %get3A_68, %mul3A_69 : vector<16xf32>
        %swap3A_71 = arith.index_cast %add3A_54 : i32 to index
        %swap3A_72 = arith.constant 16 : index
        %swap3A_73 = tpu.vector_load %arg11[%swap3A_71, %swap3A_72] {strides = array<i32>} : memref<128x128xf32, #tpu.memory_space<vmem>>, vector<1x16xf32>,
        %swap3A_74 = vector.shape_cast %swap3A_73 : vector<1x16xf32> to vector<16xf32>
        %swap3A_75 = vector.shape_cast %mul3A_70 : vector<16xf32> to vector<1x16xf32>
        tpu.vector_store %arg11[%swap3A_71, %swap3A_72], %swap3A_75 {strides = array<i32>} : memref<128x128xf32, #tpu.memory_space<vmem>>, vector<1x16xf32>,
        %get3A_76 = arith.index_cast %add3A_54 : i32 to index
        %get3A_77 = arith.constant 32 : index
        %get3A_78 = tpu.vector_load %arg11[%get3A_76, %get3A_77] {strides = array<i32>} : memref<128x128xf32, #tpu.memory_space<vmem>>, vector<1x16xf32>,
        %get3A_79 = vector.shape_cast %get3A_78 : vector<1x16xf32> to vector<16xf32>
        %mul3A_80 = vector.broadcast %squeeze3A : f32 to vector<16xf32>
        %mul3A_81 = arith.mulf %get3A_79, %mul3A_80 : vector<16xf32>
        %swap3A_82 = arith.index_cast %add3A_54 : i32 to index
        %swap3A_83 = arith.constant 32 : index
        %swap3A_84 = tpu.vector_load %arg11[%swap3A_82, %swap3A_83] {strides = array<i32>} : memref<128x128xf32, #tpu.memory_space<vmem>>, vector<1x16xf32>,
        %swap3A_85 = vector.shape_cast %swap3A_84 : vector<1x16xf32> to vector<16xf32>
        %swap3A_86 = vector.shape_cast %mul3A_81 : vector<16xf32> to vector<1x16xf32>
        tpu.vector_store %arg11[%swap3A_82, %swap3A_83], %swap3A_86 {strides = array<i32>} : memref<128x128xf32, #tpu.memory_space<vmem>>, vector<1x16xf32>,
        %get3A_87 = arith.index_cast %add3A_54 : i32 to index
        %get3A_88 = arith.constant 48 : index
        %get3A_89 = tpu.vector_load %arg11[%get3A_87, %get3A_88] {strides = array<i32>} : memref<128x128xf32, #tpu.memory_space<vmem>>, vector<1x16xf32>,
        %get3A_90 = vector.shape_cast %get3A_89 : vector<1x16xf32> to vector<16xf32>
        %mul3A_91 = vector.broadcast %squeeze3A : f32 to vector<16xf32>
        %mul3A_92 = arith.mulf %get3A_90, %mul3A_91 : vector<16xf32>
        %swap3A_93 = arith.index_cast %add3A_54 : i32 to index
        %swap3A_94 = arith.constant 48 : index
        %swap3A_95 = tpu.vector_load %arg11[%swap3A_93, %swap3A_94] {strides = array<i32>} : memref<128x128xf32, #tpu.memory_space<vmem>>, vector<1x16xf32>,
        %swap3A_96 = vector.shape_cast %swap3A_95 : vector<1x16xf32> to vector<16xf32>
        %swap3A_97 = vector.shape_cast %mul3A_92 : vector<16xf32> to vector<1x16xf32>
        tpu.vector_store %arg11[%swap3A_93, %swap3A_94], %swap3A_97 {strides = array<i32>} : memref<128x128xf32, #tpu.memory_space<vmem>>, vector<1x16xf32>,
        %get3A_98 = arith.index_cast %add3A_54 : i32 to index
        %get3A_99 = arith.constant 64 : index
        %get3A_100 = tpu.vector_load %arg11[%get3A_98, %get3A_99] {strides = array<i32>} : memref<128x128xf32, #tpu.memory_space<vmem>>, vector<1x16xf32>,
        %get3A_101 = vector.shape_cast %get3A_100 : vector<1x16xf32> to vector<16xf32>
        %mul3A_102 = vector.broadcast %squeeze3A : f32 to vector<16xf32>
        %mul3A_103 = arith.mulf %get3A_101, %mul3A_102 : vector<16xf32>
        %swap3A_104 = arith.index_cast %add3A_54 : i32 to index
        %swap3A_105 = arith.constant 64 : index
        %swap3A_106 = tpu.vector_load %arg11[%swap3A_104, %swap3A_105] {strides = array<i32>} : memref<128x128xf32, #tpu.memory_space<vmem>>, vector<1x16xf32>,
        %swap3A_107 = vector.shape_cast %swap3A_106 : vector<1x16xf32> to vector<16xf32>
        %swap3A_108 = vector.shape_cast %mul3A_103 : vector<16xf32> to vector<1x16xf32>
        tpu.vector_store %arg11[%swap3A_104, %swap3A_105], %swap3A_108 {strides = array<i32>} : memref<128x128xf32, #tpu.memory_space<vmem>>, vector<1x16xf32>,
        %get3A_109 = arith.index_cast %add3A_54 : i32 to index
        %get3A_110 = arith.constant 80 : index
        %get3A_111 = tpu.vector_load %arg11[%get3A_109, %get3A_110] {strides = array<i32>} : memref<128x128xf32, #tpu.memory_space<vmem>>, vector<1x16xf32>,
        %get3A_112 = vector.shape_cast %get3A_111 : vector<1x16xf32> to vector<16xf32>
        %mul3A_113 = vector.broadcast %squeeze3A : f32 to vector<16xf32>
        %mul3A_114 = arith.mulf %get3A_112, %mul3A_113 : vector<16xf32>
        %swap3A_115 = arith.index_cast %add3A_54 : i32 to index
        %swap3A_116 = arith.constant 80 : index
        %swap3A_117 = tpu.vector_load %arg11[%swap3A_115, %swap3A_116] {strides = array<i32>} : memref<128x128xf32, #tpu.memory_space<vmem>>, vector<1x16xf32>,
        %swap3A_118 = vector.shape_cast %swap3A_117 : vector<1x16xf32> to vector<16xf32>
        %swap3A_119 = vector.shape_cast %mul3A_114 : vector<16xf32> to vector<1x16xf32>
        tpu.vector_store %arg11[%swap3A_115, %swap3A_116], %swap3A_119 {strides = array<i32>} : memref<128x128xf32, #tpu.memory_space<vmem>>, vector<1x16xf32>,
        %get3A_120 = arith.index_cast %add3A_54 : i32 to index
        %get3A_121 = arith.constant 96 : index
        %get3A_122 = tpu.vector_load %arg11[%get3A_120, %get3A_121] {strides = array<i32>} : memref<128x128xf32, #tpu.memory_space<vmem>>, vector<1x16xf32>,
        %get3A_123 = vector.shape_cast %get3A_122 : vector<1x16xf32> to vector<16xf32>
        %mul3A_124 = vector.broadcast %squeeze3A : f32 to vector<16xf32>
        %mul3A_125 = arith.mulf %get3A_123, %mul3A_124 : vector<16xf32>
        %swap3A_126 = arith.index_cast %add3A_54 : i32 to index
        %swap3A_127 = arith.constant 96 : index
        %swap3A_128 = tpu.vector_load %arg11[%swap3A_126, %swap3A_127] {strides = array<i32>} : memref<128x128xf32, #tpu.memory_space<vmem>>, vector<1x16xf32>,
        %swap3A_129 = vector.shape_cast %swap3A_128 : vector<1x16xf32> to vector<16xf32>
        %swap3A_130 = vector.shape_cast %mul3A_125 : vector<16xf32> to vector<1x16xf32>
        tpu.vector_store %arg11[%swap3A_126, %swap3A_127], %swap3A_130 {strides = array<i32>} : memref<128x128xf32, #tpu.memory_space<vmem>>, vector<1x16xf32>,
        %get3A_131 = arith.index_cast %add3A_54 : i32 to index
        %get3A_132 = arith.constant 112 : index
        %get3A_133 = tpu.vector_load %arg11[%get3A_131, %get3A_132] {strides = array<i32>} : memref<128x128xf32, #tpu.memory_space<vmem>>, vector<1x16xf32>,
        %get3A_134 = vector.shape_cast %get3A_133 : vector<1x16xf32> to vector<16xf32>
        %mul3A_135 = vector.broadcast %squeeze3A : f32 to vector<16xf32>
        %mul3A_136 = arith.mulf %get3A_134, %mul3A_135 : vector<16xf32>
        %swap3A_137 = arith.index_cast %add3A_54 : i32 to index
        %swap3A_138 = arith.constant 112 : index
        %swap3A_139 = tpu.vector_load %arg11[%swap3A_137, %swap3A_138] {strides = array<i32>} : memref<128x128xf32, #tpu.memory_space<vmem>>, vector<1x16xf32>,
        %swap3A_140 = vector.shape_cast %swap3A_139 : vector<1x16xf32> to vector<16xf32>
        %swap3A_141 = vector.shape_cast %mul3A_136 : vector<16xf32> to vector<1x16xf32>
        tpu.vector_store %arg11[%swap3A_137, %swap3A_138], %swap3A_141 {strides = array<i32>} : memref<128x128xf32, #tpu.memory_space<vmem>>, vector<1x16xf32>,
        %slice3A_142 = vector.extract_strided_slice %get3A_50 {offsets = [1], sizes = [1], strides = [1]} : vector<16xf32> to vector<1xf32>
        %squeeze3A_143 = vector.extract %slice3A_142[0] : f32 from vector<1xf32>
        %mul3A_144 = arith.constant 16 : i32
        %mul3A_145 = arith.muli %scan3A_46, %mul3A_144 : i32
        %add3A_146 = arith.constant 1 : i32
        %add3A_147 = arith.addi %mul3A_145, %add3A_146 : i32
        %get3A_148 = arith.index_cast %add3A_147 : i32 to index
        %get3A_149 = arith.constant 0 : index
        %get3A_150 = tpu.vector_load %arg11[%get3A_148, %get3A_149] {strides = array<i32>} : memref<128x128xf32, #tpu.memory_space<vmem>>, vector<1x16xf32>,
        %get3A_151 = vector.shape_cast %get3A_150 : vector<1x16xf32> to vector<16xf32>
        %mul3A_152 = vector.broadcast %squeeze3A_143 : f32 to vector<16xf32>
        %mul3A_153 = arith.mulf %get3A_151, %mul3A_152 : vector<16xf32>
        %swap3A_154 = arith.index_cast %add3A_147 : i32 to index
        %swap3A_155 = arith.constant 0 : index
        %swap3A_156 = tpu.vector_load %arg11[%swap3A_154, %swap3A_155] {strides = array<i32>} : memref<128x128xf32, #tpu.memory_space<vmem>>, vector<1x16xf32>,
        %swap3A_157 = vector.shape_cast %swap3A_156 : vector<1x16xf32> to vector<16xf32>
        %swap3A_158 = vector.shape_cast %mul3A_153 : vector<16xf32> to vector<1x16xf32>
        tpu.vector_store %arg11[%swap3A_154, %swap3A_155], %swap3A_158 {strides = array<i32>} : memref<128x128xf32, #tpu.memory_space<vmem>>, vector<1x16xf32>,
        %get3A_159 = arith.index_cast %add3A_147 : i32 to index
        %get3A_160 = arith.constant 16 : index
        %get3A_161 = tpu.vector_load %arg11[%get3A_159, %get3A_160] {strides = array<i32>} : memref<128x128xf32, #tpu.memory_space<vmem>>, vector<1x16xf32>,
        %get3A_162 = vector.shape_cast %get3A_161 : vector<1x16xf32> to vector<16xf32>
        %mul3A_163 = vector.broadcast %squeeze3A_143 : f32 to vector<16xf32>
        %mul3A_164 = arith.mulf %get3A_162, %mul3A_163 : vector<16xf32>
        %swap3A_165 = arith.index_cast %add3A_147 : i32 to index
        %swap3A_166 = arith.constant 16 : index
        %swap3A_167 = tpu.vector_load %arg11[%swap3A_165, %swap3A_166] {strides = array<i32>} : memref<128x128xf32, #tpu.memory_space<vmem>>, vector<1x16xf32>,
        %swap3A_168 = vector.shape_cast %swap3A_167 : vector<1x16xf32> to vector<16xf32>
        %swap3A_169 = vector.shape_cast %mul3A_164 : vector<16xf32> to vector<1x16xf32>
        tpu.vector_store %arg11[%swap3A_165, %swap3A_166], %swap3A_169 {strides = array<i32>} : memref<128x128xf32, #tpu.memory_space<vmem>>, vector<1x16xf32>,
        %get3A_170 = arith.index_cast %add3A_147 : i32 to index
        %get3A_171 = arith.constant 32 : index
        %get3A_172 = tpu.vector_load %arg11[%get3A_170, %get3A_171] {strides = array<i32>} : memref<128x128xf32, #tpu.memory_space<vmem>>, vector<1x16xf32>,
        %get3A_173 = vector.shape_cast %get3A_172 : vector<1x16xf32> to vector<16xf32>
        %mul3A_174 = vector.broadcast %squeeze3A_143 : f32 to vector<16xf32>
        %mul3A_175 = arith.mulf %get3A_173, %mul3A_174 : vector<16xf32>
        %swap3A_176 = arith.index_cast %add3A_147 : i32 to index
        %swap3A_177 = arith.constant 32 : index
        %swap3A_178 = tpu.vector_load %arg11[%swap3A_176, %swap3A_177] {strides = array<i32>} : memref<128x128xf32, #tpu.memory_space<vmem>>, vector<1x16xf32>,
        %swap3A_179 = vector.shape_cast %swap3A_178 : vector<1x16xf32> to vector<16xf32>
        %swap3A_180 = vector.shape_cast %mul3A_175 : vector<16xf32> to vector<1x16xf32>
        tpu.vector_store %arg11[%swap3A_176, %swap3A_177], %swap3A_180 {strides = array<i32>} : memref<128x128xf32, #tpu.memory_space<vmem>>, vector<1x16xf32>,
        %get3A_181 = arith.index_cast %add3A_147 : i32 to index
        %get3A_182 = arith.constant 48 : index
        %get3A_183 = tpu.vector_load %arg11[%get3A_181, %get3A_182] {strides = array<i32>} : memref<128x128xf32, #tpu.memory_space<vmem>>, vector<1x16xf32>,
        %get3A_184 = vector.shape_cast %get3A_183 : vector<1x16xf32> to vector<16xf32>
        %mul3A_185 = vector.broadcast %squeeze3A_143 : f32 to vector<16xf32>
        %mul3A_186 = arith.mulf %get3A_184, %mul3A_185 : vector<16xf32>
        %swap3A_187 = arith.index_cast %add3A_147 : i32 to index
        %swap3A_188 = arith.constant 48 : index
        %swap3A_189 = tpu.vector_load %arg11[%swap3A_187, %swap3A_188] {strides = array<i32>} : memref<128x128xf32, #tpu.memory_space<vmem>>, vector<1x16xf32>,
        %swap3A_190 = vector.shape_cast %swap3A_189 : vector<1x16xf32> to vector<16xf32>
        %swap3A_191 = vector.shape_cast %mul3A_186 : vector<16xf32> to vector<1x16xf32>
        tpu.vector_store %arg11[%swap3A_187, %swap3A_188], %swap3A_191 {strides = array<i32>} : memref<128x128xf32, #tpu.memory_space<vmem>>, vector<1x16xf32>,
        %get3A_192 = arith.index_cast %add3A_147 : i32 to index
        %get3A_193 = arith.constant 64 : index
        %get3A_194 = tpu.vector_load %arg11[%get3A_192, %get3A_193] {strides = array<i32>} : memref<128x128xf32, #tpu.memory_space<vmem>>, vector<1x16xf32>,
        %get3A_195 = vector.shape_cast %get3A_194 : vector<1x16xf32> to vector<16xf32>
        %mul3A_196 = vector.broadcast %squeeze3A_143 : f32 to vector<16xf32>
        %mul3A_197 = arith.mulf %get3A_195, %mul3A_196 : vector<16xf32>
        %swap3A_198 = arith.index_cast %add3A_147 : i32 to index
        %swap3A_199 = arith.constant 64 : index
        %swap3A_200 = tpu.vector_load %arg11[%swap3A_198, %swap3A_199] {strides = array<i32>} : memref<128x128xf32, #tpu.memory_space<vmem>>, vector<1x16xf32>,
        %swap3A_201 = vector.shape_cast %swap3A_200 : vector<1x16xf32> to vector<16xf32>
        %swap3A_202 = vector.shape_cast %mul3A_197 : vector<16xf32> to vector<1x16xf32>
        tpu.vector_store %arg11[%swap3A_198, %swap3A_199], %swap3A_202 {strides = array<i32>} : memref<128x128xf32, #tpu.memory_space<vmem>>, vector<1x16xf32>,
        %get3A_203 = arith.index_cast %add3A_147 : i32 to index
        %get3A_204 = arith.constant 80 : index
        %get3A_205 = tpu.vector_load %arg11[%get3A_203, %get3A_204] {strides = array<i32>} : memref<128x128xf32, #tpu.memory_space<vmem>>, vector<1x16xf32>,
        %get3A_206 = vector.shape_cast %get3A_205 : vector<1x16xf32> to vector<16xf32>
        %mul3A_207 = vector.broadcast %squeeze3A_143 : f32 to vector<16xf32>
        %mul3A_208 = arith.mulf %get3A_206, %mul3A_207 : vector<16xf32>
        %swap3A_209 = arith.index_cast %add3A_147 : i32 to index
        %swap3A_210 = arith.constant 80 : index
        %swap3A_211 = tpu.vector_load %arg11[%swap3A_209, %swap3A_210] {strides = array<i32>} : memref<128x128xf32, #tpu.memory_space<vmem>>, vector<1x16xf32>,
        %swap3A_212 = vector.shape_cast %swap3A_211 : vector<1x16xf32> to vector<16xf32>
        %swap3A_213 = vector.shape_cast %mul3A_208 : vector<16xf32> to vector<1x16xf32>
        tpu.vector_store %arg11[%swap3A_209, %swap3A_210], %swap3A_213 {strides = array<i32>} : memref<128x128xf32, #tpu.memory_space<vmem>>, vector<1x16xf32>,
        %get3A_214 = arith.index_cast %add3A_147 : i32 to index
        %get3A_215 = arith.constant 96 : index
        %get3A_216 = tpu.vector_load %arg11[%get3A_214, %get3A_215] {strides = array<i32>} : memref<128x128xf32, #tpu.memory_space<vmem>>, vector<1x16xf32>,
        %get3A_217 = vector.shape_cast %get3A_216 : vector<1x16xf32> to vector<16xf32>
        %mul3A_218 = vector.broadcast %squeeze3A_143 : f32 to vector<16xf32>
        %mul3A_219 = arith.mulf %get3A_217, %mul3A_218 : vector<16xf32>
        %swap3A_220 = arith.index_cast %add3A_147 : i32 to index
        %swap3A_221 = arith.constant 96 : index
        %swap3A_222 = tpu.vector_load %arg11[%swap3A_220, %swap3A_221] {strides = array<i32>} : memref<128x128xf32, #tpu.memory_space<vmem>>, vector<1x16xf32>,
        %swap3A_223 = vector.shape_cast %swap3A_222 : vector<1x16xf32> to vector<16xf32>
        %swap3A_224 = vector.shape_cast %mul3A_219 : vector<16xf32> to vector<1x16xf32>
        tpu.vector_store %arg11[%swap3A_220, %swap3A_221], %swap3A_224 {strides = array<i32>} : memref<128x128xf32, #tpu.memory_space<vmem>>, vector<1x16xf32>,
        %get3A_225 = arith.index_cast %add3A_147 : i32 to index
        %get3A_226 = arith.constant 112 : index
        %get3A_227 = tpu.vector_load %arg11[%get3A_225, %get3A_226] {strides = array<i32>} : memref<128x128xf32, #tpu.memory_space<vmem>>, vector<1x16xf32>,
        %get3A_228 = vector.shape_cast %get3A_227 : vector<1x16xf32> to vector<16xf32>
        %mul3A_229 = vector.broadcast %squeeze3A_143 : f32 to vector<16xf32>
        %mul3A_230 = arith.mulf %get3A_228, %mul3A_229 : vector<16xf32>
        %swap3A_231 = arith.index_cast %add3A_147 : i32 to index
        %swap3A_232 = arith.constant 112 : index
        %swap3A_233 = tpu.vector_load %arg11[%swap3A_231, %swap3A_232] {strides = array<i32>} : memref<128x128xf32, #tpu.memory_space<vmem>>, vector<1x16xf32>,
        %swap3A_234 = vector.shape_cast %swap3A_233 : vector<1x16xf32> to vector<16xf32>
        %swap3A_235 = vector.shape_cast %mul3A_230 : vector<16xf32> to vector<1x16xf32>
        tpu.vector_store %arg11[%swap3A_231, %swap3A_232], %swap3A_235 {strides = array<i32>} : memref<128x128xf32, #tpu.memory_space<vmem>>, vector<1x16xf32>,
        %slice3A_236 = vector.extract_strided_slice %get3A_50 {offsets = [2], sizes = [1], strides = [1]} : vector<16xf32> to vector<1xf32>
        %squeeze3A_237 = vector.extract %slice3A_236[0] : f32 from vector<1xf32>
        %mul3A_238 = arith.constant 16 : i32
        %mul3A_239 = arith.muli %scan3A_46, %mul3A_238 : i32
        %add3A_240 = arith.constant 2 : i32
        %add3A_241 = arith.addi %mul3A_239, %add3A_240 : i32
        %get3A_242 = arith.index_cast %add3A_241 : i32 to index
        %get3A_243 = arith.constant 0 : index
        %get3A_244 = tpu.vector_load %arg11[%get3A_242, %get3A_243] {strides = array<i32>} : memref<128x128xf32, #tpu.memory_space<vmem>>, vector<1x16xf32>,
        %get3A_245 = vector.shape_cast %get3A_244 : vector<1x16xf32> to vector<16xf32>
        %mul3A_246 = vector.broadcast %squeeze3A_237 : f32 to vector<16xf32>
        %mul3A_247 = arith.mulf %get3A_245, %mul3A_246 : vector<16xf32>
        %swap3A_248 = arith.index_cast %add3A_241 : i32 to index
        %swap3A_249 = arith.constant 0 : index
        %swap3A_250 = tpu.vector_load %arg11[%swap3A_248, %swap3A_249] {strides = array<i32>} : memref<128x128xf32, #tpu.memory_space<vmem>>, vector<1x16xf32>,
        %swap3A_251 = vector.shape_cast %swap3A_250 : vector<1x16xf32> to vector<16xf32>
        %swap3A_252 = vector.shape_cast %mul3A_247 : vector<16xf32> to vector<1x16xf32>
        tpu.vector_store %arg11[%swap3A_248, %swap3A_249], %swap3A_252 {strides = array<i32>} : memref<128x128xf32, #tpu.memory_space<vmem>>, vector<1x16xf32>,
        %get3A_253 = arith.index_cast %add3A_241 : i32 to index
        %get3A_254 = arith.constant 16 : index
        %get3A_255 = tpu.vector_load %arg11[%get3A_253, %get3A_254] {strides = array<i32>} : memref<128x128xf32, #tpu.memory_space<vmem>>, vector<1x16xf32>,
        %get3A_256 = vector.shape_cast %get3A_255 : vector<1x16xf32> to vector<16xf32>
        %mul3A_257 = vector.broadcast %squeeze3A_237 : f32 to vector<16xf32>
        %mul3A_258 = arith.mulf %get3A_256, %mul3A_257 : vector<16xf32>
        %swap3A_259 = arith.index_cast %add3A_241 : i32 to index
        %swap3A_260 = arith.constant 16 : index
        %swap3A_261 = tpu.vector_load %arg11[%swap3A_259, %swap3A_260] {strides = array<i32>} : memref<128x128xf32, #tpu.memory_space<vmem>>, vector<1x16xf32>,
        %swap3A_262 = vector.shape_cast %swap3A_261 : vector<1x16xf32> to vector<16xf32>
        %swap3A_263 = vector.shape_cast %mul3A_258 : vector<16xf32> to vector<1x16xf32>
        tpu.vector_store %arg11[%swap3A_259, %swap3A_260], %swap3A_263 {strides = array<i32>} : memref<128x128xf32, #tpu.memory_space<vmem>>, vector<1x16xf32>,
        %get3A_264 = arith.index_cast %add3A_241 : i32 to index
        %get3A_265 = arith.constant 32 : index
        %get3A_266 = tpu.vector_load %arg11[%get3A_264, %get3A_265] {strides = array<i32>} : memref<128x128xf32, #tpu.memory_space<vmem>>, vector<1x16xf32>,
        %get3A_267 = vector.shape_cast %get3A_266 : vector<1x16xf32> to vector<16xf32>
        %mul3A_268 = vector.broadcast %squeeze3A_237 : f32 to vector<16xf32>
        %mul3A_269 = arith.mulf %get3A_267, %mul3A_268 : vector<16xf32>
        %swap3A_270 = arith.index_cast %add3A_241 : i32 to index
        %swap3A_271 = arith.constant 32 : index
        %swap3A_272 = tpu.vector_load %arg11[%swap3A_270, %swap3A_271] {strides = array<i32>} : memref<128x128xf32, #tpu.memory_space<vmem>>, vector<1x16xf32>,
        %swap3A_273 = vector.shape_cast %swap3A_272 : vector<1x16xf32> to vector<16xf32>
        %swap3A_274 = vector.shape_cast %mul3A_269 : vector<16xf32> to vector<1x16xf32>
        tpu.vector_store %arg11[%swap3A_270, %swap3A_271], %swap3A_274 {strides = array<i32>} : memref<128x128xf32, #tpu.memory_space<vmem>>, vector<1x16xf32>,
        %get3A_275 = arith.index_cast %add3A_241 : i32 to index
        %get3A_276 = arith.constant 48 : index
        %get3A_277 = tpu.vector_load %arg11[%get3A_275, %get3A_276] {strides = array<i32>} : memref<128x128xf32, #tpu.memory_space<vmem>>, vector<1x16xf32>,
        %get3A_278 = vector.shape_cast %get3A_277 : vector<1x16xf32> to vector<16xf32>
        %mul3A_279 = vector.broadcast %squeeze3A_237 : f32 to vector<16xf32>
        %mul3A_280 = arith.mulf %get3A_278, %mul3A_279 : vector<16xf32>
        %swap3A_281 = arith.index_cast %add3A_241 : i32 to index
        %swap3A_282 = arith.constant 48 : index
        %swap3A_283 = tpu.vector_load %arg11[%swap3A_281, %swap3A_282] {strides = array<i32>} : memref<128x128xf32, #tpu.memory_space<vmem>>, vector<1x16xf32>,
        %swap3A_284 = vector.shape_cast %swap3A_283 : vector<1x16xf32> to vector<16xf32>
        %swap3A_285 = vector.shape_cast %mul3A_280 : vector<16xf32> to vector<1x16xf32>
        tpu.vector_store %arg11[%swap3A_281, %swap3A_282], %swap3A_285 {strides = array<i32>} : memref<128x128xf32, #tpu.memory_space<vmem>>, vector<1x16xf32>,
        %get3A_286 = arith.index_cast %add3A_241 : i32 to index
        %get3A_287 = arith.constant 64 : index
        %get3A_288 = tpu.vector_load %arg11[%get3A_286, %get3A_287] {strides = array<i32>} : memref<128x128xf32, #tpu.memory_space<vmem>>, vector<1x16xf32>,
        %get3A_289 = vector.shape_cast %get3A_288 : vector<1x16xf32> to vector<16xf32>
        %mul3A_290 = vector.broadcast %squeeze3A_237 : f32 to vector<16xf32>
        %mul3A_291 = arith.mulf %get3A_289, %mul3A_290 : vector<16xf32>
        %swap3A_292 = arith.index_cast %add3A_241 : i32 to index
        %swap3A_293 = arith.constant 64 : index
        %swap3A_294 = tpu.vector_load %arg11[%swap3A_292, %swap3A_293] {strides = array<i32>} : memref<128x128xf32, #tpu.memory_space<vmem>>, vector<1x16xf32>,
        %swap3A_295 = vector.shape_cast %swap3A_294 : vector<1x16xf32> to vector<16xf32>
        %swap3A_296 = vector.shape_cast %mul3A_291 : vector<16xf32> to vector<1x16xf32>
        tpu.vector_store %arg11[%swap3A_292, %swap3A_293], %swap3A_296 {strides = array<i32>} : memref<128x128xf32, #tpu.memory_space<vmem>>, vector<1x16xf32>,
        %get3A_297 = arith.index_cast %add3A_241 : i32 to index
        %get3A_298 = arith.constant 80 : index
        %get3A_299 = tpu.vector_load %arg11[%get3A_297, %get3A_298] {strides = array<i32>} : memref<128x128xf32, #tpu.memory_space<vmem>>, vector<1x16xf32>,
        %get3A_300 = vector.shape_cast %get3A_299 : vector<1x16xf32> to vector<16xf32>
        %mul3A_301 = vector.broadcast %squeeze3A_237 : f32 to vector<16xf32>
        %mul3A_302 = arith.mulf %get3A_300, %mul3A_301 : vector<16xf32>
        %swap3A_303 = arith.index_cast %add3A_241 : i32 to index
        %swap3A_304 = arith.constant 80 : index
        %swap3A_305 = tpu.vector_load %arg11[%swap3A_303, %swap3A_304] {strides = array<i32>} : memref<128x128xf32, #tpu.memory_space<vmem>>, vector<1x16xf32>,
        %swap3A_306 = vector.shape_cast %swap3A_305 : vector<1x16xf32> to vector<16xf32>
        %swap3A_307 = vector.shape_cast %mul3A_302 : vector<16xf32> to vector<1x16xf32>
        tpu.vector_store %arg11[%swap3A_303, %swap3A_304], %swap3A_307 {strides = array<i32>} : memref<128x128xf32, #tpu.memory_space<vmem>>, vector<1x16xf32>,
        %get3A_308 = arith.index_cast %add3A_241 : i32 to index
        %get3A_309 = arith.constant 96 : index
        %get3A_310 = tpu.vector_load %arg11[%get3A_308, %get3A_309] {strides = array<i32>} : memref<128x128xf32, #tpu.memory_space<vmem>>, vector<1x16xf32>,
        %get3A_311 = vector.shape_cast %get3A_310 : vector<1x16xf32> to vector<16xf32>
        %mul3A_312 = vector.broadcast %squeeze3A_237 : f32 to vector<16xf32>
        %mul3A_313 = arith.mulf %get3A_311, %mul3A_312 : vector<16xf32>
        %swap3A_314 = arith.index_cast %add3A_241 : i32 to index
        %swap3A_315 = arith.constant 96 : index
        %swap3A_316 = tpu.vector_load %arg11[%swap3A_314, %swap3A_315] {strides = array<i32>} : memref<128x128xf32, #tpu.memory_space<vmem>>, vector<1x16xf32>,
        %swap3A_317 = vector.shape_cast %swap3A_316 : vector<1x16xf32> to vector<16xf32>
        %swap3A_318 = vector.shape_cast %mul3A_313 : vector<16xf32> to vector<1x16xf32>
        tpu.vector_store %arg11[%swap3A_314, %swap3A_315], %swap3A_318 {strides = array<i32>} : memref<128x128xf32, #tpu.memory_space<vmem>>, vector<1x16xf32>,
        %get3A_319 = arith.index_cast %add3A_241 : i32 to index
        %get3A_320 = arith.constant 112 : index
        %get3A_321 = tpu.vector_load %arg11[%get3A_319, %get3A_320] {strides = array<i32>} : memref<128x128xf32, #tpu.memory_space<vmem>>, vector<1x16xf32>,
        %get3A_322 = vector.shape_cast %get3A_321 : vector<1x16xf32> to vector<16xf32>
        %mul3A_323 = vector.broadcast %squeeze3A_237 : f32 to vector<16xf32>
        %mul3A_324 = arith.mulf %get3A_322, %mul3A_323 : vector<16xf32>
        %swap3A_325 = arith.index_cast %add3A_241 : i32 to index
        %swap3A_326 = arith.constant 112 : index
        %swap3A_327 = tpu.vector_load %arg11[%swap3A_325, %swap3A_326] {strides = array<i32>} : memref<128x128xf32, #tpu.memory_space<vmem>>, vector<1x16xf32>,
        %swap3A_328 = vector.shape_cast %swap3A_327 : vector<1x16xf32> to vector<16xf32>
        %swap3A_329 = vector.shape_cast %mul3A_324 : vector<16xf32> to vector<1x16xf32>
        tpu.vector_store %arg11[%swap3A_325, %swap3A_326], %swap3A_329 {strides = array<i32>} : memref<128x128xf32, #tpu.memory_space<vmem>>, vector<1x16xf32>,
        %slice3A_330 = vector.extract_strided_slice %get3A_50 {offsets = [3], sizes = [1], strides = [1]} : vector<16xf32> to vector<1xf32>
        %squeeze3A_331 = vector.extract %slice3A_330[0] : f32 from vector<1xf32>
        %mul3A_332 = arith.constant 16 : i32
        %mul3A_333 = arith.muli %scan3A_46, %mul3A_332 : i32
        %add3A_334 = arith.constant 3 : i32
        %add3A_335 = arith.addi %mul3A_333, %add3A_334 : i32
        %get3A_336 = arith.index_cast %add3A_335 : i32 to index
        %get3A_337 = arith.constant 0 : index
        %get3A_338 = tpu.vector_load %arg11[%get3A_336, %get3A_337] {strides = array<i32>} : memref<128x128xf32, #tpu.memory_space<vmem>>, vector<1x16xf32>,
        %get3A_339 = vector.shape_cast %get3A_338 : vector<1x16xf32> to vector<16xf32>
        %mul3A_340 = vector.broadcast %squeeze3A_331 : f32 to vector<16xf32>
        %mul3A_341 = arith.mulf %get3A_339, %mul3A_340 : vector<16xf32>
        %swap3A_342 = arith.index_cast %add3A_335 : i32 to index
        %swap3A_343 = arith.constant 0 : index
        %swap3A_344 = tpu.vector_load %arg11[%swap3A_342, %swap3A_343] {strides = array<i32>} : memref<128x128xf32, #tpu.memory_space<vmem>>, vector<1x16xf32>,
        %swap3A_345 = vector.shape_cast %swap3A_344 : vector<1x16xf32> to vector<16xf32>
        %swap3A_346 = vector.shape_cast %mul3A_341 : vector<16xf32> to vector<1x16xf32>
        tpu.vector_store %arg11[%swap3A_342, %swap3A_343], %swap3A_346 {strides = array<i32>} : memref<128x128xf32, #tpu.memory_space<vmem>>, vector<1x16xf32>,
        %get3A_347 = arith.index_cast %add3A_335 : i32 to index
        %get3A_348 = arith.constant 16 : index
        %get3A_349 = tpu.vector_load %arg11[%get3A_347, %get3A_348] {strides = array<i32>} : memref<128x128xf32, #tpu.memory_space<vmem>>, vector<1x16xf32>,
        %get3A_350 = vector.shape_cast %get3A_349 : vector<1x16xf32> to vector<16xf32>
        %mul3A_351 = vector.broadcast %squeeze3A_331 : f32 to vector<16xf32>
        %mul3A_352 = arith.mulf %get3A_350, %mul3A_351 : vector<16xf32>
        %swap3A_353 = arith.index_cast %add3A_335 : i32 to index
        %swap3A_354 = arith.constant 16 : index
        %swap3A_355 = tpu.vector_load %arg11[%swap3A_353, %swap3A_354] {strides = array<i32>} : memref<128x128xf32, #tpu.memory_space<vmem>>, vector<1x16xf32>,
        %swap3A_356 = vector.shape_cast %swap3A_355 : vector<1x16xf32> to vector<16xf32>
        %swap3A_357 = vector.shape_cast %mul3A_352 : vector<16xf32> to vector<1x16xf32>
        tpu.vector_store %arg11[%swap3A_353, %swap3A_354], %swap3A_357 {strides = array<i32>} : memref<128x128xf32, #tpu.memory_space<vmem>>, vector<1x16xf32>,
        %get3A_358 = arith.index_cast %add3A_335 : i32 to index
        %get3A_359 = arith.constant 32 : index
        %get3A_360 = tpu.vector_load %arg11[%get3A_358, %get3A_359] {strides = array<i32>} : memref<128x128xf32, #tpu.memory_space<vmem>>, vector<1x16xf32>,
        %get3A_361 = vector.shape_cast %get3A_360 : vector<1x16xf32> to vector<16xf32>
        %mul3A_362 = vector.broadcast %squeeze3A_331 : f32 to vector<16xf32>
        %mul3A_363 = arith.mulf %get3A_361, %mul3A_362 : vector<16xf32>
        %swap3A_364 = arith.index_cast %add3A_335 : i32 to index
        %swap3A_365 = arith.constant 32 : index
        %swap3A_366 = tpu.vector_load %arg11[%swap3A_364, %swap3A_365] {strides = array<i32>} : memref<128x128xf32, #tpu.memory_space<vmem>>, vector<1x16xf32>,
        %swap3A_367 = vector.shape_cast %swap3A_366 : vector<1x16xf32> to vector<16xf32>
        %swap3A_368 = vector.shape_cast %mul3A_363 : vector<16xf32> to vector<1x16xf32>
        tpu.vector_store %arg11[%swap3A_364, %swap3A_365], %swap3A_368 {strides = array<i32>} : memref<128x128xf32, #tpu.memory_space<vmem>>, vector<1x16xf32>,
        %get3A_369 = arith.index_cast %add3A_335 : i32 to index
        %get3A_370 = arith.constant 48 : index
        %get3A_371 = tpu.vector_load %arg11[%get3A_369, %get3A_370] {strides = array<i32>} : memref<128x128xf32, #tpu.memory_space<vmem>>, vector<1x16xf32>,
        %get3A_372 = vector.shape_cast %get3A_371 : vector<1x16xf32> to vector<16xf32>
        %mul3A_373 = vector.broadcast %squeeze3A_331 : f32 to vector<16xf32>
        %mul3A_374 = arith.mulf %get3A_372, %mul3A_373 : vector<16xf32>
        %swap3A_375 = arith.index_cast %add3A_335 : i32 to index
        %swap3A_376 = arith.constant 48 : index
        %swap3A_377 = tpu.vector_load %arg11[%swap3A_375, %swap3A_376] {strides = array<i32>} : memref<128x128xf32, #tpu.memory_space<vmem>>, vector<1x16xf32>,
        %swap3A_378 = vector.shape_cast %swap3A_377 : vector<1x16xf32> to vector<16xf32>
        %swap3A_379 = vector.shape_cast %mul3A_374 : vector<16xf32> to vector<1x16xf32>
        tpu.vector_store %arg11[%swap3A_375, %swap3A_376], %swap3A_379 {strides = array<i32>} : memref<128x128xf32, #tpu.memory_space<vmem>>, vector<1x16xf32>,
        %get3A_380 = arith.index_cast %add3A_335 : i32 to index
        %get3A_381 = arith.constant 64 : index
        %get3A_382 = tpu.vector_load %arg11[%get3A_380, %get3A_381] {strides = array<i32>} : memref<128x128xf32, #tpu.memory_space<vmem>>, vector<1x16xf32>,
        %get3A_383 = vector.shape_cast %get3A_382 : vector<1x16xf32> to vector<16xf32>
        %mul3A_384 = vector.broadcast %squeeze3A_331 : f32 to vector<16xf32>
        %mul3A_385 = arith.mulf %get3A_383, %mul3A_384 : vector<16xf32>
        %swap3A_386 = arith.index_cast %add3A_335 : i32 to index
        %swap3A_387 = arith.constant 64 : index
        %swap3A_388 = tpu.vector_load %arg11[%swap3A_386, %swap3A_387] {strides = array<i32>} : memref<128x128xf32, #tpu.memory_space<vmem>>, vector<1x16xf32>,
        %swap3A_389 = vector.shape_cast %swap3A_388 : vector<1x16xf32> to vector<16xf32>
        %swap3A_390 = vector.shape_cast %mul3A_385 : vector<16xf32> to vector<1x16xf32>
        tpu.vector_store %arg11[%swap3A_386, %swap3A_387], %swap3A_390 {strides = array<i32>} : memref<128x128xf32, #tpu.memory_space<vmem>>, vector<1x16xf32>,
        %get3A_391 = arith.index_cast %add3A_335 : i32 to index
        %get3A_392 = arith.constant 80 : index
        %get3A_393 = tpu.vector_load %arg11[%get3A_391, %get3A_392] {strides = array<i32>} : memref<128x128xf32, #tpu.memory_space<vmem>>, vector<1x16xf32>,
        %get3A_394 = vector.shape_cast %get3A_393 : vector<1x16xf32> to vector<16xf32>
        %mul3A_395 = vector.broadcast %squeeze3A_331 : f32 to vector<16xf32>
        %mul3A_396 = arith.mulf %get3A_394, %mul3A_395 : vector<16xf32>
        %swap3A_397 = arith.index_cast %add3A_335 : i32 to index
        %swap3A_398 = arith.constant 80 : index
        %swap3A_399 = tpu.vector_load %arg11[%swap3A_397, %swap3A_398] {strides = array<i32>} : memref<128x128xf32, #tpu.memory_space<vmem>>, vector<1x16xf32>,
        %swap3A_400 = vector.shape_cast %swap3A_399 : vector<1x16xf32> to vector<16xf32>
        %swap3A_401 = vector.shape_cast %mul3A_396 : vector<16xf32> to vector<1x16xf32>
        tpu.vector_store %arg11[%swap3A_397, %swap3A_398], %swap3A_401 {strides = array<i32>} : memref<128x128xf32, #tpu.memory_space<vmem>>, vector<1x16xf32>,
        %get3A_402 = arith.index_cast %add3A_335 : i32 to index
        %get3A_403 = arith.constant 96 : index
        %get3A_404 = tpu.vector_load %arg11[%get3A_402, %get3A_403] {strides = array<i32>} : memref<128x128xf32, #tpu.memory_space<vmem>>, vector<1x16xf32>,
        %get3A_405 = vector.shape_cast %get3A_404 : vector<1x16xf32> to vector<16xf32>
        %mul3A_406 = vector.broadcast %squeeze3A_331 : f32 to vector<16xf32>
        %mul3A_407 = arith.mulf %get3A_405, %mul3A_406 : vector<16xf32>
        %swap3A_408 = arith.index_cast %add3A_335 : i32 to index
        %swap3A_409 = arith.constant 96 : index
        %swap3A_410 = tpu.vector_load %arg11[%swap3A_408, %swap3A_409] {strides = array<i32>} : memref<128x128xf32, #tpu.memory_space<vmem>>, vector<1x16xf32>,
        %swap3A_411 = vector.shape_cast %swap3A_410 : vector<1x16xf32> to vector<16xf32>
        %swap3A_412 = vector.shape_cast %mul3A_407 : vector<16xf32> to vector<1x16xf32>
        tpu.vector_store %arg11[%swap3A_408, %swap3A_409], %swap3A_412 {strides = array<i32>} : memref<128x128xf32, #tpu.memory_space<vmem>>, vector<1x16xf32>,
        %get3A_413 = arith.index_cast %add3A_335 : i32 to index
        %get3A_414 = arith.constant 112 : index
        %get3A_415 = tpu.vector_load %arg11[%get3A_413, %get3A_414] {strides = array<i32>} : memref<128x128xf32, #tpu.memory_space<vmem>>, vector<1x16xf32>,
        %get3A_416 = vector.shape_cast %get3A_415 : vector<1x16xf32> to vector<16xf32>
        %mul3A_417 = vector.broadcast %squeeze3A_331 : f32 to vector<16xf32>
        %mul3A_418 = arith.mulf %get3A_416, %mul3A_417 : vector<16xf32>
        %swap3A_419 = arith.index_cast %add3A_335 : i32 to index
        %swap3A_420 = arith.constant 112 : index
        %swap3A_421 = tpu.vector_load %arg11[%swap3A_419, %swap3A_420] {strides = array<i32>} : memref<128x128xf32, #tpu.memory_space<vmem>>, vector<1x16xf32>,
        %swap3A_422 = vector.shape_cast %swap3A_421 : vector<1x16xf32> to vector<16xf32>
        %swap3A_423 = vector.shape_cast %mul3A_418 : vector<16xf32> to vector<1x16xf32>
        tpu.vector_store %arg11[%swap3A_419, %swap3A_420], %swap3A_423 {strides = array<i32>} : memref<128x128xf32, #tpu.memory_space<vmem>>, vector<1x16xf32>,
        %slice3A_424 = vector.extract_strided_slice %get3A_50 {offsets = [4], sizes = [1], strides = [1]} : vector<16xf32> to vector<1xf32>
        %squeeze3A_425 = vector.extract %slice3A_424[0] : f32 from vector<1xf32>
        %mul3A_426 = arith.constant 16 : i32
        %mul3A_427 = arith.muli %scan3A_46, %mul3A_426 : i32
        %add3A_428 = arith.constant 4 : i32
        %add3A_429 = arith.addi %mul3A_427, %add3A_428 : i32
        %get3A_430 = arith.index_cast %add3A_429 : i32 to index
        %get3A_431 = arith.constant 0 : index
        %get3A_432 = tpu.vector_load %arg11[%get3A_430, %get3A_431] {strides = array<i32>} : memref<128x128xf32, #tpu.memory_space<vmem>>, vector<1x16xf32>,
        %get3A_433 = vector.shape_cast %get3A_432 : vector<1x16xf32> to vector<16xf32>
        %mul3A_434 = vector.broadcast %squeeze3A_425 : f32 to vector<16xf32>
        %mul3A_435 = arith.mulf %get3A_433, %mul3A_434 : vector<16xf32>
        %swap3A_436 = arith.index_cast %add3A_429 : i32 to index
        %swap3A_437 = arith.constant 0 : index
        %swap3A_438 = tpu.vector_load %arg11[%swap3A_436, %swap3A_437] {strides = array<i32>} : memref<128x128xf32, #tpu.memory_space<vmem>>, vector<1x16xf32>,
        %swap3A_439 = vector.shape_cast %swap3A_438 : vector<1x16xf32> to vector<16xf32>
        %swap3A_440 = vector.shape_cast %mul3A_435 : vector<16xf32> to vector<1x16xf32>
        tpu.vector_store %arg11[%swap3A_436, %swap3A_437], %swap3A_440 {strides = array<i32>} : memref<128x128xf32, #tpu.memory_space<vmem>>, vector<1x16xf32>,
        %get3A_441 = arith.index_cast %add3A_429 : i32 to index
        %get3A_442 = arith.constant 16 : index
        %get3A_443 = tpu.vector_load %arg11[%get3A_441, %get3A_442] {strides = array<i32>} : memref<128x128xf32, #tpu.memory_space<vmem>>, vector<1x16xf32>,
        %get3A_444 = vector.shape_cast %get3A_443 : vector<1x16xf32> to vector<16xf32>
        %mul3A_445 = vector.broadcast %squeeze3A_425 : f32 to vector<16xf32>
        %mul3A_446 = arith.mulf %get3A_444, %mul3A_445 : vector<16xf32>
        %swap3A_447 = arith.index_cast %add3A_429 : i32 to index
        %swap3A_448 = arith.constant 16 : index
        %swap3A_449 = tpu.vector_load %arg11[%swap3A_447, %swap3A_448] {strides = array<i32>} : memref<128x128xf32, #tpu.memory_space<vmem>>, vector<1x16xf32>,
        %swap3A_450 = vector.shape_cast %swap3A_449 : vector<1x16xf32> to vector<16xf32>
        %swap3A_451 = vector.shape_cast %mul3A_446 : vector<16xf32> to vector<1x16xf32>
        tpu.vector_store %arg11[%swap3A_447, %swap3A_448], %swap3A_451 {strides = array<i32>} : memref<128x128xf32, #tpu.memory_space<vmem>>, vector<1x16xf32>,
        %get3A_452 = arith.index_cast %add3A_429 : i32 to index
        %get3A_453 = arith.constant 32 : index
        %get3A_454 = tpu.vector_load %arg11[%get3A_452, %get3A_453] {strides = array<i32>} : memref<128x128xf32, #tpu.memory_space<vmem>>, vector<1x16xf32>,
        %get3A_455 = vector.shape_cast %get3A_454 : vector<1x16xf32> to vector<16xf32>
        %mul3A_456 = vector.broadcast %squeeze3A_425 : f32 to vector<16xf32>
        %mul3A_457 = arith.mulf %get3A_455, %mul3A_456 : vector<16xf32>
        %swap3A_458 = arith.index_cast %add3A_429 : i32 to index
        %swap3A_459 = arith.constant 32 : index
        %swap3A_460 = tpu.vector_load %arg11[%swap3A_458, %swap3A_459] {strides = array<i32>} : memref<128x128xf32, #tpu.memory_space<vmem>>, vector<1x16xf32>,
        %swap3A_461 = vector.shape_cast %swap3A_460 : vector<1x16xf32> to vector<16xf32>
        %swap3A_462 = vector.shape_cast %mul3A_457 : vector<16xf32> to vector<1x16xf32>
        tpu.vector_store %arg11[%swap3A_458, %swap3A_459], %swap3A_462 {strides = array<i32>} : memref<128x128xf32, #tpu.memory_space<vmem>>, vector<1x16xf32>,
        %get3A_463 = arith.index_cast %add3A_429 : i32 to index
        %get3A_464 = arith.constant 48 : index
        %get3A_465 = tpu.vector_load %arg11[%get3A_463, %get3A_464] {strides = array<i32>} : memref<128x128xf32, #tpu.memory_space<vmem>>, vector<1x16xf32>,
        %get3A_466 = vector.shape_cast %get3A_465 : vector<1x16xf32> to vector<16xf32>
        %mul3A_467 = vector.broadcast %squeeze3A_425 : f32 to vector<16xf32>
        %mul3A_468 = arith.mulf %get3A_466, %mul3A_467 : vector<16xf32>
        %swap3A_469 = arith.index_cast %add3A_429 : i32 to index
        %swap3A_470 = arith.constant 48 : index
        %swap3A_471 = tpu.vector_load %arg11[%swap3A_469, %swap3A_470] {strides = array<i32>} : memref<128x128xf32, #tpu.memory_space<vmem>>, vector<1x16xf32>,
        %swap3A_472 = vector.shape_cast %swap3A_471 : vector<1x16xf32> to vector<16xf32>
        %swap3A_473 = vector.shape_cast %mul3A_468 : vector<16xf32> to vector<1x16xf32>
        tpu.vector_store %arg11[%swap3A_469, %swap3A_470], %swap3A_473 {strides = array<i32>} : memref<128x128xf32, #tpu.memory_space<vmem>>, vector<1x16xf32>,
        %get3A_474 = arith.index_cast %add3A_429 : i32 to index
        %get3A_475 = arith.constant 64 : index
        %get3A_476 = tpu.vector_load %arg11[%get3A_474, %get3A_475] {strides = array<i32>} : memref<128x128xf32, #tpu.memory_space<vmem>>, vector<1x16xf32>,
        %get3A_477 = vector.shape_cast %get3A_476 : vector<1x16xf32> to vector<16xf32>
        %mul3A_478 = vector.broadcast %squeeze3A_425 : f32 to vector<16xf32>
        %mul3A_479 = arith.mulf %get3A_477, %mul3A_478 : vector<16xf32>
        %swap3A_480 = arith.index_cast %add3A_429 : i32 to index
        %swap3A_481 = arith.constant 64 : index
        %swap3A_482 = tpu.vector_load %arg11[%swap3A_480, %swap3A_481] {strides = array<i32>} : memref<128x128xf32, #tpu.memory_space<vmem>>, vector<1x16xf32>,
        %swap3A_483 = vector.shape_cast %swap3A_482 : vector<1x16xf32> to vector<16xf32>
        %swap3A_484 = vector.shape_cast %mul3A_479 : vector<16xf32> to vector<1x16xf32>
        tpu.vector_store %arg11[%swap3A_480, %swap3A_481], %swap3A_484 {strides = array<i32>} : memref<128x128xf32, #tpu.memory_space<vmem>>, vector<1x16xf32>,
        %get3A_485 = arith.index_cast %add3A_429 : i32 to index
        %get3A_486 = arith.constant 80 : index
        %get3A_487 = tpu.vector_load %arg11[%get3A_485, %get3A_486] {strides = array<i32>} : memref<128x128xf32, #tpu.memory_space<vmem>>, vector<1x16xf32>,
        %get3A_488 = vector.shape_cast %get3A_487 : vector<1x16xf32> to vector<16xf32>
        %mul3A_489 = vector.broadcast %squeeze3A_425 : f32 to vector<16xf32>
        %mul3A_490 = arith.mulf %get3A_488, %mul3A_489 : vector<16xf32>
        %swap3A_491 = arith.index_cast %add3A_429 : i32 to index
        %swap3A_492 = arith.constant 80 : index
        %swap3A_493 = tpu.vector_load %arg11[%swap3A_491, %swap3A_492] {strides = array<i32>} : memref<128x128xf32, #tpu.memory_space<vmem>>, vector<1x16xf32>,
        %swap3A_494 = vector.shape_cast %swap3A_493 : vector<1x16xf32> to vector<16xf32>
        %swap3A_495 = vector.shape_cast %mul3A_490 : vector<16xf32> to vector<1x16xf32>
        tpu.vector_store %arg11[%swap3A_491, %swap3A_492], %swap3A_495 {strides = array<i32>} : memref<128x128xf32, #tpu.memory_space<vmem>>, vector<1x16xf32>,
        %get3A_496 = arith.index_cast %add3A_429 : i32 to index
        %get3A_497 = arith.constant 96 : index
        %get3A_498 = tpu.vector_load %arg11[%get3A_496, %get3A_497] {strides = array<i32>} : memref<128x128xf32, #tpu.memory_space<vmem>>, vector<1x16xf32>,
        %get3A_499 = vector.shape_cast %get3A_498 : vector<1x16xf32> to vector<16xf32>
        %mul3A_500 = vector.broadcast %squeeze3A_425 : f32 to vector<16xf32>
        %mul3A_501 = arith.mulf %get3A_499, %mul3A_500 : vector<16xf32>
        %swap3A_502 = arith.index_cast %add3A_429 : i32 to index
        %swap3A_503 = arith.constant 96 : index
        %swap3A_504 = tpu.vector_load %arg11[%swap3A_502, %swap3A_503] {strides = array<i32>} : memref<128x128xf32, #tpu.memory_space<vmem>>, vector<1x16xf32>,
        %swap3A_505 = vector.shape_cast %swap3A_504 : vector<1x16xf32> to vector<16xf32>
        %swap3A_506 = vector.shape_cast %mul3A_501 : vector<16xf32> to vector<1x16xf32>
        tpu.vector_store %arg11[%swap3A_502, %swap3A_503], %swap3A_506 {strides = array<i32>} : memref<128x128xf32, #tpu.memory_space<vmem>>, vector<1x16xf32>,
        %get3A_507 = arith.index_cast %add3A_429 : i32 to index
        %get3A_508 = arith.constant 112 : index
        %get3A_509 = tpu.vector_load %arg11[%get3A_507, %get3A_508] {strides = array<i32>} : memref<128x128xf32, #tpu.memory_space<vmem>>, vector<1x16xf32>,
        %get3A_510 = vector.shape_cast %get3A_509 : vector<1x16xf32> to vector<16xf32>
        %mul3A_511 = vector.broadcast %squeeze3A_425 : f32 to vector<16xf32>
        %mul3A_512 = arith.mulf %get3A_510, %mul3A_511 : vector<16xf32>
        %swap3A_513 = arith.index_cast %add3A_429 : i32 to index
        %swap3A_514 = arith.constant 112 : index
        %swap3A_515 = tpu.vector_load %arg11[%swap3A_513, %swap3A_514] {strides = array<i32>} : memref<128x128xf32, #tpu.memory_space<vmem>>, vector<1x16xf32>,
        %swap3A_516 = vector.shape_cast %swap3A_515 : vector<1x16xf32> to vector<16xf32>
        %swap3A_517 = vector.shape_cast %mul3A_512 : vector<16xf32> to vector<1x16xf32>
        tpu.vector_store %arg11[%swap3A_513, %swap3A_514], %swap3A_517 {strides = array<i32>} : memref<128x128xf32, #tpu.memory_space<vmem>>, vector<1x16xf32>,
        %slice3A_518 = vector.extract_strided_slice %get3A_50 {offsets = [5], sizes = [1], strides = [1]} : vector<16xf32> to vector<1xf32>
        %squeeze3A_519 = vector.extract %slice3A_518[0] : f32 from vector<1xf32>
        %mul3A_520 = arith.constant 16 : i32
        %mul3A_521 = arith.muli %scan3A_46, %mul3A_520 : i32
        %add3A_522 = arith.constant 5 : i32
        %add3A_523 = arith.addi %mul3A_521, %add3A_522 : i32
        %get3A_524 = arith.index_cast %add3A_523 : i32 to index
        %get3A_525 = arith.constant 0 : index
        %get3A_526 = tpu.vector_load %arg11[%get3A_524, %get3A_525] {strides = array<i32>} : memref<128x128xf32, #tpu.memory_space<vmem>>, vector<1x16xf32>,
        %get3A_527 = vector.shape_cast %get3A_526 : vector<1x16xf32> to vector<16xf32>
        %mul3A_528 = vector.broadcast %squeeze3A_519 : f32 to vector<16xf32>
        %mul3A_529 = arith.mulf %get3A_527, %mul3A_528 : vector<16xf32>
        %swap3A_530 = arith.index_cast %add3A_523 : i32 to index
        %swap3A_531 = arith.constant 0 : index
        %swap3A_532 = tpu.vector_load %arg11[%swap3A_530, %swap3A_531] {strides = array<i32>} : memref<128x128xf32, #tpu.memory_space<vmem>>, vector<1x16xf32>,
        %swap3A_533 = vector.shape_cast %swap3A_532 : vector<1x16xf32> to vector<16xf32>
        %swap3A_534 = vector.shape_cast %mul3A_529 : vector<16xf32> to vector<1x16xf32>
        tpu.vector_store %arg11[%swap3A_530, %swap3A_531], %swap3A_534 {strides = array<i32>} : memref<128x128xf32, #tpu.memory_space<vmem>>, vector<1x16xf32>,
        %get3A_535 = arith.index_cast %add3A_523 : i32 to index
        %get3A_536 = arith.constant 16 : index
        %get3A_537 = tpu.vector_load %arg11[%get3A_535, %get3A_536] {strides = array<i32>} : memref<128x128xf32, #tpu.memory_space<vmem>>, vector<1x16xf32>,
        %get3A_538 = vector.shape_cast %get3A_537 : vector<1x16xf32> to vector<16xf32>
        %mul3A_539 = vector.broadcast %squeeze3A_519 : f32 to vector<16xf32>
        %mul3A_540 = arith.mulf %get3A_538, %mul3A_539 : vector<16xf32>
        %swap3A_541 = arith.index_cast %add3A_523 : i32 to index
        %swap3A_542 = arith.constant 16 : index
        %swap3A_543 = tpu.vector_load %arg11[%swap3A_541, %swap3A_542] {strides = array<i32>} : memref<128x128xf32, #tpu.memory_space<vmem>>, vector<1x16xf32>,
        %swap3A_544 = vector.shape_cast %swap3A_543 : vector<1x16xf32> to vector<16xf32>
        %swap3A_545 = vector.shape_cast %mul3A_540 : vector<16xf32> to vector<1x16xf32>
        tpu.vector_store %arg11[%swap3A_541, %swap3A_542], %swap3A_545 {strides = array<i32>} : memref<128x128xf32, #tpu.memory_space<vmem>>, vector<1x16xf32>,
        %get3A_546 = arith.index_cast %add3A_523 : i32 to index
        %get3A_547 = arith.constant 32 : index
        %get3A_548 = tpu.vector_load %arg11[%get3A_546, %get3A_547] {strides = array<i32>} : memref<128x128xf32, #tpu.memory_space<vmem>>, vector<1x16xf32>,
        %get3A_549 = vector.shape_cast %get3A_548 : vector<1x16xf32> to vector<16xf32>
        %mul3A_550 = vector.broadcast %squeeze3A_519 : f32 to vector<16xf32>
        %mul3A_551 = arith.mulf %get3A_549, %mul3A_550 : vector<16xf32>
        %swap3A_552 = arith.index_cast %add3A_523 : i32 to index
        %swap3A_553 = arith.constant 32 : index
        %swap3A_554 = tpu.vector_load %arg11[%swap3A_552, %swap3A_553] {strides = array<i32>} : memref<128x128xf32, #tpu.memory_space<vmem>>, vector<1x16xf32>,
        %swap3A_555 = vector.shape_cast %swap3A_554 : vector<1x16xf32> to vector<16xf32>
        %swap3A_556 = vector.shape_cast %mul3A_551 : vector<16xf32> to vector<1x16xf32>
        tpu.vector_store %arg11[%swap3A_552, %swap3A_553], %swap3A_556 {strides = array<i32>} : memref<128x128xf32, #tpu.memory_space<vmem>>, vector<1x16xf32>,
        %get3A_557 = arith.index_cast %add3A_523 : i32 to index
        %get3A_558 = arith.constant 48 : index
        %get3A_559 = tpu.vector_load %arg11[%get3A_557, %get3A_558] {strides = array<i32>} : memref<128x128xf32, #tpu.memory_space<vmem>>, vector<1x16xf32>,
        %get3A_560 = vector.shape_cast %get3A_559 : vector<1x16xf32> to vector<16xf32>
        %mul3A_561 = vector.broadcast %squeeze3A_519 : f32 to vector<16xf32>
        %mul3A_562 = arith.mulf %get3A_560, %mul3A_561 : vector<16xf32>
        %swap3A_563 = arith.index_cast %add3A_523 : i32 to index
        %swap3A_564 = arith.constant 48 : index
        %swap3A_565 = tpu.vector_load %arg11[%swap3A_563, %swap3A_564] {strides = array<i32>} : memref<128x128xf32, #tpu.memory_space<vmem>>, vector<1x16xf32>,
        %swap3A_566 = vector.shape_cast %swap3A_565 : vector<1x16xf32> to vector<16xf32>
        %swap3A_567 = vector.shape_cast %mul3A_562 : vector<16xf32> to vector<1x16xf32>
        tpu.vector_store %arg11[%swap3A_563, %swap3A_564], %swap3A_567 {strides = array<i32>} : memref<128x128xf32, #tpu.memory_space<vmem>>, vector<1x16xf32>,
        %get3A_568 = arith.index_cast %add3A_523 : i32 to index
        %get3A_569 = arith.constant 64 : index
        %get3A_570 = tpu.vector_load %arg11[%get3A_568, %get3A_569] {strides = array<i32>} : memref<128x128xf32, #tpu.memory_space<vmem>>, vector<1x16xf32>,
        %get3A_571 = vector.shape_cast %get3A_570 : vector<1x16xf32> to vector<16xf32>
        %mul3A_572 = vector.broadcast %squeeze3A_519 : f32 to vector<16xf32>
        %mul3A_573 = arith.mulf %get3A_571, %mul3A_572 : vector<16xf32>
        %swap3A_574 = arith.index_cast %add3A_523 : i32 to index
        %swap3A_575 = arith.constant 64 : index
        %swap3A_576 = tpu.vector_load %arg11[%swap3A_574, %swap3A_575] {strides = array<i32>} : memref<128x128xf32, #tpu.memory_space<vmem>>, vector<1x16xf32>,
        %swap3A_577 = vector.shape_cast %swap3A_576 : vector<1x16xf32> to vector<16xf32>
        %swap3A_578 = vector.shape_cast %mul3A_573 : vector<16xf32> to vector<1x16xf32>
        tpu.vector_store %arg11[%swap3A_574, %swap3A_575], %swap3A_578 {strides = array<i32>} : memref<128x128xf32, #tpu.memory_space<vmem>>, vector<1x16xf32>,
        %get3A_579 = arith.index_cast %add3A_523 : i32 to index
        %get3A_580 = arith.constant 80 : index
        %get3A_581 = tpu.vector_load %arg11[%get3A_579, %get3A_580] {strides = array<i32>} : memref<128x128xf32, #tpu.memory_space<vmem>>, vector<1x16xf32>,
        %get3A_582 = vector.shape_cast %get3A_581 : vector<1x16xf32> to vector<16xf32>
        %mul3A_583 = vector.broadcast %squeeze3A_519 : f32 to vector<16xf32>
        %mul3A_584 = arith.mulf %get3A_582, %mul3A_583 : vector<16xf32>
        %swap3A_585 = arith.index_cast %add3A_523 : i32 to index
        %swap3A_586 = arith.constant 80 : index
        %swap3A_587 = tpu.vector_load %arg11[%swap3A_585, %swap3A_586] {strides = array<i32>} : memref<128x128xf32, #tpu.memory_space<vmem>>, vector<1x16xf32>,
        %swap3A_588 = vector.shape_cast %swap3A_587 : vector<1x16xf32> to vector<16xf32>
        %swap3A_589 = vector.shape_cast %mul3A_584 : vector<16xf32> to vector<1x16xf32>
        tpu.vector_store %arg11[%swap3A_585, %swap3A_586], %swap3A_589 {strides = array<i32>} : memref<128x128xf32, #tpu.memory_space<vmem>>, vector<1x16xf32>,
        %get3A_590 = arith.index_cast %add3A_523 : i32 to index
        %get3A_591 = arith.constant 96 : index
        %get3A_592 = tpu.vector_load %arg11[%get3A_590, %get3A_591] {strides = array<i32>} : memref<128x128xf32, #tpu.memory_space<vmem>>, vector<1x16xf32>,
        %get3A_593 = vector.shape_cast %get3A_592 : vector<1x16xf32> to vector<16xf32>
        %mul3A_594 = vector.broadcast %squeeze3A_519 : f32 to vector<16xf32>
        %mul3A_595 = arith.mulf %get3A_593, %mul3A_594 : vector<16xf32>
        %swap3A_596 = arith.index_cast %add3A_523 : i32 to index
        %swap3A_597 = arith.constant 96 : index
        %swap3A_598 = tpu.vector_load %arg11[%swap3A_596, %swap3A_597] {strides = array<i32>} : memref<128x128xf32, #tpu.memory_space<vmem>>, vector<1x16xf32>,
        %swap3A_599 = vector.shape_cast %swap3A_598 : vector<1x16xf32> to vector<16xf32>
        %swap3A_600 = vector.shape_cast %mul3A_595 : vector<16xf32> to vector<1x16xf32>
        tpu.vector_store %arg11[%swap3A_596, %swap3A_597], %swap3A_600 {strides = array<i32>} : memref<128x128xf32, #tpu.memory_space<vmem>>, vector<1x16xf32>,
        %get3A_601 = arith.index_cast %add3A_523 : i32 to index
        %get3A_602 = arith.constant 112 : index
        %get3A_603 = tpu.vector_load %arg11[%get3A_601, %get3A_602] {strides = array<i32>} : memref<128x128xf32, #tpu.memory_space<vmem>>, vector<1x16xf32>,
        %get3A_604 = vector.shape_cast %get3A_603 : vector<1x16xf32> to vector<16xf32>
        %mul3A_605 = vector.broadcast %squeeze3A_519 : f32 to vector<16xf32>
        %mul3A_606 = arith.mulf %get3A_604, %mul3A_605 : vector<16xf32>
        %swap3A_607 = arith.index_cast %add3A_523 : i32 to index
        %swap3A_608 = arith.constant 112 : index
        %swap3A_609 = tpu.vector_load %arg11[%swap3A_607, %swap3A_608] {strides = array<i32>} : memref<128x128xf32, #tpu.memory_space<vmem>>, vector<1x16xf32>,
        %swap3A_610 = vector.shape_cast %swap3A_609 : vector<1x16xf32> to vector<16xf32>
        %swap3A_611 = vector.shape_cast %mul3A_606 : vector<16xf32> to vector<1x16xf32>
        tpu.vector_store %arg11[%swap3A_607, %swap3A_608], %swap3A_611 {strides = array<i32>} : memref<128x128xf32, #tpu.memory_space<vmem>>, vector<1x16xf32>,
        %slice3A_612 = vector.extract_strided_slice %get3A_50 {offsets = [6], sizes = [1], strides = [1]} : vector<16xf32> to vector<1xf32>
        %squeeze3A_613 = vector.extract %slice3A_612[0] : f32 from vector<1xf32>
        %mul3A_614 = arith.constant 16 : i32
        %mul3A_615 = arith.muli %scan3A_46, %mul3A_614 : i32
        %add3A_616 = arith.constant 6 : i32
        %add3A_617 = arith.addi %mul3A_615, %add3A_616 : i32
        %get3A_618 = arith.index_cast %add3A_617 : i32 to index
        %get3A_619 = arith.constant 0 : index
        %get3A_620 = tpu.vector_load %arg11[%get3A_618, %get3A_619] {strides = array<i32>} : memref<128x128xf32, #tpu.memory_space<vmem>>, vector<1x16xf32>,
        %get3A_621 = vector.shape_cast %get3A_620 : vector<1x16xf32> to vector<16xf32>
        %mul3A_622 = vector.broadcast %squeeze3A_613 : f32 to vector<16xf32>
        %mul3A_623 = arith.mulf %get3A_621, %mul3A_622 : vector<16xf32>
        %swap3A_624 = arith.index_cast %add3A_617 : i32 to index
        %swap3A_625 = arith.constant 0 : index
        %swap3A_626 = tpu.vector_load %arg11[%swap3A_624, %swap3A_625] {strides = array<i32>} : memref<128x128xf32, #tpu.memory_space<vmem>>, vector<1x16xf32>,
        %swap3A_627 = vector.shape_cast %swap3A_626 : vector<1x16xf32> to vector<16xf32>
        %swap3A_628 = vector.shape_cast %mul3A_623 : vector<16xf32> to vector<1x16xf32>
        tpu.vector_store %arg11[%swap3A_624, %swap3A_625], %swap3A_628 {strides = array<i32>} : memref<128x128xf32, #tpu.memory_space<vmem>>, vector<1x16xf32>,
        %get3A_629 = arith.index_cast %add3A_617 : i32 to index
        %get3A_630 = arith.constant 16 : index
        %get3A_631 = tpu.vector_load %arg11[%get3A_629, %get3A_630] {strides = array<i32>} : memref<128x128xf32, #tpu.memory_space<vmem>>, vector<1x16xf32>,
        %get3A_632 = vector.shape_cast %get3A_631 : vector<1x16xf32> to vector<16xf32>
        %mul3A_633 = vector.broadcast %squeeze3A_613 : f32 to vector<16xf32>
        %mul3A_634 = arith.mulf %get3A_632, %mul3A_633 : vector<16xf32>
        %swap3A_635 = arith.index_cast %add3A_617 : i32 to index
        %swap3A_636 = arith.constant 16 : index
        %swap3A_637 = tpu.vector_load %arg11[%swap3A_635, %swap3A_636] {strides = array<i32>} : memref<128x128xf32, #tpu.memory_space<vmem>>, vector<1x16xf32>,
        %swap3A_638 = vector.shape_cast %swap3A_637 : vector<1x16xf32> to vector<16xf32>
        %swap3A_639 = vector.shape_cast %mul3A_634 : vector<16xf32> to vector<1x16xf32>
        tpu.vector_store %arg11[%swap3A_635, %swap3A_636], %swap3A_639 {strides = array<i32>} : memref<128x128xf32, #tpu.memory_space<vmem>>, vector<1x16xf32>,
        %get3A_640 = arith.index_cast %add3A_617 : i32 to index
        %get3A_641 = arith.constant 32 : index
        %get3A_642 = tpu.vector_load %arg11[%get3A_640, %get3A_641] {strides = array<i32>} : memref<128x128xf32, #tpu.memory_space<vmem>>, vector<1x16xf32>,
        %get3A_643 = vector.shape_cast %get3A_642 : vector<1x16xf32> to vector<16xf32>
        %mul3A_644 = vector.broadcast %squeeze3A_613 : f32 to vector<16xf32>
        %mul3A_645 = arith.mulf %get3A_643, %mul3A_644 : vector<16xf32>
        %swap3A_646 = arith.index_cast %add3A_617 : i32 to index
        %swap3A_647 = arith.constant 32 : index
        %swap3A_648 = tpu.vector_load %arg11[%swap3A_646, %swap3A_647] {strides = array<i32>} : memref<128x128xf32, #tpu.memory_space<vmem>>, vector<1x16xf32>,
        %swap3A_649 = vector.shape_cast %swap3A_648 : vector<1x16xf32> to vector<16xf32>
        %swap3A_650 = vector.shape_cast %mul3A_645 : vector<16xf32> to vector<1x16xf32>
        tpu.vector_store %arg11[%swap3A_646, %swap3A_647], %swap3A_650 {strides = array<i32>} : memref<128x128xf32, #tpu.memory_space<vmem>>, vector<1x16xf32>,
        %get3A_651 = arith.index_cast %add3A_617 : i32 to index
        %get3A_652 = arith.constant 48 : index
        %get3A_653 = tpu.vector_load %arg11[%get3A_651, %get3A_652] {strides = array<i32>} : memref<128x128xf32, #tpu.memory_space<vmem>>, vector<1x16xf32>,
        %get3A_654 = vector.shape_cast %get3A_653 : vector<1x16xf32> to vector<16xf32>
        %mul3A_655 = vector.broadcast %squeeze3A_613 : f32 to vector<16xf32>
        %mul3A_656 = arith.mulf %get3A_654, %mul3A_655 : vector<16xf32>
        %swap3A_657 = arith.index_cast %add3A_617 : i32 to index
        %swap3A_658 = arith.constant 48 : index
        %swap3A_659 = tpu.vector_load %arg11[%swap3A_657, %swap3A_658] {strides = array<i32>} : memref<128x128xf32, #tpu.memory_space<vmem>>, vector<1x16xf32>,
        %swap3A_660 = vector.shape_cast %swap3A_659 : vector<1x16xf32> to vector<16xf32>
        %swap3A_661 = vector.shape_cast %mul3A_656 : vector<16xf32> to vector<1x16xf32>
        tpu.vector_store %arg11[%swap3A_657, %swap3A_658], %swap3A_661 {strides = array<i32>} : memref<128x128xf32, #tpu.memory_space<vmem>>, vector<1x16xf32>,
        %get3A_662 = arith.index_cast %add3A_617 : i32 to index
        %get3A_663 = arith.constant 64 : index
        %get3A_664 = tpu.vector_load %arg11[%get3A_662, %get3A_663] {strides = array<i32>} : memref<128x128xf32, #tpu.memory_space<vmem>>, vector<1x16xf32>,
        %get3A_665 = vector.shape_cast %get3A_664 : vector<1x16xf32> to vector<16xf32>
        %mul3A_666 = vector.broadcast %squeeze3A_613 : f32 to vector<16xf32>
        %mul3A_667 = arith.mulf %get3A_665, %mul3A_666 : vector<16xf32>
        %swap3A_668 = arith.index_cast %add3A_617 : i32 to index
        %swap3A_669 = arith.constant 64 : index
        %swap3A_670 = tpu.vector_load %arg11[%swap3A_668, %swap3A_669] {strides = array<i32>} : memref<128x128xf32, #tpu.memory_space<vmem>>, vector<1x16xf32>,
        %swap3A_671 = vector.shape_cast %swap3A_670 : vector<1x16xf32> to vector<16xf32>
        %swap3A_672 = vector.shape_cast %mul3A_667 : vector<16xf32> to vector<1x16xf32>
        tpu.vector_store %arg11[%swap3A_668, %swap3A_669], %swap3A_672 {strides = array<i32>} : memref<128x128xf32, #tpu.memory_space<vmem>>, vector<1x16xf32>,
        %get3A_673 = arith.index_cast %add3A_617 : i32 to index
        %get3A_674 = arith.constant 80 : index
        %get3A_675 = tpu.vector_load %arg11[%get3A_673, %get3A_674] {strides = array<i32>} : memref<128x128xf32, #tpu.memory_space<vmem>>, vector<1x16xf32>,
        %get3A_676 = vector.shape_cast %get3A_675 : vector<1x16xf32> to vector<16xf32>
        %mul3A_677 = vector.broadcast %squeeze3A_613 : f32 to vector<16xf32>
        %mul3A_678 = arith.mulf %get3A_676, %mul3A_677 : vector<16xf32>
        %swap3A_679 = arith.index_cast %add3A_617 : i32 to index
        %swap3A_680 = arith.constant 80 : index
        %swap3A_681 = tpu.vector_load %arg11[%swap3A_679, %swap3A_680] {strides = array<i32>} : memref<128x128xf32, #tpu.memory_space<vmem>>, vector<1x16xf32>,
        %swap3A_682 = vector.shape_cast %swap3A_681 : vector<1x16xf32> to vector<16xf32>
        %swap3A_683 = vector.shape_cast %mul3A_678 : vector<16xf32> to vector<1x16xf32>
        tpu.vector_store %arg11[%swap3A_679, %swap3A_680], %swap3A_683 {strides = array<i32>} : memref<128x128xf32, #tpu.memory_space<vmem>>, vector<1x16xf32>,
        %get3A_684 = arith.index_cast %add3A_617 : i32 to index
        %get3A_685 = arith.constant 96 : index
        %get3A_686 = tpu.vector_load %arg11[%get3A_684, %get3A_685] {strides = array<i32>} : memref<128x128xf32, #tpu.memory_space<vmem>>, vector<1x16xf32>,
        %get3A_687 = vector.shape_cast %get3A_686 : vector<1x16xf32> to vector<16xf32>
        %mul3A_688 = vector.broadcast %squeeze3A_613 : f32 to vector<16xf32>
        %mul3A_689 = arith.mulf %get3A_687, %mul3A_688 : vector<16xf32>
        %swap3A_690 = arith.index_cast %add3A_617 : i32 to index
        %swap3A_691 = arith.constant 96 : index
        %swap3A_692 = tpu.vector_load %arg11[%swap3A_690, %swap3A_691] {strides = array<i32>} : memref<128x128xf32, #tpu.memory_space<vmem>>, vector<1x16xf32>,
        %swap3A_693 = vector.shape_cast %swap3A_692 : vector<1x16xf32> to vector<16xf32>
        %swap3A_694 = vector.shape_cast %mul3A_689 : vector<16xf32> to vector<1x16xf32>
        tpu.vector_store %arg11[%swap3A_690, %swap3A_691], %swap3A_694 {strides = array<i32>} : memref<128x128xf32, #tpu.memory_space<vmem>>, vector<1x16xf32>,
        %get3A_695 = arith.index_cast %add3A_617 : i32 to index
        %get3A_696 = arith.constant 112 : index
        %get3A_697 = tpu.vector_load %arg11[%get3A_695, %get3A_696] {strides = array<i32>} : memref<128x128xf32, #tpu.memory_space<vmem>>, vector<1x16xf32>,
        %get3A_698 = vector.shape_cast %get3A_697 : vector<1x16xf32> to vector<16xf32>
        %mul3A_699 = vector.broadcast %squeeze3A_613 : f32 to vector<16xf32>
        %mul3A_700 = arith.mulf %get3A_698, %mul3A_699 : vector<16xf32>
        %swap3A_701 = arith.index_cast %add3A_617 : i32 to index
        %swap3A_702 = arith.constant 112 : index
        %swap3A_703 = tpu.vector_load %arg11[%swap3A_701, %swap3A_702] {strides = array<i32>} : memref<128x128xf32, #tpu.memory_space<vmem>>, vector<1x16xf32>,
        %swap3A_704 = vector.shape_cast %swap3A_703 : vector<1x16xf32> to vector<16xf32>
        %swap3A_705 = vector.shape_cast %mul3A_700 : vector<16xf32> to vector<1x16xf32>
        tpu.vector_store %arg11[%swap3A_701, %swap3A_702], %swap3A_705 {strides = array<i32>} : memref<128x128xf32, #tpu.memory_space<vmem>>, vector<1x16xf32>,
        %slice3A_706 = vector.extract_strided_slice %get3A_50 {offsets = [7], sizes = [1], strides = [1]} : vector<16xf32> to vector<1xf32>
        %squeeze3A_707 = vector.extract %slice3A_706[0] : f32 from vector<1xf32>
        %mul3A_708 = arith.constant 16 : i32
        %mul3A_709 = arith.muli %scan3A_46, %mul3A_708 : i32
        %add3A_710 = arith.constant 7 : i32
        %add3A_711 = arith.addi %mul3A_709, %add3A_710 : i32
        %get3A_712 = arith.index_cast %add3A_711 : i32 to index
        %get3A_713 = arith.constant 0 : index
        %get3A_714 = tpu.vector_load %arg11[%get3A_712, %get3A_713] {strides = array<i32>} : memref<128x128xf32, #tpu.memory_space<vmem>>, vector<1x16xf32>,
        %get3A_715 = vector.shape_cast %get3A_714 : vector<1x16xf32> to vector<16xf32>
        %mul3A_716 = vector.broadcast %squeeze3A_707 : f32 to vector<16xf32>
        %mul3A_717 = arith.mulf %get3A_715, %mul3A_716 : vector<16xf32>
        %swap3A_718 = arith.index_cast %add3A_711 : i32 to index
        %swap3A_719 = arith.constant 0 : index
        %swap3A_720 = tpu.vector_load %arg11[%swap3A_718, %swap3A_719] {strides = array<i32>} : memref<128x128xf32, #tpu.memory_space<vmem>>, vector<1x16xf32>,
        %swap3A_721 = vector.shape_cast %swap3A_720 : vector<1x16xf32> to vector<16xf32>
        %swap3A_722 = vector.shape_cast %mul3A_717 : vector<16xf32> to vector<1x16xf32>
        tpu.vector_store %arg11[%swap3A_718, %swap3A_719], %swap3A_722 {strides = array<i32>} : memref<128x128xf32, #tpu.memory_space<vmem>>, vector<1x16xf32>,
        %get3A_723 = arith.index_cast %add3A_711 : i32 to index
        %get3A_724 = arith.constant 16 : index
        %get3A_725 = tpu.vector_load %arg11[%get3A_723, %get3A_724] {strides = array<i32>} : memref<128x128xf32, #tpu.memory_space<vmem>>, vector<1x16xf32>,
        %get3A_726 = vector.shape_cast %get3A_725 : vector<1x16xf32> to vector<16xf32>
        %mul3A_727 = vector.broadcast %squeeze3A_707 : f32 to vector<16xf32>
        %mul3A_728 = arith.mulf %get3A_726, %mul3A_727 : vector<16xf32>
        %swap3A_729 = arith.index_cast %add3A_711 : i32 to index
        %swap3A_730 = arith.constant 16 : index
        %swap3A_731 = tpu.vector_load %arg11[%swap3A_729, %swap3A_730] {strides = array<i32>} : memref<128x128xf32, #tpu.memory_space<vmem>>, vector<1x16xf32>,
        %swap3A_732 = vector.shape_cast %swap3A_731 : vector<1x16xf32> to vector<16xf32>
        %swap3A_733 = vector.shape_cast %mul3A_728 : vector<16xf32> to vector<1x16xf32>
        tpu.vector_store %arg11[%swap3A_729, %swap3A_730], %swap3A_733 {strides = array<i32>} : memref<128x128xf32, #tpu.memory_space<vmem>>, vector<1x16xf32>,
        %get3A_734 = arith.index_cast %add3A_711 : i32 to index
        %get3A_735 = arith.constant 32 : index
        %get3A_736 = tpu.vector_load %arg11[%get3A_734, %get3A_735] {strides = array<i32>} : memref<128x128xf32, #tpu.memory_space<vmem>>, vector<1x16xf32>,
        %get3A_737 = vector.shape_cast %get3A_736 : vector<1x16xf32> to vector<16xf32>
        %mul3A_738 = vector.broadcast %squeeze3A_707 : f32 to vector<16xf32>
        %mul3A_739 = arith.mulf %get3A_737, %mul3A_738 : vector<16xf32>
        %swap3A_740 = arith.index_cast %add3A_711 : i32 to index
        %swap3A_741 = arith.constant 32 : index
        %swap3A_742 = tpu.vector_load %arg11[%swap3A_740, %swap3A_741] {strides = array<i32>} : memref<128x128xf32, #tpu.memory_space<vmem>>, vector<1x16xf32>,
        %swap3A_743 = vector.shape_cast %swap3A_742 : vector<1x16xf32> to vector<16xf32>
        %swap3A_744 = vector.shape_cast %mul3A_739 : vector<16xf32> to vector<1x16xf32>
        tpu.vector_store %arg11[%swap3A_740, %swap3A_741], %swap3A_744 {strides = array<i32>} : memref<128x128xf32, #tpu.memory_space<vmem>>, vector<1x16xf32>,
        %get3A_745 = arith.index_cast %add3A_711 : i32 to index
        %get3A_746 = arith.constant 48 : index
        %get3A_747 = tpu.vector_load %arg11[%get3A_745, %get3A_746] {strides = array<i32>} : memref<128x128xf32, #tpu.memory_space<vmem>>, vector<1x16xf32>,
        %get3A_748 = vector.shape_cast %get3A_747 : vector<1x16xf32> to vector<16xf32>
        %mul3A_749 = vector.broadcast %squeeze3A_707 : f32 to vector<16xf32>
        %mul3A_750 = arith.mulf %get3A_748, %mul3A_749 : vector<16xf32>
        %swap3A_751 = arith.index_cast %add3A_711 : i32 to index
        %swap3A_752 = arith.constant 48 : index
        %swap3A_753 = tpu.vector_load %arg11[%swap3A_751, %swap3A_752] {strides = array<i32>} : memref<128x128xf32, #tpu.memory_space<vmem>>, vector<1x16xf32>,
        %swap3A_754 = vector.shape_cast %swap3A_753 : vector<1x16xf32> to vector<16xf32>
        %swap3A_755 = vector.shape_cast %mul3A_750 : vector<16xf32> to vector<1x16xf32>
        tpu.vector_store %arg11[%swap3A_751, %swap3A_752], %swap3A_755 {strides = array<i32>} : memref<128x128xf32, #tpu.memory_space<vmem>>, vector<1x16xf32>,
        %get3A_756 = arith.index_cast %add3A_711 : i32 to index
        %get3A_757 = arith.constant 64 : index
        %get3A_758 = tpu.vector_load %arg11[%get3A_756, %get3A_757] {strides = array<i32>} : memref<128x128xf32, #tpu.memory_space<vmem>>, vector<1x16xf32>,
        %get3A_759 = vector.shape_cast %get3A_758 : vector<1x16xf32> to vector<16xf32>
        %mul3A_760 = vector.broadcast %squeeze3A_707 : f32 to vector<16xf32>
        %mul3A_761 = arith.mulf %get3A_759, %mul3A_760 : vector<16xf32>
        %swap3A_762 = arith.index_cast %add3A_711 : i32 to index
        %swap3A_763 = arith.constant 64 : index
        %swap3A_764 = tpu.vector_load %arg11[%swap3A_762, %swap3A_763] {strides = array<i32>} : memref<128x128xf32, #tpu.memory_space<vmem>>, vector<1x16xf32>,
        %swap3A_765 = vector.shape_cast %swap3A_764 : vector<1x16xf32> to vector<16xf32>
        %swap3A_766 = vector.shape_cast %mul3A_761 : vector<16xf32> to vector<1x16xf32>
        tpu.vector_store %arg11[%swap3A_762, %swap3A_763], %swap3A_766 {strides = array<i32>} : memref<128x128xf32, #tpu.memory_space<vmem>>, vector<1x16xf32>,
        %get3A_767 = arith.index_cast %add3A_711 : i32 to index
        %get3A_768 = arith.constant 80 : index
        %get3A_769 = tpu.vector_load %arg11[%get3A_767, %get3A_768] {strides = array<i32>} : memref<128x128xf32, #tpu.memory_space<vmem>>, vector<1x16xf32>,
        %get3A_770 = vector.shape_cast %get3A_769 : vector<1x16xf32> to vector<16xf32>
        %mul3A_771 = vector.broadcast %squeeze3A_707 : f32 to vector<16xf32>
        %mul3A_772 = arith.mulf %get3A_770, %mul3A_771 : vector<16xf32>
        %swap3A_773 = arith.index_cast %add3A_711 : i32 to index
        %swap3A_774 = arith.constant 80 : index
        %swap3A_775 = tpu.vector_load %arg11[%swap3A_773, %swap3A_774] {strides = array<i32>} : memref<128x128xf32, #tpu.memory_space<vmem>>, vector<1x16xf32>,
        %swap3A_776 = vector.shape_cast %swap3A_775 : vector<1x16xf32> to vector<16xf32>
        %swap3A_777 = vector.shape_cast %mul3A_772 : vector<16xf32> to vector<1x16xf32>
        tpu.vector_store %arg11[%swap3A_773, %swap3A_774], %swap3A_777 {strides = array<i32>} : memref<128x128xf32, #tpu.memory_space<vmem>>, vector<1x16xf32>,
        %get3A_778 = arith.index_cast %add3A_711 : i32 to index
        %get3A_779 = arith.constant 96 : index
        %get3A_780 = tpu.vector_load %arg11[%get3A_778, %get3A_779] {strides = array<i32>} : memref<128x128xf32, #tpu.memory_space<vmem>>, vector<1x16xf32>,
        %get3A_781 = vector.shape_cast %get3A_780 : vector<1x16xf32> to vector<16xf32>
        %mul3A_782 = vector.broadcast %squeeze3A_707 : f32 to vector<16xf32>
        %mul3A_783 = arith.mulf %get3A_781, %mul3A_782 : vector<16xf32>
        %swap3A_784 = arith.index_cast %add3A_711 : i32 to index
        %swap3A_785 = arith.constant 96 : index
        %swap3A_786 = tpu.vector_load %arg11[%swap3A_784, %swap3A_785] {strides = array<i32>} : memref<128x128xf32, #tpu.memory_space<vmem>>, vector<1x16xf32>,
        %swap3A_787 = vector.shape_cast %swap3A_786 : vector<1x16xf32> to vector<16xf32>
        %swap3A_788 = vector.shape_cast %mul3A_783 : vector<16xf32> to vector<1x16xf32>
        tpu.vector_store %arg11[%swap3A_784, %swap3A_785], %swap3A_788 {strides = array<i32>} : memref<128x128xf32, #tpu.memory_space<vmem>>, vector<1x16xf32>,
        %get3A_789 = arith.index_cast %add3A_711 : i32 to index
        %get3A_790 = arith.constant 112 : index
        %get3A_791 = tpu.vector_load %arg11[%get3A_789, %get3A_790] {strides = array<i32>} : memref<128x128xf32, #tpu.memory_space<vmem>>, vector<1x16xf32>,
        %get3A_792 = vector.shape_cast %get3A_791 : vector<1x16xf32> to vector<16xf32>
        %mul3A_793 = vector.broadcast %squeeze3A_707 : f32 to vector<16xf32>
        %mul3A_794 = arith.mulf %get3A_792, %mul3A_793 : vector<16xf32>
        %swap3A_795 = arith.index_cast %add3A_711 : i32 to index
        %swap3A_796 = arith.constant 112 : index
        %swap3A_797 = tpu.vector_load %arg11[%swap3A_795, %swap3A_796] {strides = array<i32>} : memref<128x128xf32, #tpu.memory_space<vmem>>, vector<1x16xf32>,
        %swap3A_798 = vector.shape_cast %swap3A_797 : vector<1x16xf32> to vector<16xf32>
        %swap3A_799 = vector.shape_cast %mul3A_794 : vector<16xf32> to vector<1x16xf32>
        tpu.vector_store %arg11[%swap3A_795, %swap3A_796], %swap3A_799 {strides = array<i32>} : memref<128x128xf32, #tpu.memory_space<vmem>>, vector<1x16xf32>,
        %slice3A_800 = vector.extract_strided_slice %get3A_50 {offsets = [8], sizes = [1], strides = [1]} : vector<16xf32> to vector<1xf32>
        %squeeze3A_801 = vector.extract %slice3A_800[0] : f32 from vector<1xf32>
        %mul3A_802 = arith.constant 16 : i32
        %mul3A_803 = arith.muli %scan3A_46, %mul3A_802 : i32
        %add3A_804 = arith.constant 8 : i32
        %add3A_805 = arith.addi %mul3A_803, %add3A_804 : i32
        %get3A_806 = arith.index_cast %add3A_805 : i32 to index
        %get3A_807 = arith.constant 0 : index
        %get3A_808 = tpu.vector_load %arg11[%get3A_806, %get3A_807] {strides = array<i32>} : memref<128x128xf32, #tpu.memory_space<vmem>>, vector<1x16xf32>,
        %get3A_809 = vector.shape_cast %get3A_808 : vector<1x16xf32> to vector<16xf32>
        %mul3A_810 = vector.broadcast %squeeze3A_801 : f32 to vector<16xf32>
        %mul3A_811 = arith.mulf %get3A_809, %mul3A_810 : vector<16xf32>
        %swap3A_812 = arith.index_cast %add3A_805 : i32 to index
        %swap3A_813 = arith.constant 0 : index
        %swap3A_814 = tpu.vector_load %arg11[%swap3A_812, %swap3A_813] {strides = array<i32>} : memref<128x128xf32, #tpu.memory_space<vmem>>, vector<1x16xf32>,
        %swap3A_815 = vector.shape_cast %swap3A_814 : vector<1x16xf32> to vector<16xf32>
        %swap3A_816 = vector.shape_cast %mul3A_811 : vector<16xf32> to vector<1x16xf32>
        tpu.vector_store %arg11[%swap3A_812, %swap3A_813], %swap3A_816 {strides = array<i32>} : memref<128x128xf32, #tpu.memory_space<vmem>>, vector<1x16xf32>,
        %get3A_817 = arith.index_cast %add3A_805 : i32 to index
        %get3A_818 = arith.constant 16 : index
        %get3A_819 = tpu.vector_load %arg11[%get3A_817, %get3A_818] {strides = array<i32>} : memref<128x128xf32, #tpu.memory_space<vmem>>, vector<1x16xf32>,
        %get3A_820 = vector.shape_cast %get3A_819 : vector<1x16xf32> to vector<16xf32>
        %mul3A_821 = vector.broadcast %squeeze3A_801 : f32 to vector<16xf32>
        %mul3A_822 = arith.mulf %get3A_820, %mul3A_821 : vector<16xf32>
        %swap3A_823 = arith.index_cast %add3A_805 : i32 to index
        %swap3A_824 = arith.constant 16 : index
        %swap3A_825 = tpu.vector_load %arg11[%swap3A_823, %swap3A_824] {strides = array<i32>} : memref<128x128xf32, #tpu.memory_space<vmem>>, vector<1x16xf32>,
        %swap3A_826 = vector.shape_cast %swap3A_825 : vector<1x16xf32> to vector<16xf32>
        %swap3A_827 = vector.shape_cast %mul3A_822 : vector<16xf32> to vector<1x16xf32>
        tpu.vector_store %arg11[%swap3A_823, %swap3A_824], %swap3A_827 {strides = array<i32>} : memref<128x128xf32, #tpu.memory_space<vmem>>, vector<1x16xf32>,
        %get3A_828 = arith.index_cast %add3A_805 : i32 to index
        %get3A_829 = arith.constant 32 : index
        %get3A_830 = tpu.vector_load %arg11[%get3A_828, %get3A_829] {strides = array<i32>} : memref<128x128xf32, #tpu.memory_space<vmem>>, vector<1x16xf32>,
        %get3A_831 = vector.shape_cast %get3A_830 : vector<1x16xf32> to vector<16xf32>
        %mul3A_832 = vector.broadcast %squeeze3A_801 : f32 to vector<16xf32>
        %mul3A_833 = arith.mulf %get3A_831, %mul3A_832 : vector<16xf32>
        %swap3A_834 = arith.index_cast %add3A_805 : i32 to index
        %swap3A_835 = arith.constant 32 : index
        %swap3A_836 = tpu.vector_load %arg11[%swap3A_834, %swap3A_835] {strides = array<i32>} : memref<128x128xf32, #tpu.memory_space<vmem>>, vector<1x16xf32>,
        %swap3A_837 = vector.shape_cast %swap3A_836 : vector<1x16xf32> to vector<16xf32>
        %swap3A_838 = vector.shape_cast %mul3A_833 : vector<16xf32> to vector<1x16xf32>
        tpu.vector_store %arg11[%swap3A_834, %swap3A_835], %swap3A_838 {strides = array<i32>} : memref<128x128xf32, #tpu.memory_space<vmem>>, vector<1x16xf32>,
        %get3A_839 = arith.index_cast %add3A_805 : i32 to index
        %get3A_840 = arith.constant 48 : index
        %get3A_841 = tpu.vector_load %arg11[%get3A_839, %get3A_840] {strides = array<i32>} : memref<128x128xf32, #tpu.memory_space<vmem>>, vector<1x16xf32>,
        %get3A_842 = vector.shape_cast %get3A_841 : vector<1x16xf32> to vector<16xf32>
        %mul3A_843 = vector.broadcast %squeeze3A_801 : f32 to vector<16xf32>
        %mul3A_844 = arith.mulf %get3A_842, %mul3A_843 : vector<16xf32>
        %swap3A_845 = arith.index_cast %add3A_805 : i32 to index
        %swap3A_846 = arith.constant 48 : index
        %swap3A_847 = tpu.vector_load %arg11[%swap3A_845, %swap3A_846] {strides = array<i32>} : memref<128x128xf32, #tpu.memory_space<vmem>>, vector<1x16xf32>,
        %swap3A_848 = vector.shape_cast %swap3A_847 : vector<1x16xf32> to vector<16xf32>
        %swap3A_849 = vector.shape_cast %mul3A_844 : vector<16xf32> to vector<1x16xf32>
        tpu.vector_store %arg11[%swap3A_845, %swap3A_846], %swap3A_849 {strides = array<i32>} : memref<128x128xf32, #tpu.memory_space<vmem>>, vector<1x16xf32>,
        %get3A_850 = arith.index_cast %add3A_805 : i32 to index
        %get3A_851 = arith.constant 64 : index
        %get3A_852 = tpu.vector_load %arg11[%get3A_850, %get3A_851] {strides = array<i32>} : memref<128x128xf32, #tpu.memory_space<vmem>>, vector<1x16xf32>,
        %get3A_853 = vector.shape_cast %get3A_852 : vector<1x16xf32> to vector<16xf32>
        %mul3A_854 = vector.broadcast %squeeze3A_801 : f32 to vector<16xf32>
        %mul3A_855 = arith.mulf %get3A_853, %mul3A_854 : vector<16xf32>
        %swap3A_856 = arith.index_cast %add3A_805 : i32 to index
        %swap3A_857 = arith.constant 64 : index
        %swap3A_858 = tpu.vector_load %arg11[%swap3A_856, %swap3A_857] {strides = array<i32>} : memref<128x128xf32, #tpu.memory_space<vmem>>, vector<1x16xf32>,
        %swap3A_859 = vector.shape_cast %swap3A_858 : vector<1x16xf32> to vector<16xf32>
        %swap3A_860 = vector.shape_cast %mul3A_855 : vector<16xf32> to vector<1x16xf32>
        tpu.vector_store %arg11[%swap3A_856, %swap3A_857], %swap3A_860 {strides = array<i32>} : memref<128x128xf32, #tpu.memory_space<vmem>>, vector<1x16xf32>,
        %get3A_861 = arith.index_cast %add3A_805 : i32 to index
        %get3A_862 = arith.constant 80 : index
        %get3A_863 = tpu.vector_load %arg11[%get3A_861, %get3A_862] {strides = array<i32>} : memref<128x128xf32, #tpu.memory_space<vmem>>, vector<1x16xf32>,
        %get3A_864 = vector.shape_cast %get3A_863 : vector<1x16xf32> to vector<16xf32>
        %mul3A_865 = vector.broadcast %squeeze3A_801 : f32 to vector<16xf32>
        %mul3A_866 = arith.mulf %get3A_864, %mul3A_865 : vector<16xf32>
        %swap3A_867 = arith.index_cast %add3A_805 : i32 to index
        %swap3A_868 = arith.constant 80 : index
        %swap3A_869 = tpu.vector_load %arg11[%swap3A_867, %swap3A_868] {strides = array<i32>} : memref<128x128xf32, #tpu.memory_space<vmem>>, vector<1x16xf32>,
        %swap3A_870 = vector.shape_cast %swap3A_869 : vector<1x16xf32> to vector<16xf32>
        %swap3A_871 = vector.shape_cast %mul3A_866 : vector<16xf32> to vector<1x16xf32>
        tpu.vector_store %arg11[%swap3A_867, %swap3A_868], %swap3A_871 {strides = array<i32>} : memref<128x128xf32, #tpu.memory_space<vmem>>, vector<1x16xf32>,
        %get3A_872 = arith.index_cast %add3A_805 : i32 to index
        %get3A_873 = arith.constant 96 : index
        %get3A_874 = tpu.vector_load %arg11[%get3A_872, %get3A_873] {strides = array<i32>} : memref<128x128xf32, #tpu.memory_space<vmem>>, vector<1x16xf32>,
        %get3A_875 = vector.shape_cast %get3A_874 : vector<1x16xf32> to vector<16xf32>
        %mul3A_876 = vector.broadcast %squeeze3A_801 : f32 to vector<16xf32>
        %mul3A_877 = arith.mulf %get3A_875, %mul3A_876 : vector<16xf32>
        %swap3A_878 = arith.index_cast %add3A_805 : i32 to index
        %swap3A_879 = arith.constant 96 : index
        %swap3A_880 = tpu.vector_load %arg11[%swap3A_878, %swap3A_879] {strides = array<i32>} : memref<128x128xf32, #tpu.memory_space<vmem>>, vector<1x16xf32>,
        %swap3A_881 = vector.shape_cast %swap3A_880 : vector<1x16xf32> to vector<16xf32>
        %swap3A_882 = vector.shape_cast %mul3A_877 : vector<16xf32> to vector<1x16xf32>
        tpu.vector_store %arg11[%swap3A_878, %swap3A_879], %swap3A_882 {strides = array<i32>} : memref<128x128xf32, #tpu.memory_space<vmem>>, vector<1x16xf32>,
        %get3A_883 = arith.index_cast %add3A_805 : i32 to index
        %get3A_884 = arith.constant 112 : index
        %get3A_885 = tpu.vector_load %arg11[%get3A_883, %get3A_884] {strides = array<i32>} : memref<128x128xf32, #tpu.memory_space<vmem>>, vector<1x16xf32>,
        %get3A_886 = vector.shape_cast %get3A_885 : vector<1x16xf32> to vector<16xf32>
        %mul3A_887 = vector.broadcast %squeeze3A_801 : f32 to vector<16xf32>
        %mul3A_888 = arith.mulf %get3A_886, %mul3A_887 : vector<16xf32>
        %swap3A_889 = arith.index_cast %add3A_805 : i32 to index
        %swap3A_890 = arith.constant 112 : index
        %swap3A_891 = tpu.vector_load %arg11[%swap3A_889, %swap3A_890] {strides = array<i32>} : memref<128x128xf32, #tpu.memory_space<vmem>>, vector<1x16xf32>,
        %swap3A_892 = vector.shape_cast %swap3A_891 : vector<1x16xf32> to vector<16xf32>
        %swap3A_893 = vector.shape_cast %mul3A_888 : vector<16xf32> to vector<1x16xf32>
        tpu.vector_store %arg11[%swap3A_889, %swap3A_890], %swap3A_893 {strides = array<i32>} : memref<128x128xf32, #tpu.memory_space<vmem>>, vector<1x16xf32>,
        %slice3A_894 = vector.extract_strided_slice %get3A_50 {offsets = [9], sizes = [1], strides = [1]} : vector<16xf32> to vector<1xf32>
        %squeeze3A_895 = vector.extract %slice3A_894[0] : f32 from vector<1xf32>
        %mul3A_896 = arith.constant 16 : i32
        %mul3A_897 = arith.muli %scan3A_46, %mul3A_896 : i32
        %add3A_898 = arith.constant 9 : i32
        %add3A_899 = arith.addi %mul3A_897, %add3A_898 : i32
        %get3A_900 = arith.index_cast %add3A_899 : i32 to index
        %get3A_901 = arith.constant 0 : index
        %get3A_902 = tpu.vector_load %arg11[%get3A_900, %get3A_901] {strides = array<i32>} : memref<128x128xf32, #tpu.memory_space<vmem>>, vector<1x16xf32>,
        %get3A_903 = vector.shape_cast %get3A_902 : vector<1x16xf32> to vector<16xf32>
        %mul3A_904 = vector.broadcast %squeeze3A_895 : f32 to vector<16xf32>
        %mul3A_905 = arith.mulf %get3A_903, %mul3A_904 : vector<16xf32>
        %swap3A_906 = arith.index_cast %add3A_899 : i32 to index
        %swap3A_907 = arith.constant 0 : index
        %swap3A_908 = tpu.vector_load %arg11[%swap3A_906, %swap3A_907] {strides = array<i32>} : memref<128x128xf32, #tpu.memory_space<vmem>>, vector<1x16xf32>,
        %swap3A_909 = vector.shape_cast %swap3A_908 : vector<1x16xf32> to vector<16xf32>
        %swap3A_910 = vector.shape_cast %mul3A_905 : vector<16xf32> to vector<1x16xf32>
        tpu.vector_store %arg11[%swap3A_906, %swap3A_907], %swap3A_910 {strides = array<i32>} : memref<128x128xf32, #tpu.memory_space<vmem>>, vector<1x16xf32>,
        %get3A_911 = arith.index_cast %add3A_899 : i32 to index
        %get3A_912 = arith.constant 16 : index
        %get3A_913 = tpu.vector_load %arg11[%get3A_911, %get3A_912] {strides = array<i32>} : memref<128x128xf32, #tpu.memory_space<vmem>>, vector<1x16xf32>,
        %get3A_914 = vector.shape_cast %get3A_913 : vector<1x16xf32> to vector<16xf32>
        %mul3A_915 = vector.broadcast %squeeze3A_895 : f32 to vector<16xf32>
        %mul3A_916 = arith.mulf %get3A_914, %mul3A_915 : vector<16xf32>
        %swap3A_917 = arith.index_cast %add3A_899 : i32 to index
        %swap3A_918 = arith.constant 16 : index
        %swap3A_919 = tpu.vector_load %arg11[%swap3A_917, %swap3A_918] {strides = array<i32>} : memref<128x128xf32, #tpu.memory_space<vmem>>, vector<1x16xf32>,
        %swap3A_920 = vector.shape_cast %swap3A_919 : vector<1x16xf32> to vector<16xf32>
        %swap3A_921 = vector.shape_cast %mul3A_916 : vector<16xf32> to vector<1x16xf32>
        tpu.vector_store %arg11[%swap3A_917, %swap3A_918], %swap3A_921 {strides = array<i32>} : memref<128x128xf32, #tpu.memory_space<vmem>>, vector<1x16xf32>,
        %get3A_922 = arith.index_cast %add3A_899 : i32 to index
        %get3A_923 = arith.constant 32 : index
        %get3A_924 = tpu.vector_load %arg11[%get3A_922, %get3A_923] {strides = array<i32>} : memref<128x128xf32, #tpu.memory_space<vmem>>, vector<1x16xf32>,
        %get3A_925 = vector.shape_cast %get3A_924 : vector<1x16xf32> to vector<16xf32>
        %mul3A_926 = vector.broadcast %squeeze3A_895 : f32 to vector<16xf32>
        %mul3A_927 = arith.mulf %get3A_925, %mul3A_926 : vector<16xf32>
        %swap3A_928 = arith.index_cast %add3A_899 : i32 to index
        %swap3A_929 = arith.constant 32 : index
        %swap3A_930 = tpu.vector_load %arg11[%swap3A_928, %swap3A_929] {strides = array<i32>} : memref<128x128xf32, #tpu.memory_space<vmem>>, vector<1x16xf32>,
        %swap3A_931 = vector.shape_cast %swap3A_930 : vector<1x16xf32> to vector<16xf32>
        %swap3A_932 = vector.shape_cast %mul3A_927 : vector<16xf32> to vector<1x16xf32>
        tpu.vector_store %arg11[%swap3A_928, %swap3A_929], %swap3A_932 {strides = array<i32>} : memref<128x128xf32, #tpu.memory_space<vmem>>, vector<1x16xf32>,
        %get3A_933 = arith.index_cast %add3A_899 : i32 to index
        %get3A_934 = arith.constant 48 : index
        %get3A_935 = tpu.vector_load %arg11[%get3A_933, %get3A_934] {strides = array<i32>} : memref<128x128xf32, #tpu.memory_space<vmem>>, vector<1x16xf32>,
        %get3A_936 = vector.shape_cast %get3A_935 : vector<1x16xf32> to vector<16xf32>
        %mul3A_937 = vector.broadcast %squeeze3A_895 : f32 to vector<16xf32>
        %mul3A_938 = arith.mulf %get3A_936, %mul3A_937 : vector<16xf32>
        %swap3A_939 = arith.index_cast %add3A_899 : i32 to index
        %swap3A_940 = arith.constant 48 : index
        %swap3A_941 = tpu.vector_load %arg11[%swap3A_939, %swap3A_940] {strides = array<i32>} : memref<128x128xf32, #tpu.memory_space<vmem>>, vector<1x16xf32>,
        %swap3A_942 = vector.shape_cast %swap3A_941 : vector<1x16xf32> to vector<16xf32>
        %swap3A_943 = vector.shape_cast %mul3A_938 : vector<16xf32> to vector<1x16xf32>
        tpu.vector_store %arg11[%swap3A_939, %swap3A_940], %swap3A_943 {strides = array<i32>} : memref<128x128xf32, #tpu.memory_space<vmem>>, vector<1x16xf32>,
        %get3A_944 = arith.index_cast %add3A_899 : i32 to index
        %get3A_945 = arith.constant 64 : index
        %get3A_946 = tpu.vector_load %arg11[%get3A_944, %get3A_945] {strides = array<i32>} : memref<128x128xf32, #tpu.memory_space<vmem>>, vector<1x16xf32>,
        %get3A_947 = vector.shape_cast %get3A_946 : vector<1x16xf32> to vector<16xf32>
        %mul3A_948 = vector.broadcast %squeeze3A_895 : f32 to vector<16xf32>
        %mul3A_949 = arith.mulf %get3A_947, %mul3A_948 : vector<16xf32>
        %swap3A_950 = arith.index_cast %add3A_899 : i32 to index
        %swap3A_951 = arith.constant 64 : index
        %swap3A_952 = tpu.vector_load %arg11[%swap3A_950, %swap3A_951] {strides = array<i32>} : memref<128x128xf32, #tpu.memory_space<vmem>>, vector<1x16xf32>,
        %swap3A_953 = vector.shape_cast %swap3A_952 : vector<1x16xf32> to vector<16xf32>
        %swap3A_954 = vector.shape_cast %mul3A_949 : vector<16xf32> to vector<1x16xf32>
        tpu.vector_store %arg11[%swap3A_950, %swap3A_951], %swap3A_954 {strides = array<i32>} : memref<128x128xf32, #tpu.memory_space<vmem>>, vector<1x16xf32>,
        %get3A_955 = arith.index_cast %add3A_899 : i32 to index
        %get3A_956 = arith.constant 80 : index
        %get3A_957 = tpu.vector_load %arg11[%get3A_955, %get3A_956] {strides = array<i32>} : memref<128x128xf32, #tpu.memory_space<vmem>>, vector<1x16xf32>,
        %get3A_958 = vector.shape_cast %get3A_957 : vector<1x16xf32> to vector<16xf32>
        %mul3A_959 = vector.broadcast %squeeze3A_895 : f32 to vector<16xf32>
        %mul3A_960 = arith.mulf %get3A_958, %mul3A_959 : vector<16xf32>
        %swap3A_961 = arith.index_cast %add3A_899 : i32 to index
        %swap3A_962 = arith.constant 80 : index
        %swap3A_963 = tpu.vector_load %arg11[%swap3A_961, %swap3A_962] {strides = array<i32>} : memref<128x128xf32, #tpu.memory_space<vmem>>, vector<1x16xf32>,
        %swap3A_964 = vector.shape_cast %swap3A_963 : vector<1x16xf32> to vector<16xf32>
        %swap3A_965 = vector.shape_cast %mul3A_960 : vector<16xf32> to vector<1x16xf32>
        tpu.vector_store %arg11[%swap3A_961, %swap3A_962], %swap3A_965 {strides = array<i32>} : memref<128x128xf32, #tpu.memory_space<vmem>>, vector<1x16xf32>,
        %get3A_966 = arith.index_cast %add3A_899 : i32 to index
        %get3A_967 = arith.constant 96 : index
        %get3A_968 = tpu.vector_load %arg11[%get3A_966, %get3A_967] {strides = array<i32>} : memref<128x128xf32, #tpu.memory_space<vmem>>, vector<1x16xf32>,
        %get3A_969 = vector.shape_cast %get3A_968 : vector<1x16xf32> to vector<16xf32>
        %mul3A_970 = vector.broadcast %squeeze3A_895 : f32 to vector<16xf32>
        %mul3A_971 = arith.mulf %get3A_969, %mul3A_970 : vector<16xf32>
        %swap3A_972 = arith.index_cast %add3A_899 : i32 to index
        %swap3A_973 = arith.constant 96 : index
        %swap3A_974 = tpu.vector_load %arg11[%swap3A_972, %swap3A_973] {strides = array<i32>} : memref<128x128xf32, #tpu.memory_space<vmem>>, vector<1x16xf32>,
        %swap3A_975 = vector.shape_cast %swap3A_974 : vector<1x16xf32> to vector<16xf32>
        %swap3A_976 = vector.shape_cast %mul3A_971 : vector<16xf32> to vector<1x16xf32>
        tpu.vector_store %arg11[%swap3A_972, %swap3A_973], %swap3A_976 {strides = array<i32>} : memref<128x128xf32, #tpu.memory_space<vmem>>, vector<1x16xf32>,
        %get3A_977 = arith.index_cast %add3A_899 : i32 to index
        %get3A_978 = arith.constant 112 : index
        %get3A_979 = tpu.vector_load %arg11[%get3A_977, %get3A_978] {strides = array<i32>} : memref<128x128xf32, #tpu.memory_space<vmem>>, vector<1x16xf32>,
        %get3A_980 = vector.shape_cast %get3A_979 : vector<1x16xf32> to vector<16xf32>
        %mul3A_981 = vector.broadcast %squeeze3A_895 : f32 to vector<16xf32>
        %mul3A_982 = arith.mulf %get3A_980, %mul3A_981 : vector<16xf32>
        %swap3A_983 = arith.index_cast %add3A_899 : i32 to index
        %swap3A_984 = arith.constant 112 : index
        %swap3A_985 = tpu.vector_load %arg11[%swap3A_983, %swap3A_984] {strides = array<i32>} : memref<128x128xf32, #tpu.memory_space<vmem>>, vector<1x16xf32>,
        %swap3A_986 = vector.shape_cast %swap3A_985 : vector<1x16xf32> to vector<16xf32>
        %swap3A_987 = vector.shape_cast %mul3A_982 : vector<16xf32> to vector<1x16xf32>
        tpu.vector_store %arg11[%swap3A_983, %swap3A_984], %swap3A_987 {strides = array<i32>} : memref<128x128xf32, #tpu.memory_space<vmem>>, vector<1x16xf32>,
        %slice3A_988 = vector.extract_strided_slice %get3A_50 {offsets = [10], sizes = [1], strides = [1]} : vector<16xf32> to vector<1xf32>
        %squeeze3A_989 = vector.extract %slice3A_988[0] : f32 from vector<1xf32>
        %mul3A_990 = arith.constant 16 : i32
        %mul3A_991 = arith.muli %scan3A_46, %mul3A_990 : i32
        %add3A_992 = arith.constant 10 : i32
        %add3A_993 = arith.addi %mul3A_991, %add3A_992 : i32
        %get3A_994 = arith.index_cast %add3A_993 : i32 to index
        %get3A_995 = arith.constant 0 : index
        %get3A_996 = tpu.vector_load %arg11[%get3A_994, %get3A_995] {strides = array<i32>} : memref<128x128xf32, #tpu.memory_space<vmem>>, vector<1x16xf32>,
        %get3A_997 = vector.shape_cast %get3A_996 : vector<1x16xf32> to vector<16xf32>
        %mul3A_998 = vector.broadcast %squeeze3A_989 : f32 to vector<16xf32>
        %mul3A_999 = arith.mulf %get3A_997, %mul3A_998 : vector<16xf32>
        %swap3A_1000 = arith.index_cast %add3A_993 : i32 to index
        %swap3A_1001 = arith.constant 0 : index
        %swap3A_1002 = tpu.vector_load %arg11[%swap3A_1000, %swap3A_1001] {strides = array<i32>} : memref<128x128xf32, #tpu.memory_space<vmem>>, vector<1x16xf32>,
        %swap3A_1003 = vector.shape_cast %swap3A_1002 : vector<1x16xf32> to vector<16xf32>
        %swap3A_1004 = vector.shape_cast %mul3A_999 : vector<16xf32> to vector<1x16xf32>
        tpu.vector_store %arg11[%swap3A_1000, %swap3A_1001], %swap3A_1004 {strides = array<i32>} : memref<128x128xf32, #tpu.memory_space<vmem>>, vector<1x16xf32>,
        %get3A_1005 = arith.index_cast %add3A_993 : i32 to index
        %get3A_1006 = arith.constant 16 : index
        %get3A_1007 = tpu.vector_load %arg11[%get3A_1005, %get3A_1006] {strides = array<i32>} : memref<128x128xf32, #tpu.memory_space<vmem>>, vector<1x16xf32>,
        %get3A_1008 = vector.shape_cast %get3A_1007 : vector<1x16xf32> to vector<16xf32>
        %mul3A_1009 = vector.broadcast %squeeze3A_989 : f32 to vector<16xf32>
        %mul3A_1010 = arith.mulf %get3A_1008, %mul3A_1009 : vector<16xf32>
        %swap3A_1011 = arith.index_cast %add3A_993 : i32 to index
        %swap3A_1012 = arith.constant 16 : index
        %swap3A_1013 = tpu.vector_load %arg11[%swap3A_1011, %swap3A_1012] {strides = array<i32>} : memref<128x128xf32, #tpu.memory_space<vmem>>, vector<1x16xf32>,
        %swap3A_1014 = vector.shape_cast %swap3A_1013 : vector<1x16xf32> to vector<16xf32>
        %swap3A_1015 = vector.shape_cast %mul3A_1010 : vector<16xf32> to vector<1x16xf32>
        tpu.vector_store %arg11[%swap3A_1011, %swap3A_1012], %swap3A_1015 {strides = array<i32>} : memref<128x128xf32, #tpu.memory_space<vmem>>, vector<1x16xf32>,
        %get3A_1016 = arith.index_cast %add3A_993 : i32 to index
        %get3A_1017 = arith.constant 32 : index
        %get3A_1018 = tpu.vector_load %arg11[%get3A_1016, %get3A_1017] {strides = array<i32>} : memref<128x128xf32, #tpu.memory_space<vmem>>, vector<1x16xf32>,
        %get3A_1019 = vector.shape_cast %get3A_1018 : vector<1x16xf32> to vector<16xf32>
        %mul3A_1020 = vector.broadcast %squeeze3A_989 : f32 to vector<16xf32>
        %mul3A_1021 = arith.mulf %get3A_1019, %mul3A_1020 : vector<16xf32>
        %swap3A_1022 = arith.index_cast %add3A_993 : i32 to index
        %swap3A_1023 = arith.constant 32 : index
        %swap3A_1024 = tpu.vector_load %arg11[%swap3A_1022, %swap3A_1023] {strides = array<i32>} : memref<128x128xf32, #tpu.memory_space<vmem>>, vector<1x16xf32>,
        %swap3A_1025 = vector.shape_cast %swap3A_1024 : vector<1x16xf32> to vector<16xf32>
        %swap3A_1026 = vector.shape_cast %mul3A_1021 : vector<16xf32> to vector<1x16xf32>
        tpu.vector_store %arg11[%swap3A_1022, %swap3A_1023], %swap3A_1026 {strides = array<i32>} : memref<128x128xf32, #tpu.memory_space<vmem>>, vector<1x16xf32>,
        %get3A_1027 = arith.index_cast %add3A_993 : i32 to index
        %get3A_1028 = arith.constant 48 : index
        %get3A_1029 = tpu.vector_load %arg11[%get3A_1027, %get3A_1028] {strides = array<i32>} : memref<128x128xf32, #tpu.memory_space<vmem>>, vector<1x16xf32>,
        %get3A_1030 = vector.shape_cast %get3A_1029 : vector<1x16xf32> to vector<16xf32>
        %mul3A_1031 = vector.broadcast %squeeze3A_989 : f32 to vector<16xf32>
        %mul3A_1032 = arith.mulf %get3A_1030, %mul3A_1031 : vector<16xf32>
        %swap3A_1033 = arith.index_cast %add3A_993 : i32 to index
        %swap3A_1034 = arith.constant 48 : index
        %swap3A_1035 = tpu.vector_load %arg11[%swap3A_1033, %swap3A_1034] {strides = array<i32>} : memref<128x128xf32, #tpu.memory_space<vmem>>, vector<1x16xf32>,
        %swap3A_1036 = vector.shape_cast %swap3A_1035 : vector<1x16xf32> to vector<16xf32>
        %swap3A_1037 = vector.shape_cast %mul3A_1032 : vector<16xf32> to vector<1x16xf32>
        tpu.vector_store %arg11[%swap3A_1033, %swap3A_1034], %swap3A_1037 {strides = array<i32>} : memref<128x128xf32, #tpu.memory_space<vmem>>, vector<1x16xf32>,
        %get3A_1038 = arith.index_cast %add3A_993 : i32 to index
        %get3A_1039 = arith.constant 64 : index
        %get3A_1040 = tpu.vector_load %arg11[%get3A_1038, %get3A_1039] {strides = array<i32>} : memref<128x128xf32, #tpu.memory_space<vmem>>, vector<1x16xf32>,
        %get3A_1041 = vector.shape_cast %get3A_1040 : vector<1x16xf32> to vector<16xf32>
        %mul3A_1042 = vector.broadcast %squeeze3A_989 : f32 to vector<16xf32>
        %mul3A_1043 = arith.mulf %get3A_1041, %mul3A_1042 : vector<16xf32>
        %swap3A_1044 = arith.index_cast %add3A_993 : i32 to index
        %swap3A_1045 = arith.constant 64 : index
        %swap3A_1046 = tpu.vector_load %arg11[%swap3A_1044, %swap3A_1045] {strides = array<i32>} : memref<128x128xf32, #tpu.memory_space<vmem>>, vector<1x16xf32>,
        %swap3A_1047 = vector.shape_cast %swap3A_1046 : vector<1x16xf32> to vector<16xf32>
        %swap3A_1048 = vector.shape_cast %mul3A_1043 : vector<16xf32> to vector<1x16xf32>
        tpu.vector_store %arg11[%swap3A_1044, %swap3A_1045], %swap3A_1048 {strides = array<i32>} : memref<128x128xf32, #tpu.memory_space<vmem>>, vector<1x16xf32>,
        %get3A_1049 = arith.index_cast %add3A_993 : i32 to index
        %get3A_1050 = arith.constant 80 : index
        %get3A_1051 = tpu.vector_load %arg11[%get3A_1049, %get3A_1050] {strides = array<i32>} : memref<128x128xf32, #tpu.memory_space<vmem>>, vector<1x16xf32>,
        %get3A_1052 = vector.shape_cast %get3A_1051 : vector<1x16xf32> to vector<16xf32>
        %mul3A_1053 = vector.broadcast %squeeze3A_989 : f32 to vector<16xf32>
        %mul3A_1054 = arith.mulf %get3A_1052, %mul3A_1053 : vector<16xf32>
        %swap3A_1055 = arith.index_cast %add3A_993 : i32 to index
        %swap3A_1056 = arith.constant 80 : index
        %swap3A_1057 = tpu.vector_load %arg11[%swap3A_1055, %swap3A_1056] {strides = array<i32>} : memref<128x128xf32, #tpu.memory_space<vmem>>, vector<1x16xf32>,
        %swap3A_1058 = vector.shape_cast %swap3A_1057 : vector<1x16xf32> to vector<16xf32>
        %swap3A_1059 = vector.shape_cast %mul3A_1054 : vector<16xf32> to vector<1x16xf32>
        tpu.vector_store %arg11[%swap3A_1055, %swap3A_1056], %swap3A_1059 {strides = array<i32>} : memref<128x128xf32, #tpu.memory_space<vmem>>, vector<1x16xf32>,
        %get3A_1060 = arith.index_cast %add3A_993 : i32 to index
        %get3A_1061 = arith.constant 96 : index
        %get3A_1062 = tpu.vector_load %arg11[%get3A_1060, %get3A_1061] {strides = array<i32>} : memref<128x128xf32, #tpu.memory_space<vmem>>, vector<1x16xf32>,
        %get3A_1063 = vector.shape_cast %get3A_1062 : vector<1x16xf32> to vector<16xf32>
        %mul3A_1064 = vector.broadcast %squeeze3A_989 : f32 to vector<16xf32>
        %mul3A_1065 = arith.mulf %get3A_1063, %mul3A_1064 : vector<16xf32>
        %swap3A_1066 = arith.index_cast %add3A_993 : i32 to index
        %swap3A_1067 = arith.constant 96 : index
        %swap3A_1068 = tpu.vector_load %arg11[%swap3A_1066, %swap3A_1067] {strides = array<i32>} : memref<128x128xf32, #tpu.memory_space<vmem>>, vector<1x16xf32>,
        %swap3A_1069 = vector.shape_cast %swap3A_1068 : vector<1x16xf32> to vector<16xf32>
        %swap3A_1070 = vector.shape_cast %mul3A_1065 : vector<16xf32> to vector<1x16xf32>
        tpu.vector_store %arg11[%swap3A_1066, %swap3A_1067], %swap3A_1070 {strides = array<i32>} : memref<128x128xf32, #tpu.memory_space<vmem>>, vector<1x16xf32>,
        %get3A_1071 = arith.index_cast %add3A_993 : i32 to index
        %get3A_1072 = arith.constant 112 : index
        %get3A_1073 = tpu.vector_load %arg11[%get3A_1071, %get3A_1072] {strides = array<i32>} : memref<128x128xf32, #tpu.memory_space<vmem>>, vector<1x16xf32>,
        %get3A_1074 = vector.shape_cast %get3A_1073 : vector<1x16xf32> to vector<16xf32>
        %mul3A_1075 = vector.broadcast %squeeze3A_989 : f32 to vector<16xf32>
        %mul3A_1076 = arith.mulf %get3A_1074, %mul3A_1075 : vector<16xf32>
        %swap3A_1077 = arith.index_cast %add3A_993 : i32 to index
        %swap3A_1078 = arith.constant 112 : index
        %swap3A_1079 = tpu.vector_load %arg11[%swap3A_1077, %swap3A_1078] {strides = array<i32>} : memref<128x128xf32, #tpu.memory_space<vmem>>, vector<1x16xf32>,
        %swap3A_1080 = vector.shape_cast %swap3A_1079 : vector<1x16xf32> to vector<16xf32>
        %swap3A_1081 = vector.shape_cast %mul3A_1076 : vector<16xf32> to vector<1x16xf32>
        tpu.vector_store %arg11[%swap3A_1077, %swap3A_1078], %swap3A_1081 {strides = array<i32>} : memref<128x128xf32, #tpu.memory_space<vmem>>, vector<1x16xf32>,
        %slice3A_1082 = vector.extract_strided_slice %get3A_50 {offsets = [11], sizes = [1], strides = [1]} : vector<16xf32> to vector<1xf32>
        %squeeze3A_1083 = vector.extract %slice3A_1082[0] : f32 from vector<1xf32>
        %mul3A_1084 = arith.constant 16 : i32
        %mul3A_1085 = arith.muli %scan3A_46, %mul3A_1084 : i32
        %add3A_1086 = arith.constant 11 : i32
        %add3A_1087 = arith.addi %mul3A_1085, %add3A_1086 : i32
        %get3A_1088 = arith.index_cast %add3A_1087 : i32 to index
        %get3A_1089 = arith.constant 0 : index
        %get3A_1090 = tpu.vector_load %arg11[%get3A_1088, %get3A_1089] {strides = array<i32>} : memref<128x128xf32, #tpu.memory_space<vmem>>, vector<1x16xf32>,
        %get3A_1091 = vector.shape_cast %get3A_1090 : vector<1x16xf32> to vector<16xf32>
        %mul3A_1092 = vector.broadcast %squeeze3A_1083 : f32 to vector<16xf32>
        %mul3A_1093 = arith.mulf %get3A_1091, %mul3A_1092 : vector<16xf32>
        %swap3A_1094 = arith.index_cast %add3A_1087 : i32 to index
        %swap3A_1095 = arith.constant 0 : index
        %swap3A_1096 = tpu.vector_load %arg11[%swap3A_1094, %swap3A_1095] {strides = array<i32>} : memref<128x128xf32, #tpu.memory_space<vmem>>, vector<1x16xf32>,
        %swap3A_1097 = vector.shape_cast %swap3A_1096 : vector<1x16xf32> to vector<16xf32>
        %swap3A_1098 = vector.shape_cast %mul3A_1093 : vector<16xf32> to vector<1x16xf32>
        tpu.vector_store %arg11[%swap3A_1094, %swap3A_1095], %swap3A_1098 {strides = array<i32>} : memref<128x128xf32, #tpu.memory_space<vmem>>, vector<1x16xf32>,
        %get3A_1099 = arith.index_cast %add3A_1087 : i32 to index
        %get3A_1100 = arith.constant 16 : index
        %get3A_1101 = tpu.vector_load %arg11[%get3A_1099, %get3A_1100] {strides = array<i32>} : memref<128x128xf32, #tpu.memory_space<vmem>>, vector<1x16xf32>,
        %get3A_1102 = vector.shape_cast %get3A_1101 : vector<1x16xf32> to vector<16xf32>
        %mul3A_1103 = vector.broadcast %squeeze3A_1083 : f32 to vector<16xf32>
        %mul3A_1104 = arith.mulf %get3A_1102, %mul3A_1103 : vector<16xf32>
        %swap3A_1105 = arith.index_cast %add3A_1087 : i32 to index
        %swap3A_1106 = arith.constant 16 : index
        %swap3A_1107 = tpu.vector_load %arg11[%swap3A_1105, %swap3A_1106] {strides = array<i32>} : memref<128x128xf32, #tpu.memory_space<vmem>>, vector<1x16xf32>,
        %swap3A_1108 = vector.shape_cast %swap3A_1107 : vector<1x16xf32> to vector<16xf32>
        %swap3A_1109 = vector.shape_cast %mul3A_1104 : vector<16xf32> to vector<1x16xf32>
        tpu.vector_store %arg11[%swap3A_1105, %swap3A_1106], %swap3A_1109 {strides = array<i32>} : memref<128x128xf32, #tpu.memory_space<vmem>>, vector<1x16xf32>,
        %get3A_1110 = arith.index_cast %add3A_1087 : i32 to index
        %get3A_1111 = arith.constant 32 : index
        %get3A_1112 = tpu.vector_load %arg11[%get3A_1110, %get3A_1111] {strides = array<i32>} : memref<128x128xf32, #tpu.memory_space<vmem>>, vector<1x16xf32>,
        %get3A_1113 = vector.shape_cast %get3A_1112 : vector<1x16xf32> to vector<16xf32>
        %mul3A_1114 = vector.broadcast %squeeze3A_1083 : f32 to vector<16xf32>
        %mul3A_1115 = arith.mulf %get3A_1113, %mul3A_1114 : vector<16xf32>
        %swap3A_1116 = arith.index_cast %add3A_1087 : i32 to index
        %swap3A_1117 = arith.constant 32 : index
        %swap3A_1118 = tpu.vector_load %arg11[%swap3A_1116, %swap3A_1117] {strides = array<i32>} : memref<128x128xf32, #tpu.memory_space<vmem>>, vector<1x16xf32>,
        %swap3A_1119 = vector.shape_cast %swap3A_1118 : vector<1x16xf32> to vector<16xf32>
        %swap3A_1120 = vector.shape_cast %mul3A_1115 : vector<16xf32> to vector<1x16xf32>
        tpu.vector_store %arg11[%swap3A_1116, %swap3A_1117], %swap3A_1120 {strides = array<i32>} : memref<128x128xf32, #tpu.memory_space<vmem>>, vector<1x16xf32>,
        %get3A_1121 = arith.index_cast %add3A_1087 : i32 to index
        %get3A_1122 = arith.constant 48 : index
        %get3A_1123 = tpu.vector_load %arg11[%get3A_1121, %get3A_1122] {strides = array<i32>} : memref<128x128xf32, #tpu.memory_space<vmem>>, vector<1x16xf32>,
        %get3A_1124 = vector.shape_cast %get3A_1123 : vector<1x16xf32> to vector<16xf32>
        %mul3A_1125 = vector.broadcast %squeeze3A_1083 : f32 to vector<16xf32>
        %mul3A_1126 = arith.mulf %get3A_1124, %mul3A_1125 : vector<16xf32>
        %swap3A_1127 = arith.index_cast %add3A_1087 : i32 to index
        %swap3A_1128 = arith.constant 48 : index
        %swap3A_1129 = tpu.vector_load %arg11[%swap3A_1127, %swap3A_1128] {strides = array<i32>} : memref<128x128xf32, #tpu.memory_space<vmem>>, vector<1x16xf32>,
        %swap3A_1130 = vector.shape_cast %swap3A_1129 : vector<1x16xf32> to vector<16xf32>
        %swap3A_1131 = vector.shape_cast %mul3A_1126 : vector<16xf32> to vector<1x16xf32>
        tpu.vector_store %arg11[%swap3A_1127, %swap3A_1128], %swap3A_1131 {strides = array<i32>} : memref<128x128xf32, #tpu.memory_space<vmem>>, vector<1x16xf32>,
        %get3A_1132 = arith.index_cast %add3A_1087 : i32 to index
        %get3A_1133 = arith.constant 64 : index
        %get3A_1134 = tpu.vector_load %arg11[%get3A_1132, %get3A_1133] {strides = array<i32>} : memref<128x128xf32, #tpu.memory_space<vmem>>, vector<1x16xf32>,
        %get3A_1135 = vector.shape_cast %get3A_1134 : vector<1x16xf32> to vector<16xf32>
        %mul3A_1136 = vector.broadcast %squeeze3A_1083 : f32 to vector<16xf32>
        %mul3A_1137 = arith.mulf %get3A_1135, %mul3A_1136 : vector<16xf32>
        %swap3A_1138 = arith.index_cast %add3A_1087 : i32 to index
        %swap3A_1139 = arith.constant 64 : index
        %swap3A_1140 = tpu.vector_load %arg11[%swap3A_1138, %swap3A_1139] {strides = array<i32>} : memref<128x128xf32, #tpu.memory_space<vmem>>, vector<1x16xf32>,
        %swap3A_1141 = vector.shape_cast %swap3A_1140 : vector<1x16xf32> to vector<16xf32>
        %swap3A_1142 = vector.shape_cast %mul3A_1137 : vector<16xf32> to vector<1x16xf32>
        tpu.vector_store %arg11[%swap3A_1138, %swap3A_1139], %swap3A_1142 {strides = array<i32>} : memref<128x128xf32, #tpu.memory_space<vmem>>, vector<1x16xf32>,
        %get3A_1143 = arith.index_cast %add3A_1087 : i32 to index
        %get3A_1144 = arith.constant 80 : index
        %get3A_1145 = tpu.vector_load %arg11[%get3A_1143, %get3A_1144] {strides = array<i32>} : memref<128x128xf32, #tpu.memory_space<vmem>>, vector<1x16xf32>,
        %get3A_1146 = vector.shape_cast %get3A_1145 : vector<1x16xf32> to vector<16xf32>
        %mul3A_1147 = vector.broadcast %squeeze3A_1083 : f32 to vector<16xf32>
        %mul3A_1148 = arith.mulf %get3A_1146, %mul3A_1147 : vector<16xf32>
        %swap3A_1149 = arith.index_cast %add3A_1087 : i32 to index
        %swap3A_1150 = arith.constant 80 : index
        %swap3A_1151 = tpu.vector_load %arg11[%swap3A_1149, %swap3A_1150] {strides = array<i32>} : memref<128x128xf32, #tpu.memory_space<vmem>>, vector<1x16xf32>,
        %swap3A_1152 = vector.shape_cast %swap3A_1151 : vector<1x16xf32> to vector<16xf32>
        %swap3A_1153 = vector.shape_cast %mul3A_1148 : vector<16xf32> to vector<1x16xf32>
        tpu.vector_store %arg11[%swap3A_1149, %swap3A_1150], %swap3A_1153 {strides = array<i32>} : memref<128x128xf32, #tpu.memory_space<vmem>>, vector<1x16xf32>,
        %get3A_1154 = arith.index_cast %add3A_1087 : i32 to index
        %get3A_1155 = arith.constant 96 : index
        %get3A_1156 = tpu.vector_load %arg11[%get3A_1154, %get3A_1155] {strides = array<i32>} : memref<128x128xf32, #tpu.memory_space<vmem>>, vector<1x16xf32>,
        %get3A_1157 = vector.shape_cast %get3A_1156 : vector<1x16xf32> to vector<16xf32>
        %mul3A_1158 = vector.broadcast %squeeze3A_1083 : f32 to vector<16xf32>
        %mul3A_1159 = arith.mulf %get3A_1157, %mul3A_1158 : vector<16xf32>
        %swap3A_1160 = arith.index_cast %add3A_1087 : i32 to index
        %swap3A_1161 = arith.constant 96 : index
        %swap3A_1162 = tpu.vector_load %arg11[%swap3A_1160, %swap3A_1161] {strides = array<i32>} : memref<128x128xf32, #tpu.memory_space<vmem>>, vector<1x16xf32>,
        %swap3A_1163 = vector.shape_cast %swap3A_1162 : vector<1x16xf32> to vector<16xf32>
        %swap3A_1164 = vector.shape_cast %mul3A_1159 : vector<16xf32> to vector<1x16xf32>
        tpu.vector_store %arg11[%swap3A_1160, %swap3A_1161], %swap3A_1164 {strides = array<i32>} : memref<128x128xf32, #tpu.memory_space<vmem>>, vector<1x16xf32>,
        %get3A_1165 = arith.index_cast %add3A_1087 : i32 to index
        %get3A_1166 = arith.constant 112 : index
        %get3A_1167 = tpu.vector_load %arg11[%get3A_1165, %get3A_1166] {strides = array<i32>} : memref<128x128xf32, #tpu.memory_space<vmem>>, vector<1x16xf32>,
        %get3A_1168 = vector.shape_cast %get3A_1167 : vector<1x16xf32> to vector<16xf32>
        %mul3A_1169 = vector.broadcast %squeeze3A_1083 : f32 to vector<16xf32>
        %mul3A_1170 = arith.mulf %get3A_1168, %mul3A_1169 : vector<16xf32>
        %swap3A_1171 = arith.index_cast %add3A_1087 : i32 to index
        %swap3A_1172 = arith.constant 112 : index
        %swap3A_1173 = tpu.vector_load %arg11[%swap3A_1171, %swap3A_1172] {strides = array<i32>} : memref<128x128xf32, #tpu.memory_space<vmem>>, vector<1x16xf32>,
        %swap3A_1174 = vector.shape_cast %swap3A_1173 : vector<1x16xf32> to vector<16xf32>
        %swap3A_1175 = vector.shape_cast %mul3A_1170 : vector<16xf32> to vector<1x16xf32>
        tpu.vector_store %arg11[%swap3A_1171, %swap3A_1172], %swap3A_1175 {strides = array<i32>} : memref<128x128xf32, #tpu.memory_space<vmem>>, vector<1x16xf32>,
        %slice3A_1176 = vector.extract_strided_slice %get3A_50 {offsets = [12], sizes = [1], strides = [1]} : vector<16xf32> to vector<1xf32>
        %squeeze3A_1177 = vector.extract %slice3A_1176[0] : f32 from vector<1xf32>
        %mul3A_1178 = arith.constant 16 : i32
        %mul3A_1179 = arith.muli %scan3A_46, %mul3A_1178 : i32
        %add3A_1180 = arith.constant 12 : i32
        %add3A_1181 = arith.addi %mul3A_1179, %add3A_1180 : i32
        %get3A_1182 = arith.index_cast %add3A_1181 : i32 to index
        %get3A_1183 = arith.constant 0 : index
        %get3A_1184 = tpu.vector_load %arg11[%get3A_1182, %get3A_1183] {strides = array<i32>} : memref<128x128xf32, #tpu.memory_space<vmem>>, vector<1x16xf32>,
        %get3A_1185 = vector.shape_cast %get3A_1184 : vector<1x16xf32> to vector<16xf32>
        %mul3A_1186 = vector.broadcast %squeeze3A_1177 : f32 to vector<16xf32>
        %mul3A_1187 = arith.mulf %get3A_1185, %mul3A_1186 : vector<16xf32>
        %swap3A_1188 = arith.index_cast %add3A_1181 : i32 to index
        %swap3A_1189 = arith.constant 0 : index
        %swap3A_1190 = tpu.vector_load %arg11[%swap3A_1188, %swap3A_1189] {strides = array<i32>} : memref<128x128xf32, #tpu.memory_space<vmem>>, vector<1x16xf32>,
        %swap3A_1191 = vector.shape_cast %swap3A_1190 : vector<1x16xf32> to vector<16xf32>
        %swap3A_1192 = vector.shape_cast %mul3A_1187 : vector<16xf32> to vector<1x16xf32>
        tpu.vector_store %arg11[%swap3A_1188, %swap3A_1189], %swap3A_1192 {strides = array<i32>} : memref<128x128xf32, #tpu.memory_space<vmem>>, vector<1x16xf32>,
        %get3A_1193 = arith.index_cast %add3A_1181 : i32 to index
        %get3A_1194 = arith.constant 16 : index
        %get3A_1195 = tpu.vector_load %arg11[%get3A_1193, %get3A_1194] {strides = array<i32>} : memref<128x128xf32, #tpu.memory_space<vmem>>, vector<1x16xf32>,
        %get3A_1196 = vector.shape_cast %get3A_1195 : vector<1x16xf32> to vector<16xf32>
        %mul3A_1197 = vector.broadcast %squeeze3A_1177 : f32 to vector<16xf32>
        %mul3A_1198 = arith.mulf %get3A_1196, %mul3A_1197 : vector<16xf32>
        %swap3A_1199 = arith.index_cast %add3A_1181 : i32 to index
        %swap3A_1200 = arith.constant 16 : index
        %swap3A_1201 = tpu.vector_load %arg11[%swap3A_1199, %swap3A_1200] {strides = array<i32>} : memref<128x128xf32, #tpu.memory_space<vmem>>, vector<1x16xf32>,
        %swap3A_1202 = vector.shape_cast %swap3A_1201 : vector<1x16xf32> to vector<16xf32>
        %swap3A_1203 = vector.shape_cast %mul3A_1198 : vector<16xf32> to vector<1x16xf32>
        tpu.vector_store %arg11[%swap3A_1199, %swap3A_1200], %swap3A_1203 {strides = array<i32>} : memref<128x128xf32, #tpu.memory_space<vmem>>, vector<1x16xf32>,
        %get3A_1204 = arith.index_cast %add3A_1181 : i32 to index
        %get3A_1205 = arith.constant 32 : index
        %get3A_1206 = tpu.vector_load %arg11[%get3A_1204, %get3A_1205] {strides = array<i32>} : memref<128x128xf32, #tpu.memory_space<vmem>>, vector<1x16xf32>,
        %get3A_1207 = vector.shape_cast %get3A_1206 : vector<1x16xf32> to vector<16xf32>
        %mul3A_1208 = vector.broadcast %squeeze3A_1177 : f32 to vector<16xf32>
        %mul3A_1209 = arith.mulf %get3A_1207, %mul3A_1208 : vector<16xf32>
        %swap3A_1210 = arith.index_cast %add3A_1181 : i32 to index
        %swap3A_1211 = arith.constant 32 : index
        %swap3A_1212 = tpu.vector_load %arg11[%swap3A_1210, %swap3A_1211] {strides = array<i32>} : memref<128x128xf32, #tpu.memory_space<vmem>>, vector<1x16xf32>,
        %swap3A_1213 = vector.shape_cast %swap3A_1212 : vector<1x16xf32> to vector<16xf32>
        %swap3A_1214 = vector.shape_cast %mul3A_1209 : vector<16xf32> to vector<1x16xf32>
        tpu.vector_store %arg11[%swap3A_1210, %swap3A_1211], %swap3A_1214 {strides = array<i32>} : memref<128x128xf32, #tpu.memory_space<vmem>>, vector<1x16xf32>,
        %get3A_1215 = arith.index_cast %add3A_1181 : i32 to index
        %get3A_1216 = arith.constant 48 : index
        %get3A_1217 = tpu.vector_load %arg11[%get3A_1215, %get3A_1216] {strides = array<i32>} : memref<128x128xf32, #tpu.memory_space<vmem>>, vector<1x16xf32>,
        %get3A_1218 = vector.shape_cast %get3A_1217 : vector<1x16xf32> to vector<16xf32>
        %mul3A_1219 = vector.broadcast %squeeze3A_1177 : f32 to vector<16xf32>
        %mul3A_1220 = arith.mulf %get3A_1218, %mul3A_1219 : vector<16xf32>
        %swap3A_1221 = arith.index_cast %add3A_1181 : i32 to index
        %swap3A_1222 = arith.constant 48 : index
        %swap3A_1223 = tpu.vector_load %arg11[%swap3A_1221, %swap3A_1222] {strides = array<i32>} : memref<128x128xf32, #tpu.memory_space<vmem>>, vector<1x16xf32>,
        %swap3A_1224 = vector.shape_cast %swap3A_1223 : vector<1x16xf32> to vector<16xf32>
        %swap3A_1225 = vector.shape_cast %mul3A_1220 : vector<16xf32> to vector<1x16xf32>
        tpu.vector_store %arg11[%swap3A_1221, %swap3A_1222], %swap3A_1225 {strides = array<i32>} : memref<128x128xf32, #tpu.memory_space<vmem>>, vector<1x16xf32>,
        %get3A_1226 = arith.index_cast %add3A_1181 : i32 to index
        %get3A_1227 = arith.constant 64 : index
        %get3A_1228 = tpu.vector_load %arg11[%get3A_1226, %get3A_1227] {strides = array<i32>} : memref<128x128xf32, #tpu.memory_space<vmem>>, vector<1x16xf32>,
        %get3A_1229 = vector.shape_cast %get3A_1228 : vector<1x16xf32> to vector<16xf32>
        %mul3A_1230 = vector.broadcast %squeeze3A_1177 : f32 to vector<16xf32>
        %mul3A_1231 = arith.mulf %get3A_1229, %mul3A_1230 : vector<16xf32>
        %swap3A_1232 = arith.index_cast %add3A_1181 : i32 to index
        %swap3A_1233 = arith.constant 64 : index
        %swap3A_1234 = tpu.vector_load %arg11[%swap3A_1232, %swap3A_1233] {strides = array<i32>} : memref<128x128xf32, #tpu.memory_space<vmem>>, vector<1x16xf32>,
        %swap3A_1235 = vector.shape_cast %swap3A_1234 : vector<1x16xf32> to vector<16xf32>
        %swap3A_1236 = vector.shape_cast %mul3A_1231 : vector<16xf32> to vector<1x16xf32>
        tpu.vector_store %arg11[%swap3A_1232, %swap3A_1233], %swap3A_1236 {strides = array<i32>} : memref<128x128xf32, #tpu.memory_space<vmem>>, vector<1x16xf32>,
        %get3A_1237 = arith.index_cast %add3A_1181 : i32 to index
        %get3A_1238 = arith.constant 80 : index
        %get3A_1239 = tpu.vector_load %arg11[%get3A_1237, %get3A_1238] {strides = array<i32>} : memref<128x128xf32, #tpu.memory_space<vmem>>, vector<1x16xf32>,
        %get3A_1240 = vector.shape_cast %get3A_1239 : vector<1x16xf32> to vector<16xf32>
        %mul3A_1241 = vector.broadcast %squeeze3A_1177 : f32 to vector<16xf32>
        %mul3A_1242 = arith.mulf %get3A_1240, %mul3A_1241 : vector<16xf32>
        %swap3A_1243 = arith.index_cast %add3A_1181 : i32 to index
        %swap3A_1244 = arith.constant 80 : index
        %swap3A_1245 = tpu.vector_load %arg11[%swap3A_1243, %swap3A_1244] {strides = array<i32>} : memref<128x128xf32, #tpu.memory_space<vmem>>, vector<1x16xf32>,
        %swap3A_1246 = vector.shape_cast %swap3A_1245 : vector<1x16xf32> to vector<16xf32>
        %swap3A_1247 = vector.shape_cast %mul3A_1242 : vector<16xf32> to vector<1x16xf32>
        tpu.vector_store %arg11[%swap3A_1243, %swap3A_1244], %swap3A_1247 {strides = array<i32>} : memref<128x128xf32, #tpu.memory_space<vmem>>, vector<1x16xf32>,
        %get3A_1248 = arith.index_cast %add3A_1181 : i32 to index
        %get3A_1249 = arith.constant 96 : index
        %get3A_1250 = tpu.vector_load %arg11[%get3A_1248, %get3A_1249] {strides = array<i32>} : memref<128x128xf32, #tpu.memory_space<vmem>>, vector<1x16xf32>,
        %get3A_1251 = vector.shape_cast %get3A_1250 : vector<1x16xf32> to vector<16xf32>
        %mul3A_1252 = vector.broadcast %squeeze3A_1177 : f32 to vector<16xf32>
        %mul3A_1253 = arith.mulf %get3A_1251, %mul3A_1252 : vector<16xf32>
        %swap3A_1254 = arith.index_cast %add3A_1181 : i32 to index
        %swap3A_1255 = arith.constant 96 : index
        %swap3A_1256 = tpu.vector_load %arg11[%swap3A_1254, %swap3A_1255] {strides = array<i32>} : memref<128x128xf32, #tpu.memory_space<vmem>>, vector<1x16xf32>,
        %swap3A_1257 = vector.shape_cast %swap3A_1256 : vector<1x16xf32> to vector<16xf32>
        %swap3A_1258 = vector.shape_cast %mul3A_1253 : vector<16xf32> to vector<1x16xf32>
        tpu.vector_store %arg11[%swap3A_1254, %swap3A_1255], %swap3A_1258 {strides = array<i32>} : memref<128x128xf32, #tpu.memory_space<vmem>>, vector<1x16xf32>,
        %get3A_1259 = arith.index_cast %add3A_1181 : i32 to index
        %get3A_1260 = arith.constant 112 : index
        %get3A_1261 = tpu.vector_load %arg11[%get3A_1259, %get3A_1260] {strides = array<i32>} : memref<128x128xf32, #tpu.memory_space<vmem>>, vector<1x16xf32>,
        %get3A_1262 = vector.shape_cast %get3A_1261 : vector<1x16xf32> to vector<16xf32>
        %mul3A_1263 = vector.broadcast %squeeze3A_1177 : f32 to vector<16xf32>
        %mul3A_1264 = arith.mulf %get3A_1262, %mul3A_1263 : vector<16xf32>
        %swap3A_1265 = arith.index_cast %add3A_1181 : i32 to index
        %swap3A_1266 = arith.constant 112 : index
        %swap3A_1267 = tpu.vector_load %arg11[%swap3A_1265, %swap3A_1266] {strides = array<i32>} : memref<128x128xf32, #tpu.memory_space<vmem>>, vector<1x16xf32>,
        %swap3A_1268 = vector.shape_cast %swap3A_1267 : vector<1x16xf32> to vector<16xf32>
        %swap3A_1269 = vector.shape_cast %mul3A_1264 : vector<16xf32> to vector<1x16xf32>
        tpu.vector_store %arg11[%swap3A_1265, %swap3A_1266], %swap3A_1269 {strides = array<i32>} : memref<128x128xf32, #tpu.memory_space<vmem>>, vector<1x16xf32>,
        %slice3A_1270 = vector.extract_strided_slice %get3A_50 {offsets = [13], sizes = [1], strides = [1]} : vector<16xf32> to vector<1xf32>
        %squeeze3A_1271 = vector.extract %slice3A_1270[0] : f32 from vector<1xf32>
        %mul3A_1272 = arith.constant 16 : i32
        %mul3A_1273 = arith.muli %scan3A_46, %mul3A_1272 : i32
        %add3A_1274 = arith.constant 13 : i32
        %add3A_1275 = arith.addi %mul3A_1273, %add3A_1274 : i32
        %get3A_1276 = arith.index_cast %add3A_1275 : i32 to index
        %get3A_1277 = arith.constant 0 : index
        %get3A_1278 = tpu.vector_load %arg11[%get3A_1276, %get3A_1277] {strides = array<i32>} : memref<128x128xf32, #tpu.memory_space<vmem>>, vector<1x16xf32>,
        %get3A_1279 = vector.shape_cast %get3A_1278 : vector<1x16xf32> to vector<16xf32>
        %mul3A_1280 = vector.broadcast %squeeze3A_1271 : f32 to vector<16xf32>
        %mul3A_1281 = arith.mulf %get3A_1279, %mul3A_1280 : vector<16xf32>
        %swap3A_1282 = arith.index_cast %add3A_1275 : i32 to index
        %swap3A_1283 = arith.constant 0 : index
        %swap3A_1284 = tpu.vector_load %arg11[%swap3A_1282, %swap3A_1283] {strides = array<i32>} : memref<128x128xf32, #tpu.memory_space<vmem>>, vector<1x16xf32>,
        %swap3A_1285 = vector.shape_cast %swap3A_1284 : vector<1x16xf32> to vector<16xf32>
        %swap3A_1286 = vector.shape_cast %mul3A_1281 : vector<16xf32> to vector<1x16xf32>
        tpu.vector_store %arg11[%swap3A_1282, %swap3A_1283], %swap3A_1286 {strides = array<i32>} : memref<128x128xf32, #tpu.memory_space<vmem>>, vector<1x16xf32>,
        %get3A_1287 = arith.index_cast %add3A_1275 : i32 to index
        %get3A_1288 = arith.constant 16 : index
        %get3A_1289 = tpu.vector_load %arg11[%get3A_1287, %get3A_1288] {strides = array<i32>} : memref<128x128xf32, #tpu.memory_space<vmem>>, vector<1x16xf32>,
        %get3A_1290 = vector.shape_cast %get3A_1289 : vector<1x16xf32> to vector<16xf32>
        %mul3A_1291 = vector.broadcast %squeeze3A_1271 : f32 to vector<16xf32>
        %mul3A_1292 = arith.mulf %get3A_1290, %mul3A_1291 : vector<16xf32>
        %swap3A_1293 = arith.index_cast %add3A_1275 : i32 to index
        %swap3A_1294 = arith.constant 16 : index
        %swap3A_1295 = tpu.vector_load %arg11[%swap3A_1293, %swap3A_1294] {strides = array<i32>} : memref<128x128xf32, #tpu.memory_space<vmem>>, vector<1x16xf32>,
        %swap3A_1296 = vector.shape_cast %swap3A_1295 : vector<1x16xf32> to vector<16xf32>
        %swap3A_1297 = vector.shape_cast %mul3A_1292 : vector<16xf32> to vector<1x16xf32>
        tpu.vector_store %arg11[%swap3A_1293, %swap3A_1294], %swap3A_1297 {strides = array<i32>} : memref<128x128xf32, #tpu.memory_space<vmem>>, vector<1x16xf32>,
        %get3A_1298 = arith.index_cast %add3A_1275 : i32 to index
        %get3A_1299 = arith.constant 32 : index
        %get3A_1300 = tpu.vector_load %arg11[%get3A_1298, %get3A_1299] {strides = array<i32>} : memref<128x128xf32, #tpu.memory_space<vmem>>, vector<1x16xf32>,
        %get3A_1301 = vector.shape_cast %get3A_1300 : vector<1x16xf32> to vector<16xf32>
        %mul3A_1302 = vector.broadcast %squeeze3A_1271 : f32 to vector<16xf32>
        %mul3A_1303 = arith.mulf %get3A_1301, %mul3A_1302 : vector<16xf32>
        %swap3A_1304 = arith.index_cast %add3A_1275 : i32 to index
        %swap3A_1305 = arith.constant 32 : index
        %swap3A_1306 = tpu.vector_load %arg11[%swap3A_1304, %swap3A_1305] {strides = array<i32>} : memref<128x128xf32, #tpu.memory_space<vmem>>, vector<1x16xf32>,
        %swap3A_1307 = vector.shape_cast %swap3A_1306 : vector<1x16xf32> to vector<16xf32>
        %swap3A_1308 = vector.shape_cast %mul3A_1303 : vector<16xf32> to vector<1x16xf32>
        tpu.vector_store %arg11[%swap3A_1304, %swap3A_1305], %swap3A_1308 {strides = array<i32>} : memref<128x128xf32, #tpu.memory_space<vmem>>, vector<1x16xf32>,
        %get3A_1309 = arith.index_cast %add3A_1275 : i32 to index
        %get3A_1310 = arith.constant 48 : index
        %get3A_1311 = tpu.vector_load %arg11[%get3A_1309, %get3A_1310] {strides = array<i32>} : memref<128x128xf32, #tpu.memory_space<vmem>>, vector<1x16xf32>,
        %get3A_1312 = vector.shape_cast %get3A_1311 : vector<1x16xf32> to vector<16xf32>
        %mul3A_1313 = vector.broadcast %squeeze3A_1271 : f32 to vector<16xf32>
        %mul3A_1314 = arith.mulf %get3A_1312, %mul3A_1313 : vector<16xf32>
        %swap3A_1315 = arith.index_cast %add3A_1275 : i32 to index
        %swap3A_1316 = arith.constant 48 : index
        %swap3A_1317 = tpu.vector_load %arg11[%swap3A_1315, %swap3A_1316] {strides = array<i32>} : memref<128x128xf32, #tpu.memory_space<vmem>>, vector<1x16xf32>,
        %swap3A_1318 = vector.shape_cast %swap3A_1317 : vector<1x16xf32> to vector<16xf32>
        %swap3A_1319 = vector.shape_cast %mul3A_1314 : vector<16xf32> to vector<1x16xf32>
        tpu.vector_store %arg11[%swap3A_1315, %swap3A_1316], %swap3A_1319 {strides = array<i32>} : memref<128x128xf32, #tpu.memory_space<vmem>>, vector<1x16xf32>,
        %get3A_1320 = arith.index_cast %add3A_1275 : i32 to index
        %get3A_1321 = arith.constant 64 : index
        %get3A_1322 = tpu.vector_load %arg11[%get3A_1320, %get3A_1321] {strides = array<i32>} : memref<128x128xf32, #tpu.memory_space<vmem>>, vector<1x16xf32>,
        %get3A_1323 = vector.shape_cast %get3A_1322 : vector<1x16xf32> to vector<16xf32>
        %mul3A_1324 = vector.broadcast %squeeze3A_1271 : f32 to vector<16xf32>
        %mul3A_1325 = arith.mulf %get3A_1323, %mul3A_1324 : vector<16xf32>
        %swap3A_1326 = arith.index_cast %add3A_1275 : i32 to index
        %swap3A_1327 = arith.constant 64 : index
        %swap3A_1328 = tpu.vector_load %arg11[%swap3A_1326, %swap3A_1327] {strides = array<i32>} : memref<128x128xf32, #tpu.memory_space<vmem>>, vector<1x16xf32>,
        %swap3A_1329 = vector.shape_cast %swap3A_1328 : vector<1x16xf32> to vector<16xf32>
        %swap3A_1330 = vector.shape_cast %mul3A_1325 : vector<16xf32> to vector<1x16xf32>
        tpu.vector_store %arg11[%swap3A_1326, %swap3A_1327], %swap3A_1330 {strides = array<i32>} : memref<128x128xf32, #tpu.memory_space<vmem>>, vector<1x16xf32>,
        %get3A_1331 = arith.index_cast %add3A_1275 : i32 to index
        %get3A_1332 = arith.constant 80 : index
        %get3A_1333 = tpu.vector_load %arg11[%get3A_1331, %get3A_1332] {strides = array<i32>} : memref<128x128xf32, #tpu.memory_space<vmem>>, vector<1x16xf32>,
        %get3A_1334 = vector.shape_cast %get3A_1333 : vector<1x16xf32> to vector<16xf32>
        %mul3A_1335 = vector.broadcast %squeeze3A_1271 : f32 to vector<16xf32>
        %mul3A_1336 = arith.mulf %get3A_1334, %mul3A_1335 : vector<16xf32>
        %swap3A_1337 = arith.index_cast %add3A_1275 : i32 to index
        %swap3A_1338 = arith.constant 80 : index
        %swap3A_1339 = tpu.vector_load %arg11[%swap3A_1337, %swap3A_1338] {strides = array<i32>} : memref<128x128xf32, #tpu.memory_space<vmem>>, vector<1x16xf32>,
        %swap3A_1340 = vector.shape_cast %swap3A_1339 : vector<1x16xf32> to vector<16xf32>
        %swap3A_1341 = vector.shape_cast %mul3A_1336 : vector<16xf32> to vector<1x16xf32>
        tpu.vector_store %arg11[%swap3A_1337, %swap3A_1338], %swap3A_1341 {strides = array<i32>} : memref<128x128xf32, #tpu.memory_space<vmem>>, vector<1x16xf32>,
        %get3A_1342 = arith.index_cast %add3A_1275 : i32 to index
        %get3A_1343 = arith.constant 96 : index
        %get3A_1344 = tpu.vector_load %arg11[%get3A_1342, %get3A_1343] {strides = array<i32>} : memref<128x128xf32, #tpu.memory_space<vmem>>, vector<1x16xf32>,
        %get3A_1345 = vector.shape_cast %get3A_1344 : vector<1x16xf32> to vector<16xf32>
        %mul3A_1346 = vector.broadcast %squeeze3A_1271 : f32 to vector<16xf32>
        %mul3A_1347 = arith.mulf %get3A_1345, %mul3A_1346 : vector<16xf32>
        %swap3A_1348 = arith.index_cast %add3A_1275 : i32 to index
        %swap3A_1349 = arith.constant 96 : index
        %swap3A_1350 = tpu.vector_load %arg11[%swap3A_1348, %swap3A_1349] {strides = array<i32>} : memref<128x128xf32, #tpu.memory_space<vmem>>, vector<1x16xf32>,
        %swap3A_1351 = vector.shape_cast %swap3A_1350 : vector<1x16xf32> to vector<16xf32>
        %swap3A_1352 = vector.shape_cast %mul3A_1347 : vector<16xf32> to vector<1x16xf32>
        tpu.vector_store %arg11[%swap3A_1348, %swap3A_1349], %swap3A_1352 {strides = array<i32>} : memref<128x128xf32, #tpu.memory_space<vmem>>, vector<1x16xf32>,
        %get3A_1353 = arith.index_cast %add3A_1275 : i32 to index
        %get3A_1354 = arith.constant 112 : index
        %get3A_1355 = tpu.vector_load %arg11[%get3A_1353, %get3A_1354] {strides = array<i32>} : memref<128x128xf32, #tpu.memory_space<vmem>>, vector<1x16xf32>,
        %get3A_1356 = vector.shape_cast %get3A_1355 : vector<1x16xf32> to vector<16xf32>
        %mul3A_1357 = vector.broadcast %squeeze3A_1271 : f32 to vector<16xf32>
        %mul3A_1358 = arith.mulf %get3A_1356, %mul3A_1357 : vector<16xf32>
        %swap3A_1359 = arith.index_cast %add3A_1275 : i32 to index
        %swap3A_1360 = arith.constant 112 : index
        %swap3A_1361 = tpu.vector_load %arg11[%swap3A_1359, %swap3A_1360] {strides = array<i32>} : memref<128x128xf32, #tpu.memory_space<vmem>>, vector<1x16xf32>,
        %swap3A_1362 = vector.shape_cast %swap3A_1361 : vector<1x16xf32> to vector<16xf32>
        %swap3A_1363 = vector.shape_cast %mul3A_1358 : vector<16xf32> to vector<1x16xf32>
        tpu.vector_store %arg11[%swap3A_1359, %swap3A_1360], %swap3A_1363 {strides = array<i32>} : memref<128x128xf32, #tpu.memory_space<vmem>>, vector<1x16xf32>,
        %slice3A_1364 = vector.extract_strided_slice %get3A_50 {offsets = [14], sizes = [1], strides = [1]} : vector<16xf32> to vector<1xf32>
        %squeeze3A_1365 = vector.extract %slice3A_1364[0] : f32 from vector<1xf32>
        %mul3A_1366 = arith.constant 16 : i32
        %mul3A_1367 = arith.muli %scan3A_46, %mul3A_1366 : i32
        %add3A_1368 = arith.constant 14 : i32
        %add3A_1369 = arith.addi %mul3A_1367, %add3A_1368 : i32
        %get3A_1370 = arith.index_cast %add3A_1369 : i32 to index
        %get3A_1371 = arith.constant 0 : index
        %get3A_1372 = tpu.vector_load %arg11[%get3A_1370, %get3A_1371] {strides = array<i32>} : memref<128x128xf32, #tpu.memory_space<vmem>>, vector<1x16xf32>,
        %get3A_1373 = vector.shape_cast %get3A_1372 : vector<1x16xf32> to vector<16xf32>
        %mul3A_1374 = vector.broadcast %squeeze3A_1365 : f32 to vector<16xf32>
        %mul3A_1375 = arith.mulf %get3A_1373, %mul3A_1374 : vector<16xf32>
        %swap3A_1376 = arith.index_cast %add3A_1369 : i32 to index
        %swap3A_1377 = arith.constant 0 : index
        %swap3A_1378 = tpu.vector_load %arg11[%swap3A_1376, %swap3A_1377] {strides = array<i32>} : memref<128x128xf32, #tpu.memory_space<vmem>>, vector<1x16xf32>,
        %swap3A_1379 = vector.shape_cast %swap3A_1378 : vector<1x16xf32> to vector<16xf32>
        %swap3A_1380 = vector.shape_cast %mul3A_1375 : vector<16xf32> to vector<1x16xf32>
        tpu.vector_store %arg11[%swap3A_1376, %swap3A_1377], %swap3A_1380 {strides = array<i32>} : memref<128x128xf32, #tpu.memory_space<vmem>>, vector<1x16xf32>,
        %get3A_1381 = arith.index_cast %add3A_1369 : i32 to index
        %get3A_1382 = arith.constant 16 : index
        %get3A_1383 = tpu.vector_load %arg11[%get3A_1381, %get3A_1382] {strides = array<i32>} : memref<128x128xf32, #tpu.memory_space<vmem>>, vector<1x16xf32>,
        %get3A_1384 = vector.shape_cast %get3A_1383 : vector<1x16xf32> to vector<16xf32>
        %mul3A_1385 = vector.broadcast %squeeze3A_1365 : f32 to vector<16xf32>
        %mul3A_1386 = arith.mulf %get3A_1384, %mul3A_1385 : vector<16xf32>
        %swap3A_1387 = arith.index_cast %add3A_1369 : i32 to index
        %swap3A_1388 = arith.constant 16 : index
        %swap3A_1389 = tpu.vector_load %arg11[%swap3A_1387, %swap3A_1388] {strides = array<i32>} : memref<128x128xf32, #tpu.memory_space<vmem>>, vector<1x16xf32>,
        %swap3A_1390 = vector.shape_cast %swap3A_1389 : vector<1x16xf32> to vector<16xf32>
        %swap3A_1391 = vector.shape_cast %mul3A_1386 : vector<16xf32> to vector<1x16xf32>
        tpu.vector_store %arg11[%swap3A_1387, %swap3A_1388], %swap3A_1391 {strides = array<i32>} : memref<128x128xf32, #tpu.memory_space<vmem>>, vector<1x16xf32>,
        %get3A_1392 = arith.index_cast %add3A_1369 : i32 to index
        %get3A_1393 = arith.constant 32 : index
        %get3A_1394 = tpu.vector_load %arg11[%get3A_1392, %get3A_1393] {strides = array<i32>} : memref<128x128xf32, #tpu.memory_space<vmem>>, vector<1x16xf32>,
        %get3A_1395 = vector.shape_cast %get3A_1394 : vector<1x16xf32> to vector<16xf32>
        %mul3A_1396 = vector.broadcast %squeeze3A_1365 : f32 to vector<16xf32>
        %mul3A_1397 = arith.mulf %get3A_1395, %mul3A_1396 : vector<16xf32>
        %swap3A_1398 = arith.index_cast %add3A_1369 : i32 to index
        %swap3A_1399 = arith.constant 32 : index
        %swap3A_1400 = tpu.vector_load %arg11[%swap3A_1398, %swap3A_1399] {strides = array<i32>} : memref<128x128xf32, #tpu.memory_space<vmem>>, vector<1x16xf32>,
        %swap3A_1401 = vector.shape_cast %swap3A_1400 : vector<1x16xf32> to vector<16xf32>
        %swap3A_1402 = vector.shape_cast %mul3A_1397 : vector<16xf32> to vector<1x16xf32>
        tpu.vector_store %arg11[%swap3A_1398, %swap3A_1399], %swap3A_1402 {strides = array<i32>} : memref<128x128xf32, #tpu.memory_space<vmem>>, vector<1x16xf32>,
        %get3A_1403 = arith.index_cast %add3A_1369 : i32 to index
        %get3A_1404 = arith.constant 48 : index
        %get3A_1405 = tpu.vector_load %arg11[%get3A_1403, %get3A_1404] {strides = array<i32>} : memref<128x128xf32, #tpu.memory_space<vmem>>, vector<1x16xf32>,
        %get3A_1406 = vector.shape_cast %get3A_1405 : vector<1x16xf32> to vector<16xf32>
        %mul3A_1407 = vector.broadcast %squeeze3A_1365 : f32 to vector<16xf32>
        %mul3A_1408 = arith.mulf %get3A_1406, %mul3A_1407 : vector<16xf32>
        %swap3A_1409 = arith.index_cast %add3A_1369 : i32 to index
        %swap3A_1410 = arith.constant 48 : index
        %swap3A_1411 = tpu.vector_load %arg11[%swap3A_1409, %swap3A_1410] {strides = array<i32>} : memref<128x128xf32, #tpu.memory_space<vmem>>, vector<1x16xf32>,
        %swap3A_1412 = vector.shape_cast %swap3A_1411 : vector<1x16xf32> to vector<16xf32>
        %swap3A_1413 = vector.shape_cast %mul3A_1408 : vector<16xf32> to vector<1x16xf32>
        tpu.vector_store %arg11[%swap3A_1409, %swap3A_1410], %swap3A_1413 {strides = array<i32>} : memref<128x128xf32, #tpu.memory_space<vmem>>, vector<1x16xf32>,
        %get3A_1414 = arith.index_cast %add3A_1369 : i32 to index
        %get3A_1415 = arith.constant 64 : index
        %get3A_1416 = tpu.vector_load %arg11[%get3A_1414, %get3A_1415] {strides = array<i32>} : memref<128x128xf32, #tpu.memory_space<vmem>>, vector<1x16xf32>,
        %get3A_1417 = vector.shape_cast %get3A_1416 : vector<1x16xf32> to vector<16xf32>
        %mul3A_1418 = vector.broadcast %squeeze3A_1365 : f32 to vector<16xf32>
        %mul3A_1419 = arith.mulf %get3A_1417, %mul3A_1418 : vector<16xf32>
        %swap3A_1420 = arith.index_cast %add3A_1369 : i32 to index
        %swap3A_1421 = arith.constant 64 : index
        %swap3A_1422 = tpu.vector_load %arg11[%swap3A_1420, %swap3A_1421] {strides = array<i32>} : memref<128x128xf32, #tpu.memory_space<vmem>>, vector<1x16xf32>,
        %swap3A_1423 = vector.shape_cast %swap3A_1422 : vector<1x16xf32> to vector<16xf32>
        %swap3A_1424 = vector.shape_cast %mul3A_1419 : vector<16xf32> to vector<1x16xf32>
        tpu.vector_store %arg11[%swap3A_1420, %swap3A_1421], %swap3A_1424 {strides = array<i32>} : memref<128x128xf32, #tpu.memory_space<vmem>>, vector<1x16xf32>,
        %get3A_1425 = arith.index_cast %add3A_1369 : i32 to index
        %get3A_1426 = arith.constant 80 : index
        %get3A_1427 = tpu.vector_load %arg11[%get3A_1425, %get3A_1426] {strides = array<i32>} : memref<128x128xf32, #tpu.memory_space<vmem>>, vector<1x16xf32>,
        %get3A_1428 = vector.shape_cast %get3A_1427 : vector<1x16xf32> to vector<16xf32>
        %mul3A_1429 = vector.broadcast %squeeze3A_1365 : f32 to vector<16xf32>
        %mul3A_1430 = arith.mulf %get3A_1428, %mul3A_1429 : vector<16xf32>
        %swap3A_1431 = arith.index_cast %add3A_1369 : i32 to index
        %swap3A_1432 = arith.constant 80 : index
        %swap3A_1433 = tpu.vector_load %arg11[%swap3A_1431, %swap3A_1432] {strides = array<i32>} : memref<128x128xf32, #tpu.memory_space<vmem>>, vector<1x16xf32>,
        %swap3A_1434 = vector.shape_cast %swap3A_1433 : vector<1x16xf32> to vector<16xf32>
        %swap3A_1435 = vector.shape_cast %mul3A_1430 : vector<16xf32> to vector<1x16xf32>
        tpu.vector_store %arg11[%swap3A_1431, %swap3A_1432], %swap3A_1435 {strides = array<i32>} : memref<128x128xf32, #tpu.memory_space<vmem>>, vector<1x16xf32>,
        %get3A_1436 = arith.index_cast %add3A_1369 : i32 to index
        %get3A_1437 = arith.constant 96 : index
        %get3A_1438 = tpu.vector_load %arg11[%get3A_1436, %get3A_1437] {strides = array<i32>} : memref<128x128xf32, #tpu.memory_space<vmem>>, vector<1x16xf32>,
        %get3A_1439 = vector.shape_cast %get3A_1438 : vector<1x16xf32> to vector<16xf32>
        %mul3A_1440 = vector.broadcast %squeeze3A_1365 : f32 to vector<16xf32>
        %mul3A_1441 = arith.mulf %get3A_1439, %mul3A_1440 : vector<16xf32>
        %swap3A_1442 = arith.index_cast %add3A_1369 : i32 to index
        %swap3A_1443 = arith.constant 96 : index
        %swap3A_1444 = tpu.vector_load %arg11[%swap3A_1442, %swap3A_1443] {strides = array<i32>} : memref<128x128xf32, #tpu.memory_space<vmem>>, vector<1x16xf32>,
        %swap3A_1445 = vector.shape_cast %swap3A_1444 : vector<1x16xf32> to vector<16xf32>
        %swap3A_1446 = vector.shape_cast %mul3A_1441 : vector<16xf32> to vector<1x16xf32>
        tpu.vector_store %arg11[%swap3A_1442, %swap3A_1443], %swap3A_1446 {strides = array<i32>} : memref<128x128xf32, #tpu.memory_space<vmem>>, vector<1x16xf32>,
        %get3A_1447 = arith.index_cast %add3A_1369 : i32 to index
        %get3A_1448 = arith.constant 112 : index
        %get3A_1449 = tpu.vector_load %arg11[%get3A_1447, %get3A_1448] {strides = array<i32>} : memref<128x128xf32, #tpu.memory_space<vmem>>, vector<1x16xf32>,
        %get3A_1450 = vector.shape_cast %get3A_1449 : vector<1x16xf32> to vector<16xf32>
        %mul3A_1451 = vector.broadcast %squeeze3A_1365 : f32 to vector<16xf32>
        %mul3A_1452 = arith.mulf %get3A_1450, %mul3A_1451 : vector<16xf32>
        %swap3A_1453 = arith.index_cast %add3A_1369 : i32 to index
        %swap3A_1454 = arith.constant 112 : index
        %swap3A_1455 = tpu.vector_load %arg11[%swap3A_1453, %swap3A_1454] {strides = array<i32>} : memref<128x128xf32, #tpu.memory_space<vmem>>, vector<1x16xf32>,
        %swap3A_1456 = vector.shape_cast %swap3A_1455 : vector<1x16xf32> to vector<16xf32>
        %swap3A_1457 = vector.shape_cast %mul3A_1452 : vector<16xf32> to vector<1x16xf32>
        tpu.vector_store %arg11[%swap3A_1453, %swap3A_1454], %swap3A_1457 {strides = array<i32>} : memref<128x128xf32, #tpu.memory_space<vmem>>, vector<1x16xf32>,
        %slice3A_1458 = vector.extract_strided_slice %get3A_50 {offsets = [15], sizes = [1], strides = [1]} : vector<16xf32> to vector<1xf32>
        %squeeze3A_1459 = vector.extract %slice3A_1458[0] : f32 from vector<1xf32>
        %mul3A_1460 = arith.constant 16 : i32
        %mul3A_1461 = arith.muli %scan3A_46, %mul3A_1460 : i32
        %add3A_1462 = arith.constant 15 : i32
        %add3A_1463 = arith.addi %mul3A_1461, %add3A_1462 : i32
        %get3A_1464 = arith.index_cast %add3A_1463 : i32 to index
        %get3A_1465 = arith.constant 0 : index
        %get3A_1466 = tpu.vector_load %arg11[%get3A_1464, %get3A_1465] {strides = array<i32>} : memref<128x128xf32, #tpu.memory_space<vmem>>, vector<1x16xf32>,
        %get3A_1467 = vector.shape_cast %get3A_1466 : vector<1x16xf32> to vector<16xf32>
        %mul3A_1468 = vector.broadcast %squeeze3A_1459 : f32 to vector<16xf32>
        %mul3A_1469 = arith.mulf %get3A_1467, %mul3A_1468 : vector<16xf32>
        %swap3A_1470 = arith.index_cast %add3A_1463 : i32 to index
        %swap3A_1471 = arith.constant 0 : index
        %swap3A_1472 = tpu.vector_load %arg11[%swap3A_1470, %swap3A_1471] {strides = array<i32>} : memref<128x128xf32, #tpu.memory_space<vmem>>, vector<1x16xf32>,
        %swap3A_1473 = vector.shape_cast %swap3A_1472 : vector<1x16xf32> to vector<16xf32>
        %swap3A_1474 = vector.shape_cast %mul3A_1469 : vector<16xf32> to vector<1x16xf32>
        tpu.vector_store %arg11[%swap3A_1470, %swap3A_1471], %swap3A_1474 {strides = array<i32>} : memref<128x128xf32, #tpu.memory_space<vmem>>, vector<1x16xf32>,
        %get3A_1475 = arith.index_cast %add3A_1463 : i32 to index
        %get3A_1476 = arith.constant 16 : index
        %get3A_1477 = tpu.vector_load %arg11[%get3A_1475, %get3A_1476] {strides = array<i32>} : memref<128x128xf32, #tpu.memory_space<vmem>>, vector<1x16xf32>,
        %get3A_1478 = vector.shape_cast %get3A_1477 : vector<1x16xf32> to vector<16xf32>
        %mul3A_1479 = vector.broadcast %squeeze3A_1459 : f32 to vector<16xf32>
        %mul3A_1480 = arith.mulf %get3A_1478, %mul3A_1479 : vector<16xf32>
        %swap3A_1481 = arith.index_cast %add3A_1463 : i32 to index
        %swap3A_1482 = arith.constant 16 : index
        %swap3A_1483 = tpu.vector_load %arg11[%swap3A_1481, %swap3A_1482] {strides = array<i32>} : memref<128x128xf32, #tpu.memory_space<vmem>>, vector<1x16xf32>,
        %swap3A_1484 = vector.shape_cast %swap3A_1483 : vector<1x16xf32> to vector<16xf32>
        %swap3A_1485 = vector.shape_cast %mul3A_1480 : vector<16xf32> to vector<1x16xf32>
        tpu.vector_store %arg11[%swap3A_1481, %swap3A_1482], %swap3A_1485 {strides = array<i32>} : memref<128x128xf32, #tpu.memory_space<vmem>>, vector<1x16xf32>,
        %get3A_1486 = arith.index_cast %add3A_1463 : i32 to index
        %get3A_1487 = arith.constant 32 : index
        %get3A_1488 = tpu.vector_load %arg11[%get3A_1486, %get3A_1487] {strides = array<i32>} : memref<128x128xf32, #tpu.memory_space<vmem>>, vector<1x16xf32>,
        %get3A_1489 = vector.shape_cast %get3A_1488 : vector<1x16xf32> to vector<16xf32>
        %mul3A_1490 = vector.broadcast %squeeze3A_1459 : f32 to vector<16xf32>
        %mul3A_1491 = arith.mulf %get3A_1489, %mul3A_1490 : vector<16xf32>
        %swap3A_1492 = arith.index_cast %add3A_1463 : i32 to index
        %swap3A_1493 = arith.constant 32 : index
        %swap3A_1494 = tpu.vector_load %arg11[%swap3A_1492, %swap3A_1493] {strides = array<i32>} : memref<128x128xf32, #tpu.memory_space<vmem>>, vector<1x16xf32>,
        %swap3A_1495 = vector.shape_cast %swap3A_1494 : vector<1x16xf32> to vector<16xf32>
        %swap3A_1496 = vector.shape_cast %mul3A_1491 : vector<16xf32> to vector<1x16xf32>
        tpu.vector_store %arg11[%swap3A_1492, %swap3A_1493], %swap3A_1496 {strides = array<i32>} : memref<128x128xf32, #tpu.memory_space<vmem>>, vector<1x16xf32>,
        %get3A_1497 = arith.index_cast %add3A_1463 : i32 to index
        %get3A_1498 = arith.constant 48 : index
        %get3A_1499 = tpu.vector_load %arg11[%get3A_1497, %get3A_1498] {strides = array<i32>} : memref<128x128xf32, #tpu.memory_space<vmem>>, vector<1x16xf32>,
        %get3A_1500 = vector.shape_cast %get3A_1499 : vector<1x16xf32> to vector<16xf32>
        %mul3A_1501 = vector.broadcast %squeeze3A_1459 : f32 to vector<16xf32>
        %mul3A_1502 = arith.mulf %get3A_1500, %mul3A_1501 : vector<16xf32>
        %swap3A_1503 = arith.index_cast %add3A_1463 : i32 to index
        %swap3A_1504 = arith.constant 48 : index
        %swap3A_1505 = tpu.vector_load %arg11[%swap3A_1503, %swap3A_1504] {strides = array<i32>} : memref<128x128xf32, #tpu.memory_space<vmem>>, vector<1x16xf32>,
        %swap3A_1506 = vector.shape_cast %swap3A_1505 : vector<1x16xf32> to vector<16xf32>
        %swap3A_1507 = vector.shape_cast %mul3A_1502 : vector<16xf32> to vector<1x16xf32>
        tpu.vector_store %arg11[%swap3A_1503, %swap3A_1504], %swap3A_1507 {strides = array<i32>} : memref<128x128xf32, #tpu.memory_space<vmem>>, vector<1x16xf32>,
        %get3A_1508 = arith.index_cast %add3A_1463 : i32 to index
        %get3A_1509 = arith.constant 64 : index
        %get3A_1510 = tpu.vector_load %arg11[%get3A_1508, %get3A_1509] {strides = array<i32>} : memref<128x128xf32, #tpu.memory_space<vmem>>, vector<1x16xf32>,
        %get3A_1511 = vector.shape_cast %get3A_1510 : vector<1x16xf32> to vector<16xf32>
        %mul3A_1512 = vector.broadcast %squeeze3A_1459 : f32 to vector<16xf32>
        %mul3A_1513 = arith.mulf %get3A_1511, %mul3A_1512 : vector<16xf32>
        %swap3A_1514 = arith.index_cast %add3A_1463 : i32 to index
        %swap3A_1515 = arith.constant 64 : index
        %swap3A_1516 = tpu.vector_load %arg11[%swap3A_1514, %swap3A_1515] {strides = array<i32>} : memref<128x128xf32, #tpu.memory_space<vmem>>, vector<1x16xf32>,
        %swap3A_1517 = vector.shape_cast %swap3A_1516 : vector<1x16xf32> to vector<16xf32>
        %swap3A_1518 = vector.shape_cast %mul3A_1513 : vector<16xf32> to vector<1x16xf32>
        tpu.vector_store %arg11[%swap3A_1514, %swap3A_1515], %swap3A_1518 {strides = array<i32>} : memref<128x128xf32, #tpu.memory_space<vmem>>, vector<1x16xf32>,
        %get3A_1519 = arith.index_cast %add3A_1463 : i32 to index
        %get3A_1520 = arith.constant 80 : index
        %get3A_1521 = tpu.vector_load %arg11[%get3A_1519, %get3A_1520] {strides = array<i32>} : memref<128x128xf32, #tpu.memory_space<vmem>>, vector<1x16xf32>,
        %get3A_1522 = vector.shape_cast %get3A_1521 : vector<1x16xf32> to vector<16xf32>
        %mul3A_1523 = vector.broadcast %squeeze3A_1459 : f32 to vector<16xf32>
        %mul3A_1524 = arith.mulf %get3A_1522, %mul3A_1523 : vector<16xf32>
        %swap3A_1525 = arith.index_cast %add3A_1463 : i32 to index
        %swap3A_1526 = arith.constant 80 : index
        %swap3A_1527 = tpu.vector_load %arg11[%swap3A_1525, %swap3A_1526] {strides = array<i32>} : memref<128x128xf32, #tpu.memory_space<vmem>>, vector<1x16xf32>,
        %swap3A_1528 = vector.shape_cast %swap3A_1527 : vector<1x16xf32> to vector<16xf32>
        %swap3A_1529 = vector.shape_cast %mul3A_1524 : vector<16xf32> to vector<1x16xf32>
        tpu.vector_store %arg11[%swap3A_1525, %swap3A_1526], %swap3A_1529 {strides = array<i32>} : memref<128x128xf32, #tpu.memory_space<vmem>>, vector<1x16xf32>,
        %get3A_1530 = arith.index_cast %add3A_1463 : i32 to index
        %get3A_1531 = arith.constant 96 : index
        %get3A_1532 = tpu.vector_load %arg11[%get3A_1530, %get3A_1531] {strides = array<i32>} : memref<128x128xf32, #tpu.memory_space<vmem>>, vector<1x16xf32>,
        %get3A_1533 = vector.shape_cast %get3A_1532 : vector<1x16xf32> to vector<16xf32>
        %mul3A_1534 = vector.broadcast %squeeze3A_1459 : f32 to vector<16xf32>
        %mul3A_1535 = arith.mulf %get3A_1533, %mul3A_1534 : vector<16xf32>
        %swap3A_1536 = arith.index_cast %add3A_1463 : i32 to index
        %swap3A_1537 = arith.constant 96 : index
        %swap3A_1538 = tpu.vector_load %arg11[%swap3A_1536, %swap3A_1537] {strides = array<i32>} : memref<128x128xf32, #tpu.memory_space<vmem>>, vector<1x16xf32>,
        %swap3A_1539 = vector.shape_cast %swap3A_1538 : vector<1x16xf32> to vector<16xf32>
        %swap3A_1540 = vector.shape_cast %mul3A_1535 : vector<16xf32> to vector<1x16xf32>
        tpu.vector_store %arg11[%swap3A_1536, %swap3A_1537], %swap3A_1540 {strides = array<i32>} : memref<128x128xf32, #tpu.memory_space<vmem>>, vector<1x16xf32>,
        %get3A_1541 = arith.index_cast %add3A_1463 : i32 to index
        %get3A_1542 = arith.constant 112 : index
        %get3A_1543 = tpu.vector_load %arg11[%get3A_1541, %get3A_1542] {strides = array<i32>} : memref<128x128xf32, #tpu.memory_space<vmem>>, vector<1x16xf32>,
        %get3A_1544 = vector.shape_cast %get3A_1543 : vector<1x16xf32> to vector<16xf32>
        %mul3A_1545 = vector.broadcast %squeeze3A_1459 : f32 to vector<16xf32>
        %mul3A_1546 = arith.mulf %get3A_1544, %mul3A_1545 : vector<16xf32>
        %swap3A_1547 = arith.index_cast %add3A_1463 : i32 to index
        %swap3A_1548 = arith.constant 112 : index
        %swap3A_1549 = tpu.vector_load %arg11[%swap3A_1547, %swap3A_1548] {strides = array<i32>} : memref<128x128xf32, #tpu.memory_space<vmem>>, vector<1x16xf32>,
        %swap3A_1550 = vector.shape_cast %swap3A_1549 : vector<1x16xf32> to vector<16xf32>
        %swap3A_1551 = vector.shape_cast %mul3A_1546 : vector<16xf32> to vector<1x16xf32>
        tpu.vector_store %arg11[%swap3A_1547, %swap3A_1548], %swap3A_1551 {strides = array<i32>} : memref<128x128xf32, #tpu.memory_space<vmem>>, vector<1x16xf32>,
      }
      %scan3A_45 = arith.constant 8 : i32
      "tpu.region"() ({
        %run_scoped3A = tpu.sem_alloc : memref<!tpu.dma_semaphore, #tpu.memory_space<semaphore_mem>>
        %dma_start3A_46 = arith.constant 0 : i32
        %dma_start3A_47 = arith.constant 0 : i32
        %dma_start3A_48 = tpu.memref_slice %arg7[%dma_start3A_46, %dma_start3A_47] : memref<10240x128xf32, #tpu.memory_space<vmem_shared>> -> memref<10240x128xf32, #tpu.memory_space<vmem_shared>>
        tpu.enqueue_indirect_dma source(%arg11 : memref<128x128xf32, #tpu.memory_space<vmem>>) target(%dma_start3A_48 : memref<10240x128xf32, #tpu.memory_space<vmem_shared>>) offsets(%arg9 : memref<128xi32, #tpu.memory_space<vmem>>) semaphore(%run_scoped3A : memref<!tpu.dma_semaphore, #tpu.memory_space<semaphore_mem>>) {add = true}
        %dma_wait3A_49 = arith.constant 0 : i32
        %dma_wait3A_50 = arith.constant 0 : i32
        %dma_wait3A_51 = tpu.memref_slice %arg7[%dma_wait3A_49, %dma_wait3A_50] : memref<10240x128xf32, #tpu.memory_space<vmem_shared>> -> memref<10240x128xf32, #tpu.memory_space<vmem_shared>>
        tpu.wait_indirect_dma semaphore(%run_scoped3A : memref<!tpu.dma_semaphore, #tpu.memory_space<semaphore_mem>>) src(%arg11 : memref<128x128xf32, #tpu.memory_space<vmem>>) dst(%dma_wait3A_51 : memref<10240x128xf32, #tpu.memory_space<vmem_shared>>)
        tpu.yield
      }) : () -> ()
    }
    %scan3A_20 = arith.constant 160 : i32
    %barrier3A_21 = arith.constant 0 : index
    tpu.barrier barrier_id(%barrier3A_21)
    %mul3A_22 = arith.constant 640 : i32
    %mul3A_23 = arith.muli %arg1, %mul3A_22 : i32
    %mul3A_24 = arith.constant 10240 : i32
    %mul3A_25 = arith.muli %arg0, %mul3A_24 : i32
    %mul3A_26 = arith.constant 640 : i32
    %mul3A_27 = arith.muli %arg1, %mul3A_26 : i32
    %add3A_28 = arith.addi %mul3A_25, %mul3A_27 : i32
    "tpu.region"() ({
      %run_scoped3A = tpu.sem_alloc : memref<!tpu.dma_semaphore, #tpu.memory_space<semaphore_mem>>
      %dma_start3A = arith.constant 0 : i32
      %dma_start3A_29 = tpu.memref_slice %arg6[%add3A_28, %dma_start3A] : memref<20480x128xf32, #tpu.memory_space<hbm>> -> memref<640x128xf32, #tpu.memory_space<hbm>>
      %dma_start3A_30 = arith.constant 0 : i32
      %dma_start3A_31 = tpu.memref_slice %arg7[%mul3A_23, %dma_start3A_30] : memref<10240x128xf32, #tpu.memory_space<vmem_shared>> -> memref<640x128xf32, #tpu.memory_space<vmem_shared>>
      tpu.enqueue_dma source(%dma_start3A_31 : memref<640x128xf32, #tpu.memory_space<vmem_shared>>) target(%dma_start3A_29 : memref<640x128xf32, #tpu.memory_space<hbm>>) target_semaphore(%run_scoped3A : memref<!tpu.dma_semaphore, #tpu.memory_space<semaphore_mem>>)
      %dma_wait3A = arith.constant 0 : i32
      %dma_wait3A_32 = tpu.memref_slice %arg6[%add3A_28, %dma_wait3A] : memref<20480x128xf32, #tpu.memory_space<hbm>> -> memref<640x128xf32, #tpu.memory_space<hbm>>
      %dma_wait3A_33 = arith.constant 0 : i32
      %dma_wait3A_34 = tpu.memref_slice %arg7[%mul3A_23, %dma_wait3A_33] : memref<10240x128xf32, #tpu.memory_space<vmem_shared>> -> memref<640x128xf32, #tpu.memory_space<vmem_shared>>
      tpu.wait_dma2 semaphore(%run_scoped3A : memref<!tpu.dma_semaphore, #tpu.memory_space<semaphore_mem>>) src(%dma_wait3A_34 : memref<640x128xf32, #tpu.memory_space<vmem_shared>>) dst(%dma_wait3A_32 : memref<640x128xf32, #tpu.memory_space<hbm>>)
      tpu.yield
    }) : () -> ()
    return
  }
}

#map = affine_map<(d0, d1) -> (0, 0)>
#map1 = affine_map<(d0, d1) -> (0)>
module attributes {stable_mosaic.version = 14 : i64} {
  func.func @body(%arg0: i32, %arg1: i32, %arg2: memref<10240x144xf32, #tpu.memory_space<hbm>>, %arg3: memref<327680xi32, #tpu.memory_space<hbm>>, %arg4: memref<327680xi32, #tpu.memory_space<hbm>>, %arg5: memref<327680xf32, #tpu.memory_space<hbm>>, %arg6: memref<20480x144xf32, #tpu.memory_space<hbm>>, %arg7: memref<10240x144xf32, #tpu.memory_space<vmem_shared>>, %arg8: memref<128xi32, #tpu.memory_space<vmem>>, %arg9: memref<128xi32, #tpu.memory_space<vmem>>, %arg10: memref<128xf32, #tpu.memory_space<vmem>>, %arg11: memref<128x144xf32, #tpu.memory_space<vmem>>, %arg12: memref<32x144xf32, #tpu.memory_space<vmem>>, %arg13: memref<!tpu.dma_semaphore, #tpu.memory_space<semaphore_mem>>) attributes {dimension_semantics = [#tpu.dimension_semantics<core_parallel>, #tpu.dimension_semantics<subcore_parallel>], iteration_bounds = array<i64: 2, 16>, scalar_prefetch = 0 : i64, scratch_operands = 7 : i64, tpu.core_type = #tpu.core_type<sc_vector_subcore>, window_params = [{transform_indices = #map}, {transform_indices = #map1}, {transform_indices = #map1}, {transform_indices = #map1}, {transform_indices = #map}]} {
    %broadcast_in_dim3A = arith.constant 0.000000e+00 : f32
    %broadcast_in_dim3A_0 = vector.broadcast %broadcast_in_dim3A : f32 to vector<16xf32>
    %scan3A = arith.constant 0 : i32
    %scan3A_1 = arith.constant 0 : i32
    %scan3A_2 = arith.constant 288 : i32
    %scan3A_3 = arith.addi %scan3A_1, %scan3A_2 : i32
    %scan3A_4 = arith.constant 1 : i32
    scf.for %scan3A_29 = %scan3A_1 to %scan3A_3 step %scan3A_4  : i32 {
      %jit3A = arith.constant 9 : i32
      %div3A = arith.divsi %scan3A_29, %jit3A : i32
      %sign3A = arith.constant 0 : i32
      %sign3A_30 = arith.cmpi sgt, %scan3A_29, %sign3A : i32
      %sign3A_31 = arith.extui %sign3A_30 : i1 to i32
      %sign3A_32 = arith.constant 0 : i32
      %sign3A_33 = arith.cmpi slt, %scan3A_29, %sign3A_32 : i32
      %sign3A_34 = arith.extui %sign3A_33 : i1 to i32
      %sign3A_35 = arith.subi %sign3A_31, %sign3A_34 : i32
      %sign3A_36 = arith.constant 0 : i32
      %sign3A_37 = arith.cmpi sgt, %jit3A, %sign3A_36 : i32
      %sign3A_38 = arith.extui %sign3A_37 : i1 to i32
      %sign3A_39 = arith.constant 0 : i32
      %sign3A_40 = arith.cmpi slt, %jit3A, %sign3A_39 : i32
      %sign3A_41 = arith.extui %sign3A_40 : i1 to i32
      %sign3A_42 = arith.subi %sign3A_38, %sign3A_41 : i32
      %ne3A = arith.cmpi ne, %sign3A_35, %sign3A_42 : i32
      %rem3A = arith.remsi %scan3A_29, %jit3A : i32
      %ne3A_43 = arith.constant 0 : i32
      %ne3A_44 = arith.cmpi ne, %rem3A, %ne3A_43 : i32
      %and3A = arith.andi %ne3A, %ne3A_44 : i1
      %sub3A = arith.constant 1 : i32
      %sub3A_45 = arith.subi %div3A, %sub3A : i32
      %select_n3A = arith.select %and3A, %sub3A_45, %div3A : i32
      %mul3A_46 = arith.constant 9 : i32
      %mul3A_47 = arith.muli %select_n3A, %mul3A_46 : i32
      %sub3A_48 = arith.subi %scan3A_29, %mul3A_47 : i32
      %mul3A_49 = arith.constant 16 : i32
      %mul3A_50 = arith.muli %sub3A_48, %mul3A_49 : i32
      %swap3A = arith.index_cast %select_n3A : i32 to index
      %swap3A_51 = arith.index_cast %mul3A_50 : i32 to index
      %swap3A_52 = tpu.vector_load %arg12[%swap3A, %swap3A_51] {strides = array<i32>} : memref<32x144xf32, #tpu.memory_space<vmem>>, vector<1x16xf32>,
      %swap3A_53 = vector.shape_cast %swap3A_52 : vector<1x16xf32> to vector<16xf32>
      %swap3A_54 = vector.shape_cast %broadcast_in_dim3A_0 : vector<16xf32> to vector<1x16xf32>
      tpu.vector_store %arg12[%swap3A, %swap3A_51], %swap3A_54 {strides = array<i32>} : memref<32x144xf32, #tpu.memory_space<vmem>>, vector<1x16xf32>,
    }
    %scan3A_5 = arith.constant 288 : i32
    %scan3A_6 = arith.constant 0 : i32
    %scan3A_7 = arith.constant 0 : i32
    %scan3A_8 = arith.constant 20 : i32
    %scan3A_9 = arith.addi %scan3A_7, %scan3A_8 : i32
    %scan3A_10 = arith.constant 1 : i32
    scf.for %scan3A_29 = %scan3A_7 to %scan3A_9 step %scan3A_10  : i32 {
      %mul3A_30 = arith.constant 640 : i32
      %mul3A_31 = arith.muli %arg1, %mul3A_30 : i32
      %mul3A_32 = arith.constant 32 : i32
      %mul3A_33 = arith.muli %scan3A_29, %mul3A_32 : i32
      %add3A_34 = arith.addi %mul3A_31, %mul3A_33 : i32
      "tpu.region"() ({
        %run_scoped3A = tpu.sem_alloc : memref<!tpu.dma_semaphore, #tpu.memory_space<semaphore_mem>>
        %dma_start3A = arith.constant 0 : i32
        %dma_start3A_35 = tpu.memref_slice %arg7[%add3A_34, %dma_start3A] : memref<10240x144xf32, #tpu.memory_space<vmem_shared>> -> memref<32x144xf32, #tpu.memory_space<vmem_shared>>
        %dma_start3A_36 = arith.constant 0 : i32
        %dma_start3A_37 = tpu.memref_slice %arg7[%add3A_34, %dma_start3A_36] : memref<10240x144xf32, #tpu.memory_space<vmem_shared>> -> memref<32x144xf32, #tpu.memory_space<vmem_shared>>
        tpu.enqueue_dma source(%arg12 : memref<32x144xf32, #tpu.memory_space<vmem>>) target(%dma_start3A_37 : memref<32x144xf32, #tpu.memory_space<vmem_shared>>) target_semaphore(%run_scoped3A : memref<!tpu.dma_semaphore, #tpu.memory_space<semaphore_mem>>)
        %dma_wait3A = arith.constant 0 : i32
        %dma_wait3A_38 = tpu.memref_slice %arg7[%add3A_34, %dma_wait3A] : memref<10240x144xf32, #tpu.memory_space<vmem_shared>> -> memref<32x144xf32, #tpu.memory_space<vmem_shared>>
        %dma_wait3A_39 = arith.constant 0 : i32
        %dma_wait3A_40 = tpu.memref_slice %arg7[%add3A_34, %dma_wait3A_39] : memref<10240x144xf32, #tpu.memory_space<vmem_shared>> -> memref<32x144xf32, #tpu.memory_space<vmem_shared>>
        tpu.wait_dma2 semaphore(%run_scoped3A : memref<!tpu.dma_semaphore, #tpu.memory_space<semaphore_mem>>) src(%arg12 : memref<32x144xf32, #tpu.memory_space<vmem>>) dst(%dma_wait3A_40 : memref<32x144xf32, #tpu.memory_space<vmem_shared>>)
        tpu.yield
      }) : () -> ()
    }
    %scan3A_11 = arith.constant 20 : i32
    %barrier3A = arith.constant 0 : index
    tpu.barrier barrier_id(%barrier3A)
    %mul3A = arith.constant 16 : i32
    %mul3A_12 = arith.muli %arg0, %mul3A : i32
    %add3A = arith.addi %mul3A_12, %arg1 : i32
    %mul3A_13 = arith.constant 10240 : i32
    %mul3A_14 = arith.muli %add3A, %mul3A_13 : i32
    %scan3A_15 = arith.constant 0 : i32
    %scan3A_16 = arith.constant 0 : i32
    %scan3A_17 = arith.constant 80 : i32
    %scan3A_18 = arith.addi %scan3A_16, %scan3A_17 : i32
    %scan3A_19 = arith.constant 1 : i32
    scf.for %scan3A_29 = %scan3A_16 to %scan3A_18 step %scan3A_19  : i32 {
      %mul3A_30 = arith.constant 128 : i32
      %mul3A_31 = arith.muli %scan3A_29, %mul3A_30 : i32
      %add3A_32 = arith.addi %mul3A_14, %mul3A_31 : i32
      %mul3A_33 = arith.constant 128 : i32
      %mul3A_34 = arith.muli %scan3A_29, %mul3A_33 : i32
      %add3A_35 = arith.addi %mul3A_14, %mul3A_34 : i32
      "tpu.region"() ({
        %run_scoped3A = tpu.sem_alloc : memref<!tpu.dma_semaphore, #tpu.memory_space<semaphore_mem>>
        %dma_start3A_46 = tpu.memref_slice %arg3[%add3A_35] : memref<327680xi32, #tpu.memory_space<hbm>> -> memref<128xi32, #tpu.memory_space<hbm>>
        %dma_start3A_47 = tpu.memref_slice %arg3[%add3A_35] : memref<327680xi32, #tpu.memory_space<hbm>> -> memref<128xi32, #tpu.memory_space<hbm>>
        tpu.enqueue_dma source(%dma_start3A_47 : memref<128xi32, #tpu.memory_space<hbm>>) target(%arg8 : memref<128xi32, #tpu.memory_space<vmem>>) target_semaphore(%run_scoped3A : memref<!tpu.dma_semaphore, #tpu.memory_space<semaphore_mem>>)
        %dma_wait3A_48 = tpu.memref_slice %arg3[%add3A_35] : memref<327680xi32, #tpu.memory_space<hbm>> -> memref<128xi32, #tpu.memory_space<hbm>>
        %dma_wait3A_49 = tpu.memref_slice %arg3[%add3A_35] : memref<327680xi32, #tpu.memory_space<hbm>> -> memref<128xi32, #tpu.memory_space<hbm>>
        tpu.wait_dma2 semaphore(%run_scoped3A : memref<!tpu.dma_semaphore, #tpu.memory_space<semaphore_mem>>) src(%dma_wait3A_49 : memref<128xi32, #tpu.memory_space<hbm>>) dst(%arg8 : memref<128xi32, #tpu.memory_space<vmem>>)
        tpu.yield
      }) : () -> ()
      "tpu.region"() ({
        %run_scoped3A = tpu.sem_alloc : memref<!tpu.dma_semaphore, #tpu.memory_space<semaphore_mem>>
        %dma_start3A_46 = tpu.memref_slice %arg4[%add3A_32] : memref<327680xi32, #tpu.memory_space<hbm>> -> memref<128xi32, #tpu.memory_space<hbm>>
        %dma_start3A_47 = tpu.memref_slice %arg4[%add3A_32] : memref<327680xi32, #tpu.memory_space<hbm>> -> memref<128xi32, #tpu.memory_space<hbm>>
        tpu.enqueue_dma source(%dma_start3A_47 : memref<128xi32, #tpu.memory_space<hbm>>) target(%arg9 : memref<128xi32, #tpu.memory_space<vmem>>) target_semaphore(%run_scoped3A : memref<!tpu.dma_semaphore, #tpu.memory_space<semaphore_mem>>)
        %dma_wait3A_48 = tpu.memref_slice %arg4[%add3A_32] : memref<327680xi32, #tpu.memory_space<hbm>> -> memref<128xi32, #tpu.memory_space<hbm>>
        %dma_wait3A_49 = tpu.memref_slice %arg4[%add3A_32] : memref<327680xi32, #tpu.memory_space<hbm>> -> memref<128xi32, #tpu.memory_space<hbm>>
        tpu.wait_dma2 semaphore(%run_scoped3A : memref<!tpu.dma_semaphore, #tpu.memory_space<semaphore_mem>>) src(%dma_wait3A_49 : memref<128xi32, #tpu.memory_space<hbm>>) dst(%arg9 : memref<128xi32, #tpu.memory_space<vmem>>)
        tpu.yield
      }) : () -> ()
      "tpu.region"() ({
        %run_scoped3A = tpu.sem_alloc : memref<!tpu.dma_semaphore, #tpu.memory_space<semaphore_mem>>
        %dma_start3A_46 = tpu.memref_slice %arg5[%add3A_32] : memref<327680xf32, #tpu.memory_space<hbm>> -> memref<128xf32, #tpu.memory_space<hbm>>
        %dma_start3A_47 = tpu.memref_slice %arg5[%add3A_32] : memref<327680xf32, #tpu.memory_space<hbm>> -> memref<128xf32, #tpu.memory_space<hbm>>
        tpu.enqueue_dma source(%dma_start3A_47 : memref<128xf32, #tpu.memory_space<hbm>>) target(%arg10 : memref<128xf32, #tpu.memory_space<vmem>>) target_semaphore(%run_scoped3A : memref<!tpu.dma_semaphore, #tpu.memory_space<semaphore_mem>>)
        %dma_wait3A_48 = tpu.memref_slice %arg5[%add3A_32] : memref<327680xf32, #tpu.memory_space<hbm>> -> memref<128xf32, #tpu.memory_space<hbm>>
        %dma_wait3A_49 = tpu.memref_slice %arg5[%add3A_32] : memref<327680xf32, #tpu.memory_space<hbm>> -> memref<128xf32, #tpu.memory_space<hbm>>
        tpu.wait_dma2 semaphore(%run_scoped3A : memref<!tpu.dma_semaphore, #tpu.memory_space<semaphore_mem>>) src(%dma_wait3A_49 : memref<128xf32, #tpu.memory_space<hbm>>) dst(%arg10 : memref<128xf32, #tpu.memory_space<vmem>>)
        tpu.yield
      }) : () -> ()
      %dma_start3A = arith.constant 0 : i32
      %dma_start3A_36 = arith.constant 0 : i32
      %dma_start3A_37 = tpu.memref_slice %arg2[%dma_start3A, %dma_start3A_36] : memref<10240x144xf32, #tpu.memory_space<hbm>> -> memref<10240x144xf32, #tpu.memory_space<hbm>>
      tpu.enqueue_indirect_dma source(%dma_start3A_37 : memref<10240x144xf32, #tpu.memory_space<hbm>>) target(%arg11 : memref<128x144xf32, #tpu.memory_space<vmem>>) offsets(%arg8 : memref<128xi32, #tpu.memory_space<vmem>>) semaphore(%arg13 : memref<!tpu.dma_semaphore, #tpu.memory_space<semaphore_mem>>)
      %dma_wait3A = arith.constant 0 : i32
      %dma_wait3A_38 = arith.constant 0 : i32
      %dma_wait3A_39 = tpu.memref_slice %arg2[%dma_wait3A, %dma_wait3A_38] : memref<10240x144xf32, #tpu.memory_space<hbm>> -> memref<10240x144xf32, #tpu.memory_space<hbm>>
      tpu.wait_indirect_dma semaphore(%arg13 : memref<!tpu.dma_semaphore, #tpu.memory_space<semaphore_mem>>) src(%dma_wait3A_39 : memref<10240x144xf32, #tpu.memory_space<hbm>>) dst(%arg11 : memref<128x144xf32, #tpu.memory_space<vmem>>)
      %scan3A_40 = arith.constant 0 : i32
      %scan3A_41 = arith.constant 0 : i32
      %scan3A_42 = arith.constant 8 : i32
      %scan3A_43 = arith.addi %scan3A_41, %scan3A_42 : i32
      %scan3A_44 = arith.constant 1 : i32
      scf.for %scan3A_46 = %scan3A_41 to %scan3A_43 step %scan3A_44  : i32 {
        %mul3A_47 = arith.constant 16 : i32
        %mul3A_48 = arith.muli %scan3A_46, %mul3A_47 : i32
        %get3A = arith.index_cast %mul3A_48 : i32 to index
        %get3A_49 = tpu.vector_load %arg10[%get3A] {strides = array<i32>} : memref<128xf32, #tpu.memory_space<vmem>>, vector<16xf32>,
        %get3A_50 = vector.shape_cast %get3A_49 : vector<16xf32> to vector<16xf32>
        %slice3A = vector.extract_strided_slice %get3A_50 {offsets = [0], sizes = [1], strides = [1]} : vector<16xf32> to vector<1xf32>
        %squeeze3A = vector.extract %slice3A[0] : f32 from vector<1xf32>
        %mul3A_51 = arith.constant 16 : i32
        %mul3A_52 = arith.muli %scan3A_46, %mul3A_51 : i32
        %add3A_53 = arith.constant 0 : i32
        %add3A_54 = arith.addi %mul3A_52, %add3A_53 : i32
        %get3A_55 = arith.index_cast %add3A_54 : i32 to index
        %get3A_56 = arith.constant 0 : index
        %get3A_57 = tpu.vector_load %arg11[%get3A_55, %get3A_56] {strides = array<i32>} : memref<128x144xf32, #tpu.memory_space<vmem>>, vector<1x16xf32>,
        %get3A_58 = vector.shape_cast %get3A_57 : vector<1x16xf32> to vector<16xf32>
        %mul3A_59 = vector.broadcast %squeeze3A : f32 to vector<16xf32>
        %mul3A_60 = arith.mulf %get3A_58, %mul3A_59 : vector<16xf32>
        %swap3A = arith.index_cast %add3A_54 : i32 to index
        %swap3A_61 = arith.constant 0 : index
        %swap3A_62 = tpu.vector_load %arg11[%swap3A, %swap3A_61] {strides = array<i32>} : memref<128x144xf32, #tpu.memory_space<vmem>>, vector<1x16xf32>,
        %swap3A_63 = vector.shape_cast %swap3A_62 : vector<1x16xf32> to vector<16xf32>
        %swap3A_64 = vector.shape_cast %mul3A_60 : vector<16xf32> to vector<1x16xf32>
        tpu.vector_store %arg11[%swap3A, %swap3A_61], %swap3A_64 {strides = array<i32>} : memref<128x144xf32, #tpu.memory_space<vmem>>, vector<1x16xf32>,
        %get3A_65 = arith.index_cast %add3A_54 : i32 to index
        %get3A_66 = arith.constant 16 : index
        %get3A_67 = tpu.vector_load %arg11[%get3A_65, %get3A_66] {strides = array<i32>} : memref<128x144xf32, #tpu.memory_space<vmem>>, vector<1x16xf32>,
        %get3A_68 = vector.shape_cast %get3A_67 : vector<1x16xf32> to vector<16xf32>
        %mul3A_69 = vector.broadcast %squeeze3A : f32 to vector<16xf32>
        %mul3A_70 = arith.mulf %get3A_68, %mul3A_69 : vector<16xf32>
        %swap3A_71 = arith.index_cast %add3A_54 : i32 to index
        %swap3A_72 = arith.constant 16 : index
        %swap3A_73 = tpu.vector_load %arg11[%swap3A_71, %swap3A_72] {strides = array<i32>} : memref<128x144xf32, #tpu.memory_space<vmem>>, vector<1x16xf32>,
        %swap3A_74 = vector.shape_cast %swap3A_73 : vector<1x16xf32> to vector<16xf32>
        %swap3A_75 = vector.shape_cast %mul3A_70 : vector<16xf32> to vector<1x16xf32>
        tpu.vector_store %arg11[%swap3A_71, %swap3A_72], %swap3A_75 {strides = array<i32>} : memref<128x144xf32, #tpu.memory_space<vmem>>, vector<1x16xf32>,
        %get3A_76 = arith.index_cast %add3A_54 : i32 to index
        %get3A_77 = arith.constant 32 : index
        %get3A_78 = tpu.vector_load %arg11[%get3A_76, %get3A_77] {strides = array<i32>} : memref<128x144xf32, #tpu.memory_space<vmem>>, vector<1x16xf32>,
        %get3A_79 = vector.shape_cast %get3A_78 : vector<1x16xf32> to vector<16xf32>
        %mul3A_80 = vector.broadcast %squeeze3A : f32 to vector<16xf32>
        %mul3A_81 = arith.mulf %get3A_79, %mul3A_80 : vector<16xf32>
        %swap3A_82 = arith.index_cast %add3A_54 : i32 to index
        %swap3A_83 = arith.constant 32 : index
        %swap3A_84 = tpu.vector_load %arg11[%swap3A_82, %swap3A_83] {strides = array<i32>} : memref<128x144xf32, #tpu.memory_space<vmem>>, vector<1x16xf32>,
        %swap3A_85 = vector.shape_cast %swap3A_84 : vector<1x16xf32> to vector<16xf32>
        %swap3A_86 = vector.shape_cast %mul3A_81 : vector<16xf32> to vector<1x16xf32>
        tpu.vector_store %arg11[%swap3A_82, %swap3A_83], %swap3A_86 {strides = array<i32>} : memref<128x144xf32, #tpu.memory_space<vmem>>, vector<1x16xf32>,
        %get3A_87 = arith.index_cast %add3A_54 : i32 to index
        %get3A_88 = arith.constant 48 : index
        %get3A_89 = tpu.vector_load %arg11[%get3A_87, %get3A_88] {strides = array<i32>} : memref<128x144xf32, #tpu.memory_space<vmem>>, vector<1x16xf32>,
        %get3A_90 = vector.shape_cast %get3A_89 : vector<1x16xf32> to vector<16xf32>
        %mul3A_91 = vector.broadcast %squeeze3A : f32 to vector<16xf32>
        %mul3A_92 = arith.mulf %get3A_90, %mul3A_91 : vector<16xf32>
        %swap3A_93 = arith.index_cast %add3A_54 : i32 to index
        %swap3A_94 = arith.constant 48 : index
        %swap3A_95 = tpu.vector_load %arg11[%swap3A_93, %swap3A_94] {strides = array<i32>} : memref<128x144xf32, #tpu.memory_space<vmem>>, vector<1x16xf32>,
        %swap3A_96 = vector.shape_cast %swap3A_95 : vector<1x16xf32> to vector<16xf32>
        %swap3A_97 = vector.shape_cast %mul3A_92 : vector<16xf32> to vector<1x16xf32>
        tpu.vector_store %arg11[%swap3A_93, %swap3A_94], %swap3A_97 {strides = array<i32>} : memref<128x144xf32, #tpu.memory_space<vmem>>, vector<1x16xf32>,
        %get3A_98 = arith.index_cast %add3A_54 : i32 to index
        %get3A_99 = arith.constant 64 : index
        %get3A_100 = tpu.vector_load %arg11[%get3A_98, %get3A_99] {strides = array<i32>} : memref<128x144xf32, #tpu.memory_space<vmem>>, vector<1x16xf32>,
        %get3A_101 = vector.shape_cast %get3A_100 : vector<1x16xf32> to vector<16xf32>
        %mul3A_102 = vector.broadcast %squeeze3A : f32 to vector<16xf32>
        %mul3A_103 = arith.mulf %get3A_101, %mul3A_102 : vector<16xf32>
        %swap3A_104 = arith.index_cast %add3A_54 : i32 to index
        %swap3A_105 = arith.constant 64 : index
        %swap3A_106 = tpu.vector_load %arg11[%swap3A_104, %swap3A_105] {strides = array<i32>} : memref<128x144xf32, #tpu.memory_space<vmem>>, vector<1x16xf32>,
        %swap3A_107 = vector.shape_cast %swap3A_106 : vector<1x16xf32> to vector<16xf32>
        %swap3A_108 = vector.shape_cast %mul3A_103 : vector<16xf32> to vector<1x16xf32>
        tpu.vector_store %arg11[%swap3A_104, %swap3A_105], %swap3A_108 {strides = array<i32>} : memref<128x144xf32, #tpu.memory_space<vmem>>, vector<1x16xf32>,
        %get3A_109 = arith.index_cast %add3A_54 : i32 to index
        %get3A_110 = arith.constant 80 : index
        %get3A_111 = tpu.vector_load %arg11[%get3A_109, %get3A_110] {strides = array<i32>} : memref<128x144xf32, #tpu.memory_space<vmem>>, vector<1x16xf32>,
        %get3A_112 = vector.shape_cast %get3A_111 : vector<1x16xf32> to vector<16xf32>
        %mul3A_113 = vector.broadcast %squeeze3A : f32 to vector<16xf32>
        %mul3A_114 = arith.mulf %get3A_112, %mul3A_113 : vector<16xf32>
        %swap3A_115 = arith.index_cast %add3A_54 : i32 to index
        %swap3A_116 = arith.constant 80 : index
        %swap3A_117 = tpu.vector_load %arg11[%swap3A_115, %swap3A_116] {strides = array<i32>} : memref<128x144xf32, #tpu.memory_space<vmem>>, vector<1x16xf32>,
        %swap3A_118 = vector.shape_cast %swap3A_117 : vector<1x16xf32> to vector<16xf32>
        %swap3A_119 = vector.shape_cast %mul3A_114 : vector<16xf32> to vector<1x16xf32>
        tpu.vector_store %arg11[%swap3A_115, %swap3A_116], %swap3A_119 {strides = array<i32>} : memref<128x144xf32, #tpu.memory_space<vmem>>, vector<1x16xf32>,
        %get3A_120 = arith.index_cast %add3A_54 : i32 to index
        %get3A_121 = arith.constant 96 : index
        %get3A_122 = tpu.vector_load %arg11[%get3A_120, %get3A_121] {strides = array<i32>} : memref<128x144xf32, #tpu.memory_space<vmem>>, vector<1x16xf32>,
        %get3A_123 = vector.shape_cast %get3A_122 : vector<1x16xf32> to vector<16xf32>
        %mul3A_124 = vector.broadcast %squeeze3A : f32 to vector<16xf32>
        %mul3A_125 = arith.mulf %get3A_123, %mul3A_124 : vector<16xf32>
        %swap3A_126 = arith.index_cast %add3A_54 : i32 to index
        %swap3A_127 = arith.constant 96 : index
        %swap3A_128 = tpu.vector_load %arg11[%swap3A_126, %swap3A_127] {strides = array<i32>} : memref<128x144xf32, #tpu.memory_space<vmem>>, vector<1x16xf32>,
        %swap3A_129 = vector.shape_cast %swap3A_128 : vector<1x16xf32> to vector<16xf32>
        %swap3A_130 = vector.shape_cast %mul3A_125 : vector<16xf32> to vector<1x16xf32>
        tpu.vector_store %arg11[%swap3A_126, %swap3A_127], %swap3A_130 {strides = array<i32>} : memref<128x144xf32, #tpu.memory_space<vmem>>, vector<1x16xf32>,
        %get3A_131 = arith.index_cast %add3A_54 : i32 to index
        %get3A_132 = arith.constant 112 : index
        %get3A_133 = tpu.vector_load %arg11[%get3A_131, %get3A_132] {strides = array<i32>} : memref<128x144xf32, #tpu.memory_space<vmem>>, vector<1x16xf32>,
        %get3A_134 = vector.shape_cast %get3A_133 : vector<1x16xf32> to vector<16xf32>
        %mul3A_135 = vector.broadcast %squeeze3A : f32 to vector<16xf32>
        %mul3A_136 = arith.mulf %get3A_134, %mul3A_135 : vector<16xf32>
        %swap3A_137 = arith.index_cast %add3A_54 : i32 to index
        %swap3A_138 = arith.constant 112 : index
        %swap3A_139 = tpu.vector_load %arg11[%swap3A_137, %swap3A_138] {strides = array<i32>} : memref<128x144xf32, #tpu.memory_space<vmem>>, vector<1x16xf32>,
        %swap3A_140 = vector.shape_cast %swap3A_139 : vector<1x16xf32> to vector<16xf32>
        %swap3A_141 = vector.shape_cast %mul3A_136 : vector<16xf32> to vector<1x16xf32>
        tpu.vector_store %arg11[%swap3A_137, %swap3A_138], %swap3A_141 {strides = array<i32>} : memref<128x144xf32, #tpu.memory_space<vmem>>, vector<1x16xf32>,
        %get3A_142 = arith.index_cast %add3A_54 : i32 to index
        %get3A_143 = arith.constant 128 : index
        %get3A_144 = tpu.vector_load %arg11[%get3A_142, %get3A_143] {strides = array<i32>} : memref<128x144xf32, #tpu.memory_space<vmem>>, vector<1x16xf32>,
        %get3A_145 = vector.shape_cast %get3A_144 : vector<1x16xf32> to vector<16xf32>
        %mul3A_146 = vector.broadcast %squeeze3A : f32 to vector<16xf32>
        %mul3A_147 = arith.mulf %get3A_145, %mul3A_146 : vector<16xf32>
        %swap3A_148 = arith.index_cast %add3A_54 : i32 to index
        %swap3A_149 = arith.constant 128 : index
        %swap3A_150 = tpu.vector_load %arg11[%swap3A_148, %swap3A_149] {strides = array<i32>} : memref<128x144xf32, #tpu.memory_space<vmem>>, vector<1x16xf32>,
        %swap3A_151 = vector.shape_cast %swap3A_150 : vector<1x16xf32> to vector<16xf32>
        %swap3A_152 = vector.shape_cast %mul3A_147 : vector<16xf32> to vector<1x16xf32>
        tpu.vector_store %arg11[%swap3A_148, %swap3A_149], %swap3A_152 {strides = array<i32>} : memref<128x144xf32, #tpu.memory_space<vmem>>, vector<1x16xf32>,
        %slice3A_153 = vector.extract_strided_slice %get3A_50 {offsets = [1], sizes = [1], strides = [1]} : vector<16xf32> to vector<1xf32>
        %squeeze3A_154 = vector.extract %slice3A_153[0] : f32 from vector<1xf32>
        %mul3A_155 = arith.constant 16 : i32
        %mul3A_156 = arith.muli %scan3A_46, %mul3A_155 : i32
        %add3A_157 = arith.constant 1 : i32
        %add3A_158 = arith.addi %mul3A_156, %add3A_157 : i32
        %get3A_159 = arith.index_cast %add3A_158 : i32 to index
        %get3A_160 = arith.constant 0 : index
        %get3A_161 = tpu.vector_load %arg11[%get3A_159, %get3A_160] {strides = array<i32>} : memref<128x144xf32, #tpu.memory_space<vmem>>, vector<1x16xf32>,
        %get3A_162 = vector.shape_cast %get3A_161 : vector<1x16xf32> to vector<16xf32>
        %mul3A_163 = vector.broadcast %squeeze3A_154 : f32 to vector<16xf32>
        %mul3A_164 = arith.mulf %get3A_162, %mul3A_163 : vector<16xf32>
        %swap3A_165 = arith.index_cast %add3A_158 : i32 to index
        %swap3A_166 = arith.constant 0 : index
        %swap3A_167 = tpu.vector_load %arg11[%swap3A_165, %swap3A_166] {strides = array<i32>} : memref<128x144xf32, #tpu.memory_space<vmem>>, vector<1x16xf32>,
        %swap3A_168 = vector.shape_cast %swap3A_167 : vector<1x16xf32> to vector<16xf32>
        %swap3A_169 = vector.shape_cast %mul3A_164 : vector<16xf32> to vector<1x16xf32>
        tpu.vector_store %arg11[%swap3A_165, %swap3A_166], %swap3A_169 {strides = array<i32>} : memref<128x144xf32, #tpu.memory_space<vmem>>, vector<1x16xf32>,
        %get3A_170 = arith.index_cast %add3A_158 : i32 to index
        %get3A_171 = arith.constant 16 : index
        %get3A_172 = tpu.vector_load %arg11[%get3A_170, %get3A_171] {strides = array<i32>} : memref<128x144xf32, #tpu.memory_space<vmem>>, vector<1x16xf32>,
        %get3A_173 = vector.shape_cast %get3A_172 : vector<1x16xf32> to vector<16xf32>
        %mul3A_174 = vector.broadcast %squeeze3A_154 : f32 to vector<16xf32>
        %mul3A_175 = arith.mulf %get3A_173, %mul3A_174 : vector<16xf32>
        %swap3A_176 = arith.index_cast %add3A_158 : i32 to index
        %swap3A_177 = arith.constant 16 : index
        %swap3A_178 = tpu.vector_load %arg11[%swap3A_176, %swap3A_177] {strides = array<i32>} : memref<128x144xf32, #tpu.memory_space<vmem>>, vector<1x16xf32>,
        %swap3A_179 = vector.shape_cast %swap3A_178 : vector<1x16xf32> to vector<16xf32>
        %swap3A_180 = vector.shape_cast %mul3A_175 : vector<16xf32> to vector<1x16xf32>
        tpu.vector_store %arg11[%swap3A_176, %swap3A_177], %swap3A_180 {strides = array<i32>} : memref<128x144xf32, #tpu.memory_space<vmem>>, vector<1x16xf32>,
        %get3A_181 = arith.index_cast %add3A_158 : i32 to index
        %get3A_182 = arith.constant 32 : index
        %get3A_183 = tpu.vector_load %arg11[%get3A_181, %get3A_182] {strides = array<i32>} : memref<128x144xf32, #tpu.memory_space<vmem>>, vector<1x16xf32>,
        %get3A_184 = vector.shape_cast %get3A_183 : vector<1x16xf32> to vector<16xf32>
        %mul3A_185 = vector.broadcast %squeeze3A_154 : f32 to vector<16xf32>
        %mul3A_186 = arith.mulf %get3A_184, %mul3A_185 : vector<16xf32>
        %swap3A_187 = arith.index_cast %add3A_158 : i32 to index
        %swap3A_188 = arith.constant 32 : index
        %swap3A_189 = tpu.vector_load %arg11[%swap3A_187, %swap3A_188] {strides = array<i32>} : memref<128x144xf32, #tpu.memory_space<vmem>>, vector<1x16xf32>,
        %swap3A_190 = vector.shape_cast %swap3A_189 : vector<1x16xf32> to vector<16xf32>
        %swap3A_191 = vector.shape_cast %mul3A_186 : vector<16xf32> to vector<1x16xf32>
        tpu.vector_store %arg11[%swap3A_187, %swap3A_188], %swap3A_191 {strides = array<i32>} : memref<128x144xf32, #tpu.memory_space<vmem>>, vector<1x16xf32>,
        %get3A_192 = arith.index_cast %add3A_158 : i32 to index
        %get3A_193 = arith.constant 48 : index
        %get3A_194 = tpu.vector_load %arg11[%get3A_192, %get3A_193] {strides = array<i32>} : memref<128x144xf32, #tpu.memory_space<vmem>>, vector<1x16xf32>,
        %get3A_195 = vector.shape_cast %get3A_194 : vector<1x16xf32> to vector<16xf32>
        %mul3A_196 = vector.broadcast %squeeze3A_154 : f32 to vector<16xf32>
        %mul3A_197 = arith.mulf %get3A_195, %mul3A_196 : vector<16xf32>
        %swap3A_198 = arith.index_cast %add3A_158 : i32 to index
        %swap3A_199 = arith.constant 48 : index
        %swap3A_200 = tpu.vector_load %arg11[%swap3A_198, %swap3A_199] {strides = array<i32>} : memref<128x144xf32, #tpu.memory_space<vmem>>, vector<1x16xf32>,
        %swap3A_201 = vector.shape_cast %swap3A_200 : vector<1x16xf32> to vector<16xf32>
        %swap3A_202 = vector.shape_cast %mul3A_197 : vector<16xf32> to vector<1x16xf32>
        tpu.vector_store %arg11[%swap3A_198, %swap3A_199], %swap3A_202 {strides = array<i32>} : memref<128x144xf32, #tpu.memory_space<vmem>>, vector<1x16xf32>,
        %get3A_203 = arith.index_cast %add3A_158 : i32 to index
        %get3A_204 = arith.constant 64 : index
        %get3A_205 = tpu.vector_load %arg11[%get3A_203, %get3A_204] {strides = array<i32>} : memref<128x144xf32, #tpu.memory_space<vmem>>, vector<1x16xf32>,
        %get3A_206 = vector.shape_cast %get3A_205 : vector<1x16xf32> to vector<16xf32>
        %mul3A_207 = vector.broadcast %squeeze3A_154 : f32 to vector<16xf32>
        %mul3A_208 = arith.mulf %get3A_206, %mul3A_207 : vector<16xf32>
        %swap3A_209 = arith.index_cast %add3A_158 : i32 to index
        %swap3A_210 = arith.constant 64 : index
        %swap3A_211 = tpu.vector_load %arg11[%swap3A_209, %swap3A_210] {strides = array<i32>} : memref<128x144xf32, #tpu.memory_space<vmem>>, vector<1x16xf32>,
        %swap3A_212 = vector.shape_cast %swap3A_211 : vector<1x16xf32> to vector<16xf32>
        %swap3A_213 = vector.shape_cast %mul3A_208 : vector<16xf32> to vector<1x16xf32>
        tpu.vector_store %arg11[%swap3A_209, %swap3A_210], %swap3A_213 {strides = array<i32>} : memref<128x144xf32, #tpu.memory_space<vmem>>, vector<1x16xf32>,
        %get3A_214 = arith.index_cast %add3A_158 : i32 to index
        %get3A_215 = arith.constant 80 : index
        %get3A_216 = tpu.vector_load %arg11[%get3A_214, %get3A_215] {strides = array<i32>} : memref<128x144xf32, #tpu.memory_space<vmem>>, vector<1x16xf32>,
        %get3A_217 = vector.shape_cast %get3A_216 : vector<1x16xf32> to vector<16xf32>
        %mul3A_218 = vector.broadcast %squeeze3A_154 : f32 to vector<16xf32>
        %mul3A_219 = arith.mulf %get3A_217, %mul3A_218 : vector<16xf32>
        %swap3A_220 = arith.index_cast %add3A_158 : i32 to index
        %swap3A_221 = arith.constant 80 : index
        %swap3A_222 = tpu.vector_load %arg11[%swap3A_220, %swap3A_221] {strides = array<i32>} : memref<128x144xf32, #tpu.memory_space<vmem>>, vector<1x16xf32>,
        %swap3A_223 = vector.shape_cast %swap3A_222 : vector<1x16xf32> to vector<16xf32>
        %swap3A_224 = vector.shape_cast %mul3A_219 : vector<16xf32> to vector<1x16xf32>
        tpu.vector_store %arg11[%swap3A_220, %swap3A_221], %swap3A_224 {strides = array<i32>} : memref<128x144xf32, #tpu.memory_space<vmem>>, vector<1x16xf32>,
        %get3A_225 = arith.index_cast %add3A_158 : i32 to index
        %get3A_226 = arith.constant 96 : index
        %get3A_227 = tpu.vector_load %arg11[%get3A_225, %get3A_226] {strides = array<i32>} : memref<128x144xf32, #tpu.memory_space<vmem>>, vector<1x16xf32>,
        %get3A_228 = vector.shape_cast %get3A_227 : vector<1x16xf32> to vector<16xf32>
        %mul3A_229 = vector.broadcast %squeeze3A_154 : f32 to vector<16xf32>
        %mul3A_230 = arith.mulf %get3A_228, %mul3A_229 : vector<16xf32>
        %swap3A_231 = arith.index_cast %add3A_158 : i32 to index
        %swap3A_232 = arith.constant 96 : index
        %swap3A_233 = tpu.vector_load %arg11[%swap3A_231, %swap3A_232] {strides = array<i32>} : memref<128x144xf32, #tpu.memory_space<vmem>>, vector<1x16xf32>,
        %swap3A_234 = vector.shape_cast %swap3A_233 : vector<1x16xf32> to vector<16xf32>
        %swap3A_235 = vector.shape_cast %mul3A_230 : vector<16xf32> to vector<1x16xf32>
        tpu.vector_store %arg11[%swap3A_231, %swap3A_232], %swap3A_235 {strides = array<i32>} : memref<128x144xf32, #tpu.memory_space<vmem>>, vector<1x16xf32>,
        %get3A_236 = arith.index_cast %add3A_158 : i32 to index
        %get3A_237 = arith.constant 112 : index
        %get3A_238 = tpu.vector_load %arg11[%get3A_236, %get3A_237] {strides = array<i32>} : memref<128x144xf32, #tpu.memory_space<vmem>>, vector<1x16xf32>,
        %get3A_239 = vector.shape_cast %get3A_238 : vector<1x16xf32> to vector<16xf32>
        %mul3A_240 = vector.broadcast %squeeze3A_154 : f32 to vector<16xf32>
        %mul3A_241 = arith.mulf %get3A_239, %mul3A_240 : vector<16xf32>
        %swap3A_242 = arith.index_cast %add3A_158 : i32 to index
        %swap3A_243 = arith.constant 112 : index
        %swap3A_244 = tpu.vector_load %arg11[%swap3A_242, %swap3A_243] {strides = array<i32>} : memref<128x144xf32, #tpu.memory_space<vmem>>, vector<1x16xf32>,
        %swap3A_245 = vector.shape_cast %swap3A_244 : vector<1x16xf32> to vector<16xf32>
        %swap3A_246 = vector.shape_cast %mul3A_241 : vector<16xf32> to vector<1x16xf32>
        tpu.vector_store %arg11[%swap3A_242, %swap3A_243], %swap3A_246 {strides = array<i32>} : memref<128x144xf32, #tpu.memory_space<vmem>>, vector<1x16xf32>,
        %get3A_247 = arith.index_cast %add3A_158 : i32 to index
        %get3A_248 = arith.constant 128 : index
        %get3A_249 = tpu.vector_load %arg11[%get3A_247, %get3A_248] {strides = array<i32>} : memref<128x144xf32, #tpu.memory_space<vmem>>, vector<1x16xf32>,
        %get3A_250 = vector.shape_cast %get3A_249 : vector<1x16xf32> to vector<16xf32>
        %mul3A_251 = vector.broadcast %squeeze3A_154 : f32 to vector<16xf32>
        %mul3A_252 = arith.mulf %get3A_250, %mul3A_251 : vector<16xf32>
        %swap3A_253 = arith.index_cast %add3A_158 : i32 to index
        %swap3A_254 = arith.constant 128 : index
        %swap3A_255 = tpu.vector_load %arg11[%swap3A_253, %swap3A_254] {strides = array<i32>} : memref<128x144xf32, #tpu.memory_space<vmem>>, vector<1x16xf32>,
        %swap3A_256 = vector.shape_cast %swap3A_255 : vector<1x16xf32> to vector<16xf32>
        %swap3A_257 = vector.shape_cast %mul3A_252 : vector<16xf32> to vector<1x16xf32>
        tpu.vector_store %arg11[%swap3A_253, %swap3A_254], %swap3A_257 {strides = array<i32>} : memref<128x144xf32, #tpu.memory_space<vmem>>, vector<1x16xf32>,
        %slice3A_258 = vector.extract_strided_slice %get3A_50 {offsets = [2], sizes = [1], strides = [1]} : vector<16xf32> to vector<1xf32>
        %squeeze3A_259 = vector.extract %slice3A_258[0] : f32 from vector<1xf32>
        %mul3A_260 = arith.constant 16 : i32
        %mul3A_261 = arith.muli %scan3A_46, %mul3A_260 : i32
        %add3A_262 = arith.constant 2 : i32
        %add3A_263 = arith.addi %mul3A_261, %add3A_262 : i32
        %get3A_264 = arith.index_cast %add3A_263 : i32 to index
        %get3A_265 = arith.constant 0 : index
        %get3A_266 = tpu.vector_load %arg11[%get3A_264, %get3A_265] {strides = array<i32>} : memref<128x144xf32, #tpu.memory_space<vmem>>, vector<1x16xf32>,
        %get3A_267 = vector.shape_cast %get3A_266 : vector<1x16xf32> to vector<16xf32>
        %mul3A_268 = vector.broadcast %squeeze3A_259 : f32 to vector<16xf32>
        %mul3A_269 = arith.mulf %get3A_267, %mul3A_268 : vector<16xf32>
        %swap3A_270 = arith.index_cast %add3A_263 : i32 to index
        %swap3A_271 = arith.constant 0 : index
        %swap3A_272 = tpu.vector_load %arg11[%swap3A_270, %swap3A_271] {strides = array<i32>} : memref<128x144xf32, #tpu.memory_space<vmem>>, vector<1x16xf32>,
        %swap3A_273 = vector.shape_cast %swap3A_272 : vector<1x16xf32> to vector<16xf32>
        %swap3A_274 = vector.shape_cast %mul3A_269 : vector<16xf32> to vector<1x16xf32>
        tpu.vector_store %arg11[%swap3A_270, %swap3A_271], %swap3A_274 {strides = array<i32>} : memref<128x144xf32, #tpu.memory_space<vmem>>, vector<1x16xf32>,
        %get3A_275 = arith.index_cast %add3A_263 : i32 to index
        %get3A_276 = arith.constant 16 : index
        %get3A_277 = tpu.vector_load %arg11[%get3A_275, %get3A_276] {strides = array<i32>} : memref<128x144xf32, #tpu.memory_space<vmem>>, vector<1x16xf32>,
        %get3A_278 = vector.shape_cast %get3A_277 : vector<1x16xf32> to vector<16xf32>
        %mul3A_279 = vector.broadcast %squeeze3A_259 : f32 to vector<16xf32>
        %mul3A_280 = arith.mulf %get3A_278, %mul3A_279 : vector<16xf32>
        %swap3A_281 = arith.index_cast %add3A_263 : i32 to index
        %swap3A_282 = arith.constant 16 : index
        %swap3A_283 = tpu.vector_load %arg11[%swap3A_281, %swap3A_282] {strides = array<i32>} : memref<128x144xf32, #tpu.memory_space<vmem>>, vector<1x16xf32>,
        %swap3A_284 = vector.shape_cast %swap3A_283 : vector<1x16xf32> to vector<16xf32>
        %swap3A_285 = vector.shape_cast %mul3A_280 : vector<16xf32> to vector<1x16xf32>
        tpu.vector_store %arg11[%swap3A_281, %swap3A_282], %swap3A_285 {strides = array<i32>} : memref<128x144xf32, #tpu.memory_space<vmem>>, vector<1x16xf32>,
        %get3A_286 = arith.index_cast %add3A_263 : i32 to index
        %get3A_287 = arith.constant 32 : index
        %get3A_288 = tpu.vector_load %arg11[%get3A_286, %get3A_287] {strides = array<i32>} : memref<128x144xf32, #tpu.memory_space<vmem>>, vector<1x16xf32>,
        %get3A_289 = vector.shape_cast %get3A_288 : vector<1x16xf32> to vector<16xf32>
        %mul3A_290 = vector.broadcast %squeeze3A_259 : f32 to vector<16xf32>
        %mul3A_291 = arith.mulf %get3A_289, %mul3A_290 : vector<16xf32>
        %swap3A_292 = arith.index_cast %add3A_263 : i32 to index
        %swap3A_293 = arith.constant 32 : index
        %swap3A_294 = tpu.vector_load %arg11[%swap3A_292, %swap3A_293] {strides = array<i32>} : memref<128x144xf32, #tpu.memory_space<vmem>>, vector<1x16xf32>,
        %swap3A_295 = vector.shape_cast %swap3A_294 : vector<1x16xf32> to vector<16xf32>
        %swap3A_296 = vector.shape_cast %mul3A_291 : vector<16xf32> to vector<1x16xf32>
        tpu.vector_store %arg11[%swap3A_292, %swap3A_293], %swap3A_296 {strides = array<i32>} : memref<128x144xf32, #tpu.memory_space<vmem>>, vector<1x16xf32>,
        %get3A_297 = arith.index_cast %add3A_263 : i32 to index
        %get3A_298 = arith.constant 48 : index
        %get3A_299 = tpu.vector_load %arg11[%get3A_297, %get3A_298] {strides = array<i32>} : memref<128x144xf32, #tpu.memory_space<vmem>>, vector<1x16xf32>,
        %get3A_300 = vector.shape_cast %get3A_299 : vector<1x16xf32> to vector<16xf32>
        %mul3A_301 = vector.broadcast %squeeze3A_259 : f32 to vector<16xf32>
        %mul3A_302 = arith.mulf %get3A_300, %mul3A_301 : vector<16xf32>
        %swap3A_303 = arith.index_cast %add3A_263 : i32 to index
        %swap3A_304 = arith.constant 48 : index
        %swap3A_305 = tpu.vector_load %arg11[%swap3A_303, %swap3A_304] {strides = array<i32>} : memref<128x144xf32, #tpu.memory_space<vmem>>, vector<1x16xf32>,
        %swap3A_306 = vector.shape_cast %swap3A_305 : vector<1x16xf32> to vector<16xf32>
        %swap3A_307 = vector.shape_cast %mul3A_302 : vector<16xf32> to vector<1x16xf32>
        tpu.vector_store %arg11[%swap3A_303, %swap3A_304], %swap3A_307 {strides = array<i32>} : memref<128x144xf32, #tpu.memory_space<vmem>>, vector<1x16xf32>,
        %get3A_308 = arith.index_cast %add3A_263 : i32 to index
        %get3A_309 = arith.constant 64 : index
        %get3A_310 = tpu.vector_load %arg11[%get3A_308, %get3A_309] {strides = array<i32>} : memref<128x144xf32, #tpu.memory_space<vmem>>, vector<1x16xf32>,
        %get3A_311 = vector.shape_cast %get3A_310 : vector<1x16xf32> to vector<16xf32>
        %mul3A_312 = vector.broadcast %squeeze3A_259 : f32 to vector<16xf32>
        %mul3A_313 = arith.mulf %get3A_311, %mul3A_312 : vector<16xf32>
        %swap3A_314 = arith.index_cast %add3A_263 : i32 to index
        %swap3A_315 = arith.constant 64 : index
        %swap3A_316 = tpu.vector_load %arg11[%swap3A_314, %swap3A_315] {strides = array<i32>} : memref<128x144xf32, #tpu.memory_space<vmem>>, vector<1x16xf32>,
        %swap3A_317 = vector.shape_cast %swap3A_316 : vector<1x16xf32> to vector<16xf32>
        %swap3A_318 = vector.shape_cast %mul3A_313 : vector<16xf32> to vector<1x16xf32>
        tpu.vector_store %arg11[%swap3A_314, %swap3A_315], %swap3A_318 {strides = array<i32>} : memref<128x144xf32, #tpu.memory_space<vmem>>, vector<1x16xf32>,
        %get3A_319 = arith.index_cast %add3A_263 : i32 to index
        %get3A_320 = arith.constant 80 : index
        %get3A_321 = tpu.vector_load %arg11[%get3A_319, %get3A_320] {strides = array<i32>} : memref<128x144xf32, #tpu.memory_space<vmem>>, vector<1x16xf32>,
        %get3A_322 = vector.shape_cast %get3A_321 : vector<1x16xf32> to vector<16xf32>
        %mul3A_323 = vector.broadcast %squeeze3A_259 : f32 to vector<16xf32>
        %mul3A_324 = arith.mulf %get3A_322, %mul3A_323 : vector<16xf32>
        %swap3A_325 = arith.index_cast %add3A_263 : i32 to index
        %swap3A_326 = arith.constant 80 : index
        %swap3A_327 = tpu.vector_load %arg11[%swap3A_325, %swap3A_326] {strides = array<i32>} : memref<128x144xf32, #tpu.memory_space<vmem>>, vector<1x16xf32>,
        %swap3A_328 = vector.shape_cast %swap3A_327 : vector<1x16xf32> to vector<16xf32>
        %swap3A_329 = vector.shape_cast %mul3A_324 : vector<16xf32> to vector<1x16xf32>
        tpu.vector_store %arg11[%swap3A_325, %swap3A_326], %swap3A_329 {strides = array<i32>} : memref<128x144xf32, #tpu.memory_space<vmem>>, vector<1x16xf32>,
        %get3A_330 = arith.index_cast %add3A_263 : i32 to index
        %get3A_331 = arith.constant 96 : index
        %get3A_332 = tpu.vector_load %arg11[%get3A_330, %get3A_331] {strides = array<i32>} : memref<128x144xf32, #tpu.memory_space<vmem>>, vector<1x16xf32>,
        %get3A_333 = vector.shape_cast %get3A_332 : vector<1x16xf32> to vector<16xf32>
        %mul3A_334 = vector.broadcast %squeeze3A_259 : f32 to vector<16xf32>
        %mul3A_335 = arith.mulf %get3A_333, %mul3A_334 : vector<16xf32>
        %swap3A_336 = arith.index_cast %add3A_263 : i32 to index
        %swap3A_337 = arith.constant 96 : index
        %swap3A_338 = tpu.vector_load %arg11[%swap3A_336, %swap3A_337] {strides = array<i32>} : memref<128x144xf32, #tpu.memory_space<vmem>>, vector<1x16xf32>,
        %swap3A_339 = vector.shape_cast %swap3A_338 : vector<1x16xf32> to vector<16xf32>
        %swap3A_340 = vector.shape_cast %mul3A_335 : vector<16xf32> to vector<1x16xf32>
        tpu.vector_store %arg11[%swap3A_336, %swap3A_337], %swap3A_340 {strides = array<i32>} : memref<128x144xf32, #tpu.memory_space<vmem>>, vector<1x16xf32>,
        %get3A_341 = arith.index_cast %add3A_263 : i32 to index
        %get3A_342 = arith.constant 112 : index
        %get3A_343 = tpu.vector_load %arg11[%get3A_341, %get3A_342] {strides = array<i32>} : memref<128x144xf32, #tpu.memory_space<vmem>>, vector<1x16xf32>,
        %get3A_344 = vector.shape_cast %get3A_343 : vector<1x16xf32> to vector<16xf32>
        %mul3A_345 = vector.broadcast %squeeze3A_259 : f32 to vector<16xf32>
        %mul3A_346 = arith.mulf %get3A_344, %mul3A_345 : vector<16xf32>
        %swap3A_347 = arith.index_cast %add3A_263 : i32 to index
        %swap3A_348 = arith.constant 112 : index
        %swap3A_349 = tpu.vector_load %arg11[%swap3A_347, %swap3A_348] {strides = array<i32>} : memref<128x144xf32, #tpu.memory_space<vmem>>, vector<1x16xf32>,
        %swap3A_350 = vector.shape_cast %swap3A_349 : vector<1x16xf32> to vector<16xf32>
        %swap3A_351 = vector.shape_cast %mul3A_346 : vector<16xf32> to vector<1x16xf32>
        tpu.vector_store %arg11[%swap3A_347, %swap3A_348], %swap3A_351 {strides = array<i32>} : memref<128x144xf32, #tpu.memory_space<vmem>>, vector<1x16xf32>,
        %get3A_352 = arith.index_cast %add3A_263 : i32 to index
        %get3A_353 = arith.constant 128 : index
        %get3A_354 = tpu.vector_load %arg11[%get3A_352, %get3A_353] {strides = array<i32>} : memref<128x144xf32, #tpu.memory_space<vmem>>, vector<1x16xf32>,
        %get3A_355 = vector.shape_cast %get3A_354 : vector<1x16xf32> to vector<16xf32>
        %mul3A_356 = vector.broadcast %squeeze3A_259 : f32 to vector<16xf32>
        %mul3A_357 = arith.mulf %get3A_355, %mul3A_356 : vector<16xf32>
        %swap3A_358 = arith.index_cast %add3A_263 : i32 to index
        %swap3A_359 = arith.constant 128 : index
        %swap3A_360 = tpu.vector_load %arg11[%swap3A_358, %swap3A_359] {strides = array<i32>} : memref<128x144xf32, #tpu.memory_space<vmem>>, vector<1x16xf32>,
        %swap3A_361 = vector.shape_cast %swap3A_360 : vector<1x16xf32> to vector<16xf32>
        %swap3A_362 = vector.shape_cast %mul3A_357 : vector<16xf32> to vector<1x16xf32>
        tpu.vector_store %arg11[%swap3A_358, %swap3A_359], %swap3A_362 {strides = array<i32>} : memref<128x144xf32, #tpu.memory_space<vmem>>, vector<1x16xf32>,
        %slice3A_363 = vector.extract_strided_slice %get3A_50 {offsets = [3], sizes = [1], strides = [1]} : vector<16xf32> to vector<1xf32>
        %squeeze3A_364 = vector.extract %slice3A_363[0] : f32 from vector<1xf32>
        %mul3A_365 = arith.constant 16 : i32
        %mul3A_366 = arith.muli %scan3A_46, %mul3A_365 : i32
        %add3A_367 = arith.constant 3 : i32
        %add3A_368 = arith.addi %mul3A_366, %add3A_367 : i32
        %get3A_369 = arith.index_cast %add3A_368 : i32 to index
        %get3A_370 = arith.constant 0 : index
        %get3A_371 = tpu.vector_load %arg11[%get3A_369, %get3A_370] {strides = array<i32>} : memref<128x144xf32, #tpu.memory_space<vmem>>, vector<1x16xf32>,
        %get3A_372 = vector.shape_cast %get3A_371 : vector<1x16xf32> to vector<16xf32>
        %mul3A_373 = vector.broadcast %squeeze3A_364 : f32 to vector<16xf32>
        %mul3A_374 = arith.mulf %get3A_372, %mul3A_373 : vector<16xf32>
        %swap3A_375 = arith.index_cast %add3A_368 : i32 to index
        %swap3A_376 = arith.constant 0 : index
        %swap3A_377 = tpu.vector_load %arg11[%swap3A_375, %swap3A_376] {strides = array<i32>} : memref<128x144xf32, #tpu.memory_space<vmem>>, vector<1x16xf32>,
        %swap3A_378 = vector.shape_cast %swap3A_377 : vector<1x16xf32> to vector<16xf32>
        %swap3A_379 = vector.shape_cast %mul3A_374 : vector<16xf32> to vector<1x16xf32>
        tpu.vector_store %arg11[%swap3A_375, %swap3A_376], %swap3A_379 {strides = array<i32>} : memref<128x144xf32, #tpu.memory_space<vmem>>, vector<1x16xf32>,
        %get3A_380 = arith.index_cast %add3A_368 : i32 to index
        %get3A_381 = arith.constant 16 : index
        %get3A_382 = tpu.vector_load %arg11[%get3A_380, %get3A_381] {strides = array<i32>} : memref<128x144xf32, #tpu.memory_space<vmem>>, vector<1x16xf32>,
        %get3A_383 = vector.shape_cast %get3A_382 : vector<1x16xf32> to vector<16xf32>
        %mul3A_384 = vector.broadcast %squeeze3A_364 : f32 to vector<16xf32>
        %mul3A_385 = arith.mulf %get3A_383, %mul3A_384 : vector<16xf32>
        %swap3A_386 = arith.index_cast %add3A_368 : i32 to index
        %swap3A_387 = arith.constant 16 : index
        %swap3A_388 = tpu.vector_load %arg11[%swap3A_386, %swap3A_387] {strides = array<i32>} : memref<128x144xf32, #tpu.memory_space<vmem>>, vector<1x16xf32>,
        %swap3A_389 = vector.shape_cast %swap3A_388 : vector<1x16xf32> to vector<16xf32>
        %swap3A_390 = vector.shape_cast %mul3A_385 : vector<16xf32> to vector<1x16xf32>
        tpu.vector_store %arg11[%swap3A_386, %swap3A_387], %swap3A_390 {strides = array<i32>} : memref<128x144xf32, #tpu.memory_space<vmem>>, vector<1x16xf32>,
        %get3A_391 = arith.index_cast %add3A_368 : i32 to index
        %get3A_392 = arith.constant 32 : index
        %get3A_393 = tpu.vector_load %arg11[%get3A_391, %get3A_392] {strides = array<i32>} : memref<128x144xf32, #tpu.memory_space<vmem>>, vector<1x16xf32>,
        %get3A_394 = vector.shape_cast %get3A_393 : vector<1x16xf32> to vector<16xf32>
        %mul3A_395 = vector.broadcast %squeeze3A_364 : f32 to vector<16xf32>
        %mul3A_396 = arith.mulf %get3A_394, %mul3A_395 : vector<16xf32>
        %swap3A_397 = arith.index_cast %add3A_368 : i32 to index
        %swap3A_398 = arith.constant 32 : index
        %swap3A_399 = tpu.vector_load %arg11[%swap3A_397, %swap3A_398] {strides = array<i32>} : memref<128x144xf32, #tpu.memory_space<vmem>>, vector<1x16xf32>,
        %swap3A_400 = vector.shape_cast %swap3A_399 : vector<1x16xf32> to vector<16xf32>
        %swap3A_401 = vector.shape_cast %mul3A_396 : vector<16xf32> to vector<1x16xf32>
        tpu.vector_store %arg11[%swap3A_397, %swap3A_398], %swap3A_401 {strides = array<i32>} : memref<128x144xf32, #tpu.memory_space<vmem>>, vector<1x16xf32>,
        %get3A_402 = arith.index_cast %add3A_368 : i32 to index
        %get3A_403 = arith.constant 48 : index
        %get3A_404 = tpu.vector_load %arg11[%get3A_402, %get3A_403] {strides = array<i32>} : memref<128x144xf32, #tpu.memory_space<vmem>>, vector<1x16xf32>,
        %get3A_405 = vector.shape_cast %get3A_404 : vector<1x16xf32> to vector<16xf32>
        %mul3A_406 = vector.broadcast %squeeze3A_364 : f32 to vector<16xf32>
        %mul3A_407 = arith.mulf %get3A_405, %mul3A_406 : vector<16xf32>
        %swap3A_408 = arith.index_cast %add3A_368 : i32 to index
        %swap3A_409 = arith.constant 48 : index
        %swap3A_410 = tpu.vector_load %arg11[%swap3A_408, %swap3A_409] {strides = array<i32>} : memref<128x144xf32, #tpu.memory_space<vmem>>, vector<1x16xf32>,
        %swap3A_411 = vector.shape_cast %swap3A_410 : vector<1x16xf32> to vector<16xf32>
        %swap3A_412 = vector.shape_cast %mul3A_407 : vector<16xf32> to vector<1x16xf32>
        tpu.vector_store %arg11[%swap3A_408, %swap3A_409], %swap3A_412 {strides = array<i32>} : memref<128x144xf32, #tpu.memory_space<vmem>>, vector<1x16xf32>,
        %get3A_413 = arith.index_cast %add3A_368 : i32 to index
        %get3A_414 = arith.constant 64 : index
        %get3A_415 = tpu.vector_load %arg11[%get3A_413, %get3A_414] {strides = array<i32>} : memref<128x144xf32, #tpu.memory_space<vmem>>, vector<1x16xf32>,
        %get3A_416 = vector.shape_cast %get3A_415 : vector<1x16xf32> to vector<16xf32>
        %mul3A_417 = vector.broadcast %squeeze3A_364 : f32 to vector<16xf32>
        %mul3A_418 = arith.mulf %get3A_416, %mul3A_417 : vector<16xf32>
        %swap3A_419 = arith.index_cast %add3A_368 : i32 to index
        %swap3A_420 = arith.constant 64 : index
        %swap3A_421 = tpu.vector_load %arg11[%swap3A_419, %swap3A_420] {strides = array<i32>} : memref<128x144xf32, #tpu.memory_space<vmem>>, vector<1x16xf32>,
        %swap3A_422 = vector.shape_cast %swap3A_421 : vector<1x16xf32> to vector<16xf32>
        %swap3A_423 = vector.shape_cast %mul3A_418 : vector<16xf32> to vector<1x16xf32>
        tpu.vector_store %arg11[%swap3A_419, %swap3A_420], %swap3A_423 {strides = array<i32>} : memref<128x144xf32, #tpu.memory_space<vmem>>, vector<1x16xf32>,
        %get3A_424 = arith.index_cast %add3A_368 : i32 to index
        %get3A_425 = arith.constant 80 : index
        %get3A_426 = tpu.vector_load %arg11[%get3A_424, %get3A_425] {strides = array<i32>} : memref<128x144xf32, #tpu.memory_space<vmem>>, vector<1x16xf32>,
        %get3A_427 = vector.shape_cast %get3A_426 : vector<1x16xf32> to vector<16xf32>
        %mul3A_428 = vector.broadcast %squeeze3A_364 : f32 to vector<16xf32>
        %mul3A_429 = arith.mulf %get3A_427, %mul3A_428 : vector<16xf32>
        %swap3A_430 = arith.index_cast %add3A_368 : i32 to index
        %swap3A_431 = arith.constant 80 : index
        %swap3A_432 = tpu.vector_load %arg11[%swap3A_430, %swap3A_431] {strides = array<i32>} : memref<128x144xf32, #tpu.memory_space<vmem>>, vector<1x16xf32>,
        %swap3A_433 = vector.shape_cast %swap3A_432 : vector<1x16xf32> to vector<16xf32>
        %swap3A_434 = vector.shape_cast %mul3A_429 : vector<16xf32> to vector<1x16xf32>
        tpu.vector_store %arg11[%swap3A_430, %swap3A_431], %swap3A_434 {strides = array<i32>} : memref<128x144xf32, #tpu.memory_space<vmem>>, vector<1x16xf32>,
        %get3A_435 = arith.index_cast %add3A_368 : i32 to index
        %get3A_436 = arith.constant 96 : index
        %get3A_437 = tpu.vector_load %arg11[%get3A_435, %get3A_436] {strides = array<i32>} : memref<128x144xf32, #tpu.memory_space<vmem>>, vector<1x16xf32>,
        %get3A_438 = vector.shape_cast %get3A_437 : vector<1x16xf32> to vector<16xf32>
        %mul3A_439 = vector.broadcast %squeeze3A_364 : f32 to vector<16xf32>
        %mul3A_440 = arith.mulf %get3A_438, %mul3A_439 : vector<16xf32>
        %swap3A_441 = arith.index_cast %add3A_368 : i32 to index
        %swap3A_442 = arith.constant 96 : index
        %swap3A_443 = tpu.vector_load %arg11[%swap3A_441, %swap3A_442] {strides = array<i32>} : memref<128x144xf32, #tpu.memory_space<vmem>>, vector<1x16xf32>,
        %swap3A_444 = vector.shape_cast %swap3A_443 : vector<1x16xf32> to vector<16xf32>
        %swap3A_445 = vector.shape_cast %mul3A_440 : vector<16xf32> to vector<1x16xf32>
        tpu.vector_store %arg11[%swap3A_441, %swap3A_442], %swap3A_445 {strides = array<i32>} : memref<128x144xf32, #tpu.memory_space<vmem>>, vector<1x16xf32>,
        %get3A_446 = arith.index_cast %add3A_368 : i32 to index
        %get3A_447 = arith.constant 112 : index
        %get3A_448 = tpu.vector_load %arg11[%get3A_446, %get3A_447] {strides = array<i32>} : memref<128x144xf32, #tpu.memory_space<vmem>>, vector<1x16xf32>,
        %get3A_449 = vector.shape_cast %get3A_448 : vector<1x16xf32> to vector<16xf32>
        %mul3A_450 = vector.broadcast %squeeze3A_364 : f32 to vector<16xf32>
        %mul3A_451 = arith.mulf %get3A_449, %mul3A_450 : vector<16xf32>
        %swap3A_452 = arith.index_cast %add3A_368 : i32 to index
        %swap3A_453 = arith.constant 112 : index
        %swap3A_454 = tpu.vector_load %arg11[%swap3A_452, %swap3A_453] {strides = array<i32>} : memref<128x144xf32, #tpu.memory_space<vmem>>, vector<1x16xf32>,
        %swap3A_455 = vector.shape_cast %swap3A_454 : vector<1x16xf32> to vector<16xf32>
        %swap3A_456 = vector.shape_cast %mul3A_451 : vector<16xf32> to vector<1x16xf32>
        tpu.vector_store %arg11[%swap3A_452, %swap3A_453], %swap3A_456 {strides = array<i32>} : memref<128x144xf32, #tpu.memory_space<vmem>>, vector<1x16xf32>,
        %get3A_457 = arith.index_cast %add3A_368 : i32 to index
        %get3A_458 = arith.constant 128 : index
        %get3A_459 = tpu.vector_load %arg11[%get3A_457, %get3A_458] {strides = array<i32>} : memref<128x144xf32, #tpu.memory_space<vmem>>, vector<1x16xf32>,
        %get3A_460 = vector.shape_cast %get3A_459 : vector<1x16xf32> to vector<16xf32>
        %mul3A_461 = vector.broadcast %squeeze3A_364 : f32 to vector<16xf32>
        %mul3A_462 = arith.mulf %get3A_460, %mul3A_461 : vector<16xf32>
        %swap3A_463 = arith.index_cast %add3A_368 : i32 to index
        %swap3A_464 = arith.constant 128 : index
        %swap3A_465 = tpu.vector_load %arg11[%swap3A_463, %swap3A_464] {strides = array<i32>} : memref<128x144xf32, #tpu.memory_space<vmem>>, vector<1x16xf32>,
        %swap3A_466 = vector.shape_cast %swap3A_465 : vector<1x16xf32> to vector<16xf32>
        %swap3A_467 = vector.shape_cast %mul3A_462 : vector<16xf32> to vector<1x16xf32>
        tpu.vector_store %arg11[%swap3A_463, %swap3A_464], %swap3A_467 {strides = array<i32>} : memref<128x144xf32, #tpu.memory_space<vmem>>, vector<1x16xf32>,
        %slice3A_468 = vector.extract_strided_slice %get3A_50 {offsets = [4], sizes = [1], strides = [1]} : vector<16xf32> to vector<1xf32>
        %squeeze3A_469 = vector.extract %slice3A_468[0] : f32 from vector<1xf32>
        %mul3A_470 = arith.constant 16 : i32
        %mul3A_471 = arith.muli %scan3A_46, %mul3A_470 : i32
        %add3A_472 = arith.constant 4 : i32
        %add3A_473 = arith.addi %mul3A_471, %add3A_472 : i32
        %get3A_474 = arith.index_cast %add3A_473 : i32 to index
        %get3A_475 = arith.constant 0 : index
        %get3A_476 = tpu.vector_load %arg11[%get3A_474, %get3A_475] {strides = array<i32>} : memref<128x144xf32, #tpu.memory_space<vmem>>, vector<1x16xf32>,
        %get3A_477 = vector.shape_cast %get3A_476 : vector<1x16xf32> to vector<16xf32>
        %mul3A_478 = vector.broadcast %squeeze3A_469 : f32 to vector<16xf32>
        %mul3A_479 = arith.mulf %get3A_477, %mul3A_478 : vector<16xf32>
        %swap3A_480 = arith.index_cast %add3A_473 : i32 to index
        %swap3A_481 = arith.constant 0 : index
        %swap3A_482 = tpu.vector_load %arg11[%swap3A_480, %swap3A_481] {strides = array<i32>} : memref<128x144xf32, #tpu.memory_space<vmem>>, vector<1x16xf32>,
        %swap3A_483 = vector.shape_cast %swap3A_482 : vector<1x16xf32> to vector<16xf32>
        %swap3A_484 = vector.shape_cast %mul3A_479 : vector<16xf32> to vector<1x16xf32>
        tpu.vector_store %arg11[%swap3A_480, %swap3A_481], %swap3A_484 {strides = array<i32>} : memref<128x144xf32, #tpu.memory_space<vmem>>, vector<1x16xf32>,
        %get3A_485 = arith.index_cast %add3A_473 : i32 to index
        %get3A_486 = arith.constant 16 : index
        %get3A_487 = tpu.vector_load %arg11[%get3A_485, %get3A_486] {strides = array<i32>} : memref<128x144xf32, #tpu.memory_space<vmem>>, vector<1x16xf32>,
        %get3A_488 = vector.shape_cast %get3A_487 : vector<1x16xf32> to vector<16xf32>
        %mul3A_489 = vector.broadcast %squeeze3A_469 : f32 to vector<16xf32>
        %mul3A_490 = arith.mulf %get3A_488, %mul3A_489 : vector<16xf32>
        %swap3A_491 = arith.index_cast %add3A_473 : i32 to index
        %swap3A_492 = arith.constant 16 : index
        %swap3A_493 = tpu.vector_load %arg11[%swap3A_491, %swap3A_492] {strides = array<i32>} : memref<128x144xf32, #tpu.memory_space<vmem>>, vector<1x16xf32>,
        %swap3A_494 = vector.shape_cast %swap3A_493 : vector<1x16xf32> to vector<16xf32>
        %swap3A_495 = vector.shape_cast %mul3A_490 : vector<16xf32> to vector<1x16xf32>
        tpu.vector_store %arg11[%swap3A_491, %swap3A_492], %swap3A_495 {strides = array<i32>} : memref<128x144xf32, #tpu.memory_space<vmem>>, vector<1x16xf32>,
        %get3A_496 = arith.index_cast %add3A_473 : i32 to index
        %get3A_497 = arith.constant 32 : index
        %get3A_498 = tpu.vector_load %arg11[%get3A_496, %get3A_497] {strides = array<i32>} : memref<128x144xf32, #tpu.memory_space<vmem>>, vector<1x16xf32>,
        %get3A_499 = vector.shape_cast %get3A_498 : vector<1x16xf32> to vector<16xf32>
        %mul3A_500 = vector.broadcast %squeeze3A_469 : f32 to vector<16xf32>
        %mul3A_501 = arith.mulf %get3A_499, %mul3A_500 : vector<16xf32>
        %swap3A_502 = arith.index_cast %add3A_473 : i32 to index
        %swap3A_503 = arith.constant 32 : index
        %swap3A_504 = tpu.vector_load %arg11[%swap3A_502, %swap3A_503] {strides = array<i32>} : memref<128x144xf32, #tpu.memory_space<vmem>>, vector<1x16xf32>,
        %swap3A_505 = vector.shape_cast %swap3A_504 : vector<1x16xf32> to vector<16xf32>
        %swap3A_506 = vector.shape_cast %mul3A_501 : vector<16xf32> to vector<1x16xf32>
        tpu.vector_store %arg11[%swap3A_502, %swap3A_503], %swap3A_506 {strides = array<i32>} : memref<128x144xf32, #tpu.memory_space<vmem>>, vector<1x16xf32>,
        %get3A_507 = arith.index_cast %add3A_473 : i32 to index
        %get3A_508 = arith.constant 48 : index
        %get3A_509 = tpu.vector_load %arg11[%get3A_507, %get3A_508] {strides = array<i32>} : memref<128x144xf32, #tpu.memory_space<vmem>>, vector<1x16xf32>,
        %get3A_510 = vector.shape_cast %get3A_509 : vector<1x16xf32> to vector<16xf32>
        %mul3A_511 = vector.broadcast %squeeze3A_469 : f32 to vector<16xf32>
        %mul3A_512 = arith.mulf %get3A_510, %mul3A_511 : vector<16xf32>
        %swap3A_513 = arith.index_cast %add3A_473 : i32 to index
        %swap3A_514 = arith.constant 48 : index
        %swap3A_515 = tpu.vector_load %arg11[%swap3A_513, %swap3A_514] {strides = array<i32>} : memref<128x144xf32, #tpu.memory_space<vmem>>, vector<1x16xf32>,
        %swap3A_516 = vector.shape_cast %swap3A_515 : vector<1x16xf32> to vector<16xf32>
        %swap3A_517 = vector.shape_cast %mul3A_512 : vector<16xf32> to vector<1x16xf32>
        tpu.vector_store %arg11[%swap3A_513, %swap3A_514], %swap3A_517 {strides = array<i32>} : memref<128x144xf32, #tpu.memory_space<vmem>>, vector<1x16xf32>,
        %get3A_518 = arith.index_cast %add3A_473 : i32 to index
        %get3A_519 = arith.constant 64 : index
        %get3A_520 = tpu.vector_load %arg11[%get3A_518, %get3A_519] {strides = array<i32>} : memref<128x144xf32, #tpu.memory_space<vmem>>, vector<1x16xf32>,
        %get3A_521 = vector.shape_cast %get3A_520 : vector<1x16xf32> to vector<16xf32>
        %mul3A_522 = vector.broadcast %squeeze3A_469 : f32 to vector<16xf32>
        %mul3A_523 = arith.mulf %get3A_521, %mul3A_522 : vector<16xf32>
        %swap3A_524 = arith.index_cast %add3A_473 : i32 to index
        %swap3A_525 = arith.constant 64 : index
        %swap3A_526 = tpu.vector_load %arg11[%swap3A_524, %swap3A_525] {strides = array<i32>} : memref<128x144xf32, #tpu.memory_space<vmem>>, vector<1x16xf32>,
        %swap3A_527 = vector.shape_cast %swap3A_526 : vector<1x16xf32> to vector<16xf32>
        %swap3A_528 = vector.shape_cast %mul3A_523 : vector<16xf32> to vector<1x16xf32>
        tpu.vector_store %arg11[%swap3A_524, %swap3A_525], %swap3A_528 {strides = array<i32>} : memref<128x144xf32, #tpu.memory_space<vmem>>, vector<1x16xf32>,
        %get3A_529 = arith.index_cast %add3A_473 : i32 to index
        %get3A_530 = arith.constant 80 : index
        %get3A_531 = tpu.vector_load %arg11[%get3A_529, %get3A_530] {strides = array<i32>} : memref<128x144xf32, #tpu.memory_space<vmem>>, vector<1x16xf32>,
        %get3A_532 = vector.shape_cast %get3A_531 : vector<1x16xf32> to vector<16xf32>
        %mul3A_533 = vector.broadcast %squeeze3A_469 : f32 to vector<16xf32>
        %mul3A_534 = arith.mulf %get3A_532, %mul3A_533 : vector<16xf32>
        %swap3A_535 = arith.index_cast %add3A_473 : i32 to index
        %swap3A_536 = arith.constant 80 : index
        %swap3A_537 = tpu.vector_load %arg11[%swap3A_535, %swap3A_536] {strides = array<i32>} : memref<128x144xf32, #tpu.memory_space<vmem>>, vector<1x16xf32>,
        %swap3A_538 = vector.shape_cast %swap3A_537 : vector<1x16xf32> to vector<16xf32>
        %swap3A_539 = vector.shape_cast %mul3A_534 : vector<16xf32> to vector<1x16xf32>
        tpu.vector_store %arg11[%swap3A_535, %swap3A_536], %swap3A_539 {strides = array<i32>} : memref<128x144xf32, #tpu.memory_space<vmem>>, vector<1x16xf32>,
        %get3A_540 = arith.index_cast %add3A_473 : i32 to index
        %get3A_541 = arith.constant 96 : index
        %get3A_542 = tpu.vector_load %arg11[%get3A_540, %get3A_541] {strides = array<i32>} : memref<128x144xf32, #tpu.memory_space<vmem>>, vector<1x16xf32>,
        %get3A_543 = vector.shape_cast %get3A_542 : vector<1x16xf32> to vector<16xf32>
        %mul3A_544 = vector.broadcast %squeeze3A_469 : f32 to vector<16xf32>
        %mul3A_545 = arith.mulf %get3A_543, %mul3A_544 : vector<16xf32>
        %swap3A_546 = arith.index_cast %add3A_473 : i32 to index
        %swap3A_547 = arith.constant 96 : index
        %swap3A_548 = tpu.vector_load %arg11[%swap3A_546, %swap3A_547] {strides = array<i32>} : memref<128x144xf32, #tpu.memory_space<vmem>>, vector<1x16xf32>,
        %swap3A_549 = vector.shape_cast %swap3A_548 : vector<1x16xf32> to vector<16xf32>
        %swap3A_550 = vector.shape_cast %mul3A_545 : vector<16xf32> to vector<1x16xf32>
        tpu.vector_store %arg11[%swap3A_546, %swap3A_547], %swap3A_550 {strides = array<i32>} : memref<128x144xf32, #tpu.memory_space<vmem>>, vector<1x16xf32>,
        %get3A_551 = arith.index_cast %add3A_473 : i32 to index
        %get3A_552 = arith.constant 112 : index
        %get3A_553 = tpu.vector_load %arg11[%get3A_551, %get3A_552] {strides = array<i32>} : memref<128x144xf32, #tpu.memory_space<vmem>>, vector<1x16xf32>,
        %get3A_554 = vector.shape_cast %get3A_553 : vector<1x16xf32> to vector<16xf32>
        %mul3A_555 = vector.broadcast %squeeze3A_469 : f32 to vector<16xf32>
        %mul3A_556 = arith.mulf %get3A_554, %mul3A_555 : vector<16xf32>
        %swap3A_557 = arith.index_cast %add3A_473 : i32 to index
        %swap3A_558 = arith.constant 112 : index
        %swap3A_559 = tpu.vector_load %arg11[%swap3A_557, %swap3A_558] {strides = array<i32>} : memref<128x144xf32, #tpu.memory_space<vmem>>, vector<1x16xf32>,
        %swap3A_560 = vector.shape_cast %swap3A_559 : vector<1x16xf32> to vector<16xf32>
        %swap3A_561 = vector.shape_cast %mul3A_556 : vector<16xf32> to vector<1x16xf32>
        tpu.vector_store %arg11[%swap3A_557, %swap3A_558], %swap3A_561 {strides = array<i32>} : memref<128x144xf32, #tpu.memory_space<vmem>>, vector<1x16xf32>,
        %get3A_562 = arith.index_cast %add3A_473 : i32 to index
        %get3A_563 = arith.constant 128 : index
        %get3A_564 = tpu.vector_load %arg11[%get3A_562, %get3A_563] {strides = array<i32>} : memref<128x144xf32, #tpu.memory_space<vmem>>, vector<1x16xf32>,
        %get3A_565 = vector.shape_cast %get3A_564 : vector<1x16xf32> to vector<16xf32>
        %mul3A_566 = vector.broadcast %squeeze3A_469 : f32 to vector<16xf32>
        %mul3A_567 = arith.mulf %get3A_565, %mul3A_566 : vector<16xf32>
        %swap3A_568 = arith.index_cast %add3A_473 : i32 to index
        %swap3A_569 = arith.constant 128 : index
        %swap3A_570 = tpu.vector_load %arg11[%swap3A_568, %swap3A_569] {strides = array<i32>} : memref<128x144xf32, #tpu.memory_space<vmem>>, vector<1x16xf32>,
        %swap3A_571 = vector.shape_cast %swap3A_570 : vector<1x16xf32> to vector<16xf32>
        %swap3A_572 = vector.shape_cast %mul3A_567 : vector<16xf32> to vector<1x16xf32>
        tpu.vector_store %arg11[%swap3A_568, %swap3A_569], %swap3A_572 {strides = array<i32>} : memref<128x144xf32, #tpu.memory_space<vmem>>, vector<1x16xf32>,
        %slice3A_573 = vector.extract_strided_slice %get3A_50 {offsets = [5], sizes = [1], strides = [1]} : vector<16xf32> to vector<1xf32>
        %squeeze3A_574 = vector.extract %slice3A_573[0] : f32 from vector<1xf32>
        %mul3A_575 = arith.constant 16 : i32
        %mul3A_576 = arith.muli %scan3A_46, %mul3A_575 : i32
        %add3A_577 = arith.constant 5 : i32
        %add3A_578 = arith.addi %mul3A_576, %add3A_577 : i32
        %get3A_579 = arith.index_cast %add3A_578 : i32 to index
        %get3A_580 = arith.constant 0 : index
        %get3A_581 = tpu.vector_load %arg11[%get3A_579, %get3A_580] {strides = array<i32>} : memref<128x144xf32, #tpu.memory_space<vmem>>, vector<1x16xf32>,
        %get3A_582 = vector.shape_cast %get3A_581 : vector<1x16xf32> to vector<16xf32>
        %mul3A_583 = vector.broadcast %squeeze3A_574 : f32 to vector<16xf32>
        %mul3A_584 = arith.mulf %get3A_582, %mul3A_583 : vector<16xf32>
        %swap3A_585 = arith.index_cast %add3A_578 : i32 to index
        %swap3A_586 = arith.constant 0 : index
        %swap3A_587 = tpu.vector_load %arg11[%swap3A_585, %swap3A_586] {strides = array<i32>} : memref<128x144xf32, #tpu.memory_space<vmem>>, vector<1x16xf32>,
        %swap3A_588 = vector.shape_cast %swap3A_587 : vector<1x16xf32> to vector<16xf32>
        %swap3A_589 = vector.shape_cast %mul3A_584 : vector<16xf32> to vector<1x16xf32>
        tpu.vector_store %arg11[%swap3A_585, %swap3A_586], %swap3A_589 {strides = array<i32>} : memref<128x144xf32, #tpu.memory_space<vmem>>, vector<1x16xf32>,
        %get3A_590 = arith.index_cast %add3A_578 : i32 to index
        %get3A_591 = arith.constant 16 : index
        %get3A_592 = tpu.vector_load %arg11[%get3A_590, %get3A_591] {strides = array<i32>} : memref<128x144xf32, #tpu.memory_space<vmem>>, vector<1x16xf32>,
        %get3A_593 = vector.shape_cast %get3A_592 : vector<1x16xf32> to vector<16xf32>
        %mul3A_594 = vector.broadcast %squeeze3A_574 : f32 to vector<16xf32>
        %mul3A_595 = arith.mulf %get3A_593, %mul3A_594 : vector<16xf32>
        %swap3A_596 = arith.index_cast %add3A_578 : i32 to index
        %swap3A_597 = arith.constant 16 : index
        %swap3A_598 = tpu.vector_load %arg11[%swap3A_596, %swap3A_597] {strides = array<i32>} : memref<128x144xf32, #tpu.memory_space<vmem>>, vector<1x16xf32>,
        %swap3A_599 = vector.shape_cast %swap3A_598 : vector<1x16xf32> to vector<16xf32>
        %swap3A_600 = vector.shape_cast %mul3A_595 : vector<16xf32> to vector<1x16xf32>
        tpu.vector_store %arg11[%swap3A_596, %swap3A_597], %swap3A_600 {strides = array<i32>} : memref<128x144xf32, #tpu.memory_space<vmem>>, vector<1x16xf32>,
        %get3A_601 = arith.index_cast %add3A_578 : i32 to index
        %get3A_602 = arith.constant 32 : index
        %get3A_603 = tpu.vector_load %arg11[%get3A_601, %get3A_602] {strides = array<i32>} : memref<128x144xf32, #tpu.memory_space<vmem>>, vector<1x16xf32>,
        %get3A_604 = vector.shape_cast %get3A_603 : vector<1x16xf32> to vector<16xf32>
        %mul3A_605 = vector.broadcast %squeeze3A_574 : f32 to vector<16xf32>
        %mul3A_606 = arith.mulf %get3A_604, %mul3A_605 : vector<16xf32>
        %swap3A_607 = arith.index_cast %add3A_578 : i32 to index
        %swap3A_608 = arith.constant 32 : index
        %swap3A_609 = tpu.vector_load %arg11[%swap3A_607, %swap3A_608] {strides = array<i32>} : memref<128x144xf32, #tpu.memory_space<vmem>>, vector<1x16xf32>,
        %swap3A_610 = vector.shape_cast %swap3A_609 : vector<1x16xf32> to vector<16xf32>
        %swap3A_611 = vector.shape_cast %mul3A_606 : vector<16xf32> to vector<1x16xf32>
        tpu.vector_store %arg11[%swap3A_607, %swap3A_608], %swap3A_611 {strides = array<i32>} : memref<128x144xf32, #tpu.memory_space<vmem>>, vector<1x16xf32>,
        %get3A_612 = arith.index_cast %add3A_578 : i32 to index
        %get3A_613 = arith.constant 48 : index
        %get3A_614 = tpu.vector_load %arg11[%get3A_612, %get3A_613] {strides = array<i32>} : memref<128x144xf32, #tpu.memory_space<vmem>>, vector<1x16xf32>,
        %get3A_615 = vector.shape_cast %get3A_614 : vector<1x16xf32> to vector<16xf32>
        %mul3A_616 = vector.broadcast %squeeze3A_574 : f32 to vector<16xf32>
        %mul3A_617 = arith.mulf %get3A_615, %mul3A_616 : vector<16xf32>
        %swap3A_618 = arith.index_cast %add3A_578 : i32 to index
        %swap3A_619 = arith.constant 48 : index
        %swap3A_620 = tpu.vector_load %arg11[%swap3A_618, %swap3A_619] {strides = array<i32>} : memref<128x144xf32, #tpu.memory_space<vmem>>, vector<1x16xf32>,
        %swap3A_621 = vector.shape_cast %swap3A_620 : vector<1x16xf32> to vector<16xf32>
        %swap3A_622 = vector.shape_cast %mul3A_617 : vector<16xf32> to vector<1x16xf32>
        tpu.vector_store %arg11[%swap3A_618, %swap3A_619], %swap3A_622 {strides = array<i32>} : memref<128x144xf32, #tpu.memory_space<vmem>>, vector<1x16xf32>,
        %get3A_623 = arith.index_cast %add3A_578 : i32 to index
        %get3A_624 = arith.constant 64 : index
        %get3A_625 = tpu.vector_load %arg11[%get3A_623, %get3A_624] {strides = array<i32>} : memref<128x144xf32, #tpu.memory_space<vmem>>, vector<1x16xf32>,
        %get3A_626 = vector.shape_cast %get3A_625 : vector<1x16xf32> to vector<16xf32>
        %mul3A_627 = vector.broadcast %squeeze3A_574 : f32 to vector<16xf32>
        %mul3A_628 = arith.mulf %get3A_626, %mul3A_627 : vector<16xf32>
        %swap3A_629 = arith.index_cast %add3A_578 : i32 to index
        %swap3A_630 = arith.constant 64 : index
        %swap3A_631 = tpu.vector_load %arg11[%swap3A_629, %swap3A_630] {strides = array<i32>} : memref<128x144xf32, #tpu.memory_space<vmem>>, vector<1x16xf32>,
        %swap3A_632 = vector.shape_cast %swap3A_631 : vector<1x16xf32> to vector<16xf32>
        %swap3A_633 = vector.shape_cast %mul3A_628 : vector<16xf32> to vector<1x16xf32>
        tpu.vector_store %arg11[%swap3A_629, %swap3A_630], %swap3A_633 {strides = array<i32>} : memref<128x144xf32, #tpu.memory_space<vmem>>, vector<1x16xf32>,
        %get3A_634 = arith.index_cast %add3A_578 : i32 to index
        %get3A_635 = arith.constant 80 : index
        %get3A_636 = tpu.vector_load %arg11[%get3A_634, %get3A_635] {strides = array<i32>} : memref<128x144xf32, #tpu.memory_space<vmem>>, vector<1x16xf32>,
        %get3A_637 = vector.shape_cast %get3A_636 : vector<1x16xf32> to vector<16xf32>
        %mul3A_638 = vector.broadcast %squeeze3A_574 : f32 to vector<16xf32>
        %mul3A_639 = arith.mulf %get3A_637, %mul3A_638 : vector<16xf32>
        %swap3A_640 = arith.index_cast %add3A_578 : i32 to index
        %swap3A_641 = arith.constant 80 : index
        %swap3A_642 = tpu.vector_load %arg11[%swap3A_640, %swap3A_641] {strides = array<i32>} : memref<128x144xf32, #tpu.memory_space<vmem>>, vector<1x16xf32>,
        %swap3A_643 = vector.shape_cast %swap3A_642 : vector<1x16xf32> to vector<16xf32>
        %swap3A_644 = vector.shape_cast %mul3A_639 : vector<16xf32> to vector<1x16xf32>
        tpu.vector_store %arg11[%swap3A_640, %swap3A_641], %swap3A_644 {strides = array<i32>} : memref<128x144xf32, #tpu.memory_space<vmem>>, vector<1x16xf32>,
        %get3A_645 = arith.index_cast %add3A_578 : i32 to index
        %get3A_646 = arith.constant 96 : index
        %get3A_647 = tpu.vector_load %arg11[%get3A_645, %get3A_646] {strides = array<i32>} : memref<128x144xf32, #tpu.memory_space<vmem>>, vector<1x16xf32>,
        %get3A_648 = vector.shape_cast %get3A_647 : vector<1x16xf32> to vector<16xf32>
        %mul3A_649 = vector.broadcast %squeeze3A_574 : f32 to vector<16xf32>
        %mul3A_650 = arith.mulf %get3A_648, %mul3A_649 : vector<16xf32>
        %swap3A_651 = arith.index_cast %add3A_578 : i32 to index
        %swap3A_652 = arith.constant 96 : index
        %swap3A_653 = tpu.vector_load %arg11[%swap3A_651, %swap3A_652] {strides = array<i32>} : memref<128x144xf32, #tpu.memory_space<vmem>>, vector<1x16xf32>,
        %swap3A_654 = vector.shape_cast %swap3A_653 : vector<1x16xf32> to vector<16xf32>
        %swap3A_655 = vector.shape_cast %mul3A_650 : vector<16xf32> to vector<1x16xf32>
        tpu.vector_store %arg11[%swap3A_651, %swap3A_652], %swap3A_655 {strides = array<i32>} : memref<128x144xf32, #tpu.memory_space<vmem>>, vector<1x16xf32>,
        %get3A_656 = arith.index_cast %add3A_578 : i32 to index
        %get3A_657 = arith.constant 112 : index
        %get3A_658 = tpu.vector_load %arg11[%get3A_656, %get3A_657] {strides = array<i32>} : memref<128x144xf32, #tpu.memory_space<vmem>>, vector<1x16xf32>,
        %get3A_659 = vector.shape_cast %get3A_658 : vector<1x16xf32> to vector<16xf32>
        %mul3A_660 = vector.broadcast %squeeze3A_574 : f32 to vector<16xf32>
        %mul3A_661 = arith.mulf %get3A_659, %mul3A_660 : vector<16xf32>
        %swap3A_662 = arith.index_cast %add3A_578 : i32 to index
        %swap3A_663 = arith.constant 112 : index
        %swap3A_664 = tpu.vector_load %arg11[%swap3A_662, %swap3A_663] {strides = array<i32>} : memref<128x144xf32, #tpu.memory_space<vmem>>, vector<1x16xf32>,
        %swap3A_665 = vector.shape_cast %swap3A_664 : vector<1x16xf32> to vector<16xf32>
        %swap3A_666 = vector.shape_cast %mul3A_661 : vector<16xf32> to vector<1x16xf32>
        tpu.vector_store %arg11[%swap3A_662, %swap3A_663], %swap3A_666 {strides = array<i32>} : memref<128x144xf32, #tpu.memory_space<vmem>>, vector<1x16xf32>,
        %get3A_667 = arith.index_cast %add3A_578 : i32 to index
        %get3A_668 = arith.constant 128 : index
        %get3A_669 = tpu.vector_load %arg11[%get3A_667, %get3A_668] {strides = array<i32>} : memref<128x144xf32, #tpu.memory_space<vmem>>, vector<1x16xf32>,
        %get3A_670 = vector.shape_cast %get3A_669 : vector<1x16xf32> to vector<16xf32>
        %mul3A_671 = vector.broadcast %squeeze3A_574 : f32 to vector<16xf32>
        %mul3A_672 = arith.mulf %get3A_670, %mul3A_671 : vector<16xf32>
        %swap3A_673 = arith.index_cast %add3A_578 : i32 to index
        %swap3A_674 = arith.constant 128 : index
        %swap3A_675 = tpu.vector_load %arg11[%swap3A_673, %swap3A_674] {strides = array<i32>} : memref<128x144xf32, #tpu.memory_space<vmem>>, vector<1x16xf32>,
        %swap3A_676 = vector.shape_cast %swap3A_675 : vector<1x16xf32> to vector<16xf32>
        %swap3A_677 = vector.shape_cast %mul3A_672 : vector<16xf32> to vector<1x16xf32>
        tpu.vector_store %arg11[%swap3A_673, %swap3A_674], %swap3A_677 {strides = array<i32>} : memref<128x144xf32, #tpu.memory_space<vmem>>, vector<1x16xf32>,
        %slice3A_678 = vector.extract_strided_slice %get3A_50 {offsets = [6], sizes = [1], strides = [1]} : vector<16xf32> to vector<1xf32>
        %squeeze3A_679 = vector.extract %slice3A_678[0] : f32 from vector<1xf32>
        %mul3A_680 = arith.constant 16 : i32
        %mul3A_681 = arith.muli %scan3A_46, %mul3A_680 : i32
        %add3A_682 = arith.constant 6 : i32
        %add3A_683 = arith.addi %mul3A_681, %add3A_682 : i32
        %get3A_684 = arith.index_cast %add3A_683 : i32 to index
        %get3A_685 = arith.constant 0 : index
        %get3A_686 = tpu.vector_load %arg11[%get3A_684, %get3A_685] {strides = array<i32>} : memref<128x144xf32, #tpu.memory_space<vmem>>, vector<1x16xf32>,
        %get3A_687 = vector.shape_cast %get3A_686 : vector<1x16xf32> to vector<16xf32>
        %mul3A_688 = vector.broadcast %squeeze3A_679 : f32 to vector<16xf32>
        %mul3A_689 = arith.mulf %get3A_687, %mul3A_688 : vector<16xf32>
        %swap3A_690 = arith.index_cast %add3A_683 : i32 to index
        %swap3A_691 = arith.constant 0 : index
        %swap3A_692 = tpu.vector_load %arg11[%swap3A_690, %swap3A_691] {strides = array<i32>} : memref<128x144xf32, #tpu.memory_space<vmem>>, vector<1x16xf32>,
        %swap3A_693 = vector.shape_cast %swap3A_692 : vector<1x16xf32> to vector<16xf32>
        %swap3A_694 = vector.shape_cast %mul3A_689 : vector<16xf32> to vector<1x16xf32>
        tpu.vector_store %arg11[%swap3A_690, %swap3A_691], %swap3A_694 {strides = array<i32>} : memref<128x144xf32, #tpu.memory_space<vmem>>, vector<1x16xf32>,
        %get3A_695 = arith.index_cast %add3A_683 : i32 to index
        %get3A_696 = arith.constant 16 : index
        %get3A_697 = tpu.vector_load %arg11[%get3A_695, %get3A_696] {strides = array<i32>} : memref<128x144xf32, #tpu.memory_space<vmem>>, vector<1x16xf32>,
        %get3A_698 = vector.shape_cast %get3A_697 : vector<1x16xf32> to vector<16xf32>
        %mul3A_699 = vector.broadcast %squeeze3A_679 : f32 to vector<16xf32>
        %mul3A_700 = arith.mulf %get3A_698, %mul3A_699 : vector<16xf32>
        %swap3A_701 = arith.index_cast %add3A_683 : i32 to index
        %swap3A_702 = arith.constant 16 : index
        %swap3A_703 = tpu.vector_load %arg11[%swap3A_701, %swap3A_702] {strides = array<i32>} : memref<128x144xf32, #tpu.memory_space<vmem>>, vector<1x16xf32>,
        %swap3A_704 = vector.shape_cast %swap3A_703 : vector<1x16xf32> to vector<16xf32>
        %swap3A_705 = vector.shape_cast %mul3A_700 : vector<16xf32> to vector<1x16xf32>
        tpu.vector_store %arg11[%swap3A_701, %swap3A_702], %swap3A_705 {strides = array<i32>} : memref<128x144xf32, #tpu.memory_space<vmem>>, vector<1x16xf32>,
        %get3A_706 = arith.index_cast %add3A_683 : i32 to index
        %get3A_707 = arith.constant 32 : index
        %get3A_708 = tpu.vector_load %arg11[%get3A_706, %get3A_707] {strides = array<i32>} : memref<128x144xf32, #tpu.memory_space<vmem>>, vector<1x16xf32>,
        %get3A_709 = vector.shape_cast %get3A_708 : vector<1x16xf32> to vector<16xf32>
        %mul3A_710 = vector.broadcast %squeeze3A_679 : f32 to vector<16xf32>
        %mul3A_711 = arith.mulf %get3A_709, %mul3A_710 : vector<16xf32>
        %swap3A_712 = arith.index_cast %add3A_683 : i32 to index
        %swap3A_713 = arith.constant 32 : index
        %swap3A_714 = tpu.vector_load %arg11[%swap3A_712, %swap3A_713] {strides = array<i32>} : memref<128x144xf32, #tpu.memory_space<vmem>>, vector<1x16xf32>,
        %swap3A_715 = vector.shape_cast %swap3A_714 : vector<1x16xf32> to vector<16xf32>
        %swap3A_716 = vector.shape_cast %mul3A_711 : vector<16xf32> to vector<1x16xf32>
        tpu.vector_store %arg11[%swap3A_712, %swap3A_713], %swap3A_716 {strides = array<i32>} : memref<128x144xf32, #tpu.memory_space<vmem>>, vector<1x16xf32>,
        %get3A_717 = arith.index_cast %add3A_683 : i32 to index
        %get3A_718 = arith.constant 48 : index
        %get3A_719 = tpu.vector_load %arg11[%get3A_717, %get3A_718] {strides = array<i32>} : memref<128x144xf32, #tpu.memory_space<vmem>>, vector<1x16xf32>,
        %get3A_720 = vector.shape_cast %get3A_719 : vector<1x16xf32> to vector<16xf32>
        %mul3A_721 = vector.broadcast %squeeze3A_679 : f32 to vector<16xf32>
        %mul3A_722 = arith.mulf %get3A_720, %mul3A_721 : vector<16xf32>
        %swap3A_723 = arith.index_cast %add3A_683 : i32 to index
        %swap3A_724 = arith.constant 48 : index
        %swap3A_725 = tpu.vector_load %arg11[%swap3A_723, %swap3A_724] {strides = array<i32>} : memref<128x144xf32, #tpu.memory_space<vmem>>, vector<1x16xf32>,
        %swap3A_726 = vector.shape_cast %swap3A_725 : vector<1x16xf32> to vector<16xf32>
        %swap3A_727 = vector.shape_cast %mul3A_722 : vector<16xf32> to vector<1x16xf32>
        tpu.vector_store %arg11[%swap3A_723, %swap3A_724], %swap3A_727 {strides = array<i32>} : memref<128x144xf32, #tpu.memory_space<vmem>>, vector<1x16xf32>,
        %get3A_728 = arith.index_cast %add3A_683 : i32 to index
        %get3A_729 = arith.constant 64 : index
        %get3A_730 = tpu.vector_load %arg11[%get3A_728, %get3A_729] {strides = array<i32>} : memref<128x144xf32, #tpu.memory_space<vmem>>, vector<1x16xf32>,
        %get3A_731 = vector.shape_cast %get3A_730 : vector<1x16xf32> to vector<16xf32>
        %mul3A_732 = vector.broadcast %squeeze3A_679 : f32 to vector<16xf32>
        %mul3A_733 = arith.mulf %get3A_731, %mul3A_732 : vector<16xf32>
        %swap3A_734 = arith.index_cast %add3A_683 : i32 to index
        %swap3A_735 = arith.constant 64 : index
        %swap3A_736 = tpu.vector_load %arg11[%swap3A_734, %swap3A_735] {strides = array<i32>} : memref<128x144xf32, #tpu.memory_space<vmem>>, vector<1x16xf32>,
        %swap3A_737 = vector.shape_cast %swap3A_736 : vector<1x16xf32> to vector<16xf32>
        %swap3A_738 = vector.shape_cast %mul3A_733 : vector<16xf32> to vector<1x16xf32>
        tpu.vector_store %arg11[%swap3A_734, %swap3A_735], %swap3A_738 {strides = array<i32>} : memref<128x144xf32, #tpu.memory_space<vmem>>, vector<1x16xf32>,
        %get3A_739 = arith.index_cast %add3A_683 : i32 to index
        %get3A_740 = arith.constant 80 : index
        %get3A_741 = tpu.vector_load %arg11[%get3A_739, %get3A_740] {strides = array<i32>} : memref<128x144xf32, #tpu.memory_space<vmem>>, vector<1x16xf32>,
        %get3A_742 = vector.shape_cast %get3A_741 : vector<1x16xf32> to vector<16xf32>
        %mul3A_743 = vector.broadcast %squeeze3A_679 : f32 to vector<16xf32>
        %mul3A_744 = arith.mulf %get3A_742, %mul3A_743 : vector<16xf32>
        %swap3A_745 = arith.index_cast %add3A_683 : i32 to index
        %swap3A_746 = arith.constant 80 : index
        %swap3A_747 = tpu.vector_load %arg11[%swap3A_745, %swap3A_746] {strides = array<i32>} : memref<128x144xf32, #tpu.memory_space<vmem>>, vector<1x16xf32>,
        %swap3A_748 = vector.shape_cast %swap3A_747 : vector<1x16xf32> to vector<16xf32>
        %swap3A_749 = vector.shape_cast %mul3A_744 : vector<16xf32> to vector<1x16xf32>
        tpu.vector_store %arg11[%swap3A_745, %swap3A_746], %swap3A_749 {strides = array<i32>} : memref<128x144xf32, #tpu.memory_space<vmem>>, vector<1x16xf32>,
        %get3A_750 = arith.index_cast %add3A_683 : i32 to index
        %get3A_751 = arith.constant 96 : index
        %get3A_752 = tpu.vector_load %arg11[%get3A_750, %get3A_751] {strides = array<i32>} : memref<128x144xf32, #tpu.memory_space<vmem>>, vector<1x16xf32>,
        %get3A_753 = vector.shape_cast %get3A_752 : vector<1x16xf32> to vector<16xf32>
        %mul3A_754 = vector.broadcast %squeeze3A_679 : f32 to vector<16xf32>
        %mul3A_755 = arith.mulf %get3A_753, %mul3A_754 : vector<16xf32>
        %swap3A_756 = arith.index_cast %add3A_683 : i32 to index
        %swap3A_757 = arith.constant 96 : index
        %swap3A_758 = tpu.vector_load %arg11[%swap3A_756, %swap3A_757] {strides = array<i32>} : memref<128x144xf32, #tpu.memory_space<vmem>>, vector<1x16xf32>,
        %swap3A_759 = vector.shape_cast %swap3A_758 : vector<1x16xf32> to vector<16xf32>
        %swap3A_760 = vector.shape_cast %mul3A_755 : vector<16xf32> to vector<1x16xf32>
        tpu.vector_store %arg11[%swap3A_756, %swap3A_757], %swap3A_760 {strides = array<i32>} : memref<128x144xf32, #tpu.memory_space<vmem>>, vector<1x16xf32>,
        %get3A_761 = arith.index_cast %add3A_683 : i32 to index
        %get3A_762 = arith.constant 112 : index
        %get3A_763 = tpu.vector_load %arg11[%get3A_761, %get3A_762] {strides = array<i32>} : memref<128x144xf32, #tpu.memory_space<vmem>>, vector<1x16xf32>,
        %get3A_764 = vector.shape_cast %get3A_763 : vector<1x16xf32> to vector<16xf32>
        %mul3A_765 = vector.broadcast %squeeze3A_679 : f32 to vector<16xf32>
        %mul3A_766 = arith.mulf %get3A_764, %mul3A_765 : vector<16xf32>
        %swap3A_767 = arith.index_cast %add3A_683 : i32 to index
        %swap3A_768 = arith.constant 112 : index
        %swap3A_769 = tpu.vector_load %arg11[%swap3A_767, %swap3A_768] {strides = array<i32>} : memref<128x144xf32, #tpu.memory_space<vmem>>, vector<1x16xf32>,
        %swap3A_770 = vector.shape_cast %swap3A_769 : vector<1x16xf32> to vector<16xf32>
        %swap3A_771 = vector.shape_cast %mul3A_766 : vector<16xf32> to vector<1x16xf32>
        tpu.vector_store %arg11[%swap3A_767, %swap3A_768], %swap3A_771 {strides = array<i32>} : memref<128x144xf32, #tpu.memory_space<vmem>>, vector<1x16xf32>,
        %get3A_772 = arith.index_cast %add3A_683 : i32 to index
        %get3A_773 = arith.constant 128 : index
        %get3A_774 = tpu.vector_load %arg11[%get3A_772, %get3A_773] {strides = array<i32>} : memref<128x144xf32, #tpu.memory_space<vmem>>, vector<1x16xf32>,
        %get3A_775 = vector.shape_cast %get3A_774 : vector<1x16xf32> to vector<16xf32>
        %mul3A_776 = vector.broadcast %squeeze3A_679 : f32 to vector<16xf32>
        %mul3A_777 = arith.mulf %get3A_775, %mul3A_776 : vector<16xf32>
        %swap3A_778 = arith.index_cast %add3A_683 : i32 to index
        %swap3A_779 = arith.constant 128 : index
        %swap3A_780 = tpu.vector_load %arg11[%swap3A_778, %swap3A_779] {strides = array<i32>} : memref<128x144xf32, #tpu.memory_space<vmem>>, vector<1x16xf32>,
        %swap3A_781 = vector.shape_cast %swap3A_780 : vector<1x16xf32> to vector<16xf32>
        %swap3A_782 = vector.shape_cast %mul3A_777 : vector<16xf32> to vector<1x16xf32>
        tpu.vector_store %arg11[%swap3A_778, %swap3A_779], %swap3A_782 {strides = array<i32>} : memref<128x144xf32, #tpu.memory_space<vmem>>, vector<1x16xf32>,
        %slice3A_783 = vector.extract_strided_slice %get3A_50 {offsets = [7], sizes = [1], strides = [1]} : vector<16xf32> to vector<1xf32>
        %squeeze3A_784 = vector.extract %slice3A_783[0] : f32 from vector<1xf32>
        %mul3A_785 = arith.constant 16 : i32
        %mul3A_786 = arith.muli %scan3A_46, %mul3A_785 : i32
        %add3A_787 = arith.constant 7 : i32
        %add3A_788 = arith.addi %mul3A_786, %add3A_787 : i32
        %get3A_789 = arith.index_cast %add3A_788 : i32 to index
        %get3A_790 = arith.constant 0 : index
        %get3A_791 = tpu.vector_load %arg11[%get3A_789, %get3A_790] {strides = array<i32>} : memref<128x144xf32, #tpu.memory_space<vmem>>, vector<1x16xf32>,
        %get3A_792 = vector.shape_cast %get3A_791 : vector<1x16xf32> to vector<16xf32>
        %mul3A_793 = vector.broadcast %squeeze3A_784 : f32 to vector<16xf32>
        %mul3A_794 = arith.mulf %get3A_792, %mul3A_793 : vector<16xf32>
        %swap3A_795 = arith.index_cast %add3A_788 : i32 to index
        %swap3A_796 = arith.constant 0 : index
        %swap3A_797 = tpu.vector_load %arg11[%swap3A_795, %swap3A_796] {strides = array<i32>} : memref<128x144xf32, #tpu.memory_space<vmem>>, vector<1x16xf32>,
        %swap3A_798 = vector.shape_cast %swap3A_797 : vector<1x16xf32> to vector<16xf32>
        %swap3A_799 = vector.shape_cast %mul3A_794 : vector<16xf32> to vector<1x16xf32>
        tpu.vector_store %arg11[%swap3A_795, %swap3A_796], %swap3A_799 {strides = array<i32>} : memref<128x144xf32, #tpu.memory_space<vmem>>, vector<1x16xf32>,
        %get3A_800 = arith.index_cast %add3A_788 : i32 to index
        %get3A_801 = arith.constant 16 : index
        %get3A_802 = tpu.vector_load %arg11[%get3A_800, %get3A_801] {strides = array<i32>} : memref<128x144xf32, #tpu.memory_space<vmem>>, vector<1x16xf32>,
        %get3A_803 = vector.shape_cast %get3A_802 : vector<1x16xf32> to vector<16xf32>
        %mul3A_804 = vector.broadcast %squeeze3A_784 : f32 to vector<16xf32>
        %mul3A_805 = arith.mulf %get3A_803, %mul3A_804 : vector<16xf32>
        %swap3A_806 = arith.index_cast %add3A_788 : i32 to index
        %swap3A_807 = arith.constant 16 : index
        %swap3A_808 = tpu.vector_load %arg11[%swap3A_806, %swap3A_807] {strides = array<i32>} : memref<128x144xf32, #tpu.memory_space<vmem>>, vector<1x16xf32>,
        %swap3A_809 = vector.shape_cast %swap3A_808 : vector<1x16xf32> to vector<16xf32>
        %swap3A_810 = vector.shape_cast %mul3A_805 : vector<16xf32> to vector<1x16xf32>
        tpu.vector_store %arg11[%swap3A_806, %swap3A_807], %swap3A_810 {strides = array<i32>} : memref<128x144xf32, #tpu.memory_space<vmem>>, vector<1x16xf32>,
        %get3A_811 = arith.index_cast %add3A_788 : i32 to index
        %get3A_812 = arith.constant 32 : index
        %get3A_813 = tpu.vector_load %arg11[%get3A_811, %get3A_812] {strides = array<i32>} : memref<128x144xf32, #tpu.memory_space<vmem>>, vector<1x16xf32>,
        %get3A_814 = vector.shape_cast %get3A_813 : vector<1x16xf32> to vector<16xf32>
        %mul3A_815 = vector.broadcast %squeeze3A_784 : f32 to vector<16xf32>
        %mul3A_816 = arith.mulf %get3A_814, %mul3A_815 : vector<16xf32>
        %swap3A_817 = arith.index_cast %add3A_788 : i32 to index
        %swap3A_818 = arith.constant 32 : index
        %swap3A_819 = tpu.vector_load %arg11[%swap3A_817, %swap3A_818] {strides = array<i32>} : memref<128x144xf32, #tpu.memory_space<vmem>>, vector<1x16xf32>,
        %swap3A_820 = vector.shape_cast %swap3A_819 : vector<1x16xf32> to vector<16xf32>
        %swap3A_821 = vector.shape_cast %mul3A_816 : vector<16xf32> to vector<1x16xf32>
        tpu.vector_store %arg11[%swap3A_817, %swap3A_818], %swap3A_821 {strides = array<i32>} : memref<128x144xf32, #tpu.memory_space<vmem>>, vector<1x16xf32>,
        %get3A_822 = arith.index_cast %add3A_788 : i32 to index
        %get3A_823 = arith.constant 48 : index
        %get3A_824 = tpu.vector_load %arg11[%get3A_822, %get3A_823] {strides = array<i32>} : memref<128x144xf32, #tpu.memory_space<vmem>>, vector<1x16xf32>,
        %get3A_825 = vector.shape_cast %get3A_824 : vector<1x16xf32> to vector<16xf32>
        %mul3A_826 = vector.broadcast %squeeze3A_784 : f32 to vector<16xf32>
        %mul3A_827 = arith.mulf %get3A_825, %mul3A_826 : vector<16xf32>
        %swap3A_828 = arith.index_cast %add3A_788 : i32 to index
        %swap3A_829 = arith.constant 48 : index
        %swap3A_830 = tpu.vector_load %arg11[%swap3A_828, %swap3A_829] {strides = array<i32>} : memref<128x144xf32, #tpu.memory_space<vmem>>, vector<1x16xf32>,
        %swap3A_831 = vector.shape_cast %swap3A_830 : vector<1x16xf32> to vector<16xf32>
        %swap3A_832 = vector.shape_cast %mul3A_827 : vector<16xf32> to vector<1x16xf32>
        tpu.vector_store %arg11[%swap3A_828, %swap3A_829], %swap3A_832 {strides = array<i32>} : memref<128x144xf32, #tpu.memory_space<vmem>>, vector<1x16xf32>,
        %get3A_833 = arith.index_cast %add3A_788 : i32 to index
        %get3A_834 = arith.constant 64 : index
        %get3A_835 = tpu.vector_load %arg11[%get3A_833, %get3A_834] {strides = array<i32>} : memref<128x144xf32, #tpu.memory_space<vmem>>, vector<1x16xf32>,
        %get3A_836 = vector.shape_cast %get3A_835 : vector<1x16xf32> to vector<16xf32>
        %mul3A_837 = vector.broadcast %squeeze3A_784 : f32 to vector<16xf32>
        %mul3A_838 = arith.mulf %get3A_836, %mul3A_837 : vector<16xf32>
        %swap3A_839 = arith.index_cast %add3A_788 : i32 to index
        %swap3A_840 = arith.constant 64 : index
        %swap3A_841 = tpu.vector_load %arg11[%swap3A_839, %swap3A_840] {strides = array<i32>} : memref<128x144xf32, #tpu.memory_space<vmem>>, vector<1x16xf32>,
        %swap3A_842 = vector.shape_cast %swap3A_841 : vector<1x16xf32> to vector<16xf32>
        %swap3A_843 = vector.shape_cast %mul3A_838 : vector<16xf32> to vector<1x16xf32>
        tpu.vector_store %arg11[%swap3A_839, %swap3A_840], %swap3A_843 {strides = array<i32>} : memref<128x144xf32, #tpu.memory_space<vmem>>, vector<1x16xf32>,
        %get3A_844 = arith.index_cast %add3A_788 : i32 to index
        %get3A_845 = arith.constant 80 : index
        %get3A_846 = tpu.vector_load %arg11[%get3A_844, %get3A_845] {strides = array<i32>} : memref<128x144xf32, #tpu.memory_space<vmem>>, vector<1x16xf32>,
        %get3A_847 = vector.shape_cast %get3A_846 : vector<1x16xf32> to vector<16xf32>
        %mul3A_848 = vector.broadcast %squeeze3A_784 : f32 to vector<16xf32>
        %mul3A_849 = arith.mulf %get3A_847, %mul3A_848 : vector<16xf32>
        %swap3A_850 = arith.index_cast %add3A_788 : i32 to index
        %swap3A_851 = arith.constant 80 : index
        %swap3A_852 = tpu.vector_load %arg11[%swap3A_850, %swap3A_851] {strides = array<i32>} : memref<128x144xf32, #tpu.memory_space<vmem>>, vector<1x16xf32>,
        %swap3A_853 = vector.shape_cast %swap3A_852 : vector<1x16xf32> to vector<16xf32>
        %swap3A_854 = vector.shape_cast %mul3A_849 : vector<16xf32> to vector<1x16xf32>
        tpu.vector_store %arg11[%swap3A_850, %swap3A_851], %swap3A_854 {strides = array<i32>} : memref<128x144xf32, #tpu.memory_space<vmem>>, vector<1x16xf32>,
        %get3A_855 = arith.index_cast %add3A_788 : i32 to index
        %get3A_856 = arith.constant 96 : index
        %get3A_857 = tpu.vector_load %arg11[%get3A_855, %get3A_856] {strides = array<i32>} : memref<128x144xf32, #tpu.memory_space<vmem>>, vector<1x16xf32>,
        %get3A_858 = vector.shape_cast %get3A_857 : vector<1x16xf32> to vector<16xf32>
        %mul3A_859 = vector.broadcast %squeeze3A_784 : f32 to vector<16xf32>
        %mul3A_860 = arith.mulf %get3A_858, %mul3A_859 : vector<16xf32>
        %swap3A_861 = arith.index_cast %add3A_788 : i32 to index
        %swap3A_862 = arith.constant 96 : index
        %swap3A_863 = tpu.vector_load %arg11[%swap3A_861, %swap3A_862] {strides = array<i32>} : memref<128x144xf32, #tpu.memory_space<vmem>>, vector<1x16xf32>,
        %swap3A_864 = vector.shape_cast %swap3A_863 : vector<1x16xf32> to vector<16xf32>
        %swap3A_865 = vector.shape_cast %mul3A_860 : vector<16xf32> to vector<1x16xf32>
        tpu.vector_store %arg11[%swap3A_861, %swap3A_862], %swap3A_865 {strides = array<i32>} : memref<128x144xf32, #tpu.memory_space<vmem>>, vector<1x16xf32>,
        %get3A_866 = arith.index_cast %add3A_788 : i32 to index
        %get3A_867 = arith.constant 112 : index
        %get3A_868 = tpu.vector_load %arg11[%get3A_866, %get3A_867] {strides = array<i32>} : memref<128x144xf32, #tpu.memory_space<vmem>>, vector<1x16xf32>,
        %get3A_869 = vector.shape_cast %get3A_868 : vector<1x16xf32> to vector<16xf32>
        %mul3A_870 = vector.broadcast %squeeze3A_784 : f32 to vector<16xf32>
        %mul3A_871 = arith.mulf %get3A_869, %mul3A_870 : vector<16xf32>
        %swap3A_872 = arith.index_cast %add3A_788 : i32 to index
        %swap3A_873 = arith.constant 112 : index
        %swap3A_874 = tpu.vector_load %arg11[%swap3A_872, %swap3A_873] {strides = array<i32>} : memref<128x144xf32, #tpu.memory_space<vmem>>, vector<1x16xf32>,
        %swap3A_875 = vector.shape_cast %swap3A_874 : vector<1x16xf32> to vector<16xf32>
        %swap3A_876 = vector.shape_cast %mul3A_871 : vector<16xf32> to vector<1x16xf32>
        tpu.vector_store %arg11[%swap3A_872, %swap3A_873], %swap3A_876 {strides = array<i32>} : memref<128x144xf32, #tpu.memory_space<vmem>>, vector<1x16xf32>,
        %get3A_877 = arith.index_cast %add3A_788 : i32 to index
        %get3A_878 = arith.constant 128 : index
        %get3A_879 = tpu.vector_load %arg11[%get3A_877, %get3A_878] {strides = array<i32>} : memref<128x144xf32, #tpu.memory_space<vmem>>, vector<1x16xf32>,
        %get3A_880 = vector.shape_cast %get3A_879 : vector<1x16xf32> to vector<16xf32>
        %mul3A_881 = vector.broadcast %squeeze3A_784 : f32 to vector<16xf32>
        %mul3A_882 = arith.mulf %get3A_880, %mul3A_881 : vector<16xf32>
        %swap3A_883 = arith.index_cast %add3A_788 : i32 to index
        %swap3A_884 = arith.constant 128 : index
        %swap3A_885 = tpu.vector_load %arg11[%swap3A_883, %swap3A_884] {strides = array<i32>} : memref<128x144xf32, #tpu.memory_space<vmem>>, vector<1x16xf32>,
        %swap3A_886 = vector.shape_cast %swap3A_885 : vector<1x16xf32> to vector<16xf32>
        %swap3A_887 = vector.shape_cast %mul3A_882 : vector<16xf32> to vector<1x16xf32>
        tpu.vector_store %arg11[%swap3A_883, %swap3A_884], %swap3A_887 {strides = array<i32>} : memref<128x144xf32, #tpu.memory_space<vmem>>, vector<1x16xf32>,
        %slice3A_888 = vector.extract_strided_slice %get3A_50 {offsets = [8], sizes = [1], strides = [1]} : vector<16xf32> to vector<1xf32>
        %squeeze3A_889 = vector.extract %slice3A_888[0] : f32 from vector<1xf32>
        %mul3A_890 = arith.constant 16 : i32
        %mul3A_891 = arith.muli %scan3A_46, %mul3A_890 : i32
        %add3A_892 = arith.constant 8 : i32
        %add3A_893 = arith.addi %mul3A_891, %add3A_892 : i32
        %get3A_894 = arith.index_cast %add3A_893 : i32 to index
        %get3A_895 = arith.constant 0 : index
        %get3A_896 = tpu.vector_load %arg11[%get3A_894, %get3A_895] {strides = array<i32>} : memref<128x144xf32, #tpu.memory_space<vmem>>, vector<1x16xf32>,
        %get3A_897 = vector.shape_cast %get3A_896 : vector<1x16xf32> to vector<16xf32>
        %mul3A_898 = vector.broadcast %squeeze3A_889 : f32 to vector<16xf32>
        %mul3A_899 = arith.mulf %get3A_897, %mul3A_898 : vector<16xf32>
        %swap3A_900 = arith.index_cast %add3A_893 : i32 to index
        %swap3A_901 = arith.constant 0 : index
        %swap3A_902 = tpu.vector_load %arg11[%swap3A_900, %swap3A_901] {strides = array<i32>} : memref<128x144xf32, #tpu.memory_space<vmem>>, vector<1x16xf32>,
        %swap3A_903 = vector.shape_cast %swap3A_902 : vector<1x16xf32> to vector<16xf32>
        %swap3A_904 = vector.shape_cast %mul3A_899 : vector<16xf32> to vector<1x16xf32>
        tpu.vector_store %arg11[%swap3A_900, %swap3A_901], %swap3A_904 {strides = array<i32>} : memref<128x144xf32, #tpu.memory_space<vmem>>, vector<1x16xf32>,
        %get3A_905 = arith.index_cast %add3A_893 : i32 to index
        %get3A_906 = arith.constant 16 : index
        %get3A_907 = tpu.vector_load %arg11[%get3A_905, %get3A_906] {strides = array<i32>} : memref<128x144xf32, #tpu.memory_space<vmem>>, vector<1x16xf32>,
        %get3A_908 = vector.shape_cast %get3A_907 : vector<1x16xf32> to vector<16xf32>
        %mul3A_909 = vector.broadcast %squeeze3A_889 : f32 to vector<16xf32>
        %mul3A_910 = arith.mulf %get3A_908, %mul3A_909 : vector<16xf32>
        %swap3A_911 = arith.index_cast %add3A_893 : i32 to index
        %swap3A_912 = arith.constant 16 : index
        %swap3A_913 = tpu.vector_load %arg11[%swap3A_911, %swap3A_912] {strides = array<i32>} : memref<128x144xf32, #tpu.memory_space<vmem>>, vector<1x16xf32>,
        %swap3A_914 = vector.shape_cast %swap3A_913 : vector<1x16xf32> to vector<16xf32>
        %swap3A_915 = vector.shape_cast %mul3A_910 : vector<16xf32> to vector<1x16xf32>
        tpu.vector_store %arg11[%swap3A_911, %swap3A_912], %swap3A_915 {strides = array<i32>} : memref<128x144xf32, #tpu.memory_space<vmem>>, vector<1x16xf32>,
        %get3A_916 = arith.index_cast %add3A_893 : i32 to index
        %get3A_917 = arith.constant 32 : index
        %get3A_918 = tpu.vector_load %arg11[%get3A_916, %get3A_917] {strides = array<i32>} : memref<128x144xf32, #tpu.memory_space<vmem>>, vector<1x16xf32>,
        %get3A_919 = vector.shape_cast %get3A_918 : vector<1x16xf32> to vector<16xf32>
        %mul3A_920 = vector.broadcast %squeeze3A_889 : f32 to vector<16xf32>
        %mul3A_921 = arith.mulf %get3A_919, %mul3A_920 : vector<16xf32>
        %swap3A_922 = arith.index_cast %add3A_893 : i32 to index
        %swap3A_923 = arith.constant 32 : index
        %swap3A_924 = tpu.vector_load %arg11[%swap3A_922, %swap3A_923] {strides = array<i32>} : memref<128x144xf32, #tpu.memory_space<vmem>>, vector<1x16xf32>,
        %swap3A_925 = vector.shape_cast %swap3A_924 : vector<1x16xf32> to vector<16xf32>
        %swap3A_926 = vector.shape_cast %mul3A_921 : vector<16xf32> to vector<1x16xf32>
        tpu.vector_store %arg11[%swap3A_922, %swap3A_923], %swap3A_926 {strides = array<i32>} : memref<128x144xf32, #tpu.memory_space<vmem>>, vector<1x16xf32>,
        %get3A_927 = arith.index_cast %add3A_893 : i32 to index
        %get3A_928 = arith.constant 48 : index
        %get3A_929 = tpu.vector_load %arg11[%get3A_927, %get3A_928] {strides = array<i32>} : memref<128x144xf32, #tpu.memory_space<vmem>>, vector<1x16xf32>,
        %get3A_930 = vector.shape_cast %get3A_929 : vector<1x16xf32> to vector<16xf32>
        %mul3A_931 = vector.broadcast %squeeze3A_889 : f32 to vector<16xf32>
        %mul3A_932 = arith.mulf %get3A_930, %mul3A_931 : vector<16xf32>
        %swap3A_933 = arith.index_cast %add3A_893 : i32 to index
        %swap3A_934 = arith.constant 48 : index
        %swap3A_935 = tpu.vector_load %arg11[%swap3A_933, %swap3A_934] {strides = array<i32>} : memref<128x144xf32, #tpu.memory_space<vmem>>, vector<1x16xf32>,
        %swap3A_936 = vector.shape_cast %swap3A_935 : vector<1x16xf32> to vector<16xf32>
        %swap3A_937 = vector.shape_cast %mul3A_932 : vector<16xf32> to vector<1x16xf32>
        tpu.vector_store %arg11[%swap3A_933, %swap3A_934], %swap3A_937 {strides = array<i32>} : memref<128x144xf32, #tpu.memory_space<vmem>>, vector<1x16xf32>,
        %get3A_938 = arith.index_cast %add3A_893 : i32 to index
        %get3A_939 = arith.constant 64 : index
        %get3A_940 = tpu.vector_load %arg11[%get3A_938, %get3A_939] {strides = array<i32>} : memref<128x144xf32, #tpu.memory_space<vmem>>, vector<1x16xf32>,
        %get3A_941 = vector.shape_cast %get3A_940 : vector<1x16xf32> to vector<16xf32>
        %mul3A_942 = vector.broadcast %squeeze3A_889 : f32 to vector<16xf32>
        %mul3A_943 = arith.mulf %get3A_941, %mul3A_942 : vector<16xf32>
        %swap3A_944 = arith.index_cast %add3A_893 : i32 to index
        %swap3A_945 = arith.constant 64 : index
        %swap3A_946 = tpu.vector_load %arg11[%swap3A_944, %swap3A_945] {strides = array<i32>} : memref<128x144xf32, #tpu.memory_space<vmem>>, vector<1x16xf32>,
        %swap3A_947 = vector.shape_cast %swap3A_946 : vector<1x16xf32> to vector<16xf32>
        %swap3A_948 = vector.shape_cast %mul3A_943 : vector<16xf32> to vector<1x16xf32>
        tpu.vector_store %arg11[%swap3A_944, %swap3A_945], %swap3A_948 {strides = array<i32>} : memref<128x144xf32, #tpu.memory_space<vmem>>, vector<1x16xf32>,
        %get3A_949 = arith.index_cast %add3A_893 : i32 to index
        %get3A_950 = arith.constant 80 : index
        %get3A_951 = tpu.vector_load %arg11[%get3A_949, %get3A_950] {strides = array<i32>} : memref<128x144xf32, #tpu.memory_space<vmem>>, vector<1x16xf32>,
        %get3A_952 = vector.shape_cast %get3A_951 : vector<1x16xf32> to vector<16xf32>
        %mul3A_953 = vector.broadcast %squeeze3A_889 : f32 to vector<16xf32>
        %mul3A_954 = arith.mulf %get3A_952, %mul3A_953 : vector<16xf32>
        %swap3A_955 = arith.index_cast %add3A_893 : i32 to index
        %swap3A_956 = arith.constant 80 : index
        %swap3A_957 = tpu.vector_load %arg11[%swap3A_955, %swap3A_956] {strides = array<i32>} : memref<128x144xf32, #tpu.memory_space<vmem>>, vector<1x16xf32>,
        %swap3A_958 = vector.shape_cast %swap3A_957 : vector<1x16xf32> to vector<16xf32>
        %swap3A_959 = vector.shape_cast %mul3A_954 : vector<16xf32> to vector<1x16xf32>
        tpu.vector_store %arg11[%swap3A_955, %swap3A_956], %swap3A_959 {strides = array<i32>} : memref<128x144xf32, #tpu.memory_space<vmem>>, vector<1x16xf32>,
        %get3A_960 = arith.index_cast %add3A_893 : i32 to index
        %get3A_961 = arith.constant 96 : index
        %get3A_962 = tpu.vector_load %arg11[%get3A_960, %get3A_961] {strides = array<i32>} : memref<128x144xf32, #tpu.memory_space<vmem>>, vector<1x16xf32>,
        %get3A_963 = vector.shape_cast %get3A_962 : vector<1x16xf32> to vector<16xf32>
        %mul3A_964 = vector.broadcast %squeeze3A_889 : f32 to vector<16xf32>
        %mul3A_965 = arith.mulf %get3A_963, %mul3A_964 : vector<16xf32>
        %swap3A_966 = arith.index_cast %add3A_893 : i32 to index
        %swap3A_967 = arith.constant 96 : index
        %swap3A_968 = tpu.vector_load %arg11[%swap3A_966, %swap3A_967] {strides = array<i32>} : memref<128x144xf32, #tpu.memory_space<vmem>>, vector<1x16xf32>,
        %swap3A_969 = vector.shape_cast %swap3A_968 : vector<1x16xf32> to vector<16xf32>
        %swap3A_970 = vector.shape_cast %mul3A_965 : vector<16xf32> to vector<1x16xf32>
        tpu.vector_store %arg11[%swap3A_966, %swap3A_967], %swap3A_970 {strides = array<i32>} : memref<128x144xf32, #tpu.memory_space<vmem>>, vector<1x16xf32>,
        %get3A_971 = arith.index_cast %add3A_893 : i32 to index
        %get3A_972 = arith.constant 112 : index
        %get3A_973 = tpu.vector_load %arg11[%get3A_971, %get3A_972] {strides = array<i32>} : memref<128x144xf32, #tpu.memory_space<vmem>>, vector<1x16xf32>,
        %get3A_974 = vector.shape_cast %get3A_973 : vector<1x16xf32> to vector<16xf32>
        %mul3A_975 = vector.broadcast %squeeze3A_889 : f32 to vector<16xf32>
        %mul3A_976 = arith.mulf %get3A_974, %mul3A_975 : vector<16xf32>
        %swap3A_977 = arith.index_cast %add3A_893 : i32 to index
        %swap3A_978 = arith.constant 112 : index
        %swap3A_979 = tpu.vector_load %arg11[%swap3A_977, %swap3A_978] {strides = array<i32>} : memref<128x144xf32, #tpu.memory_space<vmem>>, vector<1x16xf32>,
        %swap3A_980 = vector.shape_cast %swap3A_979 : vector<1x16xf32> to vector<16xf32>
        %swap3A_981 = vector.shape_cast %mul3A_976 : vector<16xf32> to vector<1x16xf32>
        tpu.vector_store %arg11[%swap3A_977, %swap3A_978], %swap3A_981 {strides = array<i32>} : memref<128x144xf32, #tpu.memory_space<vmem>>, vector<1x16xf32>,
        %get3A_982 = arith.index_cast %add3A_893 : i32 to index
        %get3A_983 = arith.constant 128 : index
        %get3A_984 = tpu.vector_load %arg11[%get3A_982, %get3A_983] {strides = array<i32>} : memref<128x144xf32, #tpu.memory_space<vmem>>, vector<1x16xf32>,
        %get3A_985 = vector.shape_cast %get3A_984 : vector<1x16xf32> to vector<16xf32>
        %mul3A_986 = vector.broadcast %squeeze3A_889 : f32 to vector<16xf32>
        %mul3A_987 = arith.mulf %get3A_985, %mul3A_986 : vector<16xf32>
        %swap3A_988 = arith.index_cast %add3A_893 : i32 to index
        %swap3A_989 = arith.constant 128 : index
        %swap3A_990 = tpu.vector_load %arg11[%swap3A_988, %swap3A_989] {strides = array<i32>} : memref<128x144xf32, #tpu.memory_space<vmem>>, vector<1x16xf32>,
        %swap3A_991 = vector.shape_cast %swap3A_990 : vector<1x16xf32> to vector<16xf32>
        %swap3A_992 = vector.shape_cast %mul3A_987 : vector<16xf32> to vector<1x16xf32>
        tpu.vector_store %arg11[%swap3A_988, %swap3A_989], %swap3A_992 {strides = array<i32>} : memref<128x144xf32, #tpu.memory_space<vmem>>, vector<1x16xf32>,
        %slice3A_993 = vector.extract_strided_slice %get3A_50 {offsets = [9], sizes = [1], strides = [1]} : vector<16xf32> to vector<1xf32>
        %squeeze3A_994 = vector.extract %slice3A_993[0] : f32 from vector<1xf32>
        %mul3A_995 = arith.constant 16 : i32
        %mul3A_996 = arith.muli %scan3A_46, %mul3A_995 : i32
        %add3A_997 = arith.constant 9 : i32
        %add3A_998 = arith.addi %mul3A_996, %add3A_997 : i32
        %get3A_999 = arith.index_cast %add3A_998 : i32 to index
        %get3A_1000 = arith.constant 0 : index
        %get3A_1001 = tpu.vector_load %arg11[%get3A_999, %get3A_1000] {strides = array<i32>} : memref<128x144xf32, #tpu.memory_space<vmem>>, vector<1x16xf32>,
        %get3A_1002 = vector.shape_cast %get3A_1001 : vector<1x16xf32> to vector<16xf32>
        %mul3A_1003 = vector.broadcast %squeeze3A_994 : f32 to vector<16xf32>
        %mul3A_1004 = arith.mulf %get3A_1002, %mul3A_1003 : vector<16xf32>
        %swap3A_1005 = arith.index_cast %add3A_998 : i32 to index
        %swap3A_1006 = arith.constant 0 : index
        %swap3A_1007 = tpu.vector_load %arg11[%swap3A_1005, %swap3A_1006] {strides = array<i32>} : memref<128x144xf32, #tpu.memory_space<vmem>>, vector<1x16xf32>,
        %swap3A_1008 = vector.shape_cast %swap3A_1007 : vector<1x16xf32> to vector<16xf32>
        %swap3A_1009 = vector.shape_cast %mul3A_1004 : vector<16xf32> to vector<1x16xf32>
        tpu.vector_store %arg11[%swap3A_1005, %swap3A_1006], %swap3A_1009 {strides = array<i32>} : memref<128x144xf32, #tpu.memory_space<vmem>>, vector<1x16xf32>,
        %get3A_1010 = arith.index_cast %add3A_998 : i32 to index
        %get3A_1011 = arith.constant 16 : index
        %get3A_1012 = tpu.vector_load %arg11[%get3A_1010, %get3A_1011] {strides = array<i32>} : memref<128x144xf32, #tpu.memory_space<vmem>>, vector<1x16xf32>,
        %get3A_1013 = vector.shape_cast %get3A_1012 : vector<1x16xf32> to vector<16xf32>
        %mul3A_1014 = vector.broadcast %squeeze3A_994 : f32 to vector<16xf32>
        %mul3A_1015 = arith.mulf %get3A_1013, %mul3A_1014 : vector<16xf32>
        %swap3A_1016 = arith.index_cast %add3A_998 : i32 to index
        %swap3A_1017 = arith.constant 16 : index
        %swap3A_1018 = tpu.vector_load %arg11[%swap3A_1016, %swap3A_1017] {strides = array<i32>} : memref<128x144xf32, #tpu.memory_space<vmem>>, vector<1x16xf32>,
        %swap3A_1019 = vector.shape_cast %swap3A_1018 : vector<1x16xf32> to vector<16xf32>
        %swap3A_1020 = vector.shape_cast %mul3A_1015 : vector<16xf32> to vector<1x16xf32>
        tpu.vector_store %arg11[%swap3A_1016, %swap3A_1017], %swap3A_1020 {strides = array<i32>} : memref<128x144xf32, #tpu.memory_space<vmem>>, vector<1x16xf32>,
        %get3A_1021 = arith.index_cast %add3A_998 : i32 to index
        %get3A_1022 = arith.constant 32 : index
        %get3A_1023 = tpu.vector_load %arg11[%get3A_1021, %get3A_1022] {strides = array<i32>} : memref<128x144xf32, #tpu.memory_space<vmem>>, vector<1x16xf32>,
        %get3A_1024 = vector.shape_cast %get3A_1023 : vector<1x16xf32> to vector<16xf32>
        %mul3A_1025 = vector.broadcast %squeeze3A_994 : f32 to vector<16xf32>
        %mul3A_1026 = arith.mulf %get3A_1024, %mul3A_1025 : vector<16xf32>
        %swap3A_1027 = arith.index_cast %add3A_998 : i32 to index
        %swap3A_1028 = arith.constant 32 : index
        %swap3A_1029 = tpu.vector_load %arg11[%swap3A_1027, %swap3A_1028] {strides = array<i32>} : memref<128x144xf32, #tpu.memory_space<vmem>>, vector<1x16xf32>,
        %swap3A_1030 = vector.shape_cast %swap3A_1029 : vector<1x16xf32> to vector<16xf32>
        %swap3A_1031 = vector.shape_cast %mul3A_1026 : vector<16xf32> to vector<1x16xf32>
        tpu.vector_store %arg11[%swap3A_1027, %swap3A_1028], %swap3A_1031 {strides = array<i32>} : memref<128x144xf32, #tpu.memory_space<vmem>>, vector<1x16xf32>,
        %get3A_1032 = arith.index_cast %add3A_998 : i32 to index
        %get3A_1033 = arith.constant 48 : index
        %get3A_1034 = tpu.vector_load %arg11[%get3A_1032, %get3A_1033] {strides = array<i32>} : memref<128x144xf32, #tpu.memory_space<vmem>>, vector<1x16xf32>,
        %get3A_1035 = vector.shape_cast %get3A_1034 : vector<1x16xf32> to vector<16xf32>
        %mul3A_1036 = vector.broadcast %squeeze3A_994 : f32 to vector<16xf32>
        %mul3A_1037 = arith.mulf %get3A_1035, %mul3A_1036 : vector<16xf32>
        %swap3A_1038 = arith.index_cast %add3A_998 : i32 to index
        %swap3A_1039 = arith.constant 48 : index
        %swap3A_1040 = tpu.vector_load %arg11[%swap3A_1038, %swap3A_1039] {strides = array<i32>} : memref<128x144xf32, #tpu.memory_space<vmem>>, vector<1x16xf32>,
        %swap3A_1041 = vector.shape_cast %swap3A_1040 : vector<1x16xf32> to vector<16xf32>
        %swap3A_1042 = vector.shape_cast %mul3A_1037 : vector<16xf32> to vector<1x16xf32>
        tpu.vector_store %arg11[%swap3A_1038, %swap3A_1039], %swap3A_1042 {strides = array<i32>} : memref<128x144xf32, #tpu.memory_space<vmem>>, vector<1x16xf32>,
        %get3A_1043 = arith.index_cast %add3A_998 : i32 to index
        %get3A_1044 = arith.constant 64 : index
        %get3A_1045 = tpu.vector_load %arg11[%get3A_1043, %get3A_1044] {strides = array<i32>} : memref<128x144xf32, #tpu.memory_space<vmem>>, vector<1x16xf32>,
        %get3A_1046 = vector.shape_cast %get3A_1045 : vector<1x16xf32> to vector<16xf32>
        %mul3A_1047 = vector.broadcast %squeeze3A_994 : f32 to vector<16xf32>
        %mul3A_1048 = arith.mulf %get3A_1046, %mul3A_1047 : vector<16xf32>
        %swap3A_1049 = arith.index_cast %add3A_998 : i32 to index
        %swap3A_1050 = arith.constant 64 : index
        %swap3A_1051 = tpu.vector_load %arg11[%swap3A_1049, %swap3A_1050] {strides = array<i32>} : memref<128x144xf32, #tpu.memory_space<vmem>>, vector<1x16xf32>,
        %swap3A_1052 = vector.shape_cast %swap3A_1051 : vector<1x16xf32> to vector<16xf32>
        %swap3A_1053 = vector.shape_cast %mul3A_1048 : vector<16xf32> to vector<1x16xf32>
        tpu.vector_store %arg11[%swap3A_1049, %swap3A_1050], %swap3A_1053 {strides = array<i32>} : memref<128x144xf32, #tpu.memory_space<vmem>>, vector<1x16xf32>,
        %get3A_1054 = arith.index_cast %add3A_998 : i32 to index
        %get3A_1055 = arith.constant 80 : index
        %get3A_1056 = tpu.vector_load %arg11[%get3A_1054, %get3A_1055] {strides = array<i32>} : memref<128x144xf32, #tpu.memory_space<vmem>>, vector<1x16xf32>,
        %get3A_1057 = vector.shape_cast %get3A_1056 : vector<1x16xf32> to vector<16xf32>
        %mul3A_1058 = vector.broadcast %squeeze3A_994 : f32 to vector<16xf32>
        %mul3A_1059 = arith.mulf %get3A_1057, %mul3A_1058 : vector<16xf32>
        %swap3A_1060 = arith.index_cast %add3A_998 : i32 to index
        %swap3A_1061 = arith.constant 80 : index
        %swap3A_1062 = tpu.vector_load %arg11[%swap3A_1060, %swap3A_1061] {strides = array<i32>} : memref<128x144xf32, #tpu.memory_space<vmem>>, vector<1x16xf32>,
        %swap3A_1063 = vector.shape_cast %swap3A_1062 : vector<1x16xf32> to vector<16xf32>
        %swap3A_1064 = vector.shape_cast %mul3A_1059 : vector<16xf32> to vector<1x16xf32>
        tpu.vector_store %arg11[%swap3A_1060, %swap3A_1061], %swap3A_1064 {strides = array<i32>} : memref<128x144xf32, #tpu.memory_space<vmem>>, vector<1x16xf32>,
        %get3A_1065 = arith.index_cast %add3A_998 : i32 to index
        %get3A_1066 = arith.constant 96 : index
        %get3A_1067 = tpu.vector_load %arg11[%get3A_1065, %get3A_1066] {strides = array<i32>} : memref<128x144xf32, #tpu.memory_space<vmem>>, vector<1x16xf32>,
        %get3A_1068 = vector.shape_cast %get3A_1067 : vector<1x16xf32> to vector<16xf32>
        %mul3A_1069 = vector.broadcast %squeeze3A_994 : f32 to vector<16xf32>
        %mul3A_1070 = arith.mulf %get3A_1068, %mul3A_1069 : vector<16xf32>
        %swap3A_1071 = arith.index_cast %add3A_998 : i32 to index
        %swap3A_1072 = arith.constant 96 : index
        %swap3A_1073 = tpu.vector_load %arg11[%swap3A_1071, %swap3A_1072] {strides = array<i32>} : memref<128x144xf32, #tpu.memory_space<vmem>>, vector<1x16xf32>,
        %swap3A_1074 = vector.shape_cast %swap3A_1073 : vector<1x16xf32> to vector<16xf32>
        %swap3A_1075 = vector.shape_cast %mul3A_1070 : vector<16xf32> to vector<1x16xf32>
        tpu.vector_store %arg11[%swap3A_1071, %swap3A_1072], %swap3A_1075 {strides = array<i32>} : memref<128x144xf32, #tpu.memory_space<vmem>>, vector<1x16xf32>,
        %get3A_1076 = arith.index_cast %add3A_998 : i32 to index
        %get3A_1077 = arith.constant 112 : index
        %get3A_1078 = tpu.vector_load %arg11[%get3A_1076, %get3A_1077] {strides = array<i32>} : memref<128x144xf32, #tpu.memory_space<vmem>>, vector<1x16xf32>,
        %get3A_1079 = vector.shape_cast %get3A_1078 : vector<1x16xf32> to vector<16xf32>
        %mul3A_1080 = vector.broadcast %squeeze3A_994 : f32 to vector<16xf32>
        %mul3A_1081 = arith.mulf %get3A_1079, %mul3A_1080 : vector<16xf32>
        %swap3A_1082 = arith.index_cast %add3A_998 : i32 to index
        %swap3A_1083 = arith.constant 112 : index
        %swap3A_1084 = tpu.vector_load %arg11[%swap3A_1082, %swap3A_1083] {strides = array<i32>} : memref<128x144xf32, #tpu.memory_space<vmem>>, vector<1x16xf32>,
        %swap3A_1085 = vector.shape_cast %swap3A_1084 : vector<1x16xf32> to vector<16xf32>
        %swap3A_1086 = vector.shape_cast %mul3A_1081 : vector<16xf32> to vector<1x16xf32>
        tpu.vector_store %arg11[%swap3A_1082, %swap3A_1083], %swap3A_1086 {strides = array<i32>} : memref<128x144xf32, #tpu.memory_space<vmem>>, vector<1x16xf32>,
        %get3A_1087 = arith.index_cast %add3A_998 : i32 to index
        %get3A_1088 = arith.constant 128 : index
        %get3A_1089 = tpu.vector_load %arg11[%get3A_1087, %get3A_1088] {strides = array<i32>} : memref<128x144xf32, #tpu.memory_space<vmem>>, vector<1x16xf32>,
        %get3A_1090 = vector.shape_cast %get3A_1089 : vector<1x16xf32> to vector<16xf32>
        %mul3A_1091 = vector.broadcast %squeeze3A_994 : f32 to vector<16xf32>
        %mul3A_1092 = arith.mulf %get3A_1090, %mul3A_1091 : vector<16xf32>
        %swap3A_1093 = arith.index_cast %add3A_998 : i32 to index
        %swap3A_1094 = arith.constant 128 : index
        %swap3A_1095 = tpu.vector_load %arg11[%swap3A_1093, %swap3A_1094] {strides = array<i32>} : memref<128x144xf32, #tpu.memory_space<vmem>>, vector<1x16xf32>,
        %swap3A_1096 = vector.shape_cast %swap3A_1095 : vector<1x16xf32> to vector<16xf32>
        %swap3A_1097 = vector.shape_cast %mul3A_1092 : vector<16xf32> to vector<1x16xf32>
        tpu.vector_store %arg11[%swap3A_1093, %swap3A_1094], %swap3A_1097 {strides = array<i32>} : memref<128x144xf32, #tpu.memory_space<vmem>>, vector<1x16xf32>,
        %slice3A_1098 = vector.extract_strided_slice %get3A_50 {offsets = [10], sizes = [1], strides = [1]} : vector<16xf32> to vector<1xf32>
        %squeeze3A_1099 = vector.extract %slice3A_1098[0] : f32 from vector<1xf32>
        %mul3A_1100 = arith.constant 16 : i32
        %mul3A_1101 = arith.muli %scan3A_46, %mul3A_1100 : i32
        %add3A_1102 = arith.constant 10 : i32
        %add3A_1103 = arith.addi %mul3A_1101, %add3A_1102 : i32
        %get3A_1104 = arith.index_cast %add3A_1103 : i32 to index
        %get3A_1105 = arith.constant 0 : index
        %get3A_1106 = tpu.vector_load %arg11[%get3A_1104, %get3A_1105] {strides = array<i32>} : memref<128x144xf32, #tpu.memory_space<vmem>>, vector<1x16xf32>,
        %get3A_1107 = vector.shape_cast %get3A_1106 : vector<1x16xf32> to vector<16xf32>
        %mul3A_1108 = vector.broadcast %squeeze3A_1099 : f32 to vector<16xf32>
        %mul3A_1109 = arith.mulf %get3A_1107, %mul3A_1108 : vector<16xf32>
        %swap3A_1110 = arith.index_cast %add3A_1103 : i32 to index
        %swap3A_1111 = arith.constant 0 : index
        %swap3A_1112 = tpu.vector_load %arg11[%swap3A_1110, %swap3A_1111] {strides = array<i32>} : memref<128x144xf32, #tpu.memory_space<vmem>>, vector<1x16xf32>,
        %swap3A_1113 = vector.shape_cast %swap3A_1112 : vector<1x16xf32> to vector<16xf32>
        %swap3A_1114 = vector.shape_cast %mul3A_1109 : vector<16xf32> to vector<1x16xf32>
        tpu.vector_store %arg11[%swap3A_1110, %swap3A_1111], %swap3A_1114 {strides = array<i32>} : memref<128x144xf32, #tpu.memory_space<vmem>>, vector<1x16xf32>,
        %get3A_1115 = arith.index_cast %add3A_1103 : i32 to index
        %get3A_1116 = arith.constant 16 : index
        %get3A_1117 = tpu.vector_load %arg11[%get3A_1115, %get3A_1116] {strides = array<i32>} : memref<128x144xf32, #tpu.memory_space<vmem>>, vector<1x16xf32>,
        %get3A_1118 = vector.shape_cast %get3A_1117 : vector<1x16xf32> to vector<16xf32>
        %mul3A_1119 = vector.broadcast %squeeze3A_1099 : f32 to vector<16xf32>
        %mul3A_1120 = arith.mulf %get3A_1118, %mul3A_1119 : vector<16xf32>
        %swap3A_1121 = arith.index_cast %add3A_1103 : i32 to index
        %swap3A_1122 = arith.constant 16 : index
        %swap3A_1123 = tpu.vector_load %arg11[%swap3A_1121, %swap3A_1122] {strides = array<i32>} : memref<128x144xf32, #tpu.memory_space<vmem>>, vector<1x16xf32>,
        %swap3A_1124 = vector.shape_cast %swap3A_1123 : vector<1x16xf32> to vector<16xf32>
        %swap3A_1125 = vector.shape_cast %mul3A_1120 : vector<16xf32> to vector<1x16xf32>
        tpu.vector_store %arg11[%swap3A_1121, %swap3A_1122], %swap3A_1125 {strides = array<i32>} : memref<128x144xf32, #tpu.memory_space<vmem>>, vector<1x16xf32>,
        %get3A_1126 = arith.index_cast %add3A_1103 : i32 to index
        %get3A_1127 = arith.constant 32 : index
        %get3A_1128 = tpu.vector_load %arg11[%get3A_1126, %get3A_1127] {strides = array<i32>} : memref<128x144xf32, #tpu.memory_space<vmem>>, vector<1x16xf32>,
        %get3A_1129 = vector.shape_cast %get3A_1128 : vector<1x16xf32> to vector<16xf32>
        %mul3A_1130 = vector.broadcast %squeeze3A_1099 : f32 to vector<16xf32>
        %mul3A_1131 = arith.mulf %get3A_1129, %mul3A_1130 : vector<16xf32>
        %swap3A_1132 = arith.index_cast %add3A_1103 : i32 to index
        %swap3A_1133 = arith.constant 32 : index
        %swap3A_1134 = tpu.vector_load %arg11[%swap3A_1132, %swap3A_1133] {strides = array<i32>} : memref<128x144xf32, #tpu.memory_space<vmem>>, vector<1x16xf32>,
        %swap3A_1135 = vector.shape_cast %swap3A_1134 : vector<1x16xf32> to vector<16xf32>
        %swap3A_1136 = vector.shape_cast %mul3A_1131 : vector<16xf32> to vector<1x16xf32>
        tpu.vector_store %arg11[%swap3A_1132, %swap3A_1133], %swap3A_1136 {strides = array<i32>} : memref<128x144xf32, #tpu.memory_space<vmem>>, vector<1x16xf32>,
        %get3A_1137 = arith.index_cast %add3A_1103 : i32 to index
        %get3A_1138 = arith.constant 48 : index
        %get3A_1139 = tpu.vector_load %arg11[%get3A_1137, %get3A_1138] {strides = array<i32>} : memref<128x144xf32, #tpu.memory_space<vmem>>, vector<1x16xf32>,
        %get3A_1140 = vector.shape_cast %get3A_1139 : vector<1x16xf32> to vector<16xf32>
        %mul3A_1141 = vector.broadcast %squeeze3A_1099 : f32 to vector<16xf32>
        %mul3A_1142 = arith.mulf %get3A_1140, %mul3A_1141 : vector<16xf32>
        %swap3A_1143 = arith.index_cast %add3A_1103 : i32 to index
        %swap3A_1144 = arith.constant 48 : index
        %swap3A_1145 = tpu.vector_load %arg11[%swap3A_1143, %swap3A_1144] {strides = array<i32>} : memref<128x144xf32, #tpu.memory_space<vmem>>, vector<1x16xf32>,
        %swap3A_1146 = vector.shape_cast %swap3A_1145 : vector<1x16xf32> to vector<16xf32>
        %swap3A_1147 = vector.shape_cast %mul3A_1142 : vector<16xf32> to vector<1x16xf32>
        tpu.vector_store %arg11[%swap3A_1143, %swap3A_1144], %swap3A_1147 {strides = array<i32>} : memref<128x144xf32, #tpu.memory_space<vmem>>, vector<1x16xf32>,
        %get3A_1148 = arith.index_cast %add3A_1103 : i32 to index
        %get3A_1149 = arith.constant 64 : index
        %get3A_1150 = tpu.vector_load %arg11[%get3A_1148, %get3A_1149] {strides = array<i32>} : memref<128x144xf32, #tpu.memory_space<vmem>>, vector<1x16xf32>,
        %get3A_1151 = vector.shape_cast %get3A_1150 : vector<1x16xf32> to vector<16xf32>
        %mul3A_1152 = vector.broadcast %squeeze3A_1099 : f32 to vector<16xf32>
        %mul3A_1153 = arith.mulf %get3A_1151, %mul3A_1152 : vector<16xf32>
        %swap3A_1154 = arith.index_cast %add3A_1103 : i32 to index
        %swap3A_1155 = arith.constant 64 : index
        %swap3A_1156 = tpu.vector_load %arg11[%swap3A_1154, %swap3A_1155] {strides = array<i32>} : memref<128x144xf32, #tpu.memory_space<vmem>>, vector<1x16xf32>,
        %swap3A_1157 = vector.shape_cast %swap3A_1156 : vector<1x16xf32> to vector<16xf32>
        %swap3A_1158 = vector.shape_cast %mul3A_1153 : vector<16xf32> to vector<1x16xf32>
        tpu.vector_store %arg11[%swap3A_1154, %swap3A_1155], %swap3A_1158 {strides = array<i32>} : memref<128x144xf32, #tpu.memory_space<vmem>>, vector<1x16xf32>,
        %get3A_1159 = arith.index_cast %add3A_1103 : i32 to index
        %get3A_1160 = arith.constant 80 : index
        %get3A_1161 = tpu.vector_load %arg11[%get3A_1159, %get3A_1160] {strides = array<i32>} : memref<128x144xf32, #tpu.memory_space<vmem>>, vector<1x16xf32>,
        %get3A_1162 = vector.shape_cast %get3A_1161 : vector<1x16xf32> to vector<16xf32>
        %mul3A_1163 = vector.broadcast %squeeze3A_1099 : f32 to vector<16xf32>
        %mul3A_1164 = arith.mulf %get3A_1162, %mul3A_1163 : vector<16xf32>
        %swap3A_1165 = arith.index_cast %add3A_1103 : i32 to index
        %swap3A_1166 = arith.constant 80 : index
        %swap3A_1167 = tpu.vector_load %arg11[%swap3A_1165, %swap3A_1166] {strides = array<i32>} : memref<128x144xf32, #tpu.memory_space<vmem>>, vector<1x16xf32>,
        %swap3A_1168 = vector.shape_cast %swap3A_1167 : vector<1x16xf32> to vector<16xf32>
        %swap3A_1169 = vector.shape_cast %mul3A_1164 : vector<16xf32> to vector<1x16xf32>
        tpu.vector_store %arg11[%swap3A_1165, %swap3A_1166], %swap3A_1169 {strides = array<i32>} : memref<128x144xf32, #tpu.memory_space<vmem>>, vector<1x16xf32>,
        %get3A_1170 = arith.index_cast %add3A_1103 : i32 to index
        %get3A_1171 = arith.constant 96 : index
        %get3A_1172 = tpu.vector_load %arg11[%get3A_1170, %get3A_1171] {strides = array<i32>} : memref<128x144xf32, #tpu.memory_space<vmem>>, vector<1x16xf32>,
        %get3A_1173 = vector.shape_cast %get3A_1172 : vector<1x16xf32> to vector<16xf32>
        %mul3A_1174 = vector.broadcast %squeeze3A_1099 : f32 to vector<16xf32>
        %mul3A_1175 = arith.mulf %get3A_1173, %mul3A_1174 : vector<16xf32>
        %swap3A_1176 = arith.index_cast %add3A_1103 : i32 to index
        %swap3A_1177 = arith.constant 96 : index
        %swap3A_1178 = tpu.vector_load %arg11[%swap3A_1176, %swap3A_1177] {strides = array<i32>} : memref<128x144xf32, #tpu.memory_space<vmem>>, vector<1x16xf32>,
        %swap3A_1179 = vector.shape_cast %swap3A_1178 : vector<1x16xf32> to vector<16xf32>
        %swap3A_1180 = vector.shape_cast %mul3A_1175 : vector<16xf32> to vector<1x16xf32>
        tpu.vector_store %arg11[%swap3A_1176, %swap3A_1177], %swap3A_1180 {strides = array<i32>} : memref<128x144xf32, #tpu.memory_space<vmem>>, vector<1x16xf32>,
        %get3A_1181 = arith.index_cast %add3A_1103 : i32 to index
        %get3A_1182 = arith.constant 112 : index
        %get3A_1183 = tpu.vector_load %arg11[%get3A_1181, %get3A_1182] {strides = array<i32>} : memref<128x144xf32, #tpu.memory_space<vmem>>, vector<1x16xf32>,
        %get3A_1184 = vector.shape_cast %get3A_1183 : vector<1x16xf32> to vector<16xf32>
        %mul3A_1185 = vector.broadcast %squeeze3A_1099 : f32 to vector<16xf32>
        %mul3A_1186 = arith.mulf %get3A_1184, %mul3A_1185 : vector<16xf32>
        %swap3A_1187 = arith.index_cast %add3A_1103 : i32 to index
        %swap3A_1188 = arith.constant 112 : index
        %swap3A_1189 = tpu.vector_load %arg11[%swap3A_1187, %swap3A_1188] {strides = array<i32>} : memref<128x144xf32, #tpu.memory_space<vmem>>, vector<1x16xf32>,
        %swap3A_1190 = vector.shape_cast %swap3A_1189 : vector<1x16xf32> to vector<16xf32>
        %swap3A_1191 = vector.shape_cast %mul3A_1186 : vector<16xf32> to vector<1x16xf32>
        tpu.vector_store %arg11[%swap3A_1187, %swap3A_1188], %swap3A_1191 {strides = array<i32>} : memref<128x144xf32, #tpu.memory_space<vmem>>, vector<1x16xf32>,
        %get3A_1192 = arith.index_cast %add3A_1103 : i32 to index
        %get3A_1193 = arith.constant 128 : index
        %get3A_1194 = tpu.vector_load %arg11[%get3A_1192, %get3A_1193] {strides = array<i32>} : memref<128x144xf32, #tpu.memory_space<vmem>>, vector<1x16xf32>,
        %get3A_1195 = vector.shape_cast %get3A_1194 : vector<1x16xf32> to vector<16xf32>
        %mul3A_1196 = vector.broadcast %squeeze3A_1099 : f32 to vector<16xf32>
        %mul3A_1197 = arith.mulf %get3A_1195, %mul3A_1196 : vector<16xf32>
        %swap3A_1198 = arith.index_cast %add3A_1103 : i32 to index
        %swap3A_1199 = arith.constant 128 : index
        %swap3A_1200 = tpu.vector_load %arg11[%swap3A_1198, %swap3A_1199] {strides = array<i32>} : memref<128x144xf32, #tpu.memory_space<vmem>>, vector<1x16xf32>,
        %swap3A_1201 = vector.shape_cast %swap3A_1200 : vector<1x16xf32> to vector<16xf32>
        %swap3A_1202 = vector.shape_cast %mul3A_1197 : vector<16xf32> to vector<1x16xf32>
        tpu.vector_store %arg11[%swap3A_1198, %swap3A_1199], %swap3A_1202 {strides = array<i32>} : memref<128x144xf32, #tpu.memory_space<vmem>>, vector<1x16xf32>,
        %slice3A_1203 = vector.extract_strided_slice %get3A_50 {offsets = [11], sizes = [1], strides = [1]} : vector<16xf32> to vector<1xf32>
        %squeeze3A_1204 = vector.extract %slice3A_1203[0] : f32 from vector<1xf32>
        %mul3A_1205 = arith.constant 16 : i32
        %mul3A_1206 = arith.muli %scan3A_46, %mul3A_1205 : i32
        %add3A_1207 = arith.constant 11 : i32
        %add3A_1208 = arith.addi %mul3A_1206, %add3A_1207 : i32
        %get3A_1209 = arith.index_cast %add3A_1208 : i32 to index
        %get3A_1210 = arith.constant 0 : index
        %get3A_1211 = tpu.vector_load %arg11[%get3A_1209, %get3A_1210] {strides = array<i32>} : memref<128x144xf32, #tpu.memory_space<vmem>>, vector<1x16xf32>,
        %get3A_1212 = vector.shape_cast %get3A_1211 : vector<1x16xf32> to vector<16xf32>
        %mul3A_1213 = vector.broadcast %squeeze3A_1204 : f32 to vector<16xf32>
        %mul3A_1214 = arith.mulf %get3A_1212, %mul3A_1213 : vector<16xf32>
        %swap3A_1215 = arith.index_cast %add3A_1208 : i32 to index
        %swap3A_1216 = arith.constant 0 : index
        %swap3A_1217 = tpu.vector_load %arg11[%swap3A_1215, %swap3A_1216] {strides = array<i32>} : memref<128x144xf32, #tpu.memory_space<vmem>>, vector<1x16xf32>,
        %swap3A_1218 = vector.shape_cast %swap3A_1217 : vector<1x16xf32> to vector<16xf32>
        %swap3A_1219 = vector.shape_cast %mul3A_1214 : vector<16xf32> to vector<1x16xf32>
        tpu.vector_store %arg11[%swap3A_1215, %swap3A_1216], %swap3A_1219 {strides = array<i32>} : memref<128x144xf32, #tpu.memory_space<vmem>>, vector<1x16xf32>,
        %get3A_1220 = arith.index_cast %add3A_1208 : i32 to index
        %get3A_1221 = arith.constant 16 : index
        %get3A_1222 = tpu.vector_load %arg11[%get3A_1220, %get3A_1221] {strides = array<i32>} : memref<128x144xf32, #tpu.memory_space<vmem>>, vector<1x16xf32>,
        %get3A_1223 = vector.shape_cast %get3A_1222 : vector<1x16xf32> to vector<16xf32>
        %mul3A_1224 = vector.broadcast %squeeze3A_1204 : f32 to vector<16xf32>
        %mul3A_1225 = arith.mulf %get3A_1223, %mul3A_1224 : vector<16xf32>
        %swap3A_1226 = arith.index_cast %add3A_1208 : i32 to index
        %swap3A_1227 = arith.constant 16 : index
        %swap3A_1228 = tpu.vector_load %arg11[%swap3A_1226, %swap3A_1227] {strides = array<i32>} : memref<128x144xf32, #tpu.memory_space<vmem>>, vector<1x16xf32>,
        %swap3A_1229 = vector.shape_cast %swap3A_1228 : vector<1x16xf32> to vector<16xf32>
        %swap3A_1230 = vector.shape_cast %mul3A_1225 : vector<16xf32> to vector<1x16xf32>
        tpu.vector_store %arg11[%swap3A_1226, %swap3A_1227], %swap3A_1230 {strides = array<i32>} : memref<128x144xf32, #tpu.memory_space<vmem>>, vector<1x16xf32>,
        %get3A_1231 = arith.index_cast %add3A_1208 : i32 to index
        %get3A_1232 = arith.constant 32 : index
        %get3A_1233 = tpu.vector_load %arg11[%get3A_1231, %get3A_1232] {strides = array<i32>} : memref<128x144xf32, #tpu.memory_space<vmem>>, vector<1x16xf32>,
        %get3A_1234 = vector.shape_cast %get3A_1233 : vector<1x16xf32> to vector<16xf32>
        %mul3A_1235 = vector.broadcast %squeeze3A_1204 : f32 to vector<16xf32>
        %mul3A_1236 = arith.mulf %get3A_1234, %mul3A_1235 : vector<16xf32>
        %swap3A_1237 = arith.index_cast %add3A_1208 : i32 to index
        %swap3A_1238 = arith.constant 32 : index
        %swap3A_1239 = tpu.vector_load %arg11[%swap3A_1237, %swap3A_1238] {strides = array<i32>} : memref<128x144xf32, #tpu.memory_space<vmem>>, vector<1x16xf32>,
        %swap3A_1240 = vector.shape_cast %swap3A_1239 : vector<1x16xf32> to vector<16xf32>
        %swap3A_1241 = vector.shape_cast %mul3A_1236 : vector<16xf32> to vector<1x16xf32>
        tpu.vector_store %arg11[%swap3A_1237, %swap3A_1238], %swap3A_1241 {strides = array<i32>} : memref<128x144xf32, #tpu.memory_space<vmem>>, vector<1x16xf32>,
        %get3A_1242 = arith.index_cast %add3A_1208 : i32 to index
        %get3A_1243 = arith.constant 48 : index
        %get3A_1244 = tpu.vector_load %arg11[%get3A_1242, %get3A_1243] {strides = array<i32>} : memref<128x144xf32, #tpu.memory_space<vmem>>, vector<1x16xf32>,
        %get3A_1245 = vector.shape_cast %get3A_1244 : vector<1x16xf32> to vector<16xf32>
        %mul3A_1246 = vector.broadcast %squeeze3A_1204 : f32 to vector<16xf32>
        %mul3A_1247 = arith.mulf %get3A_1245, %mul3A_1246 : vector<16xf32>
        %swap3A_1248 = arith.index_cast %add3A_1208 : i32 to index
        %swap3A_1249 = arith.constant 48 : index
        %swap3A_1250 = tpu.vector_load %arg11[%swap3A_1248, %swap3A_1249] {strides = array<i32>} : memref<128x144xf32, #tpu.memory_space<vmem>>, vector<1x16xf32>,
        %swap3A_1251 = vector.shape_cast %swap3A_1250 : vector<1x16xf32> to vector<16xf32>
        %swap3A_1252 = vector.shape_cast %mul3A_1247 : vector<16xf32> to vector<1x16xf32>
        tpu.vector_store %arg11[%swap3A_1248, %swap3A_1249], %swap3A_1252 {strides = array<i32>} : memref<128x144xf32, #tpu.memory_space<vmem>>, vector<1x16xf32>,
        %get3A_1253 = arith.index_cast %add3A_1208 : i32 to index
        %get3A_1254 = arith.constant 64 : index
        %get3A_1255 = tpu.vector_load %arg11[%get3A_1253, %get3A_1254] {strides = array<i32>} : memref<128x144xf32, #tpu.memory_space<vmem>>, vector<1x16xf32>,
        %get3A_1256 = vector.shape_cast %get3A_1255 : vector<1x16xf32> to vector<16xf32>
        %mul3A_1257 = vector.broadcast %squeeze3A_1204 : f32 to vector<16xf32>
        %mul3A_1258 = arith.mulf %get3A_1256, %mul3A_1257 : vector<16xf32>
        %swap3A_1259 = arith.index_cast %add3A_1208 : i32 to index
        %swap3A_1260 = arith.constant 64 : index
        %swap3A_1261 = tpu.vector_load %arg11[%swap3A_1259, %swap3A_1260] {strides = array<i32>} : memref<128x144xf32, #tpu.memory_space<vmem>>, vector<1x16xf32>,
        %swap3A_1262 = vector.shape_cast %swap3A_1261 : vector<1x16xf32> to vector<16xf32>
        %swap3A_1263 = vector.shape_cast %mul3A_1258 : vector<16xf32> to vector<1x16xf32>
        tpu.vector_store %arg11[%swap3A_1259, %swap3A_1260], %swap3A_1263 {strides = array<i32>} : memref<128x144xf32, #tpu.memory_space<vmem>>, vector<1x16xf32>,
        %get3A_1264 = arith.index_cast %add3A_1208 : i32 to index
        %get3A_1265 = arith.constant 80 : index
        %get3A_1266 = tpu.vector_load %arg11[%get3A_1264, %get3A_1265] {strides = array<i32>} : memref<128x144xf32, #tpu.memory_space<vmem>>, vector<1x16xf32>,
        %get3A_1267 = vector.shape_cast %get3A_1266 : vector<1x16xf32> to vector<16xf32>
        %mul3A_1268 = vector.broadcast %squeeze3A_1204 : f32 to vector<16xf32>
        %mul3A_1269 = arith.mulf %get3A_1267, %mul3A_1268 : vector<16xf32>
        %swap3A_1270 = arith.index_cast %add3A_1208 : i32 to index
        %swap3A_1271 = arith.constant 80 : index
        %swap3A_1272 = tpu.vector_load %arg11[%swap3A_1270, %swap3A_1271] {strides = array<i32>} : memref<128x144xf32, #tpu.memory_space<vmem>>, vector<1x16xf32>,
        %swap3A_1273 = vector.shape_cast %swap3A_1272 : vector<1x16xf32> to vector<16xf32>
        %swap3A_1274 = vector.shape_cast %mul3A_1269 : vector<16xf32> to vector<1x16xf32>
        tpu.vector_store %arg11[%swap3A_1270, %swap3A_1271], %swap3A_1274 {strides = array<i32>} : memref<128x144xf32, #tpu.memory_space<vmem>>, vector<1x16xf32>,
        %get3A_1275 = arith.index_cast %add3A_1208 : i32 to index
        %get3A_1276 = arith.constant 96 : index
        %get3A_1277 = tpu.vector_load %arg11[%get3A_1275, %get3A_1276] {strides = array<i32>} : memref<128x144xf32, #tpu.memory_space<vmem>>, vector<1x16xf32>,
        %get3A_1278 = vector.shape_cast %get3A_1277 : vector<1x16xf32> to vector<16xf32>
        %mul3A_1279 = vector.broadcast %squeeze3A_1204 : f32 to vector<16xf32>
        %mul3A_1280 = arith.mulf %get3A_1278, %mul3A_1279 : vector<16xf32>
        %swap3A_1281 = arith.index_cast %add3A_1208 : i32 to index
        %swap3A_1282 = arith.constant 96 : index
        %swap3A_1283 = tpu.vector_load %arg11[%swap3A_1281, %swap3A_1282] {strides = array<i32>} : memref<128x144xf32, #tpu.memory_space<vmem>>, vector<1x16xf32>,
        %swap3A_1284 = vector.shape_cast %swap3A_1283 : vector<1x16xf32> to vector<16xf32>
        %swap3A_1285 = vector.shape_cast %mul3A_1280 : vector<16xf32> to vector<1x16xf32>
        tpu.vector_store %arg11[%swap3A_1281, %swap3A_1282], %swap3A_1285 {strides = array<i32>} : memref<128x144xf32, #tpu.memory_space<vmem>>, vector<1x16xf32>,
        %get3A_1286 = arith.index_cast %add3A_1208 : i32 to index
        %get3A_1287 = arith.constant 112 : index
        %get3A_1288 = tpu.vector_load %arg11[%get3A_1286, %get3A_1287] {strides = array<i32>} : memref<128x144xf32, #tpu.memory_space<vmem>>, vector<1x16xf32>,
        %get3A_1289 = vector.shape_cast %get3A_1288 : vector<1x16xf32> to vector<16xf32>
        %mul3A_1290 = vector.broadcast %squeeze3A_1204 : f32 to vector<16xf32>
        %mul3A_1291 = arith.mulf %get3A_1289, %mul3A_1290 : vector<16xf32>
        %swap3A_1292 = arith.index_cast %add3A_1208 : i32 to index
        %swap3A_1293 = arith.constant 112 : index
        %swap3A_1294 = tpu.vector_load %arg11[%swap3A_1292, %swap3A_1293] {strides = array<i32>} : memref<128x144xf32, #tpu.memory_space<vmem>>, vector<1x16xf32>,
        %swap3A_1295 = vector.shape_cast %swap3A_1294 : vector<1x16xf32> to vector<16xf32>
        %swap3A_1296 = vector.shape_cast %mul3A_1291 : vector<16xf32> to vector<1x16xf32>
        tpu.vector_store %arg11[%swap3A_1292, %swap3A_1293], %swap3A_1296 {strides = array<i32>} : memref<128x144xf32, #tpu.memory_space<vmem>>, vector<1x16xf32>,
        %get3A_1297 = arith.index_cast %add3A_1208 : i32 to index
        %get3A_1298 = arith.constant 128 : index
        %get3A_1299 = tpu.vector_load %arg11[%get3A_1297, %get3A_1298] {strides = array<i32>} : memref<128x144xf32, #tpu.memory_space<vmem>>, vector<1x16xf32>,
        %get3A_1300 = vector.shape_cast %get3A_1299 : vector<1x16xf32> to vector<16xf32>
        %mul3A_1301 = vector.broadcast %squeeze3A_1204 : f32 to vector<16xf32>
        %mul3A_1302 = arith.mulf %get3A_1300, %mul3A_1301 : vector<16xf32>
        %swap3A_1303 = arith.index_cast %add3A_1208 : i32 to index
        %swap3A_1304 = arith.constant 128 : index
        %swap3A_1305 = tpu.vector_load %arg11[%swap3A_1303, %swap3A_1304] {strides = array<i32>} : memref<128x144xf32, #tpu.memory_space<vmem>>, vector<1x16xf32>,
        %swap3A_1306 = vector.shape_cast %swap3A_1305 : vector<1x16xf32> to vector<16xf32>
        %swap3A_1307 = vector.shape_cast %mul3A_1302 : vector<16xf32> to vector<1x16xf32>
        tpu.vector_store %arg11[%swap3A_1303, %swap3A_1304], %swap3A_1307 {strides = array<i32>} : memref<128x144xf32, #tpu.memory_space<vmem>>, vector<1x16xf32>,
        %slice3A_1308 = vector.extract_strided_slice %get3A_50 {offsets = [12], sizes = [1], strides = [1]} : vector<16xf32> to vector<1xf32>
        %squeeze3A_1309 = vector.extract %slice3A_1308[0] : f32 from vector<1xf32>
        %mul3A_1310 = arith.constant 16 : i32
        %mul3A_1311 = arith.muli %scan3A_46, %mul3A_1310 : i32
        %add3A_1312 = arith.constant 12 : i32
        %add3A_1313 = arith.addi %mul3A_1311, %add3A_1312 : i32
        %get3A_1314 = arith.index_cast %add3A_1313 : i32 to index
        %get3A_1315 = arith.constant 0 : index
        %get3A_1316 = tpu.vector_load %arg11[%get3A_1314, %get3A_1315] {strides = array<i32>} : memref<128x144xf32, #tpu.memory_space<vmem>>, vector<1x16xf32>,
        %get3A_1317 = vector.shape_cast %get3A_1316 : vector<1x16xf32> to vector<16xf32>
        %mul3A_1318 = vector.broadcast %squeeze3A_1309 : f32 to vector<16xf32>
        %mul3A_1319 = arith.mulf %get3A_1317, %mul3A_1318 : vector<16xf32>
        %swap3A_1320 = arith.index_cast %add3A_1313 : i32 to index
        %swap3A_1321 = arith.constant 0 : index
        %swap3A_1322 = tpu.vector_load %arg11[%swap3A_1320, %swap3A_1321] {strides = array<i32>} : memref<128x144xf32, #tpu.memory_space<vmem>>, vector<1x16xf32>,
        %swap3A_1323 = vector.shape_cast %swap3A_1322 : vector<1x16xf32> to vector<16xf32>
        %swap3A_1324 = vector.shape_cast %mul3A_1319 : vector<16xf32> to vector<1x16xf32>
        tpu.vector_store %arg11[%swap3A_1320, %swap3A_1321], %swap3A_1324 {strides = array<i32>} : memref<128x144xf32, #tpu.memory_space<vmem>>, vector<1x16xf32>,
        %get3A_1325 = arith.index_cast %add3A_1313 : i32 to index
        %get3A_1326 = arith.constant 16 : index
        %get3A_1327 = tpu.vector_load %arg11[%get3A_1325, %get3A_1326] {strides = array<i32>} : memref<128x144xf32, #tpu.memory_space<vmem>>, vector<1x16xf32>,
        %get3A_1328 = vector.shape_cast %get3A_1327 : vector<1x16xf32> to vector<16xf32>
        %mul3A_1329 = vector.broadcast %squeeze3A_1309 : f32 to vector<16xf32>
        %mul3A_1330 = arith.mulf %get3A_1328, %mul3A_1329 : vector<16xf32>
        %swap3A_1331 = arith.index_cast %add3A_1313 : i32 to index
        %swap3A_1332 = arith.constant 16 : index
        %swap3A_1333 = tpu.vector_load %arg11[%swap3A_1331, %swap3A_1332] {strides = array<i32>} : memref<128x144xf32, #tpu.memory_space<vmem>>, vector<1x16xf32>,
        %swap3A_1334 = vector.shape_cast %swap3A_1333 : vector<1x16xf32> to vector<16xf32>
        %swap3A_1335 = vector.shape_cast %mul3A_1330 : vector<16xf32> to vector<1x16xf32>
        tpu.vector_store %arg11[%swap3A_1331, %swap3A_1332], %swap3A_1335 {strides = array<i32>} : memref<128x144xf32, #tpu.memory_space<vmem>>, vector<1x16xf32>,
        %get3A_1336 = arith.index_cast %add3A_1313 : i32 to index
        %get3A_1337 = arith.constant 32 : index
        %get3A_1338 = tpu.vector_load %arg11[%get3A_1336, %get3A_1337] {strides = array<i32>} : memref<128x144xf32, #tpu.memory_space<vmem>>, vector<1x16xf32>,
        %get3A_1339 = vector.shape_cast %get3A_1338 : vector<1x16xf32> to vector<16xf32>
        %mul3A_1340 = vector.broadcast %squeeze3A_1309 : f32 to vector<16xf32>
        %mul3A_1341 = arith.mulf %get3A_1339, %mul3A_1340 : vector<16xf32>
        %swap3A_1342 = arith.index_cast %add3A_1313 : i32 to index
        %swap3A_1343 = arith.constant 32 : index
        %swap3A_1344 = tpu.vector_load %arg11[%swap3A_1342, %swap3A_1343] {strides = array<i32>} : memref<128x144xf32, #tpu.memory_space<vmem>>, vector<1x16xf32>,
        %swap3A_1345 = vector.shape_cast %swap3A_1344 : vector<1x16xf32> to vector<16xf32>
        %swap3A_1346 = vector.shape_cast %mul3A_1341 : vector<16xf32> to vector<1x16xf32>
        tpu.vector_store %arg11[%swap3A_1342, %swap3A_1343], %swap3A_1346 {strides = array<i32>} : memref<128x144xf32, #tpu.memory_space<vmem>>, vector<1x16xf32>,
        %get3A_1347 = arith.index_cast %add3A_1313 : i32 to index
        %get3A_1348 = arith.constant 48 : index
        %get3A_1349 = tpu.vector_load %arg11[%get3A_1347, %get3A_1348] {strides = array<i32>} : memref<128x144xf32, #tpu.memory_space<vmem>>, vector<1x16xf32>,
        %get3A_1350 = vector.shape_cast %get3A_1349 : vector<1x16xf32> to vector<16xf32>
        %mul3A_1351 = vector.broadcast %squeeze3A_1309 : f32 to vector<16xf32>
        %mul3A_1352 = arith.mulf %get3A_1350, %mul3A_1351 : vector<16xf32>
        %swap3A_1353 = arith.index_cast %add3A_1313 : i32 to index
        %swap3A_1354 = arith.constant 48 : index
        %swap3A_1355 = tpu.vector_load %arg11[%swap3A_1353, %swap3A_1354] {strides = array<i32>} : memref<128x144xf32, #tpu.memory_space<vmem>>, vector<1x16xf32>,
        %swap3A_1356 = vector.shape_cast %swap3A_1355 : vector<1x16xf32> to vector<16xf32>
        %swap3A_1357 = vector.shape_cast %mul3A_1352 : vector<16xf32> to vector<1x16xf32>
        tpu.vector_store %arg11[%swap3A_1353, %swap3A_1354], %swap3A_1357 {strides = array<i32>} : memref<128x144xf32, #tpu.memory_space<vmem>>, vector<1x16xf32>,
        %get3A_1358 = arith.index_cast %add3A_1313 : i32 to index
        %get3A_1359 = arith.constant 64 : index
        %get3A_1360 = tpu.vector_load %arg11[%get3A_1358, %get3A_1359] {strides = array<i32>} : memref<128x144xf32, #tpu.memory_space<vmem>>, vector<1x16xf32>,
        %get3A_1361 = vector.shape_cast %get3A_1360 : vector<1x16xf32> to vector<16xf32>
        %mul3A_1362 = vector.broadcast %squeeze3A_1309 : f32 to vector<16xf32>
        %mul3A_1363 = arith.mulf %get3A_1361, %mul3A_1362 : vector<16xf32>
        %swap3A_1364 = arith.index_cast %add3A_1313 : i32 to index
        %swap3A_1365 = arith.constant 64 : index
        %swap3A_1366 = tpu.vector_load %arg11[%swap3A_1364, %swap3A_1365] {strides = array<i32>} : memref<128x144xf32, #tpu.memory_space<vmem>>, vector<1x16xf32>,
        %swap3A_1367 = vector.shape_cast %swap3A_1366 : vector<1x16xf32> to vector<16xf32>
        %swap3A_1368 = vector.shape_cast %mul3A_1363 : vector<16xf32> to vector<1x16xf32>
        tpu.vector_store %arg11[%swap3A_1364, %swap3A_1365], %swap3A_1368 {strides = array<i32>} : memref<128x144xf32, #tpu.memory_space<vmem>>, vector<1x16xf32>,
        %get3A_1369 = arith.index_cast %add3A_1313 : i32 to index
        %get3A_1370 = arith.constant 80 : index
        %get3A_1371 = tpu.vector_load %arg11[%get3A_1369, %get3A_1370] {strides = array<i32>} : memref<128x144xf32, #tpu.memory_space<vmem>>, vector<1x16xf32>,
        %get3A_1372 = vector.shape_cast %get3A_1371 : vector<1x16xf32> to vector<16xf32>
        %mul3A_1373 = vector.broadcast %squeeze3A_1309 : f32 to vector<16xf32>
        %mul3A_1374 = arith.mulf %get3A_1372, %mul3A_1373 : vector<16xf32>
        %swap3A_1375 = arith.index_cast %add3A_1313 : i32 to index
        %swap3A_1376 = arith.constant 80 : index
        %swap3A_1377 = tpu.vector_load %arg11[%swap3A_1375, %swap3A_1376] {strides = array<i32>} : memref<128x144xf32, #tpu.memory_space<vmem>>, vector<1x16xf32>,
        %swap3A_1378 = vector.shape_cast %swap3A_1377 : vector<1x16xf32> to vector<16xf32>
        %swap3A_1379 = vector.shape_cast %mul3A_1374 : vector<16xf32> to vector<1x16xf32>
        tpu.vector_store %arg11[%swap3A_1375, %swap3A_1376], %swap3A_1379 {strides = array<i32>} : memref<128x144xf32, #tpu.memory_space<vmem>>, vector<1x16xf32>,
        %get3A_1380 = arith.index_cast %add3A_1313 : i32 to index
        %get3A_1381 = arith.constant 96 : index
        %get3A_1382 = tpu.vector_load %arg11[%get3A_1380, %get3A_1381] {strides = array<i32>} : memref<128x144xf32, #tpu.memory_space<vmem>>, vector<1x16xf32>,
        %get3A_1383 = vector.shape_cast %get3A_1382 : vector<1x16xf32> to vector<16xf32>
        %mul3A_1384 = vector.broadcast %squeeze3A_1309 : f32 to vector<16xf32>
        %mul3A_1385 = arith.mulf %get3A_1383, %mul3A_1384 : vector<16xf32>
        %swap3A_1386 = arith.index_cast %add3A_1313 : i32 to index
        %swap3A_1387 = arith.constant 96 : index
        %swap3A_1388 = tpu.vector_load %arg11[%swap3A_1386, %swap3A_1387] {strides = array<i32>} : memref<128x144xf32, #tpu.memory_space<vmem>>, vector<1x16xf32>,
        %swap3A_1389 = vector.shape_cast %swap3A_1388 : vector<1x16xf32> to vector<16xf32>
        %swap3A_1390 = vector.shape_cast %mul3A_1385 : vector<16xf32> to vector<1x16xf32>
        tpu.vector_store %arg11[%swap3A_1386, %swap3A_1387], %swap3A_1390 {strides = array<i32>} : memref<128x144xf32, #tpu.memory_space<vmem>>, vector<1x16xf32>,
        %get3A_1391 = arith.index_cast %add3A_1313 : i32 to index
        %get3A_1392 = arith.constant 112 : index
        %get3A_1393 = tpu.vector_load %arg11[%get3A_1391, %get3A_1392] {strides = array<i32>} : memref<128x144xf32, #tpu.memory_space<vmem>>, vector<1x16xf32>,
        %get3A_1394 = vector.shape_cast %get3A_1393 : vector<1x16xf32> to vector<16xf32>
        %mul3A_1395 = vector.broadcast %squeeze3A_1309 : f32 to vector<16xf32>
        %mul3A_1396 = arith.mulf %get3A_1394, %mul3A_1395 : vector<16xf32>
        %swap3A_1397 = arith.index_cast %add3A_1313 : i32 to index
        %swap3A_1398 = arith.constant 112 : index
        %swap3A_1399 = tpu.vector_load %arg11[%swap3A_1397, %swap3A_1398] {strides = array<i32>} : memref<128x144xf32, #tpu.memory_space<vmem>>, vector<1x16xf32>,
        %swap3A_1400 = vector.shape_cast %swap3A_1399 : vector<1x16xf32> to vector<16xf32>
        %swap3A_1401 = vector.shape_cast %mul3A_1396 : vector<16xf32> to vector<1x16xf32>
        tpu.vector_store %arg11[%swap3A_1397, %swap3A_1398], %swap3A_1401 {strides = array<i32>} : memref<128x144xf32, #tpu.memory_space<vmem>>, vector<1x16xf32>,
        %get3A_1402 = arith.index_cast %add3A_1313 : i32 to index
        %get3A_1403 = arith.constant 128 : index
        %get3A_1404 = tpu.vector_load %arg11[%get3A_1402, %get3A_1403] {strides = array<i32>} : memref<128x144xf32, #tpu.memory_space<vmem>>, vector<1x16xf32>,
        %get3A_1405 = vector.shape_cast %get3A_1404 : vector<1x16xf32> to vector<16xf32>
        %mul3A_1406 = vector.broadcast %squeeze3A_1309 : f32 to vector<16xf32>
        %mul3A_1407 = arith.mulf %get3A_1405, %mul3A_1406 : vector<16xf32>
        %swap3A_1408 = arith.index_cast %add3A_1313 : i32 to index
        %swap3A_1409 = arith.constant 128 : index
        %swap3A_1410 = tpu.vector_load %arg11[%swap3A_1408, %swap3A_1409] {strides = array<i32>} : memref<128x144xf32, #tpu.memory_space<vmem>>, vector<1x16xf32>,
        %swap3A_1411 = vector.shape_cast %swap3A_1410 : vector<1x16xf32> to vector<16xf32>
        %swap3A_1412 = vector.shape_cast %mul3A_1407 : vector<16xf32> to vector<1x16xf32>
        tpu.vector_store %arg11[%swap3A_1408, %swap3A_1409], %swap3A_1412 {strides = array<i32>} : memref<128x144xf32, #tpu.memory_space<vmem>>, vector<1x16xf32>,
        %slice3A_1413 = vector.extract_strided_slice %get3A_50 {offsets = [13], sizes = [1], strides = [1]} : vector<16xf32> to vector<1xf32>
        %squeeze3A_1414 = vector.extract %slice3A_1413[0] : f32 from vector<1xf32>
        %mul3A_1415 = arith.constant 16 : i32
        %mul3A_1416 = arith.muli %scan3A_46, %mul3A_1415 : i32
        %add3A_1417 = arith.constant 13 : i32
        %add3A_1418 = arith.addi %mul3A_1416, %add3A_1417 : i32
        %get3A_1419 = arith.index_cast %add3A_1418 : i32 to index
        %get3A_1420 = arith.constant 0 : index
        %get3A_1421 = tpu.vector_load %arg11[%get3A_1419, %get3A_1420] {strides = array<i32>} : memref<128x144xf32, #tpu.memory_space<vmem>>, vector<1x16xf32>,
        %get3A_1422 = vector.shape_cast %get3A_1421 : vector<1x16xf32> to vector<16xf32>
        %mul3A_1423 = vector.broadcast %squeeze3A_1414 : f32 to vector<16xf32>
        %mul3A_1424 = arith.mulf %get3A_1422, %mul3A_1423 : vector<16xf32>
        %swap3A_1425 = arith.index_cast %add3A_1418 : i32 to index
        %swap3A_1426 = arith.constant 0 : index
        %swap3A_1427 = tpu.vector_load %arg11[%swap3A_1425, %swap3A_1426] {strides = array<i32>} : memref<128x144xf32, #tpu.memory_space<vmem>>, vector<1x16xf32>,
        %swap3A_1428 = vector.shape_cast %swap3A_1427 : vector<1x16xf32> to vector<16xf32>
        %swap3A_1429 = vector.shape_cast %mul3A_1424 : vector<16xf32> to vector<1x16xf32>
        tpu.vector_store %arg11[%swap3A_1425, %swap3A_1426], %swap3A_1429 {strides = array<i32>} : memref<128x144xf32, #tpu.memory_space<vmem>>, vector<1x16xf32>,
        %get3A_1430 = arith.index_cast %add3A_1418 : i32 to index
        %get3A_1431 = arith.constant 16 : index
        %get3A_1432 = tpu.vector_load %arg11[%get3A_1430, %get3A_1431] {strides = array<i32>} : memref<128x144xf32, #tpu.memory_space<vmem>>, vector<1x16xf32>,
        %get3A_1433 = vector.shape_cast %get3A_1432 : vector<1x16xf32> to vector<16xf32>
        %mul3A_1434 = vector.broadcast %squeeze3A_1414 : f32 to vector<16xf32>
        %mul3A_1435 = arith.mulf %get3A_1433, %mul3A_1434 : vector<16xf32>
        %swap3A_1436 = arith.index_cast %add3A_1418 : i32 to index
        %swap3A_1437 = arith.constant 16 : index
        %swap3A_1438 = tpu.vector_load %arg11[%swap3A_1436, %swap3A_1437] {strides = array<i32>} : memref<128x144xf32, #tpu.memory_space<vmem>>, vector<1x16xf32>,
        %swap3A_1439 = vector.shape_cast %swap3A_1438 : vector<1x16xf32> to vector<16xf32>
        %swap3A_1440 = vector.shape_cast %mul3A_1435 : vector<16xf32> to vector<1x16xf32>
        tpu.vector_store %arg11[%swap3A_1436, %swap3A_1437], %swap3A_1440 {strides = array<i32>} : memref<128x144xf32, #tpu.memory_space<vmem>>, vector<1x16xf32>,
        %get3A_1441 = arith.index_cast %add3A_1418 : i32 to index
        %get3A_1442 = arith.constant 32 : index
        %get3A_1443 = tpu.vector_load %arg11[%get3A_1441, %get3A_1442] {strides = array<i32>} : memref<128x144xf32, #tpu.memory_space<vmem>>, vector<1x16xf32>,
        %get3A_1444 = vector.shape_cast %get3A_1443 : vector<1x16xf32> to vector<16xf32>
        %mul3A_1445 = vector.broadcast %squeeze3A_1414 : f32 to vector<16xf32>
        %mul3A_1446 = arith.mulf %get3A_1444, %mul3A_1445 : vector<16xf32>
        %swap3A_1447 = arith.index_cast %add3A_1418 : i32 to index
        %swap3A_1448 = arith.constant 32 : index
        %swap3A_1449 = tpu.vector_load %arg11[%swap3A_1447, %swap3A_1448] {strides = array<i32>} : memref<128x144xf32, #tpu.memory_space<vmem>>, vector<1x16xf32>,
        %swap3A_1450 = vector.shape_cast %swap3A_1449 : vector<1x16xf32> to vector<16xf32>
        %swap3A_1451 = vector.shape_cast %mul3A_1446 : vector<16xf32> to vector<1x16xf32>
        tpu.vector_store %arg11[%swap3A_1447, %swap3A_1448], %swap3A_1451 {strides = array<i32>} : memref<128x144xf32, #tpu.memory_space<vmem>>, vector<1x16xf32>,
        %get3A_1452 = arith.index_cast %add3A_1418 : i32 to index
        %get3A_1453 = arith.constant 48 : index
        %get3A_1454 = tpu.vector_load %arg11[%get3A_1452, %get3A_1453] {strides = array<i32>} : memref<128x144xf32, #tpu.memory_space<vmem>>, vector<1x16xf32>,
        %get3A_1455 = vector.shape_cast %get3A_1454 : vector<1x16xf32> to vector<16xf32>
        %mul3A_1456 = vector.broadcast %squeeze3A_1414 : f32 to vector<16xf32>
        %mul3A_1457 = arith.mulf %get3A_1455, %mul3A_1456 : vector<16xf32>
        %swap3A_1458 = arith.index_cast %add3A_1418 : i32 to index
        %swap3A_1459 = arith.constant 48 : index
        %swap3A_1460 = tpu.vector_load %arg11[%swap3A_1458, %swap3A_1459] {strides = array<i32>} : memref<128x144xf32, #tpu.memory_space<vmem>>, vector<1x16xf32>,
        %swap3A_1461 = vector.shape_cast %swap3A_1460 : vector<1x16xf32> to vector<16xf32>
        %swap3A_1462 = vector.shape_cast %mul3A_1457 : vector<16xf32> to vector<1x16xf32>
        tpu.vector_store %arg11[%swap3A_1458, %swap3A_1459], %swap3A_1462 {strides = array<i32>} : memref<128x144xf32, #tpu.memory_space<vmem>>, vector<1x16xf32>,
        %get3A_1463 = arith.index_cast %add3A_1418 : i32 to index
        %get3A_1464 = arith.constant 64 : index
        %get3A_1465 = tpu.vector_load %arg11[%get3A_1463, %get3A_1464] {strides = array<i32>} : memref<128x144xf32, #tpu.memory_space<vmem>>, vector<1x16xf32>,
        %get3A_1466 = vector.shape_cast %get3A_1465 : vector<1x16xf32> to vector<16xf32>
        %mul3A_1467 = vector.broadcast %squeeze3A_1414 : f32 to vector<16xf32>
        %mul3A_1468 = arith.mulf %get3A_1466, %mul3A_1467 : vector<16xf32>
        %swap3A_1469 = arith.index_cast %add3A_1418 : i32 to index
        %swap3A_1470 = arith.constant 64 : index
        %swap3A_1471 = tpu.vector_load %arg11[%swap3A_1469, %swap3A_1470] {strides = array<i32>} : memref<128x144xf32, #tpu.memory_space<vmem>>, vector<1x16xf32>,
        %swap3A_1472 = vector.shape_cast %swap3A_1471 : vector<1x16xf32> to vector<16xf32>
        %swap3A_1473 = vector.shape_cast %mul3A_1468 : vector<16xf32> to vector<1x16xf32>
        tpu.vector_store %arg11[%swap3A_1469, %swap3A_1470], %swap3A_1473 {strides = array<i32>} : memref<128x144xf32, #tpu.memory_space<vmem>>, vector<1x16xf32>,
        %get3A_1474 = arith.index_cast %add3A_1418 : i32 to index
        %get3A_1475 = arith.constant 80 : index
        %get3A_1476 = tpu.vector_load %arg11[%get3A_1474, %get3A_1475] {strides = array<i32>} : memref<128x144xf32, #tpu.memory_space<vmem>>, vector<1x16xf32>,
        %get3A_1477 = vector.shape_cast %get3A_1476 : vector<1x16xf32> to vector<16xf32>
        %mul3A_1478 = vector.broadcast %squeeze3A_1414 : f32 to vector<16xf32>
        %mul3A_1479 = arith.mulf %get3A_1477, %mul3A_1478 : vector<16xf32>
        %swap3A_1480 = arith.index_cast %add3A_1418 : i32 to index
        %swap3A_1481 = arith.constant 80 : index
        %swap3A_1482 = tpu.vector_load %arg11[%swap3A_1480, %swap3A_1481] {strides = array<i32>} : memref<128x144xf32, #tpu.memory_space<vmem>>, vector<1x16xf32>,
        %swap3A_1483 = vector.shape_cast %swap3A_1482 : vector<1x16xf32> to vector<16xf32>
        %swap3A_1484 = vector.shape_cast %mul3A_1479 : vector<16xf32> to vector<1x16xf32>
        tpu.vector_store %arg11[%swap3A_1480, %swap3A_1481], %swap3A_1484 {strides = array<i32>} : memref<128x144xf32, #tpu.memory_space<vmem>>, vector<1x16xf32>,
        %get3A_1485 = arith.index_cast %add3A_1418 : i32 to index
        %get3A_1486 = arith.constant 96 : index
        %get3A_1487 = tpu.vector_load %arg11[%get3A_1485, %get3A_1486] {strides = array<i32>} : memref<128x144xf32, #tpu.memory_space<vmem>>, vector<1x16xf32>,
        %get3A_1488 = vector.shape_cast %get3A_1487 : vector<1x16xf32> to vector<16xf32>
        %mul3A_1489 = vector.broadcast %squeeze3A_1414 : f32 to vector<16xf32>
        %mul3A_1490 = arith.mulf %get3A_1488, %mul3A_1489 : vector<16xf32>
        %swap3A_1491 = arith.index_cast %add3A_1418 : i32 to index
        %swap3A_1492 = arith.constant 96 : index
        %swap3A_1493 = tpu.vector_load %arg11[%swap3A_1491, %swap3A_1492] {strides = array<i32>} : memref<128x144xf32, #tpu.memory_space<vmem>>, vector<1x16xf32>,
        %swap3A_1494 = vector.shape_cast %swap3A_1493 : vector<1x16xf32> to vector<16xf32>
        %swap3A_1495 = vector.shape_cast %mul3A_1490 : vector<16xf32> to vector<1x16xf32>
        tpu.vector_store %arg11[%swap3A_1491, %swap3A_1492], %swap3A_1495 {strides = array<i32>} : memref<128x144xf32, #tpu.memory_space<vmem>>, vector<1x16xf32>,
        %get3A_1496 = arith.index_cast %add3A_1418 : i32 to index
        %get3A_1497 = arith.constant 112 : index
        %get3A_1498 = tpu.vector_load %arg11[%get3A_1496, %get3A_1497] {strides = array<i32>} : memref<128x144xf32, #tpu.memory_space<vmem>>, vector<1x16xf32>,
        %get3A_1499 = vector.shape_cast %get3A_1498 : vector<1x16xf32> to vector<16xf32>
        %mul3A_1500 = vector.broadcast %squeeze3A_1414 : f32 to vector<16xf32>
        %mul3A_1501 = arith.mulf %get3A_1499, %mul3A_1500 : vector<16xf32>
        %swap3A_1502 = arith.index_cast %add3A_1418 : i32 to index
        %swap3A_1503 = arith.constant 112 : index
        %swap3A_1504 = tpu.vector_load %arg11[%swap3A_1502, %swap3A_1503] {strides = array<i32>} : memref<128x144xf32, #tpu.memory_space<vmem>>, vector<1x16xf32>,
        %swap3A_1505 = vector.shape_cast %swap3A_1504 : vector<1x16xf32> to vector<16xf32>
        %swap3A_1506 = vector.shape_cast %mul3A_1501 : vector<16xf32> to vector<1x16xf32>
        tpu.vector_store %arg11[%swap3A_1502, %swap3A_1503], %swap3A_1506 {strides = array<i32>} : memref<128x144xf32, #tpu.memory_space<vmem>>, vector<1x16xf32>,
        %get3A_1507 = arith.index_cast %add3A_1418 : i32 to index
        %get3A_1508 = arith.constant 128 : index
        %get3A_1509 = tpu.vector_load %arg11[%get3A_1507, %get3A_1508] {strides = array<i32>} : memref<128x144xf32, #tpu.memory_space<vmem>>, vector<1x16xf32>,
        %get3A_1510 = vector.shape_cast %get3A_1509 : vector<1x16xf32> to vector<16xf32>
        %mul3A_1511 = vector.broadcast %squeeze3A_1414 : f32 to vector<16xf32>
        %mul3A_1512 = arith.mulf %get3A_1510, %mul3A_1511 : vector<16xf32>
        %swap3A_1513 = arith.index_cast %add3A_1418 : i32 to index
        %swap3A_1514 = arith.constant 128 : index
        %swap3A_1515 = tpu.vector_load %arg11[%swap3A_1513, %swap3A_1514] {strides = array<i32>} : memref<128x144xf32, #tpu.memory_space<vmem>>, vector<1x16xf32>,
        %swap3A_1516 = vector.shape_cast %swap3A_1515 : vector<1x16xf32> to vector<16xf32>
        %swap3A_1517 = vector.shape_cast %mul3A_1512 : vector<16xf32> to vector<1x16xf32>
        tpu.vector_store %arg11[%swap3A_1513, %swap3A_1514], %swap3A_1517 {strides = array<i32>} : memref<128x144xf32, #tpu.memory_space<vmem>>, vector<1x16xf32>,
        %slice3A_1518 = vector.extract_strided_slice %get3A_50 {offsets = [14], sizes = [1], strides = [1]} : vector<16xf32> to vector<1xf32>
        %squeeze3A_1519 = vector.extract %slice3A_1518[0] : f32 from vector<1xf32>
        %mul3A_1520 = arith.constant 16 : i32
        %mul3A_1521 = arith.muli %scan3A_46, %mul3A_1520 : i32
        %add3A_1522 = arith.constant 14 : i32
        %add3A_1523 = arith.addi %mul3A_1521, %add3A_1522 : i32
        %get3A_1524 = arith.index_cast %add3A_1523 : i32 to index
        %get3A_1525 = arith.constant 0 : index
        %get3A_1526 = tpu.vector_load %arg11[%get3A_1524, %get3A_1525] {strides = array<i32>} : memref<128x144xf32, #tpu.memory_space<vmem>>, vector<1x16xf32>,
        %get3A_1527 = vector.shape_cast %get3A_1526 : vector<1x16xf32> to vector<16xf32>
        %mul3A_1528 = vector.broadcast %squeeze3A_1519 : f32 to vector<16xf32>
        %mul3A_1529 = arith.mulf %get3A_1527, %mul3A_1528 : vector<16xf32>
        %swap3A_1530 = arith.index_cast %add3A_1523 : i32 to index
        %swap3A_1531 = arith.constant 0 : index
        %swap3A_1532 = tpu.vector_load %arg11[%swap3A_1530, %swap3A_1531] {strides = array<i32>} : memref<128x144xf32, #tpu.memory_space<vmem>>, vector<1x16xf32>,
        %swap3A_1533 = vector.shape_cast %swap3A_1532 : vector<1x16xf32> to vector<16xf32>
        %swap3A_1534 = vector.shape_cast %mul3A_1529 : vector<16xf32> to vector<1x16xf32>
        tpu.vector_store %arg11[%swap3A_1530, %swap3A_1531], %swap3A_1534 {strides = array<i32>} : memref<128x144xf32, #tpu.memory_space<vmem>>, vector<1x16xf32>,
        %get3A_1535 = arith.index_cast %add3A_1523 : i32 to index
        %get3A_1536 = arith.constant 16 : index
        %get3A_1537 = tpu.vector_load %arg11[%get3A_1535, %get3A_1536] {strides = array<i32>} : memref<128x144xf32, #tpu.memory_space<vmem>>, vector<1x16xf32>,
        %get3A_1538 = vector.shape_cast %get3A_1537 : vector<1x16xf32> to vector<16xf32>
        %mul3A_1539 = vector.broadcast %squeeze3A_1519 : f32 to vector<16xf32>
        %mul3A_1540 = arith.mulf %get3A_1538, %mul3A_1539 : vector<16xf32>
        %swap3A_1541 = arith.index_cast %add3A_1523 : i32 to index
        %swap3A_1542 = arith.constant 16 : index
        %swap3A_1543 = tpu.vector_load %arg11[%swap3A_1541, %swap3A_1542] {strides = array<i32>} : memref<128x144xf32, #tpu.memory_space<vmem>>, vector<1x16xf32>,
        %swap3A_1544 = vector.shape_cast %swap3A_1543 : vector<1x16xf32> to vector<16xf32>
        %swap3A_1545 = vector.shape_cast %mul3A_1540 : vector<16xf32> to vector<1x16xf32>
        tpu.vector_store %arg11[%swap3A_1541, %swap3A_1542], %swap3A_1545 {strides = array<i32>} : memref<128x144xf32, #tpu.memory_space<vmem>>, vector<1x16xf32>,
        %get3A_1546 = arith.index_cast %add3A_1523 : i32 to index
        %get3A_1547 = arith.constant 32 : index
        %get3A_1548 = tpu.vector_load %arg11[%get3A_1546, %get3A_1547] {strides = array<i32>} : memref<128x144xf32, #tpu.memory_space<vmem>>, vector<1x16xf32>,
        %get3A_1549 = vector.shape_cast %get3A_1548 : vector<1x16xf32> to vector<16xf32>
        %mul3A_1550 = vector.broadcast %squeeze3A_1519 : f32 to vector<16xf32>
        %mul3A_1551 = arith.mulf %get3A_1549, %mul3A_1550 : vector<16xf32>
        %swap3A_1552 = arith.index_cast %add3A_1523 : i32 to index
        %swap3A_1553 = arith.constant 32 : index
        %swap3A_1554 = tpu.vector_load %arg11[%swap3A_1552, %swap3A_1553] {strides = array<i32>} : memref<128x144xf32, #tpu.memory_space<vmem>>, vector<1x16xf32>,
        %swap3A_1555 = vector.shape_cast %swap3A_1554 : vector<1x16xf32> to vector<16xf32>
        %swap3A_1556 = vector.shape_cast %mul3A_1551 : vector<16xf32> to vector<1x16xf32>
        tpu.vector_store %arg11[%swap3A_1552, %swap3A_1553], %swap3A_1556 {strides = array<i32>} : memref<128x144xf32, #tpu.memory_space<vmem>>, vector<1x16xf32>,
        %get3A_1557 = arith.index_cast %add3A_1523 : i32 to index
        %get3A_1558 = arith.constant 48 : index
        %get3A_1559 = tpu.vector_load %arg11[%get3A_1557, %get3A_1558] {strides = array<i32>} : memref<128x144xf32, #tpu.memory_space<vmem>>, vector<1x16xf32>,
        %get3A_1560 = vector.shape_cast %get3A_1559 : vector<1x16xf32> to vector<16xf32>
        %mul3A_1561 = vector.broadcast %squeeze3A_1519 : f32 to vector<16xf32>
        %mul3A_1562 = arith.mulf %get3A_1560, %mul3A_1561 : vector<16xf32>
        %swap3A_1563 = arith.index_cast %add3A_1523 : i32 to index
        %swap3A_1564 = arith.constant 48 : index
        %swap3A_1565 = tpu.vector_load %arg11[%swap3A_1563, %swap3A_1564] {strides = array<i32>} : memref<128x144xf32, #tpu.memory_space<vmem>>, vector<1x16xf32>,
        %swap3A_1566 = vector.shape_cast %swap3A_1565 : vector<1x16xf32> to vector<16xf32>
        %swap3A_1567 = vector.shape_cast %mul3A_1562 : vector<16xf32> to vector<1x16xf32>
        tpu.vector_store %arg11[%swap3A_1563, %swap3A_1564], %swap3A_1567 {strides = array<i32>} : memref<128x144xf32, #tpu.memory_space<vmem>>, vector<1x16xf32>,
        %get3A_1568 = arith.index_cast %add3A_1523 : i32 to index
        %get3A_1569 = arith.constant 64 : index
        %get3A_1570 = tpu.vector_load %arg11[%get3A_1568, %get3A_1569] {strides = array<i32>} : memref<128x144xf32, #tpu.memory_space<vmem>>, vector<1x16xf32>,
        %get3A_1571 = vector.shape_cast %get3A_1570 : vector<1x16xf32> to vector<16xf32>
        %mul3A_1572 = vector.broadcast %squeeze3A_1519 : f32 to vector<16xf32>
        %mul3A_1573 = arith.mulf %get3A_1571, %mul3A_1572 : vector<16xf32>
        %swap3A_1574 = arith.index_cast %add3A_1523 : i32 to index
        %swap3A_1575 = arith.constant 64 : index
        %swap3A_1576 = tpu.vector_load %arg11[%swap3A_1574, %swap3A_1575] {strides = array<i32>} : memref<128x144xf32, #tpu.memory_space<vmem>>, vector<1x16xf32>,
        %swap3A_1577 = vector.shape_cast %swap3A_1576 : vector<1x16xf32> to vector<16xf32>
        %swap3A_1578 = vector.shape_cast %mul3A_1573 : vector<16xf32> to vector<1x16xf32>
        tpu.vector_store %arg11[%swap3A_1574, %swap3A_1575], %swap3A_1578 {strides = array<i32>} : memref<128x144xf32, #tpu.memory_space<vmem>>, vector<1x16xf32>,
        %get3A_1579 = arith.index_cast %add3A_1523 : i32 to index
        %get3A_1580 = arith.constant 80 : index
        %get3A_1581 = tpu.vector_load %arg11[%get3A_1579, %get3A_1580] {strides = array<i32>} : memref<128x144xf32, #tpu.memory_space<vmem>>, vector<1x16xf32>,
        %get3A_1582 = vector.shape_cast %get3A_1581 : vector<1x16xf32> to vector<16xf32>
        %mul3A_1583 = vector.broadcast %squeeze3A_1519 : f32 to vector<16xf32>
        %mul3A_1584 = arith.mulf %get3A_1582, %mul3A_1583 : vector<16xf32>
        %swap3A_1585 = arith.index_cast %add3A_1523 : i32 to index
        %swap3A_1586 = arith.constant 80 : index
        %swap3A_1587 = tpu.vector_load %arg11[%swap3A_1585, %swap3A_1586] {strides = array<i32>} : memref<128x144xf32, #tpu.memory_space<vmem>>, vector<1x16xf32>,
        %swap3A_1588 = vector.shape_cast %swap3A_1587 : vector<1x16xf32> to vector<16xf32>
        %swap3A_1589 = vector.shape_cast %mul3A_1584 : vector<16xf32> to vector<1x16xf32>
        tpu.vector_store %arg11[%swap3A_1585, %swap3A_1586], %swap3A_1589 {strides = array<i32>} : memref<128x144xf32, #tpu.memory_space<vmem>>, vector<1x16xf32>,
        %get3A_1590 = arith.index_cast %add3A_1523 : i32 to index
        %get3A_1591 = arith.constant 96 : index
        %get3A_1592 = tpu.vector_load %arg11[%get3A_1590, %get3A_1591] {strides = array<i32>} : memref<128x144xf32, #tpu.memory_space<vmem>>, vector<1x16xf32>,
        %get3A_1593 = vector.shape_cast %get3A_1592 : vector<1x16xf32> to vector<16xf32>
        %mul3A_1594 = vector.broadcast %squeeze3A_1519 : f32 to vector<16xf32>
        %mul3A_1595 = arith.mulf %get3A_1593, %mul3A_1594 : vector<16xf32>
        %swap3A_1596 = arith.index_cast %add3A_1523 : i32 to index
        %swap3A_1597 = arith.constant 96 : index
        %swap3A_1598 = tpu.vector_load %arg11[%swap3A_1596, %swap3A_1597] {strides = array<i32>} : memref<128x144xf32, #tpu.memory_space<vmem>>, vector<1x16xf32>,
        %swap3A_1599 = vector.shape_cast %swap3A_1598 : vector<1x16xf32> to vector<16xf32>
        %swap3A_1600 = vector.shape_cast %mul3A_1595 : vector<16xf32> to vector<1x16xf32>
        tpu.vector_store %arg11[%swap3A_1596, %swap3A_1597], %swap3A_1600 {strides = array<i32>} : memref<128x144xf32, #tpu.memory_space<vmem>>, vector<1x16xf32>,
        %get3A_1601 = arith.index_cast %add3A_1523 : i32 to index
        %get3A_1602 = arith.constant 112 : index
        %get3A_1603 = tpu.vector_load %arg11[%get3A_1601, %get3A_1602] {strides = array<i32>} : memref<128x144xf32, #tpu.memory_space<vmem>>, vector<1x16xf32>,
        %get3A_1604 = vector.shape_cast %get3A_1603 : vector<1x16xf32> to vector<16xf32>
        %mul3A_1605 = vector.broadcast %squeeze3A_1519 : f32 to vector<16xf32>
        %mul3A_1606 = arith.mulf %get3A_1604, %mul3A_1605 : vector<16xf32>
        %swap3A_1607 = arith.index_cast %add3A_1523 : i32 to index
        %swap3A_1608 = arith.constant 112 : index
        %swap3A_1609 = tpu.vector_load %arg11[%swap3A_1607, %swap3A_1608] {strides = array<i32>} : memref<128x144xf32, #tpu.memory_space<vmem>>, vector<1x16xf32>,
        %swap3A_1610 = vector.shape_cast %swap3A_1609 : vector<1x16xf32> to vector<16xf32>
        %swap3A_1611 = vector.shape_cast %mul3A_1606 : vector<16xf32> to vector<1x16xf32>
        tpu.vector_store %arg11[%swap3A_1607, %swap3A_1608], %swap3A_1611 {strides = array<i32>} : memref<128x144xf32, #tpu.memory_space<vmem>>, vector<1x16xf32>,
        %get3A_1612 = arith.index_cast %add3A_1523 : i32 to index
        %get3A_1613 = arith.constant 128 : index
        %get3A_1614 = tpu.vector_load %arg11[%get3A_1612, %get3A_1613] {strides = array<i32>} : memref<128x144xf32, #tpu.memory_space<vmem>>, vector<1x16xf32>,
        %get3A_1615 = vector.shape_cast %get3A_1614 : vector<1x16xf32> to vector<16xf32>
        %mul3A_1616 = vector.broadcast %squeeze3A_1519 : f32 to vector<16xf32>
        %mul3A_1617 = arith.mulf %get3A_1615, %mul3A_1616 : vector<16xf32>
        %swap3A_1618 = arith.index_cast %add3A_1523 : i32 to index
        %swap3A_1619 = arith.constant 128 : index
        %swap3A_1620 = tpu.vector_load %arg11[%swap3A_1618, %swap3A_1619] {strides = array<i32>} : memref<128x144xf32, #tpu.memory_space<vmem>>, vector<1x16xf32>,
        %swap3A_1621 = vector.shape_cast %swap3A_1620 : vector<1x16xf32> to vector<16xf32>
        %swap3A_1622 = vector.shape_cast %mul3A_1617 : vector<16xf32> to vector<1x16xf32>
        tpu.vector_store %arg11[%swap3A_1618, %swap3A_1619], %swap3A_1622 {strides = array<i32>} : memref<128x144xf32, #tpu.memory_space<vmem>>, vector<1x16xf32>,
        %slice3A_1623 = vector.extract_strided_slice %get3A_50 {offsets = [15], sizes = [1], strides = [1]} : vector<16xf32> to vector<1xf32>
        %squeeze3A_1624 = vector.extract %slice3A_1623[0] : f32 from vector<1xf32>
        %mul3A_1625 = arith.constant 16 : i32
        %mul3A_1626 = arith.muli %scan3A_46, %mul3A_1625 : i32
        %add3A_1627 = arith.constant 15 : i32
        %add3A_1628 = arith.addi %mul3A_1626, %add3A_1627 : i32
        %get3A_1629 = arith.index_cast %add3A_1628 : i32 to index
        %get3A_1630 = arith.constant 0 : index
        %get3A_1631 = tpu.vector_load %arg11[%get3A_1629, %get3A_1630] {strides = array<i32>} : memref<128x144xf32, #tpu.memory_space<vmem>>, vector<1x16xf32>,
        %get3A_1632 = vector.shape_cast %get3A_1631 : vector<1x16xf32> to vector<16xf32>
        %mul3A_1633 = vector.broadcast %squeeze3A_1624 : f32 to vector<16xf32>
        %mul3A_1634 = arith.mulf %get3A_1632, %mul3A_1633 : vector<16xf32>
        %swap3A_1635 = arith.index_cast %add3A_1628 : i32 to index
        %swap3A_1636 = arith.constant 0 : index
        %swap3A_1637 = tpu.vector_load %arg11[%swap3A_1635, %swap3A_1636] {strides = array<i32>} : memref<128x144xf32, #tpu.memory_space<vmem>>, vector<1x16xf32>,
        %swap3A_1638 = vector.shape_cast %swap3A_1637 : vector<1x16xf32> to vector<16xf32>
        %swap3A_1639 = vector.shape_cast %mul3A_1634 : vector<16xf32> to vector<1x16xf32>
        tpu.vector_store %arg11[%swap3A_1635, %swap3A_1636], %swap3A_1639 {strides = array<i32>} : memref<128x144xf32, #tpu.memory_space<vmem>>, vector<1x16xf32>,
        %get3A_1640 = arith.index_cast %add3A_1628 : i32 to index
        %get3A_1641 = arith.constant 16 : index
        %get3A_1642 = tpu.vector_load %arg11[%get3A_1640, %get3A_1641] {strides = array<i32>} : memref<128x144xf32, #tpu.memory_space<vmem>>, vector<1x16xf32>,
        %get3A_1643 = vector.shape_cast %get3A_1642 : vector<1x16xf32> to vector<16xf32>
        %mul3A_1644 = vector.broadcast %squeeze3A_1624 : f32 to vector<16xf32>
        %mul3A_1645 = arith.mulf %get3A_1643, %mul3A_1644 : vector<16xf32>
        %swap3A_1646 = arith.index_cast %add3A_1628 : i32 to index
        %swap3A_1647 = arith.constant 16 : index
        %swap3A_1648 = tpu.vector_load %arg11[%swap3A_1646, %swap3A_1647] {strides = array<i32>} : memref<128x144xf32, #tpu.memory_space<vmem>>, vector<1x16xf32>,
        %swap3A_1649 = vector.shape_cast %swap3A_1648 : vector<1x16xf32> to vector<16xf32>
        %swap3A_1650 = vector.shape_cast %mul3A_1645 : vector<16xf32> to vector<1x16xf32>
        tpu.vector_store %arg11[%swap3A_1646, %swap3A_1647], %swap3A_1650 {strides = array<i32>} : memref<128x144xf32, #tpu.memory_space<vmem>>, vector<1x16xf32>,
        %get3A_1651 = arith.index_cast %add3A_1628 : i32 to index
        %get3A_1652 = arith.constant 32 : index
        %get3A_1653 = tpu.vector_load %arg11[%get3A_1651, %get3A_1652] {strides = array<i32>} : memref<128x144xf32, #tpu.memory_space<vmem>>, vector<1x16xf32>,
        %get3A_1654 = vector.shape_cast %get3A_1653 : vector<1x16xf32> to vector<16xf32>
        %mul3A_1655 = vector.broadcast %squeeze3A_1624 : f32 to vector<16xf32>
        %mul3A_1656 = arith.mulf %get3A_1654, %mul3A_1655 : vector<16xf32>
        %swap3A_1657 = arith.index_cast %add3A_1628 : i32 to index
        %swap3A_1658 = arith.constant 32 : index
        %swap3A_1659 = tpu.vector_load %arg11[%swap3A_1657, %swap3A_1658] {strides = array<i32>} : memref<128x144xf32, #tpu.memory_space<vmem>>, vector<1x16xf32>,
        %swap3A_1660 = vector.shape_cast %swap3A_1659 : vector<1x16xf32> to vector<16xf32>
        %swap3A_1661 = vector.shape_cast %mul3A_1656 : vector<16xf32> to vector<1x16xf32>
        tpu.vector_store %arg11[%swap3A_1657, %swap3A_1658], %swap3A_1661 {strides = array<i32>} : memref<128x144xf32, #tpu.memory_space<vmem>>, vector<1x16xf32>,
        %get3A_1662 = arith.index_cast %add3A_1628 : i32 to index
        %get3A_1663 = arith.constant 48 : index
        %get3A_1664 = tpu.vector_load %arg11[%get3A_1662, %get3A_1663] {strides = array<i32>} : memref<128x144xf32, #tpu.memory_space<vmem>>, vector<1x16xf32>,
        %get3A_1665 = vector.shape_cast %get3A_1664 : vector<1x16xf32> to vector<16xf32>
        %mul3A_1666 = vector.broadcast %squeeze3A_1624 : f32 to vector<16xf32>
        %mul3A_1667 = arith.mulf %get3A_1665, %mul3A_1666 : vector<16xf32>
        %swap3A_1668 = arith.index_cast %add3A_1628 : i32 to index
        %swap3A_1669 = arith.constant 48 : index
        %swap3A_1670 = tpu.vector_load %arg11[%swap3A_1668, %swap3A_1669] {strides = array<i32>} : memref<128x144xf32, #tpu.memory_space<vmem>>, vector<1x16xf32>,
        %swap3A_1671 = vector.shape_cast %swap3A_1670 : vector<1x16xf32> to vector<16xf32>
        %swap3A_1672 = vector.shape_cast %mul3A_1667 : vector<16xf32> to vector<1x16xf32>
        tpu.vector_store %arg11[%swap3A_1668, %swap3A_1669], %swap3A_1672 {strides = array<i32>} : memref<128x144xf32, #tpu.memory_space<vmem>>, vector<1x16xf32>,
        %get3A_1673 = arith.index_cast %add3A_1628 : i32 to index
        %get3A_1674 = arith.constant 64 : index
        %get3A_1675 = tpu.vector_load %arg11[%get3A_1673, %get3A_1674] {strides = array<i32>} : memref<128x144xf32, #tpu.memory_space<vmem>>, vector<1x16xf32>,
        %get3A_1676 = vector.shape_cast %get3A_1675 : vector<1x16xf32> to vector<16xf32>
        %mul3A_1677 = vector.broadcast %squeeze3A_1624 : f32 to vector<16xf32>
        %mul3A_1678 = arith.mulf %get3A_1676, %mul3A_1677 : vector<16xf32>
        %swap3A_1679 = arith.index_cast %add3A_1628 : i32 to index
        %swap3A_1680 = arith.constant 64 : index
        %swap3A_1681 = tpu.vector_load %arg11[%swap3A_1679, %swap3A_1680] {strides = array<i32>} : memref<128x144xf32, #tpu.memory_space<vmem>>, vector<1x16xf32>,
        %swap3A_1682 = vector.shape_cast %swap3A_1681 : vector<1x16xf32> to vector<16xf32>
        %swap3A_1683 = vector.shape_cast %mul3A_1678 : vector<16xf32> to vector<1x16xf32>
        tpu.vector_store %arg11[%swap3A_1679, %swap3A_1680], %swap3A_1683 {strides = array<i32>} : memref<128x144xf32, #tpu.memory_space<vmem>>, vector<1x16xf32>,
        %get3A_1684 = arith.index_cast %add3A_1628 : i32 to index
        %get3A_1685 = arith.constant 80 : index
        %get3A_1686 = tpu.vector_load %arg11[%get3A_1684, %get3A_1685] {strides = array<i32>} : memref<128x144xf32, #tpu.memory_space<vmem>>, vector<1x16xf32>,
        %get3A_1687 = vector.shape_cast %get3A_1686 : vector<1x16xf32> to vector<16xf32>
        %mul3A_1688 = vector.broadcast %squeeze3A_1624 : f32 to vector<16xf32>
        %mul3A_1689 = arith.mulf %get3A_1687, %mul3A_1688 : vector<16xf32>
        %swap3A_1690 = arith.index_cast %add3A_1628 : i32 to index
        %swap3A_1691 = arith.constant 80 : index
        %swap3A_1692 = tpu.vector_load %arg11[%swap3A_1690, %swap3A_1691] {strides = array<i32>} : memref<128x144xf32, #tpu.memory_space<vmem>>, vector<1x16xf32>,
        %swap3A_1693 = vector.shape_cast %swap3A_1692 : vector<1x16xf32> to vector<16xf32>
        %swap3A_1694 = vector.shape_cast %mul3A_1689 : vector<16xf32> to vector<1x16xf32>
        tpu.vector_store %arg11[%swap3A_1690, %swap3A_1691], %swap3A_1694 {strides = array<i32>} : memref<128x144xf32, #tpu.memory_space<vmem>>, vector<1x16xf32>,
        %get3A_1695 = arith.index_cast %add3A_1628 : i32 to index
        %get3A_1696 = arith.constant 96 : index
        %get3A_1697 = tpu.vector_load %arg11[%get3A_1695, %get3A_1696] {strides = array<i32>} : memref<128x144xf32, #tpu.memory_space<vmem>>, vector<1x16xf32>,
        %get3A_1698 = vector.shape_cast %get3A_1697 : vector<1x16xf32> to vector<16xf32>
        %mul3A_1699 = vector.broadcast %squeeze3A_1624 : f32 to vector<16xf32>
        %mul3A_1700 = arith.mulf %get3A_1698, %mul3A_1699 : vector<16xf32>
        %swap3A_1701 = arith.index_cast %add3A_1628 : i32 to index
        %swap3A_1702 = arith.constant 96 : index
        %swap3A_1703 = tpu.vector_load %arg11[%swap3A_1701, %swap3A_1702] {strides = array<i32>} : memref<128x144xf32, #tpu.memory_space<vmem>>, vector<1x16xf32>,
        %swap3A_1704 = vector.shape_cast %swap3A_1703 : vector<1x16xf32> to vector<16xf32>
        %swap3A_1705 = vector.shape_cast %mul3A_1700 : vector<16xf32> to vector<1x16xf32>
        tpu.vector_store %arg11[%swap3A_1701, %swap3A_1702], %swap3A_1705 {strides = array<i32>} : memref<128x144xf32, #tpu.memory_space<vmem>>, vector<1x16xf32>,
        %get3A_1706 = arith.index_cast %add3A_1628 : i32 to index
        %get3A_1707 = arith.constant 112 : index
        %get3A_1708 = tpu.vector_load %arg11[%get3A_1706, %get3A_1707] {strides = array<i32>} : memref<128x144xf32, #tpu.memory_space<vmem>>, vector<1x16xf32>,
        %get3A_1709 = vector.shape_cast %get3A_1708 : vector<1x16xf32> to vector<16xf32>
        %mul3A_1710 = vector.broadcast %squeeze3A_1624 : f32 to vector<16xf32>
        %mul3A_1711 = arith.mulf %get3A_1709, %mul3A_1710 : vector<16xf32>
        %swap3A_1712 = arith.index_cast %add3A_1628 : i32 to index
        %swap3A_1713 = arith.constant 112 : index
        %swap3A_1714 = tpu.vector_load %arg11[%swap3A_1712, %swap3A_1713] {strides = array<i32>} : memref<128x144xf32, #tpu.memory_space<vmem>>, vector<1x16xf32>,
        %swap3A_1715 = vector.shape_cast %swap3A_1714 : vector<1x16xf32> to vector<16xf32>
        %swap3A_1716 = vector.shape_cast %mul3A_1711 : vector<16xf32> to vector<1x16xf32>
        tpu.vector_store %arg11[%swap3A_1712, %swap3A_1713], %swap3A_1716 {strides = array<i32>} : memref<128x144xf32, #tpu.memory_space<vmem>>, vector<1x16xf32>,
        %get3A_1717 = arith.index_cast %add3A_1628 : i32 to index
        %get3A_1718 = arith.constant 128 : index
        %get3A_1719 = tpu.vector_load %arg11[%get3A_1717, %get3A_1718] {strides = array<i32>} : memref<128x144xf32, #tpu.memory_space<vmem>>, vector<1x16xf32>,
        %get3A_1720 = vector.shape_cast %get3A_1719 : vector<1x16xf32> to vector<16xf32>
        %mul3A_1721 = vector.broadcast %squeeze3A_1624 : f32 to vector<16xf32>
        %mul3A_1722 = arith.mulf %get3A_1720, %mul3A_1721 : vector<16xf32>
        %swap3A_1723 = arith.index_cast %add3A_1628 : i32 to index
        %swap3A_1724 = arith.constant 128 : index
        %swap3A_1725 = tpu.vector_load %arg11[%swap3A_1723, %swap3A_1724] {strides = array<i32>} : memref<128x144xf32, #tpu.memory_space<vmem>>, vector<1x16xf32>,
        %swap3A_1726 = vector.shape_cast %swap3A_1725 : vector<1x16xf32> to vector<16xf32>
        %swap3A_1727 = vector.shape_cast %mul3A_1722 : vector<16xf32> to vector<1x16xf32>
        tpu.vector_store %arg11[%swap3A_1723, %swap3A_1724], %swap3A_1727 {strides = array<i32>} : memref<128x144xf32, #tpu.memory_space<vmem>>, vector<1x16xf32>,
      }
      %scan3A_45 = arith.constant 8 : i32
      "tpu.region"() ({
        %run_scoped3A = tpu.sem_alloc : memref<!tpu.dma_semaphore, #tpu.memory_space<semaphore_mem>>
        %dma_start3A_46 = arith.constant 0 : i32
        %dma_start3A_47 = arith.constant 0 : i32
        %dma_start3A_48 = tpu.memref_slice %arg7[%dma_start3A_46, %dma_start3A_47] : memref<10240x144xf32, #tpu.memory_space<vmem_shared>> -> memref<10240x144xf32, #tpu.memory_space<vmem_shared>>
        tpu.enqueue_indirect_dma source(%arg11 : memref<128x144xf32, #tpu.memory_space<vmem>>) target(%dma_start3A_48 : memref<10240x144xf32, #tpu.memory_space<vmem_shared>>) offsets(%arg9 : memref<128xi32, #tpu.memory_space<vmem>>) semaphore(%run_scoped3A : memref<!tpu.dma_semaphore, #tpu.memory_space<semaphore_mem>>) {add = true}
        %dma_wait3A_49 = arith.constant 0 : i32
        %dma_wait3A_50 = arith.constant 0 : i32
        %dma_wait3A_51 = tpu.memref_slice %arg7[%dma_wait3A_49, %dma_wait3A_50] : memref<10240x144xf32, #tpu.memory_space<vmem_shared>> -> memref<10240x144xf32, #tpu.memory_space<vmem_shared>>
        tpu.wait_indirect_dma semaphore(%run_scoped3A : memref<!tpu.dma_semaphore, #tpu.memory_space<semaphore_mem>>) src(%arg11 : memref<128x144xf32, #tpu.memory_space<vmem>>) dst(%dma_wait3A_51 : memref<10240x144xf32, #tpu.memory_space<vmem_shared>>)
        tpu.yield
      }) : () -> ()
    }
    %scan3A_20 = arith.constant 80 : i32
    %barrier3A_21 = arith.constant 0 : index
    tpu.barrier barrier_id(%barrier3A_21)
    %mul3A_22 = arith.constant 640 : i32
    %mul3A_23 = arith.muli %arg1, %mul3A_22 : i32
    %mul3A_24 = arith.constant 10240 : i32
    %mul3A_25 = arith.muli %arg0, %mul3A_24 : i32
    %mul3A_26 = arith.constant 640 : i32
    %mul3A_27 = arith.muli %arg1, %mul3A_26 : i32
    %add3A_28 = arith.addi %mul3A_25, %mul3A_27 : i32
    "tpu.region"() ({
      %run_scoped3A = tpu.sem_alloc : memref<!tpu.dma_semaphore, #tpu.memory_space<semaphore_mem>>
      %dma_start3A = arith.constant 0 : i32
      %dma_start3A_29 = tpu.memref_slice %arg6[%add3A_28, %dma_start3A] : memref<20480x144xf32, #tpu.memory_space<hbm>> -> memref<640x144xf32, #tpu.memory_space<hbm>>
      %dma_start3A_30 = arith.constant 0 : i32
      %dma_start3A_31 = tpu.memref_slice %arg7[%mul3A_23, %dma_start3A_30] : memref<10240x144xf32, #tpu.memory_space<vmem_shared>> -> memref<640x144xf32, #tpu.memory_space<vmem_shared>>
      tpu.enqueue_dma source(%dma_start3A_31 : memref<640x144xf32, #tpu.memory_space<vmem_shared>>) target(%dma_start3A_29 : memref<640x144xf32, #tpu.memory_space<hbm>>) target_semaphore(%run_scoped3A : memref<!tpu.dma_semaphore, #tpu.memory_space<semaphore_mem>>)
      %dma_wait3A = arith.constant 0 : i32
      %dma_wait3A_32 = tpu.memref_slice %arg6[%add3A_28, %dma_wait3A] : memref<20480x144xf32, #tpu.memory_space<hbm>> -> memref<640x144xf32, #tpu.memory_space<hbm>>
      %dma_wait3A_33 = arith.constant 0 : i32
      %dma_wait3A_34 = tpu.memref_slice %arg7[%mul3A_23, %dma_wait3A_33] : memref<10240x144xf32, #tpu.memory_space<vmem_shared>> -> memref<640x144xf32, #tpu.memory_space<vmem_shared>>
      tpu.wait_dma2 semaphore(%run_scoped3A : memref<!tpu.dma_semaphore, #tpu.memory_space<semaphore_mem>>) src(%dma_wait3A_34 : memref<640x144xf32, #tpu.memory_space<vmem_shared>>) dst(%dma_wait3A_32 : memref<640x144xf32, #tpu.memory_space<hbm>>)
      tpu.yield
    }) : () -> ()
    return
  }
}

module attributes {stable_mosaic.version = 14 : i64} {
  func.func @_tc1_body(%arg0: i32, %arg1: memref<1024x256xf32, #tpu.memory_space<vmem>>, %arg2: memref<256x256xf32, #tpu.memory_space<vmem>>, %arg3: memref<1024x1xf32, #tpu.memory_space<vmem>>, %arg4: memref<1024x1xf32, #tpu.memory_space<vmem>>, %arg5: memref<1024x1xf32, #tpu.memory_space<vmem>>, %arg6: memref<2x1024x128xf32, #tpu.memory_space<vmem>>) attributes {dimension_semantics = [#tpu.dimension_semantics<arbitrary>], iteration_bounds = array<i64: 10>, scalar_prefetch = 0 : i64, scratch_operands = 0 : i64, tpu.core_type = #tpu.core_type<tc>, window_params = [{transform_indices = @transform_0, window_bounds = array<i64: 1024, 256>}, {pipeline_mode = #tpu.pipeline_mode<synchronous>, transform_indices = @transform_1, window_bounds = array<i64: 256, 256>}, {transform_indices = @transform_2, window_bounds = array<i64: 1024, 1>}, {transform_indices = @transform_3, window_bounds = array<i64: 1024, 1>}, {transform_indices = @transform_4, window_bounds = array<i64: 1024, 1>}, {transform_indices = @transform_5, window_bounds = array<i64: 2, 1024, 128>}]} {
    %get3A = arith.constant 0 : index
    %get3A_0 = arith.constant 0 : index
    %get3A_1 = vector.load %arg3[%get3A, %get3A_0] : memref<1024x1xf32, #tpu.memory_space<vmem>>, vector<1024x1xf32>
    %get3A_2 = arith.constant 0 : index
    %get3A_3 = arith.constant 0 : index
    %get3A_4 = vector.load %arg4[%get3A_2, %get3A_3] : memref<1024x1xf32, #tpu.memory_space<vmem>>, vector<1024x1xf32>
    %add3A = arith.addf %get3A_1, %get3A_4 : vector<1024x1xf32>
    %add3A_5 = arith.constant 1.000000e+00 : f32
    %add3A_6 = vector.broadcast %add3A_5 : f32 to vector<1024x1xf32>
    %add3A_7 = arith.addf %add3A, %add3A_6 : vector<1024x1xf32>
    %rsqrt3A = math.rsqrt %add3A_7 : vector<1024x1xf32>
    %swap3A = arith.constant 0 : index
    %swap3A_8 = arith.constant 0 : index
    %swap3A_9 = vector.load %arg5[%swap3A, %swap3A_8] : memref<1024x1xf32, #tpu.memory_space<vmem>>, vector<1024x1xf32>
    tpu.vector_store %arg5[%swap3A, %swap3A_8], %rsqrt3A {strides = array<i32>} : memref<1024x1xf32, #tpu.memory_space<vmem>>, vector<1024x1xf32>,
    %get3A_10 = arith.constant 0 : index
    %get3A_11 = arith.constant 0 : index
    %get3A_12 = vector.load %arg1[%get3A_10, %get3A_11] : memref<1024x256xf32, #tpu.memory_space<vmem>>, vector<1024x256xf32>
    %get3A_13 = arith.constant 0 : index
    %get3A_14 = arith.constant 0 : index
    %get3A_15 = vector.load %arg2[%get3A_13, %get3A_14] : memref<256x256xf32, #tpu.memory_space<vmem>>, vector<256x256xf32>
    %dot_general3A = arith.constant dense<0.000000e+00> : vector<1024x256xf32>
    %dot_general3A_16 = tpu.matmul %get3A_12, %get3A_15, %dot_general3A {dimension_numbers = #tpu.dot_dimension_numbers<[1], [0], [0], [1], [0, 0, 1, 1], [], []>, precision = #tpu.contract_precision<fp32>, transpose_lhs_hint = false} : vector<1024x256xf32>, vector<256x256xf32>, vector<1024x256xf32> -> vector<1024x256xf32>
    %mul3A = vector.broadcast %rsqrt3A : vector<1024x1xf32> to vector<1024x256xf32>
    %mul3A_17 = arith.mulf %dot_general3A_16, %mul3A : vector<1024x256xf32>
    %slice3A = vector.extract_strided_slice %mul3A_17 {offsets = [0, 0], sizes = [1024, 128], strides = [1, 1]} : vector<1024x256xf32> to vector<1024x128xf32>
    %swap3A_18 = arith.constant 0 : index
    %swap3A_19 = arith.constant 0 : index
    %swap3A_20 = arith.constant 0 : index
    %swap3A_21 = vector.load %arg6[%swap3A_18, %swap3A_19, %swap3A_20] : memref<2x1024x128xf32, #tpu.memory_space<vmem>>, vector<1x1024x128xf32>
    %swap3A_22 = vector.shape_cast %swap3A_21 : vector<1x1024x128xf32> to vector<1024x128xf32>
    %swap3A_23 = vector.shape_cast %slice3A : vector<1024x128xf32> to vector<1x1024x128xf32>
    tpu.vector_store %arg6[%swap3A_18, %swap3A_19, %swap3A_20], %swap3A_23 {strides = array<i32>} : memref<2x1024x128xf32, #tpu.memory_space<vmem>>, vector<1x1024x128xf32>,
    %slice3A_24 = vector.extract_strided_slice %mul3A_17 {offsets = [0, 128], sizes = [1024, 128], strides = [1, 1]} : vector<1024x256xf32> to vector<1024x128xf32>
    %swap3A_25 = arith.constant 1 : index
    %swap3A_26 = arith.constant 0 : index
    %swap3A_27 = arith.constant 0 : index
    %swap3A_28 = vector.load %arg6[%swap3A_25, %swap3A_26, %swap3A_27] : memref<2x1024x128xf32, #tpu.memory_space<vmem>>, vector<1x1024x128xf32>
    %swap3A_29 = vector.shape_cast %swap3A_28 : vector<1x1024x128xf32> to vector<1024x128xf32>
    %swap3A_30 = vector.shape_cast %slice3A_24 : vector<1024x128xf32> to vector<1x1024x128xf32>
    tpu.vector_store %arg6[%swap3A_25, %swap3A_26, %swap3A_27], %swap3A_30 {strides = array<i32>} : memref<2x1024x128xf32, #tpu.memory_space<vmem>>, vector<1x1024x128xf32>,
    return
  }
  func.func @transform_0(%arg0: i32) -> (i32, i32) {
    %c0_i32 = arith.constant 0 : i32
    %c0_i32_0 = arith.constant 0 : i32
    return %arg0, %c0_i32 : i32, i32
  }
  func.func @transform_1(%arg0: i32) -> (i32, i32) {
    %c0_i32 = arith.constant 0 : i32
    %c0_i32_0 = arith.constant 0 : i32
    %c0_i32_1 = arith.constant 0 : i32
    return %c0_i32, %c0_i32_0 : i32, i32
  }
  func.func @transform_2(%arg0: i32) -> (i32, i32) {
    %c0_i32 = arith.constant 0 : i32
    %c0_i32_0 = arith.constant 0 : i32
    return %arg0, %c0_i32 : i32, i32
  }
  func.func @transform_3(%arg0: i32) -> (i32, i32) {
    %c0_i32 = arith.constant 0 : i32
    %c0_i32_0 = arith.constant 0 : i32
    return %arg0, %c0_i32 : i32, i32
  }
  func.func @transform_4(%arg0: i32) -> (i32, i32) {
    %c0_i32 = arith.constant 0 : i32
    %c0_i32_0 = arith.constant 0 : i32
    return %arg0, %c0_i32 : i32, i32
  }
  func.func @transform_5(%arg0: i32) -> (i32, i32, i32) {
    %c0_i32 = arith.constant 0 : i32
    %c0_i32_0 = arith.constant 0 : i32
    %c0_i32_1 = arith.constant 0 : i32
    return %c0_i32, %arg0, %c0_i32_0 : i32, i32, i32
  }
}

module attributes {stable_mosaic.version = 14 : i64} {
  func.func @_tc2_body(%arg0: i32, %arg1: memref<2x1024x128xf32, #tpu.memory_space<vmem>>, %arg2: memref<2x1024x128xf32, #tpu.memory_space<vmem>>, %arg3: memref<1024x1xf32, #tpu.memory_space<vmem>>, %arg4: memref<2x1x128xf32, #tpu.memory_space<vmem>>, %arg5: memref<256x144xf32, #tpu.memory_space<vmem>>, %arg6: memref<1024x144xf32, #tpu.memory_space<vmem>>) attributes {dimension_semantics = [#tpu.dimension_semantics<arbitrary>], iteration_bounds = array<i64: 10>, scalar_prefetch = 0 : i64, scratch_operands = 0 : i64, tpu.core_type = #tpu.core_type<tc>, window_params = [{transform_indices = @transform_0, window_bounds = array<i64: 2, 1024, 128>}, {transform_indices = @transform_1, window_bounds = array<i64: 2, 1024, 128>}, {transform_indices = @transform_2, window_bounds = array<i64: 1024, 1>}, {pipeline_mode = #tpu.pipeline_mode<synchronous>, transform_indices = @transform_3, window_bounds = array<i64: 2, 1, 128>}, {pipeline_mode = #tpu.pipeline_mode<synchronous>, transform_indices = @transform_4, window_bounds = array<i64: 256, 144>}, {transform_indices = @transform_5, window_bounds = array<i64: 1024, 144>}]} {
    %get3A = arith.constant 0 : index
    %get3A_0 = arith.constant 0 : index
    %get3A_1 = vector.load %arg3[%get3A, %get3A_0] : memref<1024x1xf32, #tpu.memory_space<vmem>>, vector<1024x1xf32>
    %get3A_2 = arith.constant 0 : index
    %get3A_3 = arith.constant 0 : index
    %get3A_4 = arith.constant 0 : index
    %get3A_5 = vector.load %arg1[%get3A_2, %get3A_3, %get3A_4] : memref<2x1024x128xf32, #tpu.memory_space<vmem>>, vector<1x1024x128xf32>
    %get3A_6 = vector.shape_cast %get3A_5 : vector<1x1024x128xf32> to vector<1024x128xf32>
    %get3A_7 = arith.constant 0 : index
    %get3A_8 = arith.constant 0 : index
    %get3A_9 = arith.constant 0 : index
    %get3A_10 = vector.load %arg2[%get3A_7, %get3A_8, %get3A_9] : memref<2x1024x128xf32, #tpu.memory_space<vmem>>, vector<1x1024x128xf32>
    %get3A_11 = vector.shape_cast %get3A_10 : vector<1x1024x128xf32> to vector<1024x128xf32>
    %add3A = arith.addf %get3A_6, %get3A_11 : vector<1024x128xf32>
    %mul3A = vector.broadcast %get3A_1 : vector<1024x1xf32> to vector<1024x128xf32>
    %mul3A_12 = arith.mulf %mul3A, %add3A : vector<1024x128xf32>
    %get3A_13 = arith.constant 0 : index
    %get3A_14 = arith.constant 0 : index
    %get3A_15 = arith.constant 0 : index
    %get3A_16 = vector.load %arg4[%get3A_13, %get3A_14, %get3A_15] : memref<2x1x128xf32, #tpu.memory_space<vmem>>, vector<1x1x128xf32>
    %get3A_17 = vector.shape_cast %get3A_16 : vector<1x1x128xf32> to vector<1x128xf32>
    %add3A_18 = vector.broadcast %get3A_17 : vector<1x128xf32> to vector<1024x128xf32>
    %add3A_19 = arith.addf %mul3A_12, %add3A_18 : vector<1024x128xf32>
    %max3A = arith.constant 0.000000e+00 : f32
    %max3A_20 = vector.broadcast %max3A : f32 to vector<1024x128xf32>
    %max3A_21 = arith.maximumf %add3A_19, %max3A_20 : vector<1024x128xf32>
    %get3A_22 = arith.constant 1 : index
    %get3A_23 = arith.constant 0 : index
    %get3A_24 = arith.constant 0 : index
    %get3A_25 = vector.load %arg1[%get3A_22, %get3A_23, %get3A_24] : memref<2x1024x128xf32, #tpu.memory_space<vmem>>, vector<1x1024x128xf32>
    %get3A_26 = vector.shape_cast %get3A_25 : vector<1x1024x128xf32> to vector<1024x128xf32>
    %get3A_27 = arith.constant 1 : index
    %get3A_28 = arith.constant 0 : index
    %get3A_29 = arith.constant 0 : index
    %get3A_30 = vector.load %arg2[%get3A_27, %get3A_28, %get3A_29] : memref<2x1024x128xf32, #tpu.memory_space<vmem>>, vector<1x1024x128xf32>
    %get3A_31 = vector.shape_cast %get3A_30 : vector<1x1024x128xf32> to vector<1024x128xf32>
    %add3A_32 = arith.addf %get3A_26, %get3A_31 : vector<1024x128xf32>
    %mul3A_33 = vector.broadcast %get3A_1 : vector<1024x1xf32> to vector<1024x128xf32>
    %mul3A_34 = arith.mulf %mul3A_33, %add3A_32 : vector<1024x128xf32>
    %get3A_35 = arith.constant 1 : index
    %get3A_36 = arith.constant 0 : index
    %get3A_37 = arith.constant 0 : index
    %get3A_38 = vector.load %arg4[%get3A_35, %get3A_36, %get3A_37] : memref<2x1x128xf32, #tpu.memory_space<vmem>>, vector<1x1x128xf32>
    %get3A_39 = vector.shape_cast %get3A_38 : vector<1x1x128xf32> to vector<1x128xf32>
    %add3A_40 = vector.broadcast %get3A_39 : vector<1x128xf32> to vector<1024x128xf32>
    %add3A_41 = arith.addf %mul3A_34, %add3A_40 : vector<1024x128xf32>
    %max3A_42 = arith.constant 0.000000e+00 : f32
    %max3A_43 = vector.broadcast %max3A_42 : f32 to vector<1024x128xf32>
    %max3A_44 = arith.maximumf %add3A_41, %max3A_43 : vector<1024x128xf32>
    %get3A_45 = arith.constant 0 : index
    %get3A_46 = arith.constant 0 : index
    %get3A_47 = vector.load %arg5[%get3A_45, %get3A_46] : memref<256x144xf32, #tpu.memory_space<vmem>>, vector<128x144xf32>
    %dot_general3A = arith.constant dense<0.000000e+00> : vector<1024x144xf32>
    %dot_general3A_48 = tpu.matmul %max3A_21, %get3A_47, %dot_general3A {dimension_numbers = #tpu.dot_dimension_numbers<[1], [0], [0], [1], [0, 0, 1, 1], [], []>, precision = #tpu.contract_precision<fp32>, transpose_lhs_hint = false} : vector<1024x128xf32>, vector<128x144xf32>, vector<1024x144xf32> -> vector<1024x144xf32>
    %get3A_49 = arith.constant 128 : index
    %get3A_50 = arith.constant 0 : index
    %get3A_51 = vector.load %arg5[%get3A_49, %get3A_50] : memref<256x144xf32, #tpu.memory_space<vmem>>, vector<128x144xf32>
    %dot_general3A_52 = arith.constant dense<0.000000e+00> : vector<1024x144xf32>
    %dot_general3A_53 = tpu.matmul %max3A_44, %get3A_51, %dot_general3A_52 {dimension_numbers = #tpu.dot_dimension_numbers<[1], [0], [0], [1], [0, 0, 1, 1], [], []>, precision = #tpu.contract_precision<fp32>, transpose_lhs_hint = false} : vector<1024x128xf32>, vector<128x144xf32>, vector<1024x144xf32> -> vector<1024x144xf32>
    %add3A_54 = arith.addf %dot_general3A_48, %dot_general3A_53 : vector<1024x144xf32>
    %mul3A_55 = vector.broadcast %get3A_1 : vector<1024x1xf32> to vector<1024x144xf32>
    %mul3A_56 = arith.mulf %add3A_54, %mul3A_55 : vector<1024x144xf32>
    %swap3A = arith.constant 0 : index
    %swap3A_57 = arith.constant 0 : index
    %swap3A_58 = vector.load %arg6[%swap3A, %swap3A_57] : memref<1024x144xf32, #tpu.memory_space<vmem>>, vector<1024x144xf32>
    tpu.vector_store %arg6[%swap3A, %swap3A_57], %mul3A_56 {strides = array<i32>} : memref<1024x144xf32, #tpu.memory_space<vmem>>, vector<1024x144xf32>,
    return
  }
  func.func @transform_0(%arg0: i32) -> (i32, i32, i32) {
    %c0_i32 = arith.constant 0 : i32
    %c0_i32_0 = arith.constant 0 : i32
    %c0_i32_1 = arith.constant 0 : i32
    return %c0_i32, %arg0, %c0_i32_0 : i32, i32, i32
  }
  func.func @transform_1(%arg0: i32) -> (i32, i32, i32) {
    %c0_i32 = arith.constant 0 : i32
    %c0_i32_0 = arith.constant 0 : i32
    %c0_i32_1 = arith.constant 0 : i32
    return %c0_i32, %arg0, %c0_i32_0 : i32, i32, i32
  }
  func.func @transform_2(%arg0: i32) -> (i32, i32) {
    %c0_i32 = arith.constant 0 : i32
    %c0_i32_0 = arith.constant 0 : i32
    return %arg0, %c0_i32 : i32, i32
  }
  func.func @transform_3(%arg0: i32) -> (i32, i32, i32) {
    %c0_i32 = arith.constant 0 : i32
    %c0_i32_0 = arith.constant 0 : i32
    %c0_i32_1 = arith.constant 0 : i32
    %c0_i32_2 = arith.constant 0 : i32
    return %c0_i32, %c0_i32_0, %c0_i32_1 : i32, i32, i32
  }
  func.func @transform_4(%arg0: i32) -> (i32, i32) {
    %c0_i32 = arith.constant 0 : i32
    %c0_i32_0 = arith.constant 0 : i32
    %c0_i32_1 = arith.constant 0 : i32
    return %c0_i32, %c0_i32_0 : i32, i32
  }
  func.func @transform_5(%arg0: i32) -> (i32, i32) {
    %c0_i32 = arith.constant 0 : i32
    %c0_i32_0 = arith.constant 0 : i32
    return %arg0, %c0_i32 : i32, i32
  }
}

module attributes {stable_mosaic.version = 14 : i64} {
  func.func @_tc3_body(%arg0: i32, %arg1: memref<2x1024x144xf32, #tpu.memory_space<vmem>>, %arg2: memref<1024x144xf32, #tpu.memory_space<vmem>>, %arg3: memref<1024x1xf32, #tpu.memory_space<vmem>>, %arg4: memref<1x144xf32, #tpu.memory_space<vmem>>, %arg5: memref<1024x134xf32, #tpu.memory_space<vmem>>) attributes {dimension_semantics = [#tpu.dimension_semantics<arbitrary>], iteration_bounds = array<i64: 10>, scalar_prefetch = 0 : i64, scratch_operands = 0 : i64, tpu.core_type = #tpu.core_type<tc>, window_params = [{transform_indices = @transform_0, window_bounds = array<i64: 2, 1024, 144>}, {transform_indices = @transform_1, window_bounds = array<i64: 1024, 144>}, {transform_indices = @transform_2, window_bounds = array<i64: 1024, 1>}, {pipeline_mode = #tpu.pipeline_mode<synchronous>, transform_indices = @transform_3, window_bounds = array<i64: 1, 144>}, {transform_indices = @transform_4, window_bounds = array<i64: 1024, 134>}]} {
    %get3A = arith.constant 0 : index
    %get3A_0 = arith.constant 0 : index
    %get3A_1 = vector.load %arg3[%get3A, %get3A_0] : memref<1024x1xf32, #tpu.memory_space<vmem>>, vector<1024x1xf32>
    %get3A_2 = arith.constant 0 : index
    %get3A_3 = arith.constant 0 : index
    %get3A_4 = arith.constant 0 : index
    %get3A_5 = vector.load %arg1[%get3A_2, %get3A_3, %get3A_4] : memref<2x1024x144xf32, #tpu.memory_space<vmem>>, vector<1x1024x144xf32>
    %get3A_6 = vector.shape_cast %get3A_5 : vector<1x1024x144xf32> to vector<1024x144xf32>
    %get3A_7 = arith.constant 1 : index
    %get3A_8 = arith.constant 0 : index
    %get3A_9 = arith.constant 0 : index
    %get3A_10 = vector.load %arg1[%get3A_7, %get3A_8, %get3A_9] : memref<2x1024x144xf32, #tpu.memory_space<vmem>>, vector<1x1024x144xf32>
    %get3A_11 = vector.shape_cast %get3A_10 : vector<1x1024x144xf32> to vector<1024x144xf32>
    %add3A = arith.addf %get3A_6, %get3A_11 : vector<1024x144xf32>
    %get3A_12 = arith.constant 0 : index
    %get3A_13 = arith.constant 0 : index
    %get3A_14 = vector.load %arg2[%get3A_12, %get3A_13] : memref<1024x144xf32, #tpu.memory_space<vmem>>, vector<1024x144xf32>
    %add3A_15 = arith.addf %add3A, %get3A_14 : vector<1024x144xf32>
    %mul3A = vector.broadcast %get3A_1 : vector<1024x1xf32> to vector<1024x144xf32>
    %mul3A_16 = arith.mulf %mul3A, %add3A_15 : vector<1024x144xf32>
    %get3A_17 = arith.constant 0 : index
    %get3A_18 = arith.constant 0 : index
    %get3A_19 = vector.load %arg4[%get3A_17, %get3A_18] : memref<1x144xf32, #tpu.memory_space<vmem>>, vector<1x144xf32>
    %add3A_20 = vector.broadcast %get3A_19 : vector<1x144xf32> to vector<1024x144xf32>
    %add3A_21 = arith.addf %mul3A_16, %add3A_20 : vector<1024x144xf32>
    %slice3A = vector.extract_strided_slice %add3A_21 {offsets = [0, 0], sizes = [1024, 134], strides = [1, 1]} : vector<1024x144xf32> to vector<1024x134xf32>
    %swap3A = arith.constant 0 : index
    %swap3A_22 = arith.constant 0 : index
    %swap3A_23 = vector.load %arg5[%swap3A, %swap3A_22] : memref<1024x134xf32, #tpu.memory_space<vmem>>, vector<1024x134xf32>
    tpu.vector_store %arg5[%swap3A, %swap3A_22], %slice3A {strides = array<i32>} : memref<1024x134xf32, #tpu.memory_space<vmem>>, vector<1024x134xf32>,
    return
  }
  func.func @transform_0(%arg0: i32) -> (i32, i32, i32) {
    %c0_i32 = arith.constant 0 : i32
    %c0_i32_0 = arith.constant 0 : i32
    %c0_i32_1 = arith.constant 0 : i32
    return %c0_i32, %arg0, %c0_i32_0 : i32, i32, i32
  }
  func.func @transform_1(%arg0: i32) -> (i32, i32) {
    %c0_i32 = arith.constant 0 : i32
    %c0_i32_0 = arith.constant 0 : i32
    return %arg0, %c0_i32 : i32, i32
  }
  func.func @transform_2(%arg0: i32) -> (i32, i32) {
    %c0_i32 = arith.constant 0 : i32
    %c0_i32_0 = arith.constant 0 : i32
    return %arg0, %c0_i32 : i32, i32
  }
  func.func @transform_3(%arg0: i32) -> (i32, i32) {
    %c0_i32 = arith.constant 0 : i32
    %c0_i32_0 = arith.constant 0 : i32
    %c0_i32_1 = arith.constant 0 : i32
    return %c0_i32, %c0_i32_0 : i32, i32
  }
  func.func @transform_4(%arg0: i32) -> (i32, i32) {
    %c0_i32 = arith.constant 0 : i32
    %c0_i32_0 = arith.constant 0 : i32
    return %arg0, %c0_i32 : i32, i32
  }
}

</mosaic_0001>

<sc_bundles>
// kernel: kernel.11.cloned.1.call-start
scs
__scs_entry_jumppad:
0x0: {  	(pc) =	sbr.rel $0x88, $3  }
0x1: {  	(tag) =	ssettag $0x0;
	lr =	simm.s32 $0x1  }
0x2: {  	[smem:$0x3F9A] =	sst lr;
	_ =	strace $0xD0000000  }
0x3: {  	_ = 	snop  }
0x4: {  	_ = 	snop  }
0x5: {  	_ = 	snop  }
0x6: {  	_ = 	snop  }
0x7: {  	_ = 	snop  }
__scs_overlays_trampoline_lowered:
0x8: {  	[smem:$0x3FA9] =	sst s0  }
0x9: {  	[smem:$0x3FAA] =	sst s1  }
0xa: {  	[smem:$0x3FAB] =	sst s2  }
0xb: {  	[smem:$0x3FAC] =	sst s3  }
0xc: {  	[smem:$0x3FAD] =	sst s4  }
0xd: {  	[smem:$0x3FAE] =	sst s5  }
0xe: {  	[smem:$0x3FAF] =	sst s6  }
0xf: {  	[smem:$0x3FB0] =	sst s7  }
0x10: {  	[smem:$0x3FB1] =	sst s8  }
0x11: {  	[smem:$0x3FB2] =	sst s9;
	s0 =	simm.s32 @!p0 $0x0  }
0x12: {  	s1 =	sld [smem:$0x3F98];
	s0 =	simm.s32 @p0 $0x1  }
0x13: {  	[smem:$0x3FB3] =	sst s0;
	s0 =	simm.s32 @!p1 $0x0  }
0x14: {  	s2 =	sld [smem:$0x3F97];
	s0 =	simm.s32 @p1 $0x1  }
0x15: {  	[smem:$0x3FB4] =	sst s0;
	s0 =	simm.s32 @!p2 $0x0  }
0x16: {  	s3 =	sld [smem:$0x3FDB];
	s0 =	simm.s32 @p2 $0x1  }
0x17: {  	s4 =	simm.s32 $0x1BF5;
	[smem:$0x3FB6] =	sst s0  }
0x18: {  	s0 =	sld [smem:$0x3F99];
	_ =	swait.ge [sflag:s4], $0x0  }
0x19: {  	s7 =	sld [smem:$0x3F9A]  }
0x1a: {  	s8 =	sadd.s32 $0xFFFFE003, lr  }
0x1b: {  	s9 =	sadd.s32 $0xFFFFFEF7, lr;
	s5 =	simm.s32 $0xFFFFFFFF;
	p2 =	slt.u32 s8, $0xFFFFF086  }
0x1c: {  	p1 =	slt.u32 s9, $0xF7A;
	s5 =	simm.s32 @!p2 $0x0  }
0x1d: {  	s5 =	simm.s32 @p1 $0x1;
	p0 =	seq.s32 s7, s2  }
0x1e: {  	s7 =	smul.u32 @!p0 $0xF7A, s2;
	p2 =	seq.s32 @!p0 s5, $0x0  }
0x1f: {  	s9 =	smul.u32 $0xF7A, s1;
	s8 =	simm.s32 @!p0 $0x1BF5;
	p2 =	por !p2, p0  }
0x20: {  	[sflag:s8] =	ssyncset.s32 @!p0 $0xFFFFF086;
	s6 =	sadd.s32 @!p0 s3, s7;
	s7 =	simm.s32 @!p0 $0x108  }
0x21: {  	s3 =	sadd.s32 s3, s9;
	s6 =	sadd.s32 @!p0 $0x88, s6;
	s7 =	simm.s32 @p2 $0x1082  }
0x22: {  	[simem:s7], [sflag:s8] =	dma.local @!p0 [hbm:s6], $0xF7A  }
0x23: {  	s9 =	sor.u32 $0xD0000000, s2;
	s6 =	simm.s32 $0x108;
	_ =	swait.ge @!p0 [sflag:s8], $0x0  }
0x24: {  	s3 =	sadd.s32 $0x88, s3;
	s6 =	simm.s32 @!p1 $0x1082;
	[sflag:s4] =	ssyncset.s32 $0xFFFFF086  }
0x25: {  	[simem:s6], [sflag:s4] =	dma.local [hbm:s3], $0xF7A  }
0x26: {  	[smem:$0x3F9A] =	sst s1;
	(tag) =	ssettag s2;
	_ =	strace s9  }
0x27: {  	s1 =	sld [smem:$0x3FAA]  }
0x28: {  	s2 =	sld [smem:$0x3FAB]  }
0x29: {  	s4 =	sld [smem:$0x3FAD]  }
0x2a: {  	p0 =	seq.s32 s5, $0x0;
	s5 =	sld [smem:$0x3FAE]  }
0x2b: {  	s6 =	sld [smem:$0x3FAF]  }
0x2c: {  	s7 =	sld [smem:$0x3FB0]  }
0x2d: {  	s3 =	simm.s32 $0x108;
	s8 =	sld [smem:$0x3FB1]  }
0x2e: {  	s3 =	simm.s32 @!p0 $0x1082;
	s9 =	sld [smem:$0x3FB2]  }
0x2f: {  	lr =	sadd.s32 s0, s3;
	s0 =	sld [smem:$0x3FA9]  }
0x30: {  	s3 =	sld [smem:$0x3FAC]  }
0x31: {  	[smem:$0x3FB5] =	sst s10  }
0x32: {  	s10 =	sld [smem:$0x3FB3];
	_ =	sdelay $0x3  }
0x33: {  	p0 =	seq.s32 s10, $0x1;
	s10 =	sld [smem:$0x3FB5];
	_ =	sdelay $0x3  }
0x34: {  	[smem:$0x3FB5] =	sst s10  }
0x35: {  	s10 =	sld [smem:$0x3FB4];
	_ =	sdelay $0x3  }
0x36: {  	p1 =	seq.s32 s10, $0x1;
	s10 =	sld [smem:$0x3FB5];
	_ =	sdelay $0x3  }
0x37: {  	[smem:$0x3FB5] =	sst s10  }
0x38: {  	s10 =	sld [smem:$0x3FB6]  }
0x39: {  	_ = 	snop;
	(pc) =	sbr.ind lr, $3  }
0x3a: {  	_ = 	snop  }
0x3b: {  	_ = 	snop  }
0x3c: {  	p2 =	seq.s32 s10, $0x1;
	s10 =	sld [smem:$0x3FB5]  }
0x3d: {  	_ =	shalt  }
0x3e: {  	_ =	shalt  }
0x3f: {  	_ =	shalt  }
0x40: {  	_ =	shalt  }
0x41: {  	_ =	shalt  }
0x42: {  	_ =	shalt  }
0x43: {  	_ =	shalt  }
0x44: {  	_ =	shalt  }
0x45: {  	_ =	shalt  }
0x46: {  	_ =	shalt  }
0x47: {  	_ =	shalt  }
0x48: {  	_ =	shalt  }
0x49: {  	_ =	shalt  }
0x4a: {  	_ =	shalt  }
0x4b: {  	_ =	shalt  }
0x4c: {  	_ =	shalt  }
0x4d: {  	_ =	shalt  }
0x4e: {  	_ =	shalt  }
0x4f: {  	_ =	shalt  }
0x50: {  	_ =	shalt  }
0x51: {  	_ =	shalt  }
0x52: {  	_ =	shalt  }
0x53: {  	_ =	shalt  }
0x54: {  	_ =	shalt  }
0x55: {  	_ =	shalt  }
0x56: {  	_ =	shalt  }
0x57: {  	_ =	shalt  }
0x58: {  	_ =	shalt  }
0x59: {  	_ =	shalt  }
0x5a: {  	_ =	shalt  }
0x5b: {  	_ =	shalt  }
0x5c: {  	_ =	shalt  }
0x5d: {  	_ =	shalt  }
0x5e: {  	_ =	shalt  }
0x5f: {  	_ =	shalt  }
0x60: {  	_ =	shalt  }
0x61: {  	_ =	shalt  }
0x62: {  	_ =	shalt  }
0x63: {  	_ =	shalt  }
0x64: {  	_ =	shalt  }
0x65: {  	_ =	shalt  }
0x66: {  	_ =	shalt  }
0x67: {  	_ =	shalt  }
0x68: {  	_ =	shalt  }
0x69: {  	_ =	shalt  }
0x6a: {  	_ =	shalt  }
0x6b: {  	_ =	shalt  }
0x6c: {  	_ =	shalt  }
0x6d: {  	_ =	shalt  }
0x6e: {  	_ =	shalt  }
0x6f: {  	_ =	shalt  }
0x70: {  	_ =	shalt  }
0x71: {  	_ =	shalt  }
0x72: {  	_ =	shalt  }
0x73: {  	_ =	shalt  }
0x74: {  	_ =	shalt  }
0x75: {  	_ =	shalt  }
0x76: {  	_ =	shalt  }
0x77: {  	_ =	shalt  }
0x78: {  	_ =	shalt  }
0x79: {  	_ =	shalt  }
0x7a: {  	_ =	shalt  }
0x7b: {  	_ =	shalt  }
0x7c: {  	_ =	shalt  }
0x7d: {  	_ =	shalt  }
0x7e: {  	_ =	shalt  }
0x7f: {  	_ =	shalt  }
0x80: {  	_ =	shalt  }
0x81: {  	_ =	shalt  }
0x82: {  	_ =	shalt  }
0x83: {  	_ =	shalt  }
0x84: {  	_ =	shalt  }
0x85: {  	_ =	shalt  }
0x86: {  	_ =	shalt  }
0x87: {  	_ =	shalt  }
.Lfunc_end0:
.L_simem_size_0:
called_computation.1_lowered:
.L_overlay_start_0:
0x88: {  	s2 =	sld [smem:$0x3FD9]  }
0x89: {  	s3 =	sld [smem:$0x3FFE];
	_ =	sdelay $0x1  }
0x8a: {  	s1 =	srdreg.scid  }
0x8b: {  	s0 =	sand.u32 $0x1, s1  }
0x8c: {  	s17 =	sshll.u32 s0, $0xA;
	s2 =	sadd.s32 s3, s2  }
0x8d: {  	s2 =	sadd.s32 s2, s17  }
0x8e: {  	[smem:$0x3FC1] =	sst s2  }
0x8f: {  	_ = 	snop  }
0x90: {  	s2 =	sld [smem:$0x3FD0];
	(tm) =	ssettm $0x1  }
0x91: {  	s18 =	sld [smem:$0x3FFB];
	_ =	sdelay $0x3  }
0x92: {  	_ =	strace s18  }
0x93: {  	s3 =	sld [smem:$0x3FFC];
	_ =	sdelay $0x3  }
0x94: {  	_ =	strace s3  }
0x95: {  	s3 =	sld [smem:$0x3FFD];
	_ =	sdelay $0x3  }
0x96: {  	_ =	strace s3  }
0x97: {  	_ =	strace $0x8FFFFFFF  }
0x98: {  	s19 =	sld [smem:$0x3FDB];
	_ =	sdelay $0x1  }
0x99: {  	s4 =	simm.s32 $_scs_section_size  }
0x9a: {  	s5 =	simm.s32 $_size__tile_overlayer_lowered;
	s6 =	simm.s32 $_tile_overlayer_lowered  }
0x9b: {  	s22 =	simm.s32 $0x1BFF;
	s21 =	sshll.u32 s6, $0x1;
	s3 =	sadd.s32 s4, s19  }
0x9c: {  	s7 =	simm.s32 $0x0;
	s20 =	sshll.u32 s5, $0x1;
	s5 =	sadd.s32 s21, s3  }
0x9d: {  	[timem:s7], [sflag:s22] =	dma.local [hbm:s5], s20  }
0x9e: {  	_ =	swait.ge [sflag:s22], s20  }
0x9f: {  	s4 =	ssub.s32 $0x0, s20;
	[sflag:s22] =	ssyncset.done $0x0  }
0xa0: {  	[sflag:s22] =	ssyncadd.s32 s4;
	_ =	sdelay $0x1  }
0xa1: {  	s23 =	simm.s32 $0x1B8B  }
0xa2: {  	_ =	swait.ge [sflag:s23], $0x1  }
0xa3: {  	[sflag:s23] =	ssyncset.done $0x0  }
0xa4: {  	s25 =	simm.s32 $0x1B8E;
	s24 =	sld [smem:$0x3FFE];
	[sflag:s23] =	ssyncadd.s32 $0xFFFFFFFF  }
0xa5: {  	s26 =	simm.s32 $execute0_lowered;
	[smem:$0x3FD2] =	sst s25  }
0xa6: {  	s5 =	sshll.u32 s26, $0x1;
	_ =	strace $0x80000049;
	[dreg:$0x1] =	wrdreg $0xFFFFFFFF  }
0xa7: {  	s28 =	simm.s32 $_size_execute0_lowered;
	s3 =	sadd.s32 s3, s5;
	[dreg:$0x0] =	wrdreg $0x0  }
0xa8: {  	s5 =	sshll.u32 s28, $0x1;
	[dreg:$0x2] =	wrdreg s3  }
0xa9: {  	[dreg:$0x3] =	wrdreg s5  }
0xaa: {  	[dreg:$0x4] =	wrdreg $0xC0  }
0xab: {  	_ =	task [dreg:s7], $0x5FFFF  }
0xac: {  	[dreg:$0x1] =	wrdreg $0xFFFFFFFF  }
0xad: {  	[dreg:$0x0] =	wrdreg $0x60  }
0xae: {  	[dreg:$0x2] =	wrdreg s24  }
0xaf: {  	[dreg:$0x3] =	wrdreg s2  }
0xb0: {  	[dreg:$0x4] =	wrdreg $0x0  }
0xb1: {  	[dreg:$0x5] =	wrdreg $0x9  }
0xb2: {  	_ =	task.clear_ibuf [dreg:s7], $0x6FFFF;
	_ =	strace $0x90000049  }
0xb3: {  	s29 =	simm.s32 $0x9;
	_ =	strace $0x8000004B  }
0xb4: {  	_ =	swait.ge [sflag:s29], $0x1  }
0xb5: {  	[sflag:s29] =	ssyncadd.s32 $0xFFFFFFFF  }
0xb6: {  	_ =	strace $0x9000004B  }
0xb7: {  	_ =	sfence  }
0xb8: {  	s30 =	sld [smem:$0x0];
	_ =	sdelay $0x2  }
0xb9: {  	s31 =	sshll.u32 s1, $0xD;
	s1 =	sshrl.u32 s1, $0x2  }
0xba: {  	s3 =	sand.u32 $0x4000, s31;
	s1 =	sadd.s32 s1, s30  }
0xbb: {  	s0 =	sor.u32 s3, s0;
	s1 =	sshll.u32 s1, $0x11  }
0xbc: {  	s0 =	sor.u32 s1, s0  }
0xbd: {  	s0 =	sadd.s32 $0x8F2B, s0  }
0xbe: {  	[sflag:s0] =	ssyncadd.remote.s32 $0x1  }
0xbf: {  	_ =	sfence.sel $0xFFFF  }
0xc0: {  	[dreg:$0x0] =	wrdreg $0xFFFFFFFF;
	(pc) =	sbr.abs _section_cstart, $3  }
0xc1: {  	[dreg:$0x1] =	wrdreg $0xFFFFFFFF  }
0xc2: {  	_ =	task.clear_ibuf [dreg:s7], $0x2FFFF;
	_ =	strace $0x9FFFFFFF  }
0xc3: {  	(tm) =	ssettm $0x7FFFFFFF  }
tec
execute0_lowered:
.L_overlay_start_1:
0x0: {  	(tag) =	ssettag $0x1  }
0x1: {  	s0 =	rddreg [dreg:$0x0]  }
0x2: {  	s1 =	rddreg [dreg:$0x1]  }
0x3: {  	s2 =	rddreg [dreg:$0x2];
	s3 =	srdreg.scid  }
0x4: {  	s5 =	simm.s32 $0x0;
	s8 =	stileid.u32;
	s11 =	simm.s32 $0x14000  }
0x5: {  	s12 =	simm.s32 $0x14080;
	s13 =	simm.s32 $0x14100;
	s9 =	smul.u32 $0x2800, s8  }
0x6: {  	s3 =	sand.u32 $0x1, s3;
	[smem:$0x7FF] =	sst s5;
	s10 =	smul.u32 $0x50000, s8  }
0x7: {  	s5 =	sadd.s32 $0x70800, s0;
	s6 =	sadd.s32 $0x15E00, s0;
	s8 =	smul.u32 $0x5000, s8  }
0x8: {  	s7 =	sadd.s32 $0x1E00, s0;
	s4 =	smul.u32 $0x28000, s3;
	_ =	strace $0x8000004A  }
0x9: {  	s14 =	ssub.s32 $0x2, s3;
	s3 =	smul.u32 $0x50000, s3;
	s10 =	sshrl.u32 s10, $0x2  }
0xa: {  	s15 =	sshrl.u32 s14, $0x1;
	s4 =	sadd.s32 s9, s4;
	s9 =	sadd.s32 s10, s2  }
0xb: {  	s10 =	sadd.s32 s8, s3;
	s3 =	simm.s32 $0x2;
	s17 =	sadd.s32 $0x1000, s9  }
0xc: {  	s0 =	sadd.s32 s4, s0;
	s18 =	sadd.s32 $0x2000, s9;
	[dreg:$0x6] =	wrdreg s17  }
0xd: {  	s4 =	ssub.s32 s14, s15;
	s19 =	sadd.s32 $0x3000, s9;
	[dreg:$0x7] =	wrdreg s18  }
0xe: {  	s20 =	sadd.s32 $0x4000, s9;
	s21 =	sadd.s32 $0x5000, s9;
	[dreg:$0x8] =	wrdreg s19  }
0xf: {  	s22 =	sadd.s32 $0x6000, s9;
	s23 =	sadd.s32 $0x7000, s9;
	[dreg:$0x9] =	wrdreg s20  }
0x10: {  	s24 =	sadd.s32 $0x8000, s9;
	s25 =	sadd.s32 $0x9000, s9;
	[dreg:$0xa] =	wrdreg s21  }
0x11: {  	s26 =	sadd.s32 $0xA000, s9;
	s28 =	sadd.s32 $0xF000, s9;
	[dreg:$0xb] =	wrdreg s22  }
0x12: {  	s29 =	sadd.s32 $0x10000, s9;
	s30 =	sadd.s32 $0x11000, s9;
	[dreg:$0xc] =	wrdreg s23  }
0x13: {  	s31 =	sadd.s32 $0x12000, s9;
	s14 =	simm.s32 $0x80;
	[dreg:$0xd] =	wrdreg s24  }
0x14: {  	s15 =	simm.s32 $0x14180;
	s0 =	sadd.s32 $0x1FE00, s0;
	[dreg:$0xe] =	wrdreg s25  }
0x15: {  	s16 =	smax.u32 s4, $0x1;
	[dreg:$0xf] =	wrdreg s26;
	s23 =	sadd.s32 $0xB000, s9  }
0x16: {  	s24 =	sadd.s32 $0xC000, s9;
	s25 =	sadd.s32 $0xD000, s9;
	s26 =	sadd.s32 $0xE000, s9  }
0x17: {  	s4 =	simm.s32 $0x18180;
	s17 =	simm.s32 $0x0;
	[dreg:$0x4] =	wrdreg s0  }
0x18: {  	v0 =	vimm.f32 $0.0e+00;
	[dreg:$0x5] =	wrdreg s16;
	s0 =	sadd.s32 $0x13000, s9;
	s16 =	simm.s32 $0x1  }
.LBB2_1:
0x19: {  	s18 =	simm.s32 $0x0  }
0x1a: {  	s19 =	sand.u32 $0xFFFFFF80, s18  }
0x1b: {  	s19 =	ssub.s32 $0x0, s19  }
0x1c: {  	s20 =	simm.s32 $0x0;
	s18 =	sand.u32 $0x3FFFFF80, s18;
	s19 =	sand.u32 $0xFFFFFF80, s19  }
0x1d: {  	s20 =	sand.u32 $0x70, s20;
	s19 =	sadd.s32 s19, s18  }
0x1e: {  	s18 =	simm.s32 $0x1;
	s20 =	sor.u32 s20, s19;
	s19 =	simm.s32 $0x0  }
.LBB2_2:
0x1f: {  	s21 =	sshll.u32 s18, $0x4;
	p0 =	sne.s32 s18, $0xFF;
	s18 =	sadd.s32 $0x1, s18;
	[tilespmem:s20+$0x18180] =	vst v0  }
.Ltmp0:
0x20: {  	s19 =	sadd.s32 $0x10, s19;
	s20 =	sand.u32 $0xFFFFFF80, s21;
	(pc) =	sbr.rel @p0 .LBB2_2-.Ltmp0, $4  }
0x21: {  	s20 =	ssub.s32 s19, s20  }
0x22: {  	s21 =	sand.u32 $0x3FFFFF80, s21;
	s20 =	sand.u32 $0xFFFFFF80, s20  }
0x23: {  	s22 =	sand.u32 $0x70, s19;
	s20 =	sadd.s32 s20, s21  }
0x24: {  	s20 =	sor.u32 s22, s20  }
0x25: {  	[tilespmem:s20+$0x18180] =	vst v0  }
0x26: {  	[spmem:s9] =	stream.linear.scatter [tilespmem:s4], [sflag:$0x2], $0x1000, $0x38;
	[tilespmem:$0x19180] =	vst v63  }
0x27: {  	_ =	swait.ge [sflag:s3], $0x1000  }
0x28: {  	[sflag:s3] =	ssyncset.done $0x0  }
0x29: {  	s18 =	rddreg [dreg:$0x6];
	[sflag:s3] =	ssyncadd.s32 $0xFFFFF000  }
0x2a: {  	[spmem:s18] =	stream.linear.scatter [tilespmem:s4], [sflag:$0x2], $0x1000, $0x38;
	[tilespmem:$0x19180] =	vst v63  }
0x2b: {  	_ =	swait.ge [sflag:s3], $0x1000  }
0x2c: {  	[sflag:s3] =	ssyncset.done $0x0  }
0x2d: {  	s22 =	rddreg [dreg:$0x7];
	[sflag:s3] =	ssyncadd.s32 $0xFFFFF000  }
0x2e: {  	[spmem:s22] =	stream.linear.scatter [tilespmem:s4], [sflag:$0x2], $0x1000, $0x38;
	[tilespmem:$0x19180] =	vst v63  }
0x2f: {  	_ =	swait.ge [sflag:s3], $0x1000  }
0x30: {  	[sflag:s3] =	ssyncset.done $0x0  }
0x31: {  	s19 =	rddreg [dreg:$0x8];
	[sflag:s3] =	ssyncadd.s32 $0xFFFFF000  }
0x32: {  	[spmem:s19] =	stream.linear.scatter [tilespmem:s4], [sflag:$0x2], $0x1000, $0x38;
	[tilespmem:$0x19180] =	vst v63  }
0x33: {  	_ =	swait.ge [sflag:s3], $0x1000  }
0x34: {  	[sflag:s3] =	ssyncset.done $0x0  }
0x35: {  	s20 =	rddreg [dreg:$0x9];
	[sflag:s3] =	ssyncadd.s32 $0xFFFFF000  }
0x36: {  	[spmem:s20] =	stream.linear.scatter [tilespmem:s4], [sflag:$0x2], $0x1000, $0x38;
	[tilespmem:$0x19180] =	vst v63  }
0x37: {  	_ =	swait.ge [sflag:s3], $0x1000  }
0x38: {  	[sflag:s3] =	ssyncset.done $0x0  }
0x39: {  	s21 =	rddreg [dreg:$0xa];
	[sflag:s3] =	ssyncadd.s32 $0xFFFFF000  }
0x3a: {  	[spmem:s21] =	stream.linear.scatter [tilespmem:s4], [sflag:$0x2], $0x1000, $0x38;
	[tilespmem:$0x19180] =	vst v63  }
0x3b: {  	_ =	swait.ge [sflag:s3], $0x1000  }
0x3c: {  	[sflag:s3] =	ssyncset.done $0x0  }
0x3d: {  	s22 =	rddreg [dreg:$0xb];
	[sflag:s3] =	ssyncadd.s32 $0xFFFFF000  }
0x3e: {  	[spmem:s22] =	stream.linear.scatter [tilespmem:s4], [sflag:$0x2], $0x1000, $0x38;
	[tilespmem:$0x19180] =	vst v63  }
0x3f: {  	_ =	swait.ge [sflag:s3], $0x1000  }
0x40: {  	[sflag:s3] =	ssyncset.done $0x0  }
0x41: {  	s19 =	rddreg [dreg:$0xc];
	[sflag:s3] =	ssyncadd.s32 $0xFFFFF000  }
0x42: {  	[spmem:s19] =	stream.linear.scatter [tilespmem:s4], [sflag:$0x2], $0x1000, $0x38;
	[tilespmem:$0x19180] =	vst v63  }
0x43: {  	_ =	swait.ge [sflag:s3], $0x1000  }
0x44: {  	[sflag:s3] =	ssyncset.done $0x0  }
0x45: {  	s20 =	rddreg [dreg:$0xd];
	[sflag:s3] =	ssyncadd.s32 $0xFFFFF000  }
0x46: {  	[spmem:s20] =	stream.linear.scatter [tilespmem:s4], [sflag:$0x2], $0x1000, $0x38;
	[tilespmem:$0x19180] =	vst v63  }
0x47: {  	_ =	swait.ge [sflag:s3], $0x1000  }
0x48: {  	[sflag:s3] =	ssyncset.done $0x0  }
0x49: {  	s21 =	rddreg [dreg:$0xe];
	[sflag:s3] =	ssyncadd.s32 $0xFFFFF000  }
0x4a: {  	[spmem:s21] =	stream.linear.scatter [tilespmem:s4], [sflag:$0x2], $0x1000, $0x38;
	[tilespmem:$0x19180] =	vst v63  }
0x4b: {  	_ =	swait.ge [sflag:s3], $0x1000  }
0x4c: {  	[sflag:s3] =	ssyncset.done $0x0  }
0x4d: {  	s22 =	rddreg [dreg:$0xf];
	[sflag:s3] =	ssyncadd.s32 $0xFFFFF000  }
0x4e: {  	[spmem:s22] =	stream.linear.scatter [tilespmem:s4], [sflag:$0x2], $0x1000, $0x38;
	[tilespmem:$0x19180] =	vst v63  }
0x4f: {  	_ =	swait.ge [sflag:s3], $0x1000  }
0x50: {  	[sflag:s3] =	ssyncset.done $0x0  }
0x51: {  	[sflag:s3] =	ssyncadd.s32 $0xFFFFF000  }
0x52: {  	[spmem:s23] =	stream.linear.scatter [tilespmem:s4], [sflag:$0x2], $0x1000, $0x38;
	[tilespmem:$0x19180] =	vst v63  }
0x53: {  	_ =	swait.ge [sflag:s3], $0x1000  }
0x54: {  	[sflag:s3] =	ssyncset.done $0x0  }
0x55: {  	[sflag:s3] =	ssyncadd.s32 $0xFFFFF000  }
0x56: {  	[spmem:s24] =	stream.linear.scatter [tilespmem:s4], [sflag:$0x2], $0x1000, $0x38;
	[tilespmem:$0x19180] =	vst v63  }
0x57: {  	_ =	swait.ge [sflag:s3], $0x1000  }
0x58: {  	[sflag:s3] =	ssyncset.done $0x0  }
0x59: {  	[sflag:s3] =	ssyncadd.s32 $0xFFFFF000  }
0x5a: {  	[spmem:s25] =	stream.linear.scatter [tilespmem:s4], [sflag:$0x2], $0x1000, $0x38;
	[tilespmem:$0x19180] =	vst v63  }
0x5b: {  	_ =	swait.ge [sflag:s3], $0x1000  }
0x5c: {  	[sflag:s3] =	ssyncset.done $0x0  }
0x5d: {  	[sflag:s3] =	ssyncadd.s32 $0xFFFFF000  }
0x5e: {  	[spmem:s26] =	stream.linear.scatter [tilespmem:s4], [sflag:$0x2], $0x1000, $0x38;
	[tilespmem:$0x19180] =	vst v63  }
0x5f: {  	_ =	swait.ge [sflag:s3], $0x1000  }
0x60: {  	[sflag:s3] =	ssyncset.done $0x0  }
0x61: {  	[sflag:s3] =	ssyncadd.s32 $0xFFFFF000  }
0x62: {  	[spmem:s28] =	stream.linear.scatter [tilespmem:s4], [sflag:$0x2], $0x1000, $0x38;
	[tilespmem:$0x19180] =	vst v63  }
0x63: {  	_ =	swait.ge [sflag:s3], $0x1000  }
0x64: {  	[sflag:s3] =	ssyncset.done $0x0  }
0x65: {  	[sflag:s3] =	ssyncadd.s32 $0xFFFFF000  }
0x66: {  	[spmem:s29] =	stream.linear.scatter [tilespmem:s4], [sflag:$0x2], $0x1000, $0x38;
	[tilespmem:$0x19180] =	vst v63  }
0x67: {  	_ =	swait.ge [sflag:s3], $0x1000  }
0x68: {  	[sflag:s3] =	ssyncset.done $0x0  }
0x69: {  	[sflag:s3] =	ssyncadd.s32 $0xFFFFF000  }
0x6a: {  	[spmem:s30] =	stream.linear.scatter [tilespmem:s4], [sflag:$0x2], $0x1000, $0x38;
	[tilespmem:$0x19180] =	vst v63  }
0x6b: {  	_ =	swait.ge [sflag:s3], $0x1000  }
0x6c: {  	[sflag:s3] =	ssyncset.done $0x0  }
0x6d: {  	[sflag:s3] =	ssyncadd.s32 $0xFFFFF000  }
0x6e: {  	[spmem:s31] =	stream.linear.scatter [tilespmem:s4], [sflag:$0x2], $0x1000, $0x38;
	[tilespmem:$0x19180] =	vst v63  }
0x6f: {  	_ =	swait.ge [sflag:s3], $0x1000  }
0x70: {  	[sflag:s3] =	ssyncset.done $0x0  }
0x71: {  	[sflag:s3] =	ssyncadd.s32 $0xFFFFF000  }
0x72: {  	[spmem:s0] =	stream.linear.scatter [tilespmem:s4], [sflag:$0x2], $0x1000, $0x38;
	[tilespmem:$0x19180] =	vst v63  }
0x73: {  	_ =	swait.ge [sflag:s3], $0x1000  }
0x74: {  	[sflag:s3] =	ssyncset.done $0x0  }
0x75: {  	[sflag:s3] =	ssyncadd.s32 $0xFFFFF000  }
0x76: {  	s18 =	simm.s32 $0x0;
	s19 =	simm.s32 $0x0;
	[bflag:$0x0] =	sbarrier.arrive $0xFFFF  }
.LBB2_4:
0x77: {  	s20 =	sshll.u32 s19, $0x7  }
0x78: {  	s21 =	sadd.s32 s20, s10  }
0x79: {  	s21 =	sshrl.u32 s21, $0x3  }
0x7a: {  	s21 =	sadd.s32 s1, s21  }
0x7b: {  	[tilespmem:s11], [sflag:$0x2] =	stream.linear.gather [hbm4b:s21+s18], $0x80, $0x38;
	[tilespmem:$0x19180] =	vst v63  }
0x7c: {  	s20 =	sadd.s32 s8, s20;
	_ =	swait.ge [sflag:s3], $0x80  }
0x7d: {  	s20 =	sshrl.u32 s20, $0x3;
	[sflag:s3] =	ssyncset.done $0x0  }
0x7e: {  	s22 =	sadd.s32 s6, s20;
	[sflag:s3] =	ssyncadd.s32 $0xFFFFFF80  }
0x7f: {  	[tilespmem:s12], [sflag:$0x2] =	stream.linear.gather [hbm4b:s22+s18], $0x80, $0x38;
	[tilespmem:$0x19180] =	vst v63  }
0x80: {  	_ =	swait.ge [sflag:s3], $0x80  }
0x81: {  	[sflag:s3] =	ssyncset.done $0x0  }
0x82: {  	s20 =	sadd.s32 s7, s20;
	[sflag:s3] =	ssyncadd.s32 $0xFFFFFF80  }
0x83: {  	[tilespmem:s13], [sflag:$0x2] =	stream.linear.gather [hbm4b:s20+s18], $0x80, $0x38;
	[tilespmem:$0x19180] =	vst v63  }
0x84: {  	_ =	swait.ge [sflag:s3], $0x80  }
0x85: {  	[sflag:s3] =	ssyncset.done $0x0  }
0x86: {  	[sflag:s3] =	ssyncadd.s32 $0xFFFFFF80  }
0x87: {  	[tilespmem:s15], [sflag:$0x1] =	stream.indirect.gather [hbm4b:s5+s14], $0x80, s11, s14, $0xb8;
	[tilespmem:$0x19180] =	vst v63  }
0x88: {  	_ =	swait.ge [sflag:s16], $0x4000  }
0x89: {  	s21 =	simm.s32 $0x0;
	[sflag:s16] =	ssyncset.done $0x0  }
0x8a: {  	s20 =	sand.u32 $0x3FFFFFF0, s21;
	[sflag:s16] =	ssyncadd.s32 $0xFFFFC000  }
0x8b: {  	s22 =	simm.s32 $0x0;
	v1 =	vld [tilespmem:s20+$0x14100]  }
0x8c: {  	s20 =	sand.u32 $0x3FFFF800, s22  }
0x8d: {  	v3 =	vld [tilespmem:s20+$0x141A0]  }
0x8e: {  	v4 =	vld [tilespmem:s20+$0x141B0]  }
0x8f: {  	v10 =	vld [tilespmem:s20+$0x141E0]  }
0x90: {  	v11 =	vld [tilespmem:s20+$0x141F0];
	v2 =	vbroadcast v1, $0x0  }
0x91: {  	v12 =	vld [tilespmem:s20+$0x14200]  }
0x92: {  	v13 =	vld [tilespmem:s20+$0x14210];
	v3 =	vmul.f32 v3, v2  }
0x93: {  	v14 =	vld [tilespmem:s20+$0x14220];
	v4 =	vmul.f32 v4, v2  }
0x94: {  	v9 =	vld [tilespmem:s20+$0x14230];
	v23 =	vbroadcast v1, $0x1;
	v22 =	vmul.f32 v10, v2;
	[tilespmem:s20+$0x141A0] =	vst v3  }
0x95: {  	v7 =	vld [tilespmem:s20+$0x14240];
	v11 =	vmul.f32 v11, v2;
	[tilespmem:s20+$0x141B0] =	vst v4  }
0x96: {  	v8 =	vld [tilespmem:s20+$0x14250];
	v12 =	vmul.f32 v12, v23;
	[tilespmem:s20+$0x141E0] =	vst v22  }
0x97: {  	v25 =	vld [tilespmem:s20+$0x14270];
	v13 =	vmul.f32 v13, v23;
	[tilespmem:s20+$0x141F0] =	vst v11  }
0x98: {  	v26 =	vld [tilespmem:s20+$0x14280];
	v14 =	vmul.f32 v14, v23;
	[tilespmem:s20+$0x14200] =	vst v12  }
0x99: {  	v27 =	vld [tilespmem:s20+$0x14290];
	v9 =	vmul.f32 v9, v23;
	[tilespmem:s20+$0x14210] =	vst v13  }
0x9a: {  	v6 =	vld [tilespmem:s20+$0x146F0];
	v7 =	vmul.f32 v7, v23;
	[tilespmem:s20+$0x14220] =	vst v14  }
0x9b: {  	v24 =	vld [tilespmem:s20+$0x14260];
	v15 =	vbroadcast v1, $0x2;
	v8 =	vmul.f32 v8, v23;
	[tilespmem:s20+$0x14230] =	vst v9  }
0x9c: {  	v28 =	vld [tilespmem:s20+$0x142A0];
	v10 =	vmul.f32 v25, v23;
	[tilespmem:s20+$0x14240] =	vst v7  }
0x9d: {  	v29 =	vld [tilespmem:s20+$0x142B0];
	v5 =	vbroadcast v1, $0xA;
	v32 =	vmul.f32 v26, v15;
	[tilespmem:s20+$0x14250] =	vst v8  }
0x9e: {  	v30 =	vld [tilespmem:s20+$0x142C0];
	v34 =	vmul.f32 v27, v15;
	[tilespmem:s20+$0x14270] =	vst v10  }
0x9f: {  	v33 =	vld [tilespmem:s20+$0x142E0];
	v3 =	vmul.f32 v6, v5;
	[tilespmem:s20+$0x14280] =	vst v32  }
0xa0: {  	v35 =	vld [tilespmem:s20+$0x142F0];
	v11 =	vmul.f32 v24, v23;
	[tilespmem:s20+$0x14290] =	vst v34  }
0xa1: {  	v36 =	vld [tilespmem:s20+$0x14300];
	v9 =	vmul.f32 v28, v15;
	[tilespmem:s20+$0x146F0] =	vst v3  }
0xa2: {  	v31 =	vld [tilespmem:s20+$0x142D0];
	v7 =	vmul.f32 v29, v15;
	[tilespmem:s20+$0x14260] =	vst v11  }
0xa3: {  	v37 =	vld [tilespmem:s20+$0x14310];
	v8 =	vmul.f32 v30, v15;
	[tilespmem:s20+$0x142A0] =	vst v9  }
0xa4: {  	v38 =	vld [tilespmem:s20+$0x14320];
	v41 =	vbroadcast v1, $0x3;
	v10 =	vmul.f32 v33, v15;
	[tilespmem:s20+$0x142B0] =	vst v7  }
0xa5: {  	v39 =	vld [tilespmem:s20+$0x14330];
	v12 =	vmul.f32 v35, v15;
	[tilespmem:s20+$0x142C0] =	vst v8  }
0xa6: {  	v42 =	vld [tilespmem:s20+$0x14350];
	v13 =	vmul.f32 v36, v41;
	[tilespmem:s20+$0x142E0] =	vst v10  }
0xa7: {  	v43 =	vld [tilespmem:s20+$0x14360];
	v11 =	vmul.f32 v31, v15;
	[tilespmem:s20+$0x142F0] =	vst v12  }
0xa8: {  	v44 =	vld [tilespmem:s20+$0x14370];
	v9 =	vmul.f32 v37, v41;
	[tilespmem:s20+$0x14300] =	vst v13  }
0xa9: {  	v40 =	vld [tilespmem:s20+$0x14340];
	v7 =	vmul.f32 v38, v41;
	[tilespmem:s20+$0x142D0] =	vst v11  }
0xaa: {  	v45 =	vld [tilespmem:s20+$0x14380];
	v8 =	vmul.f32 v39, v41;
	[tilespmem:s20+$0x14310] =	vst v9  }
0xab: {  	v46 =	vld [tilespmem:s20+$0x14390];
	v10 =	vmul.f32 v42, v41;
	[tilespmem:s20+$0x14320] =	vst v7  }
0xac: {  	v47 =	vld [tilespmem:s20+$0x143A0];
	v12 =	vmul.f32 v43, v41;
	[tilespmem:s20+$0x14330] =	vst v8  }
0xad: {  	v49 =	vld [tilespmem:s20+$0x143C0];
	v50 =	vbroadcast v1, $0x4;
	v13 =	vmul.f32 v44, v41;
	[tilespmem:s20+$0x14350] =	vst v10  }
0xae: {  	v51 =	vld [tilespmem:s20+$0x143D0];
	v11 =	vmul.f32 v40, v41;
	[tilespmem:s20+$0x14360] =	vst v12  }
0xaf: {  	v52 =	vld [tilespmem:s20+$0x143E0];
	v9 =	vmul.f32 v45, v50;
	[tilespmem:s20+$0x14370] =	vst v13  }
0xb0: {  	v48 =	vld [tilespmem:s20+$0x143B0];
	v7 =	vmul.f32 v46, v50;
	[tilespmem:s20+$0x14340] =	vst v11  }
0xb1: {  	v53 =	vld [tilespmem:s20+$0x143F0];
	v8 =	vmul.f32 v47, v50;
	[tilespmem:s20+$0x14380] =	vst v9  }
0xb2: {  	v54 =	vld [tilespmem:s20+$0x14400];
	v10 =	vmul.f32 v49, v50;
	[tilespmem:s20+$0x14390] =	vst v7  }
0xb3: {  	v55 =	vld [tilespmem:s20+$0x14410];
	v12 =	vmul.f32 v51, v50;
	[tilespmem:s20+$0x143A0] =	vst v8  }
0xb4: {  	v57 =	vld [tilespmem:s20+$0x14430];
	v13 =	vmul.f32 v52, v50;
	[tilespmem:s20+$0x143C0] =	vst v10  }
0xb5: {  	v58 =	vld [tilespmem:s20+$0x14440];
	v59 =	vbroadcast v1, $0x5;
	v11 =	vmul.f32 v48, v50;
	[tilespmem:s20+$0x143D0] =	vst v12  }
0xb6: {  	v60 =	vld [tilespmem:s20+$0x14450];
	v9 =	vmul.f32 v53, v50;
	[tilespmem:s20+$0x143E0] =	vst v13  }
0xb7: {  	v56 =	vld [tilespmem:s20+$0x14420];
	v7 =	vmul.f32 v54, v59;
	[tilespmem:s20+$0x143B0] =	vst v11  }
0xb8: {  	v61 =	vld [tilespmem:s20+$0x14460];
	v8 =	vmul.f32 v55, v59;
	[tilespmem:s20+$0x143F0] =	vst v9  }
0xb9: {  	v62 =	vld [tilespmem:s20+$0x14470];
	v10 =	vmul.f32 v57, v59;
	[tilespmem:s20+$0x14400] =	vst v7  }
0xba: {  	v63 =	vld [tilespmem:s20+$0x14480];
	v12 =	vmul.f32 v58, v59;
	[tilespmem:s20+$0x14410] =	vst v8  }
0xbb: {  	v19 =	vld [tilespmem:s20+$0x144A0];
	v13 =	vmul.f32 v60, v59;
	[tilespmem:s20+$0x14430] =	vst v10  }
0xbc: {  	v20 =	vld [tilespmem:s20+$0x144B0];
	v11 =	vmul.f32 v56, v59;
	[tilespmem:s20+$0x14440] =	vst v12  }
0xbd: {  	v21 =	vld [tilespmem:s20+$0x144C0];
	v22 =	vbroadcast v1, $0x6;
	v9 =	vmul.f32 v61, v59;
	[tilespmem:s20+$0x14450] =	vst v13  }
0xbe: {  	v18 =	vld [tilespmem:s20+$0x14490];
	v7 =	vmul.f32 v62, v59;
	[tilespmem:s20+$0x14420] =	vst v11  }
0xbf: {  	v23 =	vld [tilespmem:s20+$0x144D0];
	v8 =	vmul.f32 v63, v22;
	[tilespmem:s20+$0x14460] =	vst v9  }
0xc0: {  	v24 =	vld [tilespmem:s20+$0x144E0];
	v10 =	vmul.f32 v19, v22;
	[tilespmem:s20+$0x14470] =	vst v7  }
0xc1: {  	v25 =	vld [tilespmem:s20+$0x144F0];
	v12 =	vmul.f32 v20, v22;
	[tilespmem:s20+$0x14480] =	vst v8  }
0xc2: {  	v27 =	vld [tilespmem:s20+$0x14510];
	v13 =	vmul.f32 v21, v22;
	[tilespmem:s20+$0x144A0] =	vst v10  }
0xc3: {  	v28 =	vld [tilespmem:s20+$0x14520];
	v11 =	vmul.f32 v18, v22;
	[tilespmem:s20+$0x144B0] =	vst v12  }
0xc4: {  	v29 =	vld [tilespmem:s20+$0x14530];
	v9 =	vmul.f32 v23, v22;
	[tilespmem:s20+$0x144C0] =	vst v13  }
0xc5: {  	v31 =	vbroadcast v1, $0x7;
	v53 =	vld [tilespmem:s20+$0x14680];
	v7 =	vmul.f32 v24, v22;
	[tilespmem:s20+$0x14490] =	vst v11  }
0xc6: {  	v57 =	vld [tilespmem:s20+$0x146C0];
	v8 =	vmul.f32 v25, v22;
	[tilespmem:s20+$0x144D0] =	vst v9  }
0xc7: {  	v58 =	vld [tilespmem:s20+$0x146D0];
	v10 =	vmul.f32 v27, v31;
	[tilespmem:s20+$0x144E0] =	vst v7  }
0xc8: {  	v26 =	vld [tilespmem:s20+$0x14500];
	v12 =	vmul.f32 v28, v31;
	[tilespmem:s20+$0x144F0] =	vst v8  }
0xc9: {  	v30 =	vld [tilespmem:s20+$0x14540];
	v13 =	vmul.f32 v29, v31;
	[tilespmem:s20+$0x14510] =	vst v10  }
0xca: {  	v32 =	vld [tilespmem:s20+$0x14550];
	v59 =	vmul.f32 v53, v5;
	[tilespmem:s20+$0x14520] =	vst v12  }
0xcb: {  	v33 =	vld [tilespmem:s20+$0x14560];
	v18 =	vmul.f32 v57, v5;
	[tilespmem:s20+$0x14530] =	vst v13  }
0xcc: {  	v35 =	vld [tilespmem:s20+$0x14580];
	v20 =	vmul.f32 v58, v5;
	[tilespmem:s20+$0x14680] =	vst v59  }
0xcd: {  	v36 =	vld [tilespmem:s20+$0x14590];
	v11 =	vmul.f32 v26, v31;
	[tilespmem:s20+$0x146C0] =	vst v18  }
0xce: {  	v37 =	vld [tilespmem:s20+$0x145A0];
	v9 =	vmul.f32 v30, v31;
	[tilespmem:s20+$0x146D0] =	vst v20  }
0xcf: {  	v4 =	vld [tilespmem:s20+$0x14700];
	v40 =	vbroadcast v1, $0x8;
	v7 =	vmul.f32 v32, v31;
	[tilespmem:s20+$0x14500] =	vst v11  }
0xd0: {  	v6 =	vld [tilespmem:s20+$0x14710];
	v8 =	vmul.f32 v33, v31;
	[tilespmem:s20+$0x14540] =	vst v9  }
0xd1: {  	v3 =	vld [tilespmem:s20+$0x14950];
	v10 =	vmul.f32 v35, v40;
	[tilespmem:s20+$0x14550] =	vst v7  }
0xd2: {  	v61 =	vld [tilespmem:s20+$0x14180];
	v23 =	vbroadcast v1, $0xB;
	v12 =	vmul.f32 v36, v40;
	[tilespmem:s20+$0x14560] =	vst v8  }
0xd3: {  	v34 =	vld [tilespmem:s20+$0x14570];
	v13 =	vmul.f32 v37, v40;
	[tilespmem:s20+$0x14580] =	vst v10  }
0xd4: {  	v38 =	vld [tilespmem:s20+$0x145B0];
	v27 =	vbroadcast v1, $0xF;
	v4 =	vmul.f32 v4, v23;
	[tilespmem:s20+$0x14590] =	vst v12  }
0xd5: {  	v39 =	vld [tilespmem:s20+$0x145C0];
	v6 =	vmul.f32 v6, v23;
	[tilespmem:s20+$0x145A0] =	vst v13  }
0xd6: {  	v41 =	vld [tilespmem:s20+$0x145D0];
	v3 =	vmul.f32 v3, v27;
	[tilespmem:s20+$0x14700] =	vst v4  }
0xd7: {  	v43 =	vld [tilespmem:s20+$0x145F0];
	v24 =	vmul.f32 v2, v61;
	[tilespmem:s20+$0x14710] =	vst v6  }
0xd8: {  	v44 =	vld [tilespmem:s20+$0x14600];
	v11 =	vmul.f32 v34, v31;
	[tilespmem:s20+$0x14950] =	vst v3  }
0xd9: {  	v45 =	vld [tilespmem:s20+$0x14610];
	v9 =	vmul.f32 v38, v40;
	[tilespmem:s20+$0x14180] =	vst v24  }
0xda: {  	v63 =	vld [tilespmem:s20+$0x141C0];
	v7 =	vmul.f32 v39, v40;
	[tilespmem:s20+$0x14570] =	vst v11  }
0xdb: {  	v49 =	vbroadcast v1, $0x9;
	v29 =	vld [tilespmem:s20+$0x14770];
	v8 =	vmul.f32 v41, v40;
	[tilespmem:s20+$0x145B0] =	vst v9  }
0xdc: {  	v42 =	vld [tilespmem:s20+$0x145E0];
	v10 =	vmul.f32 v43, v40;
	[tilespmem:s20+$0x145C0] =	vst v7  }
0xdd: {  	v46 =	vld [tilespmem:s20+$0x14620];
	v12 =	vmul.f32 v44, v49;
	[tilespmem:s20+$0x145D0] =	vst v8  }
0xde: {  	v47 =	vld [tilespmem:s20+$0x14630];
	v13 =	vmul.f32 v45, v49;
	[tilespmem:s20+$0x145F0] =	vst v10  }
0xdf: {  	v48 =	vld [tilespmem:s20+$0x14640];
	v3 =	vmul.f32 v63, v2;
	[tilespmem:s20+$0x14600] =	vst v12  }
0xe0: {  	v51 =	vld [tilespmem:s20+$0x14660];
	v6 =	vmul.f32 v29, v23;
	[tilespmem:s20+$0x14610] =	vst v13  }
0xe1: {  	v52 =	vld [tilespmem:s20+$0x14670];
	v11 =	vmul.f32 v42, v40;
	[tilespmem:s20+$0x141C0] =	vst v3  }
0xe2: {  	v28 =	vld [tilespmem:s20+$0x14760];
	v9 =	vmul.f32 v46, v49;
	[tilespmem:s20+$0x14770] =	vst v6  }
0xe3: {  	v26 =	vld [tilespmem:s20+$0x14750];
	v7 =	vmul.f32 v47, v49;
	[tilespmem:s20+$0x145E0] =	vst v11  }
0xe4: {  	v30 =	vld [tilespmem:s20+$0x14780];
	v8 =	vmul.f32 v48, v49;
	[tilespmem:s20+$0x14620] =	vst v9  }
0xe5: {  	v50 =	vld [tilespmem:s20+$0x14650];
	v10 =	vmul.f32 v51, v49;
	[tilespmem:s20+$0x14630] =	vst v7  }
0xe6: {  	v54 =	vld [tilespmem:s20+$0x14690];
	v12 =	vmul.f32 v52, v49;
	[tilespmem:s20+$0x14640] =	vst v8  }
0xe7: {  	v55 =	vld [tilespmem:s20+$0x146A0];
	v35 =	vbroadcast v1, $0xC;
	v40 =	vmul.f32 v28, v23;
	[tilespmem:s20+$0x14660] =	vst v10  }
0xe8: {  	v56 =	vld [tilespmem:s20+$0x146B0];
	v32 =	vmul.f32 v26, v23;
	[tilespmem:s20+$0x14670] =	vst v12  }
0xe9: {  	v60 =	vld [tilespmem:s20+$0x146E0];
	v15 =	vmul.f32 v30, v35;
	[tilespmem:s20+$0x14760] =	vst v40  }
0xea: {  	v62 =	vld [tilespmem:s20+$0x14190];
	v11 =	vmul.f32 v50, v49;
	[tilespmem:s20+$0x14750] =	vst v32  }
0xeb: {  	v19 =	vld [tilespmem:s20+$0x141D0];
	v9 =	vmul.f32 v54, v5;
	[tilespmem:s20+$0x14780] =	vst v15  }
0xec: {  	v33 =	vld [tilespmem:s20+$0x147B0];
	v7 =	vmul.f32 v55, v5;
	[tilespmem:s20+$0x14650] =	vst v11  }
0xed: {  	v61 =	vld [tilespmem:s20+$0x14970];
	v8 =	vmul.f32 v56, v5;
	[tilespmem:s20+$0x14690] =	vst v9  }
0xee: {  	v38 =	vld [tilespmem:s20+$0x147F0];
	v5 =	vmul.f32 v60, v5;
	[tilespmem:s20+$0x146A0] =	vst v7  }
0xef: {  	v21 =	vld [tilespmem:s20+$0x14720];
	v12 =	vmul.f32 v62, v2;
	[tilespmem:s20+$0x146B0] =	vst v8  }
0xf0: {  	v22 =	vld [tilespmem:s20+$0x14730];
	v2 =	vmul.f32 v19, v2;
	[tilespmem:s20+$0x146E0] =	vst v5  }
0xf1: {  	v25 =	vld [tilespmem:s20+$0x14740];
	v62 =	vmul.f32 v33, v35;
	[tilespmem:s20+$0x14190] =	vst v12  }
0xf2: {  	v31 =	vld [tilespmem:s20+$0x14790];
	v63 =	vmul.f32 v61, v27;
	[tilespmem:s20+$0x141D0] =	vst v2  }
0xf3: {  	v34 =	vld [tilespmem:s20+$0x147C0];
	v15 =	vmul.f32 v38, v35;
	[tilespmem:s20+$0x147B0] =	vst v62  }
0xf4: {  	v41 =	vld [tilespmem:s20+$0x14820];
	v7 =	vmul.f32 v21, v23;
	[tilespmem:s20+$0x14970] =	vst v63  }
0xf5: {  	v46 =	vld [tilespmem:s20+$0x14860];
	v8 =	vmul.f32 v22, v23;
	[tilespmem:s20+$0x147F0] =	vst v15  }
0xf6: {  	v36 =	vld [tilespmem:s20+$0x147D0];
	v5 =	vmul.f32 v25, v23;
	[tilespmem:s20+$0x14720] =	vst v7  }
0xf7: {  	v44 =	vbroadcast v1, $0xD;
	v9 =	vmul.f32 v31, v35;
	v2 =	vld [tilespmem:s20+$0x14810];
	[tilespmem:s20+$0x14730] =	vst v8  }
0xf8: {  	v37 =	vld [tilespmem:s20+$0x147E0];
	v12 =	vmul.f32 v34, v35;
	[tilespmem:s20+$0x14740] =	vst v5  }
0xf9: {  	v39 =	vld [tilespmem:s20+$0x14800];
	v11 =	vmul.f32 v41, v44;
	[tilespmem:s20+$0x14790] =	vst v9  }
0xfa: {  	v42 =	vld [tilespmem:s20+$0x14830];
	v51 =	vmul.f32 v46, v44;
	[tilespmem:s20+$0x147C0] =	vst v12  }
0xfb: {  	v48 =	vld [tilespmem:s20+$0x14890];
	v8 =	vmul.f32 v36, v35;
	[tilespmem:s20+$0x14820] =	vst v11  }
0xfc: {  	v49 =	vld [tilespmem:s20+$0x148A0];
	[tilespmem:s20+$0x14860] =	vst v51;
	v2 =	vmul.f32 v2, v44  }
0xfd: {  	v50 =	vld [tilespmem:s20+$0x148B0];
	v5 =	vmul.f32 v37, v35;
	[tilespmem:s20+$0x147D0] =	vst v8  }
0xfe: {  	v1 =	vbroadcast v1, $0xE;
	v9 =	vmul.f32 v39, v44;
	[tilespmem:s20+$0x14810] =	vst v2;
	v2 =	vld [tilespmem:s20+$0x14880]  }
0xff: {  	v60 =	vld [tilespmem:s20+$0x14960];
	v12 =	vmul.f32 v42, v44;
	[tilespmem:s20+$0x147E0] =	vst v5  }
0x100: {  	v45 =	vld [tilespmem:s20+$0x14850];
	v11 =	vmul.f32 v48, v1;
	[tilespmem:s20+$0x14800] =	vst v9  }
0x101: {  	v47 =	vld [tilespmem:s20+$0x14870];
	v10 =	vmul.f32 v49, v1;
	[tilespmem:s20+$0x14830] =	vst v12  }
0x102: {  	v43 =	vld [tilespmem:s20+$0x14840];
	v6 =	vmul.f32 v50, v1;
	[tilespmem:s20+$0x14890] =	vst v11  }
0x103: {  	v55 =	vld [tilespmem:s20+$0x14900];
	[tilespmem:s20+$0x148A0] =	vst v10;
	v2 =	vmul.f32 v2, v1  }
0x104: {  	v57 =	vld [tilespmem:s20+$0x14920];
	v4 =	vmul.f32 v60, v27;
	[tilespmem:s20+$0x148B0] =	vst v6  }
0x105: {  	v5 =	vmul.f32 v45, v44;
	[tilespmem:s20+$0x14880] =	vst v2;
	v2 =	vld [tilespmem:s20+$0x148F0]  }
0x106: {  	v52 =	vld [tilespmem:s20+$0x148C0];
	v9 =	vmul.f32 v47, v44;
	[tilespmem:s20+$0x14960] =	vst v4  }
0x107: {  	v56 =	vld [tilespmem:s20+$0x14910];
	v8 =	vmul.f32 v43, v44;
	[tilespmem:s20+$0x14850] =	vst v5  }
0x108: {  	v54 =	vld [tilespmem:s20+$0x148E0];
	v11 =	vmul.f32 v55, v27;
	[tilespmem:s20+$0x14870] =	vst v9  }
0x109: {  	v58 =	vld [tilespmem:s20+$0x14930];
	v6 =	vmul.f32 v57, v27;
	[tilespmem:s20+$0x14840] =	vst v8  }
0x10a: {  	v53 =	vld [tilespmem:s20+$0x148D0];
	[tilespmem:s20+$0x14900] =	vst v11;
	v2 =	vmul.f32 v2, v1  }
0x10b: {  	v59 =	vld [tilespmem:s20+$0x14940];
	v5 =	vmul.f32 v52, v1;
	[tilespmem:s20+$0x14920] =	vst v6  }
0x10c: {  	[tilespmem:s20+$0x148F0] =	vst v2;
	v2 =	vmul.f32 v56, v27  }
0x10d: {  	v3 =	vld [tilespmem:s20+$0x147A0];
	v9 =	vmul.f32 v54, v1;
	[tilespmem:s20+$0x148C0] =	vst v5  }
0x10e: {  	[tilespmem:s20+$0x14910] =	vst v2;
	v2 =	vmul.f32 v58, v27  }
0x10f: {  	[tilespmem:s20+$0x148E0] =	vst v9;
	v1 =	vmul.f32 v53, v1  }
0x110: {  	[tilespmem:s20+$0x14930] =	vst v2;
	v2 =	vmul.f32 v59, v27  }
0x111: {  	[tilespmem:s20+$0x148D0] =	vst v1  }
0x112: {  	s21 =	simm.s32 $0x1;
	[tilespmem:s20+$0x14940] =	vst v2;
	v2 =	vmul.f32 v3, v35  }
.LBB2_5:
0x113: {  	s22 =	sshll.u32 s21, $0x4  }
0x114: {  	p0 =	sne.s32 s21, $0x7;
	[tilespmem:s20+$0x147A0] =	vst v2;
	s20 =	smov.u32 s21;
	s21 =	sadd.s32 $0x1, s21  }
0x115: {  	s22 =	sand.u32 $0x3FFFFFF0, s22  }
0x116: {  	s20 =	sshll.u32 s20, $0xB;
	v1 =	vld [tilespmem:s22+$0x14100]  }
0x117: {  	s20 =	sand.u32 $0x3FFFF800, s20  }
0x118: {  	v8 =	vld [tilespmem:s20+$0x14240]  }
0x119: {  	v9 =	vld [tilespmem:s20+$0x14250]  }
0x11a: {  	v10 =	vld [tilespmem:s20+$0x14230]  }
0x11b: {  	v2 =	vbroadcast v1, $0x0;
	v3 =	vld [tilespmem:s20+$0x141A0];
	v7 =	vbroadcast v1, $0x4  }
0x11c: {  	v5 =	vld [tilespmem:s20+$0x141B0]  }
0x11d: {  	v6 =	vld [tilespmem:s20+$0x146F0]  }
0x11e: {  	v11 =	vld [tilespmem:s20+$0x141E0]  }
0x11f: {  	v12 =	vld [tilespmem:s20+$0x141F0]  }
0x120: {  	v4 =	vbroadcast v1, $0xA;
	v3 =	vmul.f32 v3, v2;
	v13 =	vld [tilespmem:s20+$0x14200]  }
0x121: {  	v5 =	vmul.f32 v5, v2;
	v14 =	vld [tilespmem:s20+$0x14210]  }
0x122: {  	[tilespmem:s20+$0x141A0] =	vst v3;
	v15 =	vld [tilespmem:s20+$0x14220];
	v3 =	vmul.f32 v6, v4  }
0x123: {  	[tilespmem:s20+$0x141B0] =	vst v5;
	v6 =	vmul.f32 v11, v2;
	v11 =	vbroadcast v1, $0x1;
	v5 =	vld [tilespmem:s20+$0x14700]  }
0x124: {  	v12 =	vmul.f32 v12, v2;
	[tilespmem:s20+$0x146F0] =	vst v3;
	v3 =	vld [tilespmem:s20+$0x14950]  }
0x125: {  	[tilespmem:s20+$0x141E0] =	vst v6;
	v13 =	vmul.f32 v13, v11;
	v6 =	vld [tilespmem:s20+$0x14710]  }
0x126: {  	[tilespmem:s20+$0x141F0] =	vst v12;
	v12 =	vmul.f32 v14, v11;
	v14 =	vld [tilespmem:s20+$0x14260]  }
0x127: {  	[tilespmem:s20+$0x14200] =	vst v13;
	v13 =	vmul.f32 v15, v11;
	v15 =	vld [tilespmem:s20+$0x14270]  }
0x128: {  	v10 =	vmul.f32 v10, v11;
	[tilespmem:s20+$0x14210] =	vst v12;
	v12 =	vld [tilespmem:s20+$0x14280]  }
0x129: {  	v8 =	vmul.f32 v8, v11;
	[tilespmem:s20+$0x14220] =	vst v13;
	v13 =	vld [tilespmem:s20+$0x14290]  }
0x12a: {  	v9 =	vmul.f32 v9, v11;
	[tilespmem:s20+$0x14230] =	vst v10;
	v10 =	vld [tilespmem:s20+$0x142A0]  }
0x12b: {  	[tilespmem:s20+$0x14240] =	vst v8;
	v8 =	vmul.f32 v14, v11;
	v14 =	vbroadcast v1, $0x2;
	v16 =	vld [tilespmem:s20+$0x142B0]  }
0x12c: {  	[tilespmem:s20+$0x14250] =	vst v9;
	v9 =	vmul.f32 v15, v11;
	v11 =	vld [tilespmem:s20+$0x142C0]  }
0x12d: {  	[tilespmem:s20+$0x14260] =	vst v8;
	v8 =	vmul.f32 v12, v14;
	v12 =	vld [tilespmem:s20+$0x142D0]  }
0x12e: {  	[tilespmem:s20+$0x14270] =	vst v9;
	v9 =	vmul.f32 v13, v14;
	v13 =	vld [tilespmem:s20+$0x142E0]  }
0x12f: {  	[tilespmem:s20+$0x14280] =	vst v8;
	v8 =	vmul.f32 v10, v14;
	v10 =	vld [tilespmem:s20+$0x142F0]  }
0x130: {  	[tilespmem:s20+$0x14290] =	vst v9;
	v9 =	vmul.f32 v16, v14;
	v15 =	vld [tilespmem:s20+$0x14300]  }
0x131: {  	[tilespmem:s20+$0x142A0] =	vst v8;
	v8 =	vmul.f32 v11, v14;
	v11 =	vld [tilespmem:s20+$0x14310]  }
0x132: {  	[tilespmem:s20+$0x142B0] =	vst v9;
	v9 =	vmul.f32 v12, v14;
	v12 =	vld [tilespmem:s20+$0x14320]  }
0x133: {  	[tilespmem:s20+$0x142C0] =	vst v8;
	v8 =	vmul.f32 v13, v14;
	v13 =	vbroadcast v1, $0x3;
	v16 =	vld [tilespmem:s20+$0x14330]  }
0x134: {  	[tilespmem:s20+$0x142D0] =	vst v9;
	v9 =	vmul.f32 v10, v14;
	v10 =	vld [tilespmem:s20+$0x14340]  }
0x135: {  	[tilespmem:s20+$0x142E0] =	vst v8;
	v8 =	vmul.f32 v15, v13;
	v14 =	vld [tilespmem:s20+$0x14350]  }
0x136: {  	[tilespmem:s20+$0x142F0] =	vst v9;
	v9 =	vmul.f32 v11, v13;
	v11 =	vld [tilespmem:s20+$0x14360]  }
0x137: {  	[tilespmem:s20+$0x14300] =	vst v8;
	v8 =	vmul.f32 v12, v13;
	v12 =	vld [tilespmem:s20+$0x14370]  }
0x138: {  	[tilespmem:s20+$0x14310] =	vst v9;
	v9 =	vmul.f32 v16, v13;
	v15 =	vld [tilespmem:s20+$0x14380]  }
0x139: {  	[tilespmem:s20+$0x14320] =	vst v8;
	v8 =	vmul.f32 v10, v13;
	v10 =	vld [tilespmem:s20+$0x14390]  }
0x13a: {  	[tilespmem:s20+$0x14330] =	vst v9;
	v9 =	vmul.f32 v14, v13;
	v14 =	vld [tilespmem:s20+$0x143A0]  }
0x13b: {  	[tilespmem:s20+$0x14340] =	vst v8;
	v8 =	vmul.f32 v11, v13;
	v11 =	vld [tilespmem:s20+$0x143B0]  }
0x13c: {  	[tilespmem:s20+$0x14350] =	vst v9;
	v9 =	vmul.f32 v12, v13;
	v12 =	vld [tilespmem:s20+$0x143C0]  }
0x13d: {  	[tilespmem:s20+$0x14360] =	vst v8;
	v8 =	vmul.f32 v15, v7;
	v13 =	vld [tilespmem:s20+$0x143D0]  }
0x13e: {  	[tilespmem:s20+$0x14370] =	vst v9;
	v9 =	vmul.f32 v10, v7;
	v10 =	vld [tilespmem:s20+$0x143E0]  }
0x13f: {  	[tilespmem:s20+$0x14380] =	vst v8;
	v8 =	vmul.f32 v14, v7;
	v14 =	vld [tilespmem:s20+$0x143F0]  }
0x140: {  	[tilespmem:s20+$0x14390] =	vst v9;
	v9 =	vmul.f32 v11, v7;
	v11 =	vld [tilespmem:s20+$0x14400]  }
0x141: {  	[tilespmem:s20+$0x143A0] =	vst v8;
	v8 =	vmul.f32 v12, v7;
	v12 =	vld [tilespmem:s20+$0x14410]  }
0x142: {  	[tilespmem:s20+$0x143B0] =	vst v9;
	v9 =	vmul.f32 v13, v7;
	v13 =	vld [tilespmem:s20+$0x14420]  }
0x143: {  	[tilespmem:s20+$0x143C0] =	vst v8;
	v8 =	vmul.f32 v10, v7;
	v10 =	vbroadcast v1, $0x5;
	v15 =	vld [tilespmem:s20+$0x14430]  }
0x144: {  	[tilespmem:s20+$0x143D0] =	vst v9;
	v7 =	vmul.f32 v14, v7;
	v9 =	vld [tilespmem:s20+$0x14440]  }
0x145: {  	[tilespmem:s20+$0x143E0] =	vst v8;
	v8 =	vmul.f32 v11, v10;
	v11 =	vld [tilespmem:s20+$0x14450]  }
0x146: {  	[tilespmem:s20+$0x143F0] =	vst v7;
	v7 =	vmul.f32 v12, v10;
	v12 =	vld [tilespmem:s20+$0x14460]  }
0x147: {  	[tilespmem:s20+$0x14400] =	vst v8;
	v8 =	vmul.f32 v13, v10;
	v13 =	vld [tilespmem:s20+$0x14470]  }
0x148: {  	[tilespmem:s20+$0x14410] =	vst v7;
	v7 =	vmul.f32 v15, v10;
	v14 =	vld [tilespmem:s20+$0x14480]  }
0x149: {  	[tilespmem:s20+$0x14420] =	vst v8;
	v8 =	vmul.f32 v9, v10;
	v9 =	vld [tilespmem:s20+$0x14490]  }
0x14a: {  	[tilespmem:s20+$0x14430] =	vst v7;
	v7 =	vmul.f32 v11, v10;
	v11 =	vld [tilespmem:s20+$0x144A0]  }
0x14b: {  	[tilespmem:s20+$0x14440] =	vst v8;
	v8 =	vmul.f32 v12, v10;
	v12 =	vbroadcast v1, $0x6;
	v15 =	vld [tilespmem:s20+$0x144B0]  }
0x14c: {  	[tilespmem:s20+$0x14450] =	vst v7;
	v7 =	vmul.f32 v13, v10;
	v10 =	vld [tilespmem:s20+$0x144C0]  }
0x14d: {  	[tilespmem:s20+$0x14460] =	vst v8;
	v8 =	vmul.f32 v14, v12;
	v13 =	vld [tilespmem:s20+$0x144D0]  }
0x14e: {  	[tilespmem:s20+$0x14470] =	vst v7;
	v7 =	vmul.f32 v9, v12;
	v9 =	vld [tilespmem:s20+$0x144E0]  }
0x14f: {  	[tilespmem:s20+$0x14480] =	vst v8;
	v8 =	vmul.f32 v11, v12;
	v11 =	vld [tilespmem:s20+$0x144F0]  }
0x150: {  	[tilespmem:s20+$0x14490] =	vst v7;
	v7 =	vmul.f32 v15, v12;
	v14 =	vld [tilespmem:s20+$0x14500]  }
0x151: {  	[tilespmem:s20+$0x144A0] =	vst v8;
	v8 =	vmul.f32 v10, v12;
	v10 =	vld [tilespmem:s20+$0x14510]  }
0x152: {  	[tilespmem:s20+$0x144B0] =	vst v7;
	v7 =	vmul.f32 v13, v12;
	v13 =	vld [tilespmem:s20+$0x14520]  }
0x153: {  	[tilespmem:s20+$0x144C0] =	vst v8;
	v8 =	vmul.f32 v9, v12;
	v9 =	vbroadcast v1, $0x7;
	v15 =	vld [tilespmem:s20+$0x14530]  }
0x154: {  	[tilespmem:s20+$0x144D0] =	vst v7;
	v7 =	vmul.f32 v11, v12;
	v11 =	vld [tilespmem:s20+$0x14540]  }
0x155: {  	[tilespmem:s20+$0x144E0] =	vst v8;
	v8 =	vmul.f32 v14, v9;
	v12 =	vld [tilespmem:s20+$0x14550]  }
0x156: {  	[tilespmem:s20+$0x144F0] =	vst v7;
	v7 =	vmul.f32 v10, v9;
	v10 =	vld [tilespmem:s20+$0x14560]  }
0x157: {  	[tilespmem:s20+$0x14500] =	vst v8;
	v8 =	vmul.f32 v13, v9;
	v13 =	vld [tilespmem:s20+$0x14570]  }
0x158: {  	[tilespmem:s20+$0x14510] =	vst v7;
	v7 =	vmul.f32 v15, v9;
	v14 =	vld [tilespmem:s20+$0x14580]  }
0x159: {  	[tilespmem:s20+$0x14520] =	vst v8;
	v8 =	vmul.f32 v11, v9;
	v11 =	vld [tilespmem:s20+$0x14590]  }
0x15a: {  	[tilespmem:s20+$0x14530] =	vst v7;
	v7 =	vmul.f32 v12, v9;
	v12 =	vld [tilespmem:s20+$0x145A0]  }
0x15b: {  	[tilespmem:s20+$0x14540] =	vst v8;
	v8 =	vmul.f32 v10, v9;
	v10 =	vbroadcast v1, $0x8;
	v15 =	vld [tilespmem:s20+$0x145B0]  }
0x15c: {  	[tilespmem:s20+$0x14550] =	vst v7;
	v7 =	vmul.f32 v13, v9;
	v9 =	vld [tilespmem:s20+$0x145C0]  }
0x15d: {  	[tilespmem:s20+$0x14560] =	vst v8;
	v8 =	vmul.f32 v14, v10;
	v13 =	vld [tilespmem:s20+$0x145D0]  }
0x15e: {  	[tilespmem:s20+$0x14570] =	vst v7;
	v7 =	vmul.f32 v11, v10;
	v11 =	vld [tilespmem:s20+$0x145E0]  }
0x15f: {  	[tilespmem:s20+$0x14580] =	vst v8;
	v8 =	vmul.f32 v12, v10;
	v12 =	vld [tilespmem:s20+$0x145F0]  }
0x160: {  	[tilespmem:s20+$0x14590] =	vst v7;
	v7 =	vmul.f32 v15, v10;
	v14 =	vld [tilespmem:s20+$0x14600]  }
0x161: {  	[tilespmem:s20+$0x145A0] =	vst v8;
	v8 =	vmul.f32 v9, v10;
	v9 =	vld [tilespmem:s20+$0x14610]  }
0x162: {  	[tilespmem:s20+$0x145B0] =	vst v7;
	v7 =	vmul.f32 v13, v10;
	v13 =	vld [tilespmem:s20+$0x14620]  }
0x163: {  	[tilespmem:s20+$0x145C0] =	vst v8;
	v8 =	vmul.f32 v11, v10;
	v11 =	vbroadcast v1, $0x9;
	v15 =	vld [tilespmem:s20+$0x14630]  }
0x164: {  	[tilespmem:s20+$0x145D0] =	vst v7;
	v7 =	vmul.f32 v12, v10;
	v10 =	vld [tilespmem:s20+$0x14640]  }
0x165: {  	[tilespmem:s20+$0x145E0] =	vst v8;
	v8 =	vmul.f32 v14, v11;
	v12 =	vld [tilespmem:s20+$0x14650]  }
0x166: {  	[tilespmem:s20+$0x145F0] =	vst v7;
	v7 =	vmul.f32 v9, v11;
	v9 =	vld [tilespmem:s20+$0x14660]  }
0x167: {  	[tilespmem:s20+$0x14600] =	vst v8;
	v8 =	vmul.f32 v13, v11;
	v13 =	vld [tilespmem:s20+$0x14670]  }
0x168: {  	[tilespmem:s20+$0x14610] =	vst v7;
	v7 =	vmul.f32 v15, v11;
	v14 =	vld [tilespmem:s20+$0x14680]  }
0x169: {  	[tilespmem:s20+$0x14620] =	vst v8;
	v8 =	vmul.f32 v10, v11;
	v10 =	vld [tilespmem:s20+$0x14690]  }
0x16a: {  	[tilespmem:s20+$0x14630] =	vst v7;
	v7 =	vmul.f32 v12, v11;
	v12 =	vld [tilespmem:s20+$0x146A0]  }
0x16b: {  	[tilespmem:s20+$0x14640] =	vst v8;
	v8 =	vmul.f32 v9, v11;
	v9 =	vld [tilespmem:s20+$0x146B0]  }
0x16c: {  	[tilespmem:s20+$0x14650] =	vst v7;
	v7 =	vmul.f32 v13, v11;
	v11 =	vld [tilespmem:s20+$0x146C0]  }
0x16d: {  	[tilespmem:s20+$0x14660] =	vst v8;
	v8 =	vmul.f32 v14, v4;
	v13 =	vld [tilespmem:s20+$0x146D0]  }
0x16e: {  	[tilespmem:s20+$0x14670] =	vst v7;
	v7 =	vmul.f32 v10, v4;
	v10 =	vld [tilespmem:s20+$0x146E0]  }
0x16f: {  	v14 =	vld [tilespmem:s20+$0x14180];
	[tilespmem:s20+$0x14680] =	vst v8;
	v8 =	vmul.f32 v12, v4  }
0x170: {  	v12 =	vld [tilespmem:s20+$0x14190];
	[tilespmem:s20+$0x14690] =	vst v7;
	v7 =	vmul.f32 v9, v4  }
0x171: {  	v9 =	vld [tilespmem:s20+$0x141C0];
	[tilespmem:s20+$0x146A0] =	vst v8;
	v8 =	vmul.f32 v11, v4  }
0x172: {  	v11 =	vld [tilespmem:s20+$0x141D0];
	[tilespmem:s20+$0x146B0] =	vst v7;
	v7 =	vmul.f32 v13, v4  }
0x173: {  	[tilespmem:s20+$0x146C0] =	vst v8;
	v8 =	vmul.f32 v10, v4;
	v10 =	vbroadcast v1, $0xB;
	v13 =	vld [tilespmem:s20+$0x14720]  }
0x174: {  	v4 =	vbroadcast v1, $0xF;
	v14 =	vmul.f32 v2, v14;
	[tilespmem:s20+$0x146D0] =	vst v7;
	v7 =	vld [tilespmem:s20+$0x14730]  }
0x175: {  	v12 =	vmul.f32 v12, v2;
	[tilespmem:s20+$0x146E0] =	vst v8;
	v5 =	vmul.f32 v5, v10;
	v8 =	vld [tilespmem:s20+$0x14740]  }
0x176: {  	v6 =	vmul.f32 v6, v10;
	[tilespmem:s20+$0x14180] =	vst v14;
	v9 =	vmul.f32 v9, v2;
	v14 =	vld [tilespmem:s20+$0x14750]  }
0x177: {  	v3 =	vmul.f32 v3, v4;
	v11 =	vmul.f32 v11, v2;
	[tilespmem:s20+$0x14700] =	vst v5;
	v2 =	vld [tilespmem:s20+$0x14760]  }
0x178: {  	[tilespmem:s20+$0x14710] =	vst v6;
	v5 =	vmul.f32 v13, v10;
	v6 =	vld [tilespmem:s20+$0x14770]  }
0x179: {  	v7 =	vmul.f32 v7, v10;
	v13 =	vld [tilespmem:s20+$0x14780];
	[tilespmem:s20+$0x14950] =	vst v3  }
0x17a: {  	[tilespmem:s20+$0x14190] =	vst v12;
	v3 =	vmul.f32 v8, v10;
	v8 =	vld [tilespmem:s20+$0x14790]  }
0x17b: {  	[tilespmem:s20+$0x141C0] =	vst v9;
	v9 =	vmul.f32 v14, v10;
	v12 =	vld [tilespmem:s20+$0x147A0]  }
0x17c: {  	v14 =	vbroadcast v1, $0xC;
	[tilespmem:s20+$0x14720] =	vst v5;
	v5 =	vmul.f32 v2, v10;
	v15 =	vld [tilespmem:s20+$0x147B0]  }
0x17d: {  	[tilespmem:s20+$0x14750] =	vst v9;
	v6 =	vmul.f32 v6, v10;
	v9 =	vld [tilespmem:s20+$0x147C0]  }
0x17e: {  	[tilespmem:s20+$0x14730] =	vst v7;
	v2 =	vmul.f32 v13, v14;
	v7 =	vld [tilespmem:s20+$0x147D0]  }
0x17f: {  	[tilespmem:s20+$0x14740] =	vst v3;
	v3 =	vmul.f32 v8, v14;
	v8 =	vld [tilespmem:s20+$0x147E0]  }
0x180: {  	[tilespmem:s20+$0x14780] =	vst v2;
	v2 =	vmul.f32 v12, v14;
	v10 =	vld [tilespmem:s20+$0x147F0]  }
0x181: {  	[tilespmem:s20+$0x14790] =	vst v3;
	v3 =	vld [tilespmem:s20+$0x14800]  }
0x182: {  	[tilespmem:s20+$0x141D0] =	vst v11;
	v9 =	vmul.f32 v9, v14;
	v11 =	vld [tilespmem:s20+$0x14810]  }
0x183: {  	[tilespmem:s20+$0x14760] =	vst v5;
	v5 =	vmul.f32 v7, v14;
	v7 =	vld [tilespmem:s20+$0x14820]  }
0x184: {  	[tilespmem:s20+$0x147C0] =	vst v9;
	v8 =	vmul.f32 v8, v14;
	v9 =	vbroadcast v1, $0xD;
	v12 =	vld [tilespmem:s20+$0x14830]  }
0x185: {  	[tilespmem:s20+$0x147D0] =	vst v5;
	v5 =	vmul.f32 v10, v14;
	v10 =	vld [tilespmem:s20+$0x14840]  }
0x186: {  	[tilespmem:s20+$0x147E0] =	vst v8;
	v3 =	vmul.f32 v3, v9;
	v8 =	vld [tilespmem:s20+$0x14850]  }
0x187: {  	[tilespmem:s20+$0x147F0] =	vst v5;
	v5 =	vmul.f32 v11, v9;
	v11 =	vld [tilespmem:s20+$0x14860]  }
0x188: {  	[tilespmem:s20+$0x14800] =	vst v3;
	v3 =	vmul.f32 v7, v9;
	v7 =	vld [tilespmem:s20+$0x14870]  }
0x189: {  	[tilespmem:s20+$0x14810] =	vst v5;
	v5 =	vmul.f32 v12, v9;
	v12 =	vld [tilespmem:s20+$0x14880]  }
0x18a: {  	[tilespmem:s20+$0x14820] =	vst v3;
	v3 =	vmul.f32 v10, v9;
	v10 =	vld [tilespmem:s20+$0x14890]  }
0x18b: {  	[tilespmem:s20+$0x14830] =	vst v5;
	v5 =	vmul.f32 v8, v9;
	v8 =	vld [tilespmem:s20+$0x148A0]  }
0x18c: {  	v1 =	vbroadcast v1, $0xE;
	[tilespmem:s20+$0x14770] =	vst v6;
	v6 =	vmul.f32 v11, v9;
	v11 =	vld [tilespmem:s20+$0x148B0]  }
0x18d: {  	[tilespmem:s20+$0x14850] =	vst v5;
	v5 =	vmul.f32 v7, v9;
	v7 =	vld [tilespmem:s20+$0x148C0]  }
0x18e: {  	[tilespmem:s20+$0x14860] =	vst v6;
	v6 =	vmul.f32 v12, v1;
	v9 =	vld [tilespmem:s20+$0x148D0]  }
0x18f: {  	[tilespmem:s20+$0x14870] =	vst v5;
	v5 =	vmul.f32 v10, v1;
	v10 =	vld [tilespmem:s20+$0x148E0]  }
0x190: {  	[tilespmem:s20+$0x14880] =	vst v6;
	v6 =	vmul.f32 v8, v1;
	v8 =	vld [tilespmem:s20+$0x148F0]  }
0x191: {  	[tilespmem:s20+$0x14890] =	vst v5;
	v5 =	vmul.f32 v11, v1;
	v11 =	vld [tilespmem:s20+$0x14900]  }
0x192: {  	[tilespmem:s20+$0x148A0] =	vst v6;
	v6 =	vmul.f32 v7, v1;
	v7 =	vld [tilespmem:s20+$0x14910]  }
0x193: {  	[tilespmem:s20+$0x148B0] =	vst v5;
	v5 =	vmul.f32 v9, v1;
	v9 =	vld [tilespmem:s20+$0x14920]  }
0x194: {  	[tilespmem:s20+$0x148C0] =	vst v6;
	v6 =	vmul.f32 v10, v1;
	v10 =	vld [tilespmem:s20+$0x14930]  }
0x195: {  	[tilespmem:s20+$0x14840] =	vst v3;
	v1 =	vmul.f32 v8, v1;
	v3 =	vld [tilespmem:s20+$0x14940]  }
0x196: {  	[tilespmem:s20+$0x148E0] =	vst v6;
	v6 =	vmul.f32 v11, v4;
	v8 =	vld [tilespmem:s20+$0x14960]  }
0x197: {  	[tilespmem:s20+$0x148F0] =	vst v1;
	v1 =	vmul.f32 v7, v4;
	v7 =	vld [tilespmem:s20+$0x14970]  }
0x198: {  	[tilespmem:s20+$0x14900] =	vst v6;
	v6 =	vmul.f32 v9, v4  }
0x199: {  	[tilespmem:s20+$0x14910] =	vst v1;
	v1 =	vmul.f32 v10, v4  }
0x19a: {  	v9 =	vmul.f32 v15, v14;
	[tilespmem:s20+$0x14920] =	vst v6  }
0x19b: {  	[tilespmem:s20+$0x14930] =	vst v1;
	v1 =	vmul.f32 v3, v4  }
.Ltmp1:
0x19c: {  	[tilespmem:s20+$0x147B0] =	vst v9;
	v3 =	vmul.f32 v7, v4;
	(pc) =	sbr.rel @p0 .LBB2_5-.Ltmp1, $4  }
0x19d: {  	[tilespmem:s20+$0x14940] =	vst v1  }
0x19e: {  	v1 =	vmul.f32 v8, v4;
	[tilespmem:s20+$0x14970] =	vst v3  }
0x19f: {  	[tilespmem:s20+$0x148D0] =	vst v5  }
0x1a0: {  	[tilespmem:s20+$0x14960] =	vst v1  }
0x1a1: {  	s19 =	sadd.s32 $0x1, s19  }
0x1a2: {  	p0 =	sne.s32 s19, $0xA0  }
.Ltmp2:
0x1a3: {  	[tilespmem:s20+$0x147A0] =	vst v2;
	(pc) =	sbr.rel @p0 .LBB2_4-.Ltmp2, $4  }
0x1a4: {  	[spmem:s2] =	stream.indirect.scatter.add.f32 [tilespmem:s15], [sflag:$0x2], $0x80, s12, s14, $0xb8;
	[tilespmem:$0x19180] =	vst v63  }
0x1a5: {  	_ =	swait.ge [sflag:s3], $0x4000  }
0x1a6: {  	[sflag:s3] =	ssyncset.done $0x0  }
0x1a7: {  	[sflag:s3] =	ssyncadd.s32 $0xFFFFC000  }
0x1a8: {  	s18 =	stileid.u32  }
0x1a9: {  	[bflag:$0x0] =	sbarrier.arrive $0xFFFF;
	s18 =	sshll.u32 s18, $0x6  }
0x1aa: {  	s19 =	sshrl.u32 s9, $0x3;
	s20 =	rddreg [dreg:$0x4];
	s18 =	sor.u32 $0x1C02, s18  }
0x1ab: {  	[hbm:s20], [sflag:s18] =	dma.local [spmem:s19], $0x2800  }
0x1ac: {  	_ =	swait.ge [sflag:s3], $0x2800  }
0x1ad: {  	s17 =	sadd.s32 $0x1, s17;
	s22 =	rddreg [dreg:$0x5]  }
0x1ae: {  	p0 =	sne.s32 s17, s22  }
.Ltmp3:
0x1af: {  	_ = 	snop;
	(pc) =	sbr.rel @p0 .LBB2_1-.Ltmp3, $3  }
0x1b0: {  	_ =	sdelay $0x1  }
0x1b1: {  	[sflag:s3] =	ssyncset.done $0x0  }
0x1b2: {  	[sflag:s3] =	ssyncadd.s32 $0xFFFFD800  }
0x1b3: {  	_ =	sfence.sel $0x180000  }
0x1b4: {  	[bflag:$0x0] =	sbarrier.arrive $0xFFFF  }
0x1b5: {  	_ =	strace $0x9000004A  }
0x1b6: {  	s0 =	stileid.u32;
	[bflag:$0x2] =	sbarrier.arrive $0xFFFF  }
0x1b7: {  	p0 =	sne.s32 s0, $0x0;
	s0 =	rddreg [dreg:$0x3]  }
0x1b8: {  	s0 =	sadd.s32 @!p0 $0x100000, s0  }
0x1b9: {  	[sflag:s0] =	ssyncadd.tile.s32 @!p0 $0x1;
	_ =	shalt  }
.Lfunc_end2:
_tile_overlayer_lowered:
.L_overlay_start_2:
0x1ba: {  	(tag) =	ssettag $0x2  }
0x1bb: {  	s0 =	rddreg [dreg:$0x0];
	s2 =	stileid.u32  }
0x1bc: {  	s1 =	rddreg [dreg:$0x1];
	p0 =	sne.s32 s2, $0x0  }
0x1bd: {  	s3 =	rddreg [dreg:$0x2];
	[bflag:$0x3] =	sbarrier.arrive $0xFFFF;
	s2 =	simm.s32 @!p0 $0x1C02  }
0x1be: {  	[timem:s3], [sflag:s2] =	dma.local @!p0 [hbm:s0], s1  }
0x1bf: {  	s0 =	simm.s32 @!p0 $0x2  }
0x1c0: {  	_ =	swait.ge @!p0 [sflag:s0], s1  }
0x1c1: {  	s1 =	ssub.s32 @!p0 $0x0, s1;
	[sflag:s0] =	ssyncset.done @!p0 $0x0  }
0x1c2: {  	[sflag:s0] =	ssyncadd.s32 @!p0 s1  }
0x1c3: {  	[bflag:$0x3] =	sbarrier.arrive $0xFFFF  }
0x1c4: {  	_ =	shalt  }

// kernel: kernel.14.cloned.1.call-start
scs
__scs_entry_jumppad:
0x0: {  	(pc) =	sbr.rel $0x88, $3  }
0x1: {  	(tag) =	ssettag $0x0;
	lr =	simm.s32 $0x1  }
0x2: {  	[smem:$0x3F9A] =	sst lr;
	_ =	strace $0xD0000000  }
0x3: {  	_ = 	snop  }
0x4: {  	_ = 	snop  }
0x5: {  	_ = 	snop  }
0x6: {  	_ = 	snop  }
0x7: {  	_ = 	snop  }
__scs_overlays_trampoline_lowered:
0x8: {  	[smem:$0x3FA9] =	sst s0  }
0x9: {  	[smem:$0x3FAA] =	sst s1  }
0xa: {  	[smem:$0x3FAB] =	sst s2  }
0xb: {  	[smem:$0x3FAC] =	sst s3  }
0xc: {  	[smem:$0x3FAD] =	sst s4  }
0xd: {  	[smem:$0x3FAE] =	sst s5  }
0xe: {  	[smem:$0x3FAF] =	sst s6  }
0xf: {  	[smem:$0x3FB0] =	sst s7  }
0x10: {  	[smem:$0x3FB1] =	sst s8  }
0x11: {  	[smem:$0x3FB2] =	sst s9;
	s0 =	simm.s32 @!p0 $0x0  }
0x12: {  	s1 =	sld [smem:$0x3F98];
	s0 =	simm.s32 @p0 $0x1  }
0x13: {  	[smem:$0x3FB3] =	sst s0;
	s0 =	simm.s32 @!p1 $0x0  }
0x14: {  	s2 =	sld [smem:$0x3F97];
	s0 =	simm.s32 @p1 $0x1  }
0x15: {  	[smem:$0x3FB4] =	sst s0;
	s0 =	simm.s32 @!p2 $0x0  }
0x16: {  	s3 =	sld [smem:$0x3FDB];
	s0 =	simm.s32 @p2 $0x1  }
0x17: {  	s4 =	simm.s32 $0x1BF5;
	[smem:$0x3FB6] =	sst s0  }
0x18: {  	s0 =	sld [smem:$0x3F99];
	_ =	swait.ge [sflag:s4], $0x0  }
0x19: {  	s7 =	sld [smem:$0x3F9A]  }
0x1a: {  	s8 =	sadd.s32 $0xFFFFE003, lr  }
0x1b: {  	s9 =	sadd.s32 $0xFFFFFEF7, lr;
	s5 =	simm.s32 $0xFFFFFFFF;
	p2 =	slt.u32 s8, $0xFFFFF086  }
0x1c: {  	p1 =	slt.u32 s9, $0xF7A;
	s5 =	simm.s32 @!p2 $0x0  }
0x1d: {  	s5 =	simm.s32 @p1 $0x1;
	p0 =	seq.s32 s7, s2  }
0x1e: {  	s7 =	smul.u32 @!p0 $0xF7A, s2;
	p2 =	seq.s32 @!p0 s5, $0x0  }
0x1f: {  	s9 =	smul.u32 $0xF7A, s1;
	s8 =	simm.s32 @!p0 $0x1BF5;
	p2 =	por !p2, p0  }
0x20: {  	[sflag:s8] =	ssyncset.s32 @!p0 $0xFFFFF086;
	s6 =	sadd.s32 @!p0 s3, s7;
	s7 =	simm.s32 @!p0 $0x108  }
0x21: {  	s3 =	sadd.s32 s3, s9;
	s6 =	sadd.s32 @!p0 $0x88, s6;
	s7 =	simm.s32 @p2 $0x1082  }
0x22: {  	[simem:s7], [sflag:s8] =	dma.local @!p0 [hbm:s6], $0xF7A  }
0x23: {  	s9 =	sor.u32 $0xD0000000, s2;
	s6 =	simm.s32 $0x108;
	_ =	swait.ge @!p0 [sflag:s8], $0x0  }
0x24: {  	s3 =	sadd.s32 $0x88, s3;
	s6 =	simm.s32 @!p1 $0x1082;
	[sflag:s4] =	ssyncset.s32 $0xFFFFF086  }
0x25: {  	[simem:s6], [sflag:s4] =	dma.local [hbm:s3], $0xF7A  }
0x26: {  	[smem:$0x3F9A] =	sst s1;
	(tag) =	ssettag s2;
	_ =	strace s9  }
0x27: {  	s1 =	sld [smem:$0x3FAA]  }
0x28: {  	s2 =	sld [smem:$0x3FAB]  }
0x29: {  	s4 =	sld [smem:$0x3FAD]  }
0x2a: {  	p0 =	seq.s32 s5, $0x0;
	s5 =	sld [smem:$0x3FAE]  }
0x2b: {  	s6 =	sld [smem:$0x3FAF]  }
0x2c: {  	s7 =	sld [smem:$0x3FB0]  }
0x2d: {  	s3 =	simm.s32 $0x108;
	s8 =	sld [smem:$0x3FB1]  }
0x2e: {  	s3 =	simm.s32 @!p0 $0x1082;
	s9 =	sld [smem:$0x3FB2]  }
0x2f: {  	lr =	sadd.s32 s0, s3;
	s0 =	sld [smem:$0x3FA9]  }
0x30: {  	s3 =	sld [smem:$0x3FAC]  }
0x31: {  	[smem:$0x3FB5] =	sst s10  }
0x32: {  	s10 =	sld [smem:$0x3FB3];
	_ =	sdelay $0x3  }
0x33: {  	p0 =	seq.s32 s10, $0x1;
	s10 =	sld [smem:$0x3FB5];
	_ =	sdelay $0x3  }
0x34: {  	[smem:$0x3FB5] =	sst s10  }
0x35: {  	s10 =	sld [smem:$0x3FB4];
	_ =	sdelay $0x3  }
0x36: {  	p1 =	seq.s32 s10, $0x1;
	s10 =	sld [smem:$0x3FB5];
	_ =	sdelay $0x3  }
0x37: {  	[smem:$0x3FB5] =	sst s10  }
0x38: {  	s10 =	sld [smem:$0x3FB6]  }
0x39: {  	_ = 	snop;
	(pc) =	sbr.ind lr, $3  }
0x3a: {  	_ = 	snop  }
0x3b: {  	_ = 	snop  }
0x3c: {  	p2 =	seq.s32 s10, $0x1;
	s10 =	sld [smem:$0x3FB5]  }
0x3d: {  	_ =	shalt  }
0x3e: {  	_ =	shalt  }
0x3f: {  	_ =	shalt  }
0x40: {  	_ =	shalt  }
0x41: {  	_ =	shalt  }
0x42: {  	_ =	shalt  }
0x43: {  	_ =	shalt  }
0x44: {  	_ =	shalt  }
0x45: {  	_ =	shalt  }
0x46: {  	_ =	shalt  }
0x47: {  	_ =	shalt  }
0x48: {  	_ =	shalt  }
0x49: {  	_ =	shalt  }
0x4a: {  	_ =	shalt  }
0x4b: {  	_ =	shalt  }
0x4c: {  	_ =	shalt  }
0x4d: {  	_ =	shalt  }
0x4e: {  	_ =	shalt  }
0x4f: {  	_ =	shalt  }
0x50: {  	_ =	shalt  }
0x51: {  	_ =	shalt  }
0x52: {  	_ =	shalt  }
0x53: {  	_ =	shalt  }
0x54: {  	_ =	shalt  }
0x55: {  	_ =	shalt  }
0x56: {  	_ =	shalt  }
0x57: {  	_ =	shalt  }
0x58: {  	_ =	shalt  }
0x59: {  	_ =	shalt  }
0x5a: {  	_ =	shalt  }
0x5b: {  	_ =	shalt  }
0x5c: {  	_ =	shalt  }
0x5d: {  	_ =	shalt  }
0x5e: {  	_ =	shalt  }
0x5f: {  	_ =	shalt  }
0x60: {  	_ =	shalt  }
0x61: {  	_ =	shalt  }
0x62: {  	_ =	shalt  }
0x63: {  	_ =	shalt  }
0x64: {  	_ =	shalt  }
0x65: {  	_ =	shalt  }
0x66: {  	_ =	shalt  }
0x67: {  	_ =	shalt  }
0x68: {  	_ =	shalt  }
0x69: {  	_ =	shalt  }
0x6a: {  	_ =	shalt  }
0x6b: {  	_ =	shalt  }
0x6c: {  	_ =	shalt  }
0x6d: {  	_ =	shalt  }
0x6e: {  	_ =	shalt  }
0x6f: {  	_ =	shalt  }
0x70: {  	_ =	shalt  }
0x71: {  	_ =	shalt  }
0x72: {  	_ =	shalt  }
0x73: {  	_ =	shalt  }
0x74: {  	_ =	shalt  }
0x75: {  	_ =	shalt  }
0x76: {  	_ =	shalt  }
0x77: {  	_ =	shalt  }
0x78: {  	_ =	shalt  }
0x79: {  	_ =	shalt  }
0x7a: {  	_ =	shalt  }
0x7b: {  	_ =	shalt  }
0x7c: {  	_ =	shalt  }
0x7d: {  	_ =	shalt  }
0x7e: {  	_ =	shalt  }
0x7f: {  	_ =	shalt  }
0x80: {  	_ =	shalt  }
0x81: {  	_ =	shalt  }
0x82: {  	_ =	shalt  }
0x83: {  	_ =	shalt  }
0x84: {  	_ =	shalt  }
0x85: {  	_ =	shalt  }
0x86: {  	_ =	shalt  }
0x87: {  	_ =	shalt  }
.Lfunc_end0:
.L_simem_size_0:
called_computation.2_lowered:
.L_overlay_start_0:
0x88: {  	s2 =	sld [smem:$0x3FD9]  }
0x89: {  	s3 =	sld [smem:$0x3FFE];
	_ =	sdelay $0x1  }
0x8a: {  	s1 =	srdreg.scid  }
0x8b: {  	s0 =	sand.u32 $0x1, s1  }
0x8c: {  	s16 =	sshll.u32 s0, $0xA;
	s2 =	sadd.s32 s3, s2  }
0x8d: {  	s2 =	sadd.s32 s2, s16  }
0x8e: {  	[smem:$0x3FC1] =	sst s2  }
0x8f: {  	_ = 	snop  }
0x90: {  	(tm) =	ssettm $0x1  }
0x91: {  	s17 =	sld [smem:$0x3FFB];
	_ =	sdelay $0x3  }
0x92: {  	_ =	strace s17  }
0x93: {  	s2 =	sld [smem:$0x3FFC];
	_ =	sdelay $0x3  }
0x94: {  	_ =	strace s2  }
0x95: {  	s2 =	sld [smem:$0x3FFD];
	_ =	sdelay $0x3  }
0x96: {  	_ =	strace s2  }
0x97: {  	_ =	strace $0x8FFFFFFF  }
0x98: {  	s18 =	sld [smem:$0x3FDB];
	_ =	sdelay $0x1  }
0x99: {  	s19 =	simm.s32 $_scs_section_size  }
0x9a: {  	s4 =	simm.s32 $_size__tile_overlayer_lowered;
	s5 =	simm.s32 $_tile_overlayer_lowered  }
0x9b: {  	s22 =	simm.s32 $0x1BFF;
	s21 =	sshll.u32 s5, $0x1;
	s2 =	sadd.s32 s19, s18  }
0x9c: {  	s6 =	simm.s32 $0x0;
	s20 =	sshll.u32 s4, $0x1;
	s4 =	sadd.s32 s21, s2  }
0x9d: {  	[timem:s6], [sflag:s22] =	dma.local [hbm:s4], s20  }
0x9e: {  	_ =	swait.ge [sflag:s22], s20  }
0x9f: {  	s3 =	ssub.s32 $0x0, s20;
	[sflag:s22] =	ssyncset.done $0x0  }
0xa0: {  	[sflag:s22] =	ssyncadd.s32 s3;
	_ =	sdelay $0x1  }
0xa1: {  	s23 =	simm.s32 $0x1B8B  }
0xa2: {  	_ =	swait.ge [sflag:s23], $0x1  }
0xa3: {  	[sflag:s23] =	ssyncset.done $0x0  }
0xa4: {  	s25 =	simm.s32 $0x1B8E;
	s24 =	sld [smem:$0x3FFE];
	[sflag:s23] =	ssyncadd.s32 $0xFFFFFFFF  }
0xa5: {  	s26 =	simm.s32 $execute0_lowered;
	[smem:$0x3FD2] =	sst s25  }
0xa6: {  	s4 =	sshll.u32 s26, $0x1;
	_ =	strace $0x8000004C;
	[dreg:$0x1] =	wrdreg $0xFFFFFFFF  }
0xa7: {  	s28 =	simm.s32 $_size_execute0_lowered;
	s2 =	sadd.s32 s2, s4;
	[dreg:$0x0] =	wrdreg $0x0  }
0xa8: {  	s4 =	sshll.u32 s28, $0x1;
	[dreg:$0x2] =	wrdreg s2  }
0xa9: {  	[dreg:$0x3] =	wrdreg s4  }
0xaa: {  	[dreg:$0x4] =	wrdreg $0xC0  }
0xab: {  	_ =	task [dreg:s6], $0x5FFFF  }
0xac: {  	[dreg:$0x1] =	wrdreg $0xFFFFFFFF  }
0xad: {  	[dreg:$0x0] =	wrdreg $0x60  }
0xae: {  	[dreg:$0x2] =	wrdreg s24  }
0xaf: {  	[dreg:$0x3] =	wrdreg $0x0  }
0xb0: {  	[dreg:$0x4] =	wrdreg $0x9  }
0xb1: {  	_ =	task.clear_ibuf [dreg:s6], $0x5FFFF;
	_ =	strace $0x9000004C  }
0xb2: {  	s29 =	simm.s32 $0x9;
	_ =	strace $0x8000004E  }
0xb3: {  	_ =	swait.ge [sflag:s29], $0x1  }
0xb4: {  	[sflag:s29] =	ssyncadd.s32 $0xFFFFFFFF  }
0xb5: {  	_ =	strace $0x9000004E  }
0xb6: {  	_ =	sfence  }
0xb7: {  	s30 =	sld [smem:$0x0];
	_ =	sdelay $0x2  }
0xb8: {  	s31 =	sshll.u32 s1, $0xD;
	s1 =	sshrl.u32 s1, $0x2  }
0xb9: {  	s3 =	sand.u32 $0x4000, s31;
	s1 =	sadd.s32 s1, s30  }
0xba: {  	s0 =	sor.u32 s3, s0;
	s1 =	sshll.u32 s1, $0x11  }
0xbb: {  	s0 =	sor.u32 s1, s0  }
0xbc: {  	s0 =	sadd.s32 $0x8F2B, s0  }
0xbd: {  	[sflag:s0] =	ssyncadd.remote.s32 $0x1  }
0xbe: {  	_ =	sfence.sel $0xFFFF  }
0xbf: {  	[dreg:$0x0] =	wrdreg $0xFFFFFFFF;
	(pc) =	sbr.abs _section_cstart, $3  }
0xc0: {  	[dreg:$0x1] =	wrdreg $0xFFFFFFFF  }
0xc1: {  	_ =	task.clear_ibuf [dreg:s6], $0x2FFFF;
	_ =	strace $0x9FFFFFFF  }
0xc2: {  	(tm) =	ssettm $0x7FFFFFFF  }
0xc3: {  	_ =	shalt  }
tec
execute0_lowered:
.L_overlay_start_1:
0x0: {  	(tag) =	ssettag $0x1  }
0x1: {  	s8 =	rddreg [dreg:$0x0]  }
0x2: {  	s1 =	rddreg [dreg:$0x1]  }
0x3: {  	s0 =	rddreg [dreg:$0x2]  }
0x4: {  	s3 =	simm.s32 $0x0;
	s2 =	srdreg.scid;
	s13 =	simm.s32 $0x2  }
0x5: {  	s14 =	simm.s32 $0x16800;
	s15 =	simm.s32 $0x16880;
	s16 =	simm.s32 $0x16900  }
0x6: {  	s17 =	simm.s32 $0x80;
	s18 =	simm.s32 $0x16980;
	s19 =	simm.s32 $0x1  }
0x7: {  	[smem:$0x7FF] =	sst s3;
	s9 =	sand.u32 $0x1, s2;
	s2 =	stileid.u32  }
0x8: {  	s4 =	sadd.s32 $0x6FE00, s8;
	s5 =	sadd.s32 $0xBE00, s8;
	s10 =	smul.u32 $0x2D000, s9  }
0x9: {  	s6 =	sadd.s32 $0x15E00, s8;
	s7 =	sadd.s32 $0x1E00, s8;
	s11 =	smul.u32 $0x2D00, s2  }
0xa: {  	s29 =	ssub.s32 $0x2, s9;
	s12 =	smul.u32 $0x5A000, s2;
	s9 =	sshll.u32 s9, $0x4  }
0xb: {  	_ =	strace $0x8000004D;
	s30 =	sshrl.u32 s29, $0x1;
	s31 =	sor.u32 s2, s9  }
0xc: {  	s10 =	sadd.s32 s11, s10;
	s11 =	ssub.s32 s29, s30;
	s12 =	sshrl.u32 s12, $0x2  }
0xd: {  	s10 =	sadd.s32 s10, s8;
	s8 =	smul.u32 $0x2800, s31;
	s11 =	smax.u32 s11, $0x1  }
0xe: {  	v0 =	vimm.f32 $0.0e+00;
	s9 =	sadd.s32 $0x9CE00, s10;
	s10 =	sadd.s32 s12, s1;
	s12 =	simm.s32 $0x1B180  }
.LBB2_1:
0xf: {  	s20 =	simm.s32 $0x1B180;
	s21 =	simm.s32 $0x0  }
.LBB2_2:
0x10: {  	p0 =	sne.s32 s21, $0x11F  }
.Ltmp0:
0x11: {  	_ = 	snop;
	(pc) =	sbr.rel @p0 .LBB2_2-.Ltmp0, $2  }
0x12: {  	_ =	sdelay $0x2  }
0x13: {  	[tilespmem:s20+$0x0] =	vst v0;
	s20 =	sadd.s32 $0x10, s20;
	s21 =	sadd.s32 $0x1, s21  }
0x14: {  	s20 =	sadd.s32 $0x0, s10  }
0x15: {  	[spmem:s20] =	stream.linear.scatter [tilespmem:s12], [sflag:$0x2], $0x1200, $0x38;
	[tilespmem:$0x1C380] =	vst v63  }
0x16: {  	s20 =	simm.s32 $0x4800;
	_ =	swait.ge [sflag:s13], $0x1200  }
.LBB2_4:
0x17: {  	s21 =	sshra.s32 s20, $0x2;
	[sflag:s13] =	ssyncset.done $0x0;
	p0 =	sne.s32 s20, $0x55800  }
.Ltmp1:
0x18: {  	s21 =	sadd.s32 s21, s10;
	[sflag:s13] =	ssyncadd.s32 $0xFFFFEE00;
	(pc) =	sbr.rel @p0 .LBB2_4-.Ltmp1, $3  }
0x19: {  	[spmem:s21] =	stream.linear.scatter [tilespmem:s12], [sflag:$0x2], $0x1200, $0x38;
	[tilespmem:$0x1C380] =	vst v63  }
0x1a: {  	s20 =	sadd.s32 $0x4800, s20;
	_ =	sdelay $0x1  }
0x1b: {  	_ =	swait.ge [sflag:s13], $0x1200  }
0x1c: {  	[sflag:s13] =	ssyncset.done $0x0  }
0x1d: {  	[sflag:s13] =	ssyncadd.s32 $0xFFFFEE00  }
0x1e: {  	s20 =	simm.s32 $0x0;
	s21 =	simm.s32 $0x0;
	[bflag:$0x0] =	sbarrier.arrive $0xFFFF  }
.LBB2_6:
0x1f: {  	s22 =	sshll.u32 s21, $0x7  }
0x20: {  	s22 =	sadd.s32 s8, s22  }
0x21: {  	s22 =	sshrl.u32 s22, $0x3  }
0x22: {  	s23 =	sadd.s32 s5, s22  }
0x23: {  	[tilespmem:s14], [sflag:$0x2] =	stream.linear.gather [hbm4b:s23+s20], $0x80, $0x38;
	[tilespmem:$0x1C380] =	vst v63  }
0x24: {  	_ =	swait.ge [sflag:s13], $0x80  }
0x25: {  	[sflag:s13] =	ssyncset.done $0x0  }
0x26: {  	s29 =	sadd.s32 s6, s22;
	[sflag:s13] =	ssyncadd.s32 $0xFFFFFF80  }
0x27: {  	[tilespmem:s15], [sflag:$0x2] =	stream.linear.gather [hbm4b:s29+s20], $0x80, $0x38;
	[tilespmem:$0x1C380] =	vst v63  }
0x28: {  	_ =	swait.ge [sflag:s13], $0x80  }
0x29: {  	[sflag:s13] =	ssyncset.done $0x0  }
0x2a: {  	s22 =	sadd.s32 s7, s22;
	[sflag:s13] =	ssyncadd.s32 $0xFFFFFF80  }
0x2b: {  	[tilespmem:s16], [sflag:$0x2] =	stream.linear.gather [hbm4b:s22+s20], $0x80, $0x38;
	[tilespmem:$0x1C380] =	vst v63  }
0x2c: {  	_ =	swait.ge [sflag:s13], $0x80  }
0x2d: {  	[sflag:s13] =	ssyncset.done $0x0  }
0x2e: {  	[sflag:s13] =	ssyncadd.s32 $0xFFFFFF80  }
0x2f: {  	[tilespmem:s18], [sflag:$0x1] =	stream.indirect.gather [hbm4b:s4+s17], $0x90, s14, s17, $0xb8;
	[tilespmem:$0x1C380] =	vst v63  }
0x30: {  	_ =	swait.ge [sflag:s19], $0x4800  }
0x31: {  	s30 =	simm.s32 $0x0;
	[sflag:s19] =	ssyncset.done $0x0  }
0x32: {  	s31 =	smul.u32 $0x2400, s20;
	s22 =	sand.u32 $0x3FFFFFF0, s30;
	[sflag:s19] =	ssyncadd.s32 $0xFFFFB800  }
0x33: {  	v1 =	vld [tilespmem:s22+$0x16900]  }
0x34: {  	s22 =	sshra.s32 s31, $0x2  }
0x35: {  	v4 =	vld [tilespmem:s22+$0x16990]  }
0x36: {  	v6 =	vld [tilespmem:s22+$0x169A0]  }
0x37: {  	v7 =	vld [tilespmem:s22+$0x169B0]  }
0x38: {  	v8 =	vld [tilespmem:s22+$0x169C0];
	v2 =	vbroadcast v1, $0x0  }
0x39: {  	v5 =	vld [tilespmem:s22+$0x169D0]  }
0x3a: {  	v9 =	vld [tilespmem:s22+$0x169E0];
	v4 =	vmul.f32 v4, v2  }
0x3b: {  	v10 =	vld [tilespmem:s22+$0x169F0];
	v6 =	vmul.f32 v6, v2  }
0x3c: {  	v19 =	vld [tilespmem:s22+$0x16A00];
	v7 =	vmul.f32 v7, v2;
	[tilespmem:s22+$0x16990] =	vst v4  }
0x3d: {  	v20 =	vld [tilespmem:s22+$0x16A10];
	v8 =	vmul.f32 v8, v2;
	[tilespmem:s22+$0x169A0] =	vst v6  }
0x3e: {  	v21 =	vld [tilespmem:s22+$0x16A20];
	v5 =	vmul.f32 v5, v2;
	[tilespmem:s22+$0x169B0] =	vst v7  }
0x3f: {  	v22 =	vld [tilespmem:s22+$0x16A30];
	v9 =	vmul.f32 v9, v2;
	[tilespmem:s22+$0x169C0] =	vst v8  }
0x40: {  	v23 =	vld [tilespmem:s22+$0x16A40];
	v11 =	vbroadcast v1, $0x1;
	v10 =	vmul.f32 v10, v2;
	[tilespmem:s22+$0x169D0] =	vst v5  }
0x41: {  	v24 =	vld [tilespmem:s22+$0x16A50];
	[tilespmem:s22+$0x169E0] =	vst v9;
	v4 =	vmul.f32 v19, v2  }
0x42: {  	v25 =	vld [tilespmem:s22+$0x16A60];
	[tilespmem:s22+$0x169F0] =	vst v10;
	v6 =	vmul.f32 v20, v11  }
0x43: {  	v26 =	vld [tilespmem:s22+$0x16A70];
	v7 =	vmul.f32 v21, v11;
	[tilespmem:s22+$0x16A00] =	vst v4  }
0x44: {  	v27 =	vld [tilespmem:s22+$0x16A80];
	v8 =	vmul.f32 v22, v11;
	[tilespmem:s22+$0x16A10] =	vst v6  }
0x45: {  	v28 =	vld [tilespmem:s22+$0x16A90];
	v5 =	vmul.f32 v23, v11;
	[tilespmem:s22+$0x16A20] =	vst v7  }
0x46: {  	v29 =	vld [tilespmem:s22+$0x16AA0];
	v9 =	vmul.f32 v24, v11;
	[tilespmem:s22+$0x16A30] =	vst v8  }
0x47: {  	v30 =	vld [tilespmem:s22+$0x16AB0];
	v10 =	vmul.f32 v25, v11;
	[tilespmem:s22+$0x16A40] =	vst v5  }
0x48: {  	v31 =	vld [tilespmem:s22+$0x16AC0];
	[tilespmem:s22+$0x16A50] =	vst v9;
	v4 =	vmul.f32 v26, v11  }
0x49: {  	v32 =	vld [tilespmem:s22+$0x16AD0];
	v12 =	vbroadcast v1, $0x2;
	[tilespmem:s22+$0x16A60] =	vst v10;
	v6 =	vmul.f32 v27, v11  }
0x4a: {  	v33 =	vld [tilespmem:s22+$0x16AE0];
	v7 =	vmul.f32 v28, v11;
	[tilespmem:s22+$0x16A70] =	vst v4  }
0x4b: {  	v34 =	vld [tilespmem:s22+$0x16AF0];
	v8 =	vmul.f32 v29, v12;
	[tilespmem:s22+$0x16A80] =	vst v6  }
0x4c: {  	v35 =	vld [tilespmem:s22+$0x16B00];
	v5 =	vmul.f32 v30, v12;
	[tilespmem:s22+$0x16A90] =	vst v7  }
0x4d: {  	v36 =	vld [tilespmem:s22+$0x16B10];
	v9 =	vmul.f32 v31, v12;
	[tilespmem:s22+$0x16AA0] =	vst v8  }
0x4e: {  	v37 =	vld [tilespmem:s22+$0x16B20];
	v10 =	vmul.f32 v32, v12;
	[tilespmem:s22+$0x16AB0] =	vst v5  }
0x4f: {  	v38 =	vld [tilespmem:s22+$0x16B30];
	[tilespmem:s22+$0x16AC0] =	vst v9;
	v4 =	vmul.f32 v33, v12  }
0x50: {  	v39 =	vld [tilespmem:s22+$0x16B40];
	[tilespmem:s22+$0x16AD0] =	vst v10;
	v6 =	vmul.f32 v34, v12  }
0x51: {  	v40 =	vld [tilespmem:s22+$0x16B50];
	v7 =	vmul.f32 v35, v12;
	[tilespmem:s22+$0x16AE0] =	vst v4  }
0x52: {  	v41 =	vld [tilespmem:s22+$0x16B60];
	v43 =	vbroadcast v1, $0x3;
	v8 =	vmul.f32 v36, v12;
	[tilespmem:s22+$0x16AF0] =	vst v6  }
0x53: {  	v42 =	vld [tilespmem:s22+$0x16B70];
	v5 =	vmul.f32 v37, v12;
	[tilespmem:s22+$0x16B00] =	vst v7  }
0x54: {  	v44 =	vld [tilespmem:s22+$0x16B80];
	v9 =	vmul.f32 v38, v43;
	[tilespmem:s22+$0x16B10] =	vst v8  }
0x55: {  	v45 =	vld [tilespmem:s22+$0x16B90];
	v10 =	vmul.f32 v39, v43;
	[tilespmem:s22+$0x16B20] =	vst v5  }
0x56: {  	v46 =	vld [tilespmem:s22+$0x16BA0];
	[tilespmem:s22+$0x16B30] =	vst v9;
	v4 =	vmul.f32 v40, v43  }
0x57: {  	v47 =	vld [tilespmem:s22+$0x16BB0];
	[tilespmem:s22+$0x16B40] =	vst v10;
	v6 =	vmul.f32 v41, v43  }
0x58: {  	v48 =	vld [tilespmem:s22+$0x16BC0];
	v7 =	vmul.f32 v42, v43;
	[tilespmem:s22+$0x16B50] =	vst v4  }
0x59: {  	v49 =	vld [tilespmem:s22+$0x16BD0];
	v8 =	vmul.f32 v44, v43;
	[tilespmem:s22+$0x16B60] =	vst v6  }
0x5a: {  	v50 =	vld [tilespmem:s22+$0x16BE0];
	v5 =	vmul.f32 v45, v43;
	[tilespmem:s22+$0x16B70] =	vst v7  }
0x5b: {  	v51 =	vld [tilespmem:s22+$0x16BF0];
	v53 =	vbroadcast v1, $0x4;
	v9 =	vmul.f32 v46, v43;
	[tilespmem:s22+$0x16B80] =	vst v8  }
0x5c: {  	v52 =	vld [tilespmem:s22+$0x16C00];
	v10 =	vmul.f32 v47, v43;
	[tilespmem:s22+$0x16B90] =	vst v5  }
0x5d: {  	v54 =	vld [tilespmem:s22+$0x16C10];
	[tilespmem:s22+$0x16BA0] =	vst v9;
	v4 =	vmul.f32 v48, v53  }
0x5e: {  	v55 =	vld [tilespmem:s22+$0x16C20];
	[tilespmem:s22+$0x16BB0] =	vst v10;
	v6 =	vmul.f32 v49, v53  }
0x5f: {  	v56 =	vld [tilespmem:s22+$0x16C30];
	v7 =	vmul.f32 v50, v53;
	[tilespmem:s22+$0x16BC0] =	vst v4  }
0x60: {  	v57 =	vld [tilespmem:s22+$0x16C40];
	v8 =	vmul.f32 v51, v53;
	[tilespmem:s22+$0x16BD0] =	vst v6  }
0x61: {  	v58 =	vld [tilespmem:s22+$0x16C50];
	v5 =	vmul.f32 v52, v53;
	[tilespmem:s22+$0x16BE0] =	vst v7  }
0x62: {  	v59 =	vld [tilespmem:s22+$0x16C60];
	v9 =	vmul.f32 v54, v53;
	[tilespmem:s22+$0x16BF0] =	vst v8  }
0x63: {  	v60 =	vld [tilespmem:s22+$0x16C70];
	v10 =	vmul.f32 v55, v53;
	[tilespmem:s22+$0x16C00] =	vst v5  }
0x64: {  	v61 =	vld [tilespmem:s22+$0x16C80];
	v63 =	vbroadcast v1, $0x5;
	[tilespmem:s22+$0x16C10] =	vst v9;
	v4 =	vmul.f32 v56, v53  }
0x65: {  	v62 =	vld [tilespmem:s22+$0x16C90];
	[tilespmem:s22+$0x16C20] =	vst v10;
	v6 =	vmul.f32 v57, v53  }
0x66: {  	v16 =	vld [tilespmem:s22+$0x16CA0];
	v7 =	vmul.f32 v58, v63;
	[tilespmem:s22+$0x16C30] =	vst v4  }
0x67: {  	v17 =	vld [tilespmem:s22+$0x16CB0];
	v8 =	vmul.f32 v59, v63;
	[tilespmem:s22+$0x16C40] =	vst v6  }
0x68: {  	v18 =	vld [tilespmem:s22+$0x16CC0];
	v5 =	vmul.f32 v60, v63;
	[tilespmem:s22+$0x16C50] =	vst v7  }
0x69: {  	v19 =	vld [tilespmem:s22+$0x16CD0];
	v9 =	vmul.f32 v61, v63;
	[tilespmem:s22+$0x16C60] =	vst v8  }
0x6a: {  	v20 =	vld [tilespmem:s22+$0x16CE0];
	v10 =	vmul.f32 v62, v63;
	[tilespmem:s22+$0x16C70] =	vst v5  }
0x6b: {  	v21 =	vld [tilespmem:s22+$0x16CF0];
	[tilespmem:s22+$0x16C80] =	vst v9;
	v4 =	vmul.f32 v16, v63  }
0x6c: {  	v22 =	vld [tilespmem:s22+$0x16D00];
	[tilespmem:s22+$0x16C90] =	vst v10;
	v6 =	vmul.f32 v17, v63  }
0x6d: {  	v23 =	vld [tilespmem:s22+$0x16D10];
	v25 =	vbroadcast v1, $0x6;
	v7 =	vmul.f32 v18, v63;
	[tilespmem:s22+$0x16CA0] =	vst v4  }
0x6e: {  	v24 =	vld [tilespmem:s22+$0x16D20];
	v8 =	vmul.f32 v19, v63;
	[tilespmem:s22+$0x16CB0] =	vst v6  }
0x6f: {  	v26 =	vld [tilespmem:s22+$0x16D30];
	v5 =	vmul.f32 v20, v25;
	[tilespmem:s22+$0x16CC0] =	vst v7  }
0x70: {  	v27 =	vld [tilespmem:s22+$0x16D40];
	v9 =	vmul.f32 v21, v25;
	[tilespmem:s22+$0x16CD0] =	vst v8  }
0x71: {  	v28 =	vld [tilespmem:s22+$0x16D50];
	v10 =	vmul.f32 v22, v25;
	[tilespmem:s22+$0x16CE0] =	vst v5  }
0x72: {  	v29 =	vld [tilespmem:s22+$0x16D60];
	[tilespmem:s22+$0x16CF0] =	vst v9;
	v4 =	vmul.f32 v23, v25  }
0x73: {  	v30 =	vld [tilespmem:s22+$0x16D70];
	[tilespmem:s22+$0x16D00] =	vst v10;
	v6 =	vmul.f32 v24, v25  }
0x74: {  	v31 =	vld [tilespmem:s22+$0x16D80];
	v7 =	vmul.f32 v26, v25;
	[tilespmem:s22+$0x16D10] =	vst v4  }
0x75: {  	v32 =	vld [tilespmem:s22+$0x16D90];
	v8 =	vmul.f32 v27, v25;
	[tilespmem:s22+$0x16D20] =	vst v6  }
0x76: {  	v33 =	vld [tilespmem:s22+$0x16DA0];
	v35 =	vbroadcast v1, $0x7;
	v5 =	vmul.f32 v28, v25;
	[tilespmem:s22+$0x16D30] =	vst v7  }
0x77: {  	v34 =	vld [tilespmem:s22+$0x16DB0];
	v9 =	vmul.f32 v29, v25;
	[tilespmem:s22+$0x16D40] =	vst v8  }
0x78: {  	v36 =	vld [tilespmem:s22+$0x16DC0];
	v10 =	vmul.f32 v30, v35;
	[tilespmem:s22+$0x16D50] =	vst v5  }
0x79: {  	v37 =	vld [tilespmem:s22+$0x16DD0];
	[tilespmem:s22+$0x16D60] =	vst v9;
	v4 =	vmul.f32 v31, v35  }
0x7a: {  	v38 =	vld [tilespmem:s22+$0x16DE0];
	[tilespmem:s22+$0x16D70] =	vst v10;
	v6 =	vmul.f32 v32, v35  }
0x7b: {  	v39 =	vld [tilespmem:s22+$0x16DF0];
	v7 =	vmul.f32 v33, v35;
	[tilespmem:s22+$0x16D80] =	vst v4  }
0x7c: {  	v40 =	vld [tilespmem:s22+$0x16E00];
	v8 =	vmul.f32 v34, v35;
	[tilespmem:s22+$0x16D90] =	vst v6  }
0x7d: {  	v41 =	vld [tilespmem:s22+$0x16E10];
	v5 =	vmul.f32 v36, v35;
	[tilespmem:s22+$0x16DA0] =	vst v7  }
0x7e: {  	v42 =	vld [tilespmem:s22+$0x16E20];
	v9 =	vmul.f32 v37, v35;
	[tilespmem:s22+$0x16DB0] =	vst v8  }
0x7f: {  	v43 =	vld [tilespmem:s22+$0x16E30];
	v45 =	vbroadcast v1, $0x8;
	v10 =	vmul.f32 v38, v35;
	[tilespmem:s22+$0x16DC0] =	vst v5  }
0x80: {  	v44 =	vld [tilespmem:s22+$0x16E40];
	[tilespmem:s22+$0x16DD0] =	vst v9;
	v4 =	vmul.f32 v39, v35  }
0x81: {  	v46 =	vld [tilespmem:s22+$0x16E50];
	[tilespmem:s22+$0x16DE0] =	vst v10;
	v6 =	vmul.f32 v40, v45  }
0x82: {  	v3 =	vld [tilespmem:s22+$0x17110];
	v7 =	vmul.f32 v41, v45;
	[tilespmem:s22+$0x16DF0] =	vst v4  }
0x83: {  	v26 =	vld [tilespmem:s22+$0x16980];
	v8 =	vmul.f32 v42, v45;
	[tilespmem:s22+$0x16E00] =	vst v6  }
0x84: {  	v29 =	vld [tilespmem:s22+$0x17000];
	v5 =	vmul.f32 v43, v45;
	[tilespmem:s22+$0x16E10] =	vst v7  }
0x85: {  	v47 =	vld [tilespmem:s22+$0x16E60];
	v32 =	vbroadcast v1, $0xD;
	v9 =	vmul.f32 v44, v45;
	[tilespmem:s22+$0x16E20] =	vst v8  }
0x86: {  	v48 =	vld [tilespmem:s22+$0x16E70];
	v10 =	vmul.f32 v46, v45;
	[tilespmem:s22+$0x16E30] =	vst v5  }
0x87: {  	v49 =	vld [tilespmem:s22+$0x16E80];
	v27 =	vbroadcast v1, $0xB;
	v3 =	vmul.f32 v3, v32;
	[tilespmem:s22+$0x16E40] =	vst v9  }
0x88: {  	v50 =	vld [tilespmem:s22+$0x16E90];
	v2 =	vmul.f32 v2, v26;
	[tilespmem:s22+$0x16E50] =	vst v10  }
0x89: {  	v51 =	vld [tilespmem:s22+$0x16EA0];
	v35 =	vmul.f32 v29, v27;
	[tilespmem:s22+$0x17110] =	vst v3  }
0x8a: {  	v52 =	vld [tilespmem:s22+$0x16EB0];
	v4 =	vmul.f32 v47, v45;
	[tilespmem:s22+$0x16980] =	vst v2  }
0x8b: {  	v55 =	vbroadcast v1, $0x9;
	v53 =	vld [tilespmem:s22+$0x16EC0];
	v6 =	vmul.f32 v48, v45;
	[tilespmem:s22+$0x17000] =	vst v35  }
0x8c: {  	v54 =	vld [tilespmem:s22+$0x16ED0];
	v7 =	vmul.f32 v49, v45;
	[tilespmem:s22+$0x16E60] =	vst v4  }
0x8d: {  	v56 =	vld [tilespmem:s22+$0x16EE0];
	v8 =	vmul.f32 v50, v55;
	[tilespmem:s22+$0x16E70] =	vst v6  }
0x8e: {  	v57 =	vld [tilespmem:s22+$0x16EF0];
	v5 =	vmul.f32 v51, v55;
	[tilespmem:s22+$0x16E80] =	vst v7  }
0x8f: {  	v58 =	vld [tilespmem:s22+$0x16F00];
	v9 =	vmul.f32 v52, v55;
	[tilespmem:s22+$0x16E90] =	vst v8  }
0x90: {  	v59 =	vld [tilespmem:s22+$0x16F10];
	v10 =	vmul.f32 v53, v55;
	[tilespmem:s22+$0x16EA0] =	vst v5  }
0x91: {  	v60 =	vld [tilespmem:s22+$0x16F20];
	[tilespmem:s22+$0x16EB0] =	vst v9;
	v4 =	vmul.f32 v54, v55  }
0x92: {  	v61 =	vld [tilespmem:s22+$0x16F30];
	[tilespmem:s22+$0x16EC0] =	vst v10;
	v6 =	vmul.f32 v56, v55  }
0x93: {  	v13 =	vld [tilespmem:s22+$0x17050];
	v7 =	vmul.f32 v57, v55;
	[tilespmem:s22+$0x16ED0] =	vst v4  }
0x94: {  	v62 =	vld [tilespmem:s22+$0x16F40];
	v17 =	vbroadcast v1, $0xA;
	v8 =	vmul.f32 v58, v55;
	[tilespmem:s22+$0x16EE0] =	vst v6  }
0x95: {  	v63 =	vld [tilespmem:s22+$0x16F50];
	v5 =	vmul.f32 v59, v55;
	[tilespmem:s22+$0x16EF0] =	vst v7  }
0x96: {  	v16 =	vld [tilespmem:s22+$0x16F60];
	v37 =	vbroadcast v1, $0xC;
	v9 =	vmul.f32 v60, v17;
	[tilespmem:s22+$0x16F00] =	vst v8  }
0x97: {  	v18 =	vld [tilespmem:s22+$0x16F70];
	v10 =	vmul.f32 v61, v17;
	[tilespmem:s22+$0x16F10] =	vst v5  }
0x98: {  	v19 =	vld [tilespmem:s22+$0x16F80];
	v56 =	vmul.f32 v13, v37;
	[tilespmem:s22+$0x16F20] =	vst v9  }
0x99: {  	v20 =	vld [tilespmem:s22+$0x16F90];
	v4 =	vmul.f32 v62, v17;
	[tilespmem:s22+$0x16F30] =	vst v10  }
0x9a: {  	v21 =	vld [tilespmem:s22+$0x16FA0];
	v6 =	vmul.f32 v63, v17;
	[tilespmem:s22+$0x17050] =	vst v56  }
0x9b: {  	v3 =	vld [tilespmem:s22+$0x17060];
	v7 =	vmul.f32 v16, v17;
	[tilespmem:s22+$0x16F40] =	vst v4  }
0x9c: {  	v47 =	vld [tilespmem:s22+$0x17170];
	v8 =	vmul.f32 v18, v17;
	[tilespmem:s22+$0x16F50] =	vst v6  }
0x9d: {  	v50 =	vld [tilespmem:s22+$0x171A0];
	v5 =	vmul.f32 v19, v17;
	[tilespmem:s22+$0x16F60] =	vst v7  }
0x9e: {  	v22 =	vld [tilespmem:s22+$0x16FB0];
	v9 =	vmul.f32 v20, v17;
	[tilespmem:s22+$0x16F70] =	vst v8  }
0x9f: {  	v23 =	vld [tilespmem:s22+$0x16FC0];
	v51 =	vbroadcast v1, $0xE;
	v10 =	vmul.f32 v21, v17;
	[tilespmem:s22+$0x16F80] =	vst v5  }
0xa0: {  	v24 =	vld [tilespmem:s22+$0x16FD0];
	v3 =	vmul.f32 v3, v37;
	[tilespmem:s22+$0x16F90] =	vst v9  }
0xa1: {  	v25 =	vld [tilespmem:s22+$0x16FE0];
	v53 =	vmul.f32 v47, v51;
	[tilespmem:s22+$0x16FA0] =	vst v10  }
0xa2: {  	v28 =	vld [tilespmem:s22+$0x16FF0];
	v63 =	vmul.f32 v50, v51;
	[tilespmem:s22+$0x17060] =	vst v3  }
0xa3: {  	v33 =	vld [tilespmem:s22+$0x17030];
	v4 =	vmul.f32 v22, v27;
	[tilespmem:s22+$0x17170] =	vst v53  }
0xa4: {  	v2 =	vld [tilespmem:s22+$0x17070];
	v6 =	vmul.f32 v23, v27;
	[tilespmem:s22+$0x171A0] =	vst v63  }
0xa5: {  	v30 =	vld [tilespmem:s22+$0x17010];
	v7 =	vmul.f32 v24, v27;
	[tilespmem:s22+$0x16FB0] =	vst v4  }
0xa6: {  	v31 =	vld [tilespmem:s22+$0x17020];
	v8 =	vmul.f32 v25, v27;
	[tilespmem:s22+$0x16FC0] =	vst v6  }
0xa7: {  	v34 =	vld [tilespmem:s22+$0x17040];
	v9 =	vmul.f32 v28, v27;
	[tilespmem:s22+$0x16FD0] =	vst v7  }
0xa8: {  	v36 =	vld [tilespmem:s22+$0x17080];
	v5 =	vmul.f32 v33, v27;
	[tilespmem:s22+$0x16FE0] =	vst v8  }
0xa9: {  	v41 =	vld [tilespmem:s22+$0x170C0];
	v2 =	vmul.f32 v2, v37;
	[tilespmem:s22+$0x16FF0] =	vst v9  }
0xaa: {  	v54 =	vld [tilespmem:s22+$0x171E0];
	v4 =	vmul.f32 v30, v27;
	[tilespmem:s22+$0x17030] =	vst v5  }
0xab: {  	v3 =	vld [tilespmem:s22+$0x170D0];
	v6 =	vmul.f32 v31, v27;
	[tilespmem:s22+$0x17070] =	vst v2  }
0xac: {  	v8 =	vmul.f32 v34, v37;
	v2 =	vld [tilespmem:s22+$0x170E0];
	[tilespmem:s22+$0x17010] =	vst v4  }
0xad: {  	v38 =	vld [tilespmem:s22+$0x17090];
	v9 =	vmul.f32 v36, v37;
	[tilespmem:s22+$0x17020] =	vst v6  }
0xae: {  	v39 =	vld [tilespmem:s22+$0x170A0];
	v5 =	vmul.f32 v41, v37;
	[tilespmem:s22+$0x17040] =	vst v8  }
0xaf: {  	v40 =	vld [tilespmem:s22+$0x170B0];
	v7 =	vmul.f32 v54, v51;
	[tilespmem:s22+$0x17080] =	vst v9  }
0xb0: {  	v42 =	vld [tilespmem:s22+$0x170F0];
	[tilespmem:s22+$0x170C0] =	vst v5;
	v3 =	vmul.f32 v3, v32  }
0xb1: {  	v46 =	vld [tilespmem:s22+$0x17140];
	[tilespmem:s22+$0x171E0] =	vst v7;
	v2 =	vmul.f32 v2, v32  }
0xb2: {  	v4 =	vmul.f32 v38, v37;
	[tilespmem:s22+$0x170D0] =	vst v3;
	v3 =	vld [tilespmem:s22+$0x17150]  }
0xb3: {  	v6 =	vmul.f32 v39, v37;
	[tilespmem:s22+$0x170E0] =	vst v2;
	v2 =	vld [tilespmem:s22+$0x17160]  }
0xb4: {  	v43 =	vld [tilespmem:s22+$0x17100];
	v8 =	vmul.f32 v40, v37;
	[tilespmem:s22+$0x17090] =	vst v4  }
0xb5: {  	v44 =	vld [tilespmem:s22+$0x17120];
	v9 =	vmul.f32 v42, v32;
	[tilespmem:s22+$0x170A0] =	vst v6  }
0xb6: {  	v45 =	vld [tilespmem:s22+$0x17130];
	v5 =	vmul.f32 v46, v32;
	[tilespmem:s22+$0x170B0] =	vst v8  }
0xb7: {  	v52 =	vld [tilespmem:s22+$0x171B0];
	[tilespmem:s22+$0x170F0] =	vst v9;
	v3 =	vmul.f32 v3, v32  }
0xb8: {  	v58 =	vld [tilespmem:s22+$0x17210];
	[tilespmem:s22+$0x17140] =	vst v5;
	v2 =	vmul.f32 v2, v51  }
0xb9: {  	v4 =	vmul.f32 v43, v32;
	[tilespmem:s22+$0x17150] =	vst v3;
	v3 =	vld [tilespmem:s22+$0x171C0]  }
0xba: {  	v6 =	vmul.f32 v44, v32;
	[tilespmem:s22+$0x17160] =	vst v2;
	v2 =	vld [tilespmem:s22+$0x171D0]  }
0xbb: {  	v48 =	vld [tilespmem:s22+$0x17180];
	v1 =	vbroadcast v1, $0xF;
	v8 =	vmul.f32 v45, v32;
	[tilespmem:s22+$0x17100] =	vst v4  }
0xbc: {  	v49 =	vld [tilespmem:s22+$0x17190];
	v5 =	vmul.f32 v52, v51;
	[tilespmem:s22+$0x17120] =	vst v6  }
0xbd: {  	v59 =	vld [tilespmem:s22+$0x17220];
	v9 =	vmul.f32 v58, v1;
	[tilespmem:s22+$0x17130] =	vst v8  }
0xbe: {  	v55 =	vld [tilespmem:s22+$0x171F0];
	[tilespmem:s22+$0x171B0] =	vst v5;
	v3 =	vmul.f32 v3, v51  }
0xbf: {  	v57 =	vld [tilespmem:s22+$0x17200];
	[tilespmem:s22+$0x17210] =	vst v9;
	v2 =	vmul.f32 v2, v51  }
0xc0: {  	v4 =	vmul.f32 v48, v51;
	[tilespmem:s22+$0x171C0] =	vst v3;
	v3 =	vld [tilespmem:s22+$0x17230]  }
0xc1: {  	v6 =	vmul.f32 v49, v51;
	[tilespmem:s22+$0x171D0] =	vst v2;
	v2 =	vld [tilespmem:s22+$0x17240]  }
0xc2: {  	v60 =	vld [tilespmem:s22+$0x17250];
	v5 =	vmul.f32 v59, v1;
	[tilespmem:s22+$0x17180] =	vst v4  }
0xc3: {  	v61 =	vld [tilespmem:s22+$0x17260];
	[tilespmem:s22+$0x17190] =	vst v6;
	v4 =	vmul.f32 v55, v1  }
0xc4: {  	v62 =	vld [tilespmem:s22+$0x17270];
	v6 =	vmul.f32 v57, v1;
	[tilespmem:s22+$0x17220] =	vst v5  }
0xc5: {  	[tilespmem:s22+$0x171F0] =	vst v4;
	v3 =	vmul.f32 v3, v1  }
0xc6: {  	[tilespmem:s22+$0x17200] =	vst v6;
	v2 =	vmul.f32 v2, v1  }
0xc7: {  	[tilespmem:s22+$0x17230] =	vst v3;
	v3 =	vmul.f32 v60, v1  }
0xc8: {  	[tilespmem:s22+$0x17240] =	vst v2  }
0xc9: {  	s23 =	simm.s32 $0x1;
	v2 =	vmul.f32 v61, v1;
	v1 =	vmul.f32 v62, v1;
	[tilespmem:s22+$0x17250] =	vst v3  }
.LBB2_7:
0xca: {  	s24 =	sshll.u32 s23, $0x4  }
0xcb: {  	p0 =	sne.s32 s23, $0x7;
	[tilespmem:s22+$0x17260] =	vst v2;
	s25 =	smov.u32 s23;
	s23 =	sadd.s32 $0x1, s23  }
0xcc: {  	s24 =	sand.u32 $0x3FFFFFF0, s24;
	s25 =	smul.u32 $0x2400, s25;
	[tilespmem:s22+$0x17270] =	vst v1  }
0xcd: {  	v1 =	vld [tilespmem:s24+$0x16900]  }
0xce: {  	s22 =	sshra.s32 s25, $0x2  }
0xcf: {  	v5 =	vld [tilespmem:s22+$0x16990]  }
0xd0: {  	v6 =	vld [tilespmem:s22+$0x169D0]  }
0xd1: {  	v7 =	vld [tilespmem:s22+$0x169A0]  }
0xd2: {  	v2 =	vbroadcast v1, $0x0;
	v8 =	vld [tilespmem:s22+$0x169B0];
	v4 =	vbroadcast v1, $0x4  }
0xd3: {  	v10 =	vbroadcast v1, $0x2;
	v9 =	vld [tilespmem:s22+$0x169C0]  }
0xd4: {  	v3 =	vld [tilespmem:s22+$0x17110]  }
0xd5: {  	v5 =	vmul.f32 v5, v2;
	v6 =	vmul.f32 v6, v2;
	v11 =	vld [tilespmem:s22+$0x169E0]  }
0xd6: {  	v7 =	vmul.f32 v7, v2;
	v12 =	vld [tilespmem:s22+$0x169F0]  }
0xd7: {  	[tilespmem:s22+$0x16990] =	vst v5;
	v5 =	vmul.f32 v8, v2;
	v8 =	vld [tilespmem:s22+$0x16A00]  }
0xd8: {  	[tilespmem:s22+$0x169A0] =	vst v7;
	v7 =	vmul.f32 v9, v2;
	v9 =	vld [tilespmem:s22+$0x16A10]  }
0xd9: {  	[tilespmem:s22+$0x169B0] =	vst v5;
	v5 =	vld [tilespmem:s22+$0x16A20]  }
0xda: {  	[tilespmem:s22+$0x169C0] =	vst v7;
	v7 =	vmul.f32 v11, v2;
	v11 =	vld [tilespmem:s22+$0x16A30]  }
0xdb: {  	[tilespmem:s22+$0x169D0] =	vst v6;
	v6 =	vmul.f32 v12, v2;
	v12 =	vbroadcast v1, $0x1;
	v13 =	vld [tilespmem:s22+$0x16A40]  }
0xdc: {  	[tilespmem:s22+$0x169E0] =	vst v7;
	v7 =	vmul.f32 v8, v2;
	v8 =	vld [tilespmem:s22+$0x16A50]  }
0xdd: {  	[tilespmem:s22+$0x169F0] =	vst v6;
	v6 =	vmul.f32 v9, v12;
	v9 =	vld [tilespmem:s22+$0x16A60]  }
0xde: {  	[tilespmem:s22+$0x16A00] =	vst v7;
	v5 =	vmul.f32 v5, v12;
	v7 =	vld [tilespmem:s22+$0x16A70]  }
0xdf: {  	[tilespmem:s22+$0x16A10] =	vst v6;
	v6 =	vmul.f32 v11, v12;
	v11 =	vld [tilespmem:s22+$0x16A80]  }
0xe0: {  	[tilespmem:s22+$0x16A20] =	vst v5;
	v5 =	vmul.f32 v13, v12;
	v13 =	vld [tilespmem:s22+$0x16A90]  }
0xe1: {  	[tilespmem:s22+$0x16A30] =	vst v6;
	v6 =	vmul.f32 v8, v12;
	v8 =	vld [tilespmem:s22+$0x16AA0]  }
0xe2: {  	[tilespmem:s22+$0x16A40] =	vst v5;
	v5 =	vmul.f32 v9, v12;
	v9 =	vld [tilespmem:s22+$0x16AB0]  }
0xe3: {  	[tilespmem:s22+$0x16A50] =	vst v6;
	v6 =	vmul.f32 v7, v12;
	v7 =	vld [tilespmem:s22+$0x16AC0]  }
0xe4: {  	[tilespmem:s22+$0x16A60] =	vst v5;
	v5 =	vmul.f32 v11, v12;
	v11 =	vld [tilespmem:s22+$0x16AD0]  }
0xe5: {  	[tilespmem:s22+$0x16A70] =	vst v6;
	v6 =	vmul.f32 v13, v12;
	v12 =	vld [tilespmem:s22+$0x16AE0]  }
0xe6: {  	[tilespmem:s22+$0x16A80] =	vst v5;
	v5 =	vmul.f32 v8, v10;
	v8 =	vld [tilespmem:s22+$0x16AF0]  }
0xe7: {  	[tilespmem:s22+$0x16A90] =	vst v6;
	v6 =	vmul.f32 v9, v10;
	v9 =	vld [tilespmem:s22+$0x16B00]  }
0xe8: {  	[tilespmem:s22+$0x16AA0] =	vst v5;
	v5 =	vmul.f32 v7, v10;
	v7 =	vld [tilespmem:s22+$0x16B10]  }
0xe9: {  	[tilespmem:s22+$0x16AB0] =	vst v6;
	v6 =	vmul.f32 v11, v10;
	v11 =	vld [tilespmem:s22+$0x16B20]  }
0xea: {  	[tilespmem:s22+$0x16AC0] =	vst v5;
	v5 =	vmul.f32 v12, v10;
	v12 =	vld [tilespmem:s22+$0x16B30]  }
0xeb: {  	[tilespmem:s22+$0x16AD0] =	vst v6;
	v6 =	vmul.f32 v8, v10;
	v8 =	vld [tilespmem:s22+$0x16B40]  }
0xec: {  	[tilespmem:s22+$0x16AE0] =	vst v5;
	v5 =	vmul.f32 v9, v10;
	v9 =	vld [tilespmem:s22+$0x16B50]  }
0xed: {  	[tilespmem:s22+$0x16AF0] =	vst v6;
	v6 =	vmul.f32 v7, v10;
	v7 =	vbroadcast v1, $0x3;
	v13 =	vld [tilespmem:s22+$0x16B60]  }
0xee: {  	[tilespmem:s22+$0x16B00] =	vst v5;
	v5 =	vmul.f32 v11, v10;
	v10 =	vld [tilespmem:s22+$0x16B70]  }
0xef: {  	[tilespmem:s22+$0x16B10] =	vst v6;
	v6 =	vmul.f32 v12, v7;
	v11 =	vld [tilespmem:s22+$0x16B80]  }
0xf0: {  	[tilespmem:s22+$0x16B20] =	vst v5;
	v5 =	vmul.f32 v8, v7;
	v8 =	vld [tilespmem:s22+$0x16B90]  }
0xf1: {  	[tilespmem:s22+$0x16B30] =	vst v6;
	v6 =	vmul.f32 v9, v7;
	v9 =	vld [tilespmem:s22+$0x16BA0]  }
0xf2: {  	[tilespmem:s22+$0x16B40] =	vst v5;
	v5 =	vmul.f32 v13, v7;
	v12 =	vld [tilespmem:s22+$0x16BB0]  }
0xf3: {  	[tilespmem:s22+$0x16B50] =	vst v6;
	v6 =	vmul.f32 v10, v7;
	v10 =	vld [tilespmem:s22+$0x16BC0]  }
0xf4: {  	[tilespmem:s22+$0x16B60] =	vst v5;
	v5 =	vmul.f32 v11, v7;
	v11 =	vld [tilespmem:s22+$0x16BD0]  }
0xf5: {  	[tilespmem:s22+$0x16B70] =	vst v6;
	v6 =	vmul.f32 v8, v7;
	v8 =	vld [tilespmem:s22+$0x16BE0]  }
0xf6: {  	[tilespmem:s22+$0x16B80] =	vst v5;
	v5 =	vmul.f32 v9, v7;
	v9 =	vld [tilespmem:s22+$0x16BF0]  }
0xf7: {  	[tilespmem:s22+$0x16B90] =	vst v6;
	v6 =	vmul.f32 v12, v7;
	v7 =	vld [tilespmem:s22+$0x16C00]  }
0xf8: {  	[tilespmem:s22+$0x16BA0] =	vst v5;
	v5 =	vmul.f32 v10, v4;
	v10 =	vld [tilespmem:s22+$0x16C10]  }
0xf9: {  	[tilespmem:s22+$0x16BB0] =	vst v6;
	v6 =	vmul.f32 v11, v4;
	v11 =	vld [tilespmem:s22+$0x16C20]  }
0xfa: {  	[tilespmem:s22+$0x16BC0] =	vst v5;
	v5 =	vmul.f32 v8, v4;
	v8 =	vld [tilespmem:s22+$0x16C30]  }
0xfb: {  	[tilespmem:s22+$0x16BD0] =	vst v6;
	v6 =	vmul.f32 v9, v4;
	v9 =	vld [tilespmem:s22+$0x16C40]  }
0xfc: {  	[tilespmem:s22+$0x16BE0] =	vst v5;
	v5 =	vmul.f32 v7, v4;
	v7 =	vld [tilespmem:s22+$0x16C50]  }
0xfd: {  	[tilespmem:s22+$0x16BF0] =	vst v6;
	v6 =	vmul.f32 v10, v4;
	v10 =	vld [tilespmem:s22+$0x16C60]  }
0xfe: {  	[tilespmem:s22+$0x16C00] =	vst v5;
	v5 =	vmul.f32 v11, v4;
	v11 =	vld [tilespmem:s22+$0x16C70]  }
0xff: {  	[tilespmem:s22+$0x16C10] =	vst v6;
	v6 =	vmul.f32 v8, v4;
	v8 =	vbroadcast v1, $0x5;
	v12 =	vld [tilespmem:s22+$0x16C80]  }
0x100: {  	[tilespmem:s22+$0x16C20] =	vst v5;
	v4 =	vmul.f32 v9, v4;
	v5 =	vld [tilespmem:s22+$0x16C90]  }
0x101: {  	[tilespmem:s22+$0x16C30] =	vst v6;
	v6 =	vmul.f32 v7, v8;
	v7 =	vld [tilespmem:s22+$0x16CA0]  }
0x102: {  	[tilespmem:s22+$0x16C40] =	vst v4;
	v4 =	vmul.f32 v10, v8;
	v9 =	vld [tilespmem:s22+$0x16CB0]  }
0x103: {  	[tilespmem:s22+$0x16C50] =	vst v6;
	v6 =	vmul.f32 v11, v8;
	v10 =	vld [tilespmem:s22+$0x16CC0]  }
0x104: {  	[tilespmem:s22+$0x16C60] =	vst v4;
	v4 =	vmul.f32 v12, v8;
	v11 =	vld [tilespmem:s22+$0x16CD0]  }
0x105: {  	[tilespmem:s22+$0x16C70] =	vst v6;
	v5 =	vmul.f32 v5, v8;
	v6 =	vld [tilespmem:s22+$0x16CE0]  }
0x106: {  	[tilespmem:s22+$0x16C80] =	vst v4;
	v4 =	vmul.f32 v7, v8;
	v7 =	vld [tilespmem:s22+$0x16CF0]  }
0x107: {  	[tilespmem:s22+$0x16C90] =	vst v5;
	v5 =	vmul.f32 v9, v8;
	v9 =	vld [tilespmem:s22+$0x16D00]  }
0x108: {  	[tilespmem:s22+$0x16CA0] =	vst v4;
	v4 =	vmul.f32 v10, v8;
	v10 =	vbroadcast v1, $0x6;
	v12 =	vld [tilespmem:s22+$0x16D10]  }
0x109: {  	[tilespmem:s22+$0x16CB0] =	vst v5;
	v5 =	vmul.f32 v11, v8;
	v8 =	vld [tilespmem:s22+$0x16D20]  }
0x10a: {  	[tilespmem:s22+$0x16CC0] =	vst v4;
	v4 =	vmul.f32 v6, v10;
	v6 =	vld [tilespmem:s22+$0x16D30]  }
0x10b: {  	[tilespmem:s22+$0x16CD0] =	vst v5;
	v5 =	vmul.f32 v7, v10;
	v7 =	vld [tilespmem:s22+$0x16D40]  }
0x10c: {  	[tilespmem:s22+$0x16CE0] =	vst v4;
	v4 =	vmul.f32 v9, v10;
	v9 =	vld [tilespmem:s22+$0x16D50]  }
0x10d: {  	[tilespmem:s22+$0x16CF0] =	vst v5;
	v5 =	vmul.f32 v12, v10;
	v11 =	vld [tilespmem:s22+$0x16D60]  }
0x10e: {  	[tilespmem:s22+$0x16D00] =	vst v4;
	v4 =	vmul.f32 v8, v10;
	v8 =	vld [tilespmem:s22+$0x16D70]  }
0x10f: {  	[tilespmem:s22+$0x16D10] =	vst v5;
	v5 =	vmul.f32 v6, v10;
	v6 =	vld [tilespmem:s22+$0x16D80]  }
0x110: {  	[tilespmem:s22+$0x16D20] =	vst v4;
	v4 =	vmul.f32 v7, v10;
	v7 =	vld [tilespmem:s22+$0x16D90]  }
0x111: {  	[tilespmem:s22+$0x16D30] =	vst v5;
	v5 =	vmul.f32 v9, v10;
	v9 =	vbroadcast v1, $0x7;
	v12 =	vld [tilespmem:s22+$0x16DA0]  }
0x112: {  	[tilespmem:s22+$0x16D40] =	vst v4;
	v4 =	vmul.f32 v11, v10;
	v10 =	vld [tilespmem:s22+$0x16DB0]  }
0x113: {  	[tilespmem:s22+$0x16D50] =	vst v5;
	v5 =	vmul.f32 v8, v9;
	v8 =	vld [tilespmem:s22+$0x16DC0]  }
0x114: {  	[tilespmem:s22+$0x16D60] =	vst v4;
	v4 =	vmul.f32 v6, v9;
	v6 =	vld [tilespmem:s22+$0x16DD0]  }
0x115: {  	[tilespmem:s22+$0x16D70] =	vst v5;
	v5 =	vmul.f32 v7, v9;
	v7 =	vld [tilespmem:s22+$0x16DE0]  }
0x116: {  	[tilespmem:s22+$0x16D80] =	vst v4;
	v4 =	vmul.f32 v12, v9;
	v11 =	vld [tilespmem:s22+$0x16DF0]  }
0x117: {  	[tilespmem:s22+$0x16D90] =	vst v5;
	v5 =	vmul.f32 v10, v9;
	v10 =	vld [tilespmem:s22+$0x16E00]  }
0x118: {  	[tilespmem:s22+$0x16DA0] =	vst v4;
	v4 =	vmul.f32 v8, v9;
	v8 =	vld [tilespmem:s22+$0x16E10]  }
0x119: {  	[tilespmem:s22+$0x16DB0] =	vst v5;
	v5 =	vmul.f32 v6, v9;
	v6 =	vld [tilespmem:s22+$0x16E20]  }
0x11a: {  	[tilespmem:s22+$0x16DC0] =	vst v4;
	v4 =	vmul.f32 v7, v9;
	v7 =	vbroadcast v1, $0x8;
	v12 =	vld [tilespmem:s22+$0x16E30]  }
0x11b: {  	[tilespmem:s22+$0x16DD0] =	vst v5;
	v5 =	vmul.f32 v11, v9;
	v9 =	vld [tilespmem:s22+$0x16E40]  }
0x11c: {  	[tilespmem:s22+$0x16DE0] =	vst v4;
	v4 =	vmul.f32 v10, v7;
	v10 =	vld [tilespmem:s22+$0x16E50]  }
0x11d: {  	[tilespmem:s22+$0x16DF0] =	vst v5;
	v5 =	vmul.f32 v8, v7;
	v8 =	vld [tilespmem:s22+$0x16E60]  }
0x11e: {  	[tilespmem:s22+$0x16E00] =	vst v4;
	v4 =	vmul.f32 v6, v7;
	v6 =	vld [tilespmem:s22+$0x16E70]  }
0x11f: {  	[tilespmem:s22+$0x16E10] =	vst v5;
	v5 =	vmul.f32 v12, v7;
	v11 =	vld [tilespmem:s22+$0x16E80]  }
0x120: {  	[tilespmem:s22+$0x16E20] =	vst v4;
	v4 =	vmul.f32 v9, v7;
	v9 =	vld [tilespmem:s22+$0x16E90]  }
0x121: {  	[tilespmem:s22+$0x16E30] =	vst v5;
	v5 =	vmul.f32 v10, v7;
	v10 =	vld [tilespmem:s22+$0x16EA0]  }
0x122: {  	[tilespmem:s22+$0x16E40] =	vst v4;
	v4 =	vmul.f32 v8, v7;
	v8 =	vld [tilespmem:s22+$0x16EB0]  }
0x123: {  	[tilespmem:s22+$0x16E50] =	vst v5;
	v5 =	vmul.f32 v6, v7;
	v6 =	vbroadcast v1, $0x9;
	v12 =	vld [tilespmem:s22+$0x16EC0]  }
0x124: {  	[tilespmem:s22+$0x16E60] =	vst v4;
	v4 =	vmul.f32 v11, v7;
	v7 =	vld [tilespmem:s22+$0x16ED0]  }
0x125: {  	[tilespmem:s22+$0x16E70] =	vst v5;
	v5 =	vmul.f32 v9, v6;
	v9 =	vld [tilespmem:s22+$0x16EE0]  }
0x126: {  	[tilespmem:s22+$0x16E80] =	vst v4;
	v4 =	vmul.f32 v10, v6;
	v10 =	vld [tilespmem:s22+$0x16EF0]  }
0x127: {  	[tilespmem:s22+$0x16E90] =	vst v5;
	v5 =	vmul.f32 v8, v6;
	v8 =	vld [tilespmem:s22+$0x16F00]  }
0x128: {  	[tilespmem:s22+$0x16EA0] =	vst v4;
	v4 =	vmul.f32 v12, v6;
	v11 =	vld [tilespmem:s22+$0x16F10]  }
0x129: {  	[tilespmem:s22+$0x16EB0] =	vst v5;
	v5 =	vmul.f32 v7, v6;
	v7 =	vld [tilespmem:s22+$0x16F20]  }
0x12a: {  	[tilespmem:s22+$0x16EC0] =	vst v4;
	v4 =	vmul.f32 v9, v6;
	v9 =	vld [tilespmem:s22+$0x16F30]  }
0x12b: {  	[tilespmem:s22+$0x16ED0] =	vst v5;
	v5 =	vmul.f32 v10, v6;
	v10 =	vld [tilespmem:s22+$0x16F40]  }
0x12c: {  	[tilespmem:s22+$0x16EE0] =	vst v4;
	v4 =	vmul.f32 v8, v6;
	v8 =	vbroadcast v1, $0xA;
	v12 =	vld [tilespmem:s22+$0x16F50]  }
0x12d: {  	[tilespmem:s22+$0x16EF0] =	vst v5;
	v5 =	vmul.f32 v11, v6;
	v6 =	vld [tilespmem:s22+$0x16F60]  }
0x12e: {  	[tilespmem:s22+$0x16F00] =	vst v4;
	v4 =	vmul.f32 v7, v8;
	v7 =	vld [tilespmem:s22+$0x16F70]  }
0x12f: {  	[tilespmem:s22+$0x16F10] =	vst v5;
	v5 =	vmul.f32 v9, v8;
	v9 =	vld [tilespmem:s22+$0x16F80]  }
0x130: {  	[tilespmem:s22+$0x16F20] =	vst v4;
	v4 =	vmul.f32 v10, v8;
	v10 =	vld [tilespmem:s22+$0x16F90]  }
0x131: {  	[tilespmem:s22+$0x16F30] =	vst v5;
	v5 =	vmul.f32 v12, v8;
	v11 =	vld [tilespmem:s22+$0x16FA0]  }
0x132: {  	[tilespmem:s22+$0x16F40] =	vst v4;
	v4 =	vmul.f32 v6, v8;
	v6 =	vld [tilespmem:s22+$0x16FB0]  }
0x133: {  	[tilespmem:s22+$0x16F50] =	vst v5;
	v5 =	vmul.f32 v7, v8;
	v7 =	vld [tilespmem:s22+$0x16FC0]  }
0x134: {  	[tilespmem:s22+$0x16F60] =	vst v4;
	v4 =	vmul.f32 v9, v8;
	v9 =	vld [tilespmem:s22+$0x16FD0]  }
0x135: {  	[tilespmem:s22+$0x16F70] =	vst v5;
	v5 =	vmul.f32 v10, v8;
	v10 =	vbroadcast v1, $0xB;
	v12 =	vld [tilespmem:s22+$0x16FE0]  }
0x136: {  	v13 =	vld [tilespmem:s22+$0x16980];
	[tilespmem:s22+$0x16F80] =	vst v4;
	v4 =	vmul.f32 v11, v8  }
0x137: {  	[tilespmem:s22+$0x16F90] =	vst v5;
	v5 =	vmul.f32 v6, v10;
	v6 =	vld [tilespmem:s22+$0x16FF0]  }
0x138: {  	[tilespmem:s22+$0x16FA0] =	vst v4;
	v4 =	vmul.f32 v7, v10;
	v7 =	vld [tilespmem:s22+$0x17000]  }
0x139: {  	[tilespmem:s22+$0x16FB0] =	vst v5;
	v5 =	vmul.f32 v9, v10;
	v8 =	vld [tilespmem:s22+$0x17010];
	v9 =	vbroadcast v1, $0xD  }
0x13a: {  	[tilespmem:s22+$0x16FC0] =	vst v4;
	v4 =	vmul.f32 v12, v10;
	v11 =	vld [tilespmem:s22+$0x17020]  }
0x13b: {  	v2 =	vmul.f32 v2, v13;
	[tilespmem:s22+$0x16FD0] =	vst v5;
	v5 =	vld [tilespmem:s22+$0x17030];
	v3 =	vmul.f32 v3, v9  }
0x13c: {  	[tilespmem:s22+$0x16FE0] =	vst v4;
	v4 =	vmul.f32 v6, v10;
	v6 =	vld [tilespmem:s22+$0x17040]  }
0x13d: {  	v7 =	vmul.f32 v7, v10;
	v12 =	vld [tilespmem:s22+$0x17050];
	[tilespmem:s22+$0x17110] =	vst v3  }
0x13e: {  	[tilespmem:s22+$0x16FF0] =	vst v4;
	v3 =	vld [tilespmem:s22+$0x17060]  }
0x13f: {  	v4 =	vbroadcast v1, $0xC;
	[tilespmem:s22+$0x16980] =	vst v2;
	v2 =	vmul.f32 v8, v10;
	v8 =	vld [tilespmem:s22+$0x17070]  }
0x140: {  	[tilespmem:s22+$0x17000] =	vst v7;
	v7 =	vmul.f32 v11, v10;
	v5 =	vmul.f32 v5, v10;
	v10 =	vld [tilespmem:s22+$0x17080]  }
0x141: {  	[tilespmem:s22+$0x17010] =	vst v2;
	v2 =	vmul.f32 v6, v4;
	v6 =	vld [tilespmem:s22+$0x17090]  }
0x142: {  	[tilespmem:s22+$0x17020] =	vst v7;
	v7 =	vmul.f32 v12, v4;
	v11 =	vld [tilespmem:s22+$0x170A0]  }
0x143: {  	[tilespmem:s22+$0x17040] =	vst v2;
	v2 =	vmul.f32 v3, v4;
	v3 =	vld [tilespmem:s22+$0x170B0]  }
0x144: {  	[tilespmem:s22+$0x17030] =	vst v5;
	v5 =	vmul.f32 v8, v4;
	v8 =	vld [tilespmem:s22+$0x170C0]  }
0x145: {  	[tilespmem:s22+$0x17060] =	vst v2;
	v2 =	vmul.f32 v10, v4;
	v10 =	vld [tilespmem:s22+$0x170D0]  }
0x146: {  	[tilespmem:s22+$0x17070] =	vst v5;
	v5 =	vmul.f32 v6, v4;
	v6 =	vld [tilespmem:s22+$0x170E0]  }
0x147: {  	[tilespmem:s22+$0x17080] =	vst v2;
	v2 =	vmul.f32 v11, v4;
	v11 =	vld [tilespmem:s22+$0x170F0]  }
0x148: {  	[tilespmem:s22+$0x17090] =	vst v5;
	v3 =	vmul.f32 v3, v4;
	v5 =	vld [tilespmem:s22+$0x17100]  }
0x149: {  	[tilespmem:s22+$0x170A0] =	vst v2;
	v2 =	vmul.f32 v8, v4;
	v4 =	vld [tilespmem:s22+$0x17120]  }
0x14a: {  	[tilespmem:s22+$0x170B0] =	vst v3;
	v3 =	vmul.f32 v10, v9;
	v8 =	vld [tilespmem:s22+$0x17130]  }
0x14b: {  	[tilespmem:s22+$0x170C0] =	vst v2;
	v2 =	vmul.f32 v6, v9;
	v6 =	vld [tilespmem:s22+$0x17140]  }
0x14c: {  	[tilespmem:s22+$0x170D0] =	vst v3;
	v3 =	vmul.f32 v11, v9;
	v10 =	vld [tilespmem:s22+$0x17150]  }
0x14d: {  	[tilespmem:s22+$0x170E0] =	vst v2;
	v2 =	vmul.f32 v5, v9;
	v5 =	vld [tilespmem:s22+$0x17160]  }
0x14e: {  	[tilespmem:s22+$0x170F0] =	vst v3;
	v3 =	vmul.f32 v4, v9;
	v4 =	vld [tilespmem:s22+$0x17170]  }
0x14f: {  	[tilespmem:s22+$0x17100] =	vst v2;
	v2 =	vmul.f32 v8, v9;
	v8 =	vld [tilespmem:s22+$0x17180]  }
0x150: {  	[tilespmem:s22+$0x17120] =	vst v3;
	v3 =	vmul.f32 v6, v9;
	v6 =	vbroadcast v1, $0xE;
	v11 =	vld [tilespmem:s22+$0x17190]  }
0x151: {  	[tilespmem:s22+$0x17130] =	vst v2;
	v2 =	vmul.f32 v10, v9;
	v9 =	vld [tilespmem:s22+$0x171A0]  }
0x152: {  	[tilespmem:s22+$0x17140] =	vst v3;
	v3 =	vmul.f32 v5, v6;
	v5 =	vld [tilespmem:s22+$0x171B0]  }
0x153: {  	[tilespmem:s22+$0x17150] =	vst v2;
	v2 =	vmul.f32 v4, v6;
	v4 =	vld [tilespmem:s22+$0x171C0]  }
0x154: {  	[tilespmem:s22+$0x17160] =	vst v3;
	v3 =	vmul.f32 v8, v6;
	v8 =	vld [tilespmem:s22+$0x171D0]  }
0x155: {  	[tilespmem:s22+$0x17170] =	vst v2;
	v2 =	vmul.f32 v11, v6;
	v10 =	vld [tilespmem:s22+$0x171E0]  }
0x156: {  	[tilespmem:s22+$0x17180] =	vst v3;
	v3 =	vmul.f32 v9, v6;
	v9 =	vld [tilespmem:s22+$0x171F0]  }
0x157: {  	[tilespmem:s22+$0x17190] =	vst v2;
	v2 =	vmul.f32 v5, v6;
	v5 =	vld [tilespmem:s22+$0x17200]  }
0x158: {  	[tilespmem:s22+$0x17050] =	vst v7;
	v4 =	vmul.f32 v4, v6;
	v7 =	vld [tilespmem:s22+$0x17210]  }
0x159: {  	v1 =	vbroadcast v1, $0xF;
	[tilespmem:s22+$0x171B0] =	vst v2;
	v2 =	vmul.f32 v8, v6;
	v8 =	vld [tilespmem:s22+$0x17220]  }
0x15a: {  	[tilespmem:s22+$0x171C0] =	vst v4;
	v4 =	vmul.f32 v10, v6;
	v6 =	vld [tilespmem:s22+$0x17230]  }
0x15b: {  	[tilespmem:s22+$0x171D0] =	vst v2;
	v2 =	vmul.f32 v9, v1;
	v9 =	vld [tilespmem:s22+$0x17240]  }
0x15c: {  	[tilespmem:s22+$0x171E0] =	vst v4;
	v4 =	vmul.f32 v5, v1;
	v5 =	vld [tilespmem:s22+$0x17250]  }
0x15d: {  	[tilespmem:s22+$0x171F0] =	vst v2;
	v2 =	vmul.f32 v7, v1;
	v7 =	vld [tilespmem:s22+$0x17260]  }
0x15e: {  	[tilespmem:s22+$0x17200] =	vst v4;
	v4 =	vmul.f32 v8, v1;
	v8 =	vld [tilespmem:s22+$0x17270]  }
0x15f: {  	[tilespmem:s22+$0x17210] =	vst v2;
	v2 =	vmul.f32 v6, v1  }
.Ltmp2:
0x160: {  	[tilespmem:s22+$0x17220] =	vst v4;
	v4 =	vmul.f32 v9, v1;
	(pc) =	sbr.rel @p0 .LBB2_7-.Ltmp2, $4  }
0x161: {  	[tilespmem:s22+$0x17230] =	vst v2;
	v2 =	vmul.f32 v5, v1  }
0x162: {  	[tilespmem:s22+$0x17240] =	vst v4  }
0x163: {  	[tilespmem:s22+$0x17250] =	vst v2;
	v2 =	vmul.f32 v7, v1;
	v1 =	vmul.f32 v8, v1  }
0x164: {  	[tilespmem:s22+$0x171A0] =	vst v3  }
0x165: {  	s21 =	sadd.s32 $0x1, s21  }
0x166: {  	[tilespmem:s22+$0x17260] =	vst v2;
	p0 =	sne.s32 s21, $0x50  }
.Ltmp3:
0x167: {  	[tilespmem:s22+$0x17270] =	vst v1;
	(pc) =	sbr.rel @p0 .LBB2_6-.Ltmp3, $4  }
0x168: {  	[spmem:s1] =	stream.indirect.scatter.add.f32 [tilespmem:s18], [sflag:$0x2], $0x90, s15, s17, $0xb8;
	[tilespmem:$0x1C380] =	vst v63  }
0x169: {  	_ =	swait.ge [sflag:s13], $0x4800  }
0x16a: {  	[sflag:s13] =	ssyncset.done $0x0  }
0x16b: {  	[sflag:s13] =	ssyncadd.s32 $0xFFFFB800  }
0x16c: {  	s3 =	sadd.s32 $0x1, s3  }
0x16d: {  	s20 =	sshll.u32 s2, $0x6;
	[bflag:$0x0] =	sbarrier.arrive $0xFFFF;
	p0 =	sne.s32 s3, s11  }
.Ltmp4:
0x16e: {  	s21 =	sshrl.u32 s10, $0x3;
	s20 =	sor.u32 $0x1C02, s20;
	(pc) =	sbr.rel @p0 .LBB2_1-.Ltmp4, $4  }
0x16f: {  	[hbm:s9], [sflag:s20] =	dma.local [spmem:s21], $0x2D00  }
0x170: {  	_ =	swait.ge [sflag:s13], $0x2D00  }
0x171: {  	[sflag:s13] =	ssyncset.done $0x0  }
0x172: {  	[sflag:s13] =	ssyncadd.s32 $0xFFFFD300  }
0x173: {  	_ =	sfence.sel $0x180000  }
0x174: {  	[bflag:$0x0] =	sbarrier.arrive $0xFFFF  }
0x175: {  	p0 =	sne.s32 s2, $0x0;
	_ =	strace $0x9000004D  }
0x176: {  	s0 =	sadd.s32 @!p0 $0x100000, s0;
	[bflag:$0x2] =	sbarrier.arrive $0xFFFF  }
0x177: {  	[sflag:s0] =	ssyncadd.tile.s32 @!p0 $0x1;
	_ =	shalt  }
.Lfunc_end2:
_tile_overlayer_lowered:
.L_overlay_start_2:
0x178: {  	(tag) =	ssettag $0x2  }
0x179: {  	s0 =	rddreg [dreg:$0x0];
	s2 =	stileid.u32  }
0x17a: {  	s1 =	rddreg [dreg:$0x1];
	p0 =	sne.s32 s2, $0x0  }
0x17b: {  	s3 =	rddreg [dreg:$0x2];
	[bflag:$0x3] =	sbarrier.arrive $0xFFFF;
	s2 =	simm.s32 @!p0 $0x1C02  }
0x17c: {  	[timem:s3], [sflag:s2] =	dma.local @!p0 [hbm:s0], s1  }
0x17d: {  	s0 =	simm.s32 @!p0 $0x2  }
0x17e: {  	_ =	swait.ge @!p0 [sflag:s0], s1  }
0x17f: {  	s1 =	ssub.s32 @!p0 $0x0, s1;
	[sflag:s0] =	ssyncset.done @!p0 $0x0  }
0x180: {  	[sflag:s0] =	ssyncadd.s32 @!p0 s1  }
0x181: {  	[bflag:$0x3] =	sbarrier.arrive $0xFFFF  }
0x182: {  	_ =	shalt  }

// kernel: kernel.8.cloned.1.call-start
scs
__scs_entry_jumppad:
0x0: {  	(pc) =	sbr.rel $0x88, $3  }
0x1: {  	(tag) =	ssettag $0x0;
	lr =	simm.s32 $0x1  }
0x2: {  	[smem:$0x3F9A] =	sst lr;
	_ =	strace $0xD0000000  }
0x3: {  	_ = 	snop  }
0x4: {  	_ = 	snop  }
0x5: {  	_ = 	snop  }
0x6: {  	_ = 	snop  }
0x7: {  	_ = 	snop  }
__scs_overlays_trampoline_lowered:
0x8: {  	[smem:$0x3FA9] =	sst s0  }
0x9: {  	[smem:$0x3FAA] =	sst s1  }
0xa: {  	[smem:$0x3FAB] =	sst s2  }
0xb: {  	[smem:$0x3FAC] =	sst s3  }
0xc: {  	[smem:$0x3FAD] =	sst s4  }
0xd: {  	[smem:$0x3FAE] =	sst s5  }
0xe: {  	[smem:$0x3FAF] =	sst s6  }
0xf: {  	[smem:$0x3FB0] =	sst s7  }
0x10: {  	[smem:$0x3FB1] =	sst s8  }
0x11: {  	[smem:$0x3FB2] =	sst s9;
	s0 =	simm.s32 @!p0 $0x0  }
0x12: {  	s1 =	sld [smem:$0x3F98];
	s0 =	simm.s32 @p0 $0x1  }
0x13: {  	[smem:$0x3FB3] =	sst s0;
	s0 =	simm.s32 @!p1 $0x0  }
0x14: {  	s2 =	sld [smem:$0x3F97];
	s0 =	simm.s32 @p1 $0x1  }
0x15: {  	[smem:$0x3FB4] =	sst s0;
	s0 =	simm.s32 @!p2 $0x0  }
0x16: {  	s3 =	sld [smem:$0x3FDB];
	s0 =	simm.s32 @p2 $0x1  }
0x17: {  	s4 =	simm.s32 $0x1BF5;
	[smem:$0x3FB6] =	sst s0  }
0x18: {  	s0 =	sld [smem:$0x3F99];
	_ =	swait.ge [sflag:s4], $0x0  }
0x19: {  	s7 =	sld [smem:$0x3F9A]  }
0x1a: {  	s8 =	sadd.s32 $0xFFFFE003, lr  }
0x1b: {  	s9 =	sadd.s32 $0xFFFFFEF7, lr;
	s5 =	simm.s32 $0xFFFFFFFF;
	p2 =	slt.u32 s8, $0xFFFFF086  }
0x1c: {  	p1 =	slt.u32 s9, $0xF7A;
	s5 =	simm.s32 @!p2 $0x0  }
0x1d: {  	s5 =	simm.s32 @p1 $0x1;
	p0 =	seq.s32 s7, s2  }
0x1e: {  	s7 =	smul.u32 @!p0 $0xF7A, s2;
	p2 =	seq.s32 @!p0 s5, $0x0  }
0x1f: {  	s9 =	smul.u32 $0xF7A, s1;
	s8 =	simm.s32 @!p0 $0x1BF5;
	p2 =	por !p2, p0  }
0x20: {  	[sflag:s8] =	ssyncset.s32 @!p0 $0xFFFFF086;
	s6 =	sadd.s32 @!p0 s3, s7;
	s7 =	simm.s32 @!p0 $0x108  }
0x21: {  	s3 =	sadd.s32 s3, s9;
	s6 =	sadd.s32 @!p0 $0x88, s6;
	s7 =	simm.s32 @p2 $0x1082  }
0x22: {  	[simem:s7], [sflag:s8] =	dma.local @!p0 [hbm:s6], $0xF7A  }
0x23: {  	s9 =	sor.u32 $0xD0000000, s2;
	s6 =	simm.s32 $0x108;
	_ =	swait.ge @!p0 [sflag:s8], $0x0  }
0x24: {  	s3 =	sadd.s32 $0x88, s3;
	s6 =	simm.s32 @!p1 $0x1082;
	[sflag:s4] =	ssyncset.s32 $0xFFFFF086  }
0x25: {  	[simem:s6], [sflag:s4] =	dma.local [hbm:s3], $0xF7A  }
0x26: {  	[smem:$0x3F9A] =	sst s1;
	(tag) =	ssettag s2;
	_ =	strace s9  }
0x27: {  	s1 =	sld [smem:$0x3FAA]  }
0x28: {  	s2 =	sld [smem:$0x3FAB]  }
0x29: {  	s4 =	sld [smem:$0x3FAD]  }
0x2a: {  	p0 =	seq.s32 s5, $0x0;
	s5 =	sld [smem:$0x3FAE]  }
0x2b: {  	s6 =	sld [smem:$0x3FAF]  }
0x2c: {  	s7 =	sld [smem:$0x3FB0]  }
0x2d: {  	s3 =	simm.s32 $0x108;
	s8 =	sld [smem:$0x3FB1]  }
0x2e: {  	s3 =	simm.s32 @!p0 $0x1082;
	s9 =	sld [smem:$0x3FB2]  }
0x2f: {  	lr =	sadd.s32 s0, s3;
	s0 =	sld [smem:$0x3FA9]  }
0x30: {  	s3 =	sld [smem:$0x3FAC]  }
0x31: {  	[smem:$0x3FB5] =	sst s10  }
0x32: {  	s10 =	sld [smem:$0x3FB3];
	_ =	sdelay $0x3  }
0x33: {  	p0 =	seq.s32 s10, $0x1;
	s10 =	sld [smem:$0x3FB5];
	_ =	sdelay $0x3  }
0x34: {  	[smem:$0x3FB5] =	sst s10  }
0x35: {  	s10 =	sld [smem:$0x3FB4];
	_ =	sdelay $0x3  }
0x36: {  	p1 =	seq.s32 s10, $0x1;
	s10 =	sld [smem:$0x3FB5];
	_ =	sdelay $0x3  }
0x37: {  	[smem:$0x3FB5] =	sst s10  }
0x38: {  	s10 =	sld [smem:$0x3FB6]  }
0x39: {  	_ = 	snop;
	(pc) =	sbr.ind lr, $3  }
0x3a: {  	_ = 	snop  }
0x3b: {  	_ = 	snop  }
0x3c: {  	p2 =	seq.s32 s10, $0x1;
	s10 =	sld [smem:$0x3FB5]  }
0x3d: {  	_ =	shalt  }
0x3e: {  	_ =	shalt  }
0x3f: {  	_ =	shalt  }
0x40: {  	_ =	shalt  }
0x41: {  	_ =	shalt  }
0x42: {  	_ =	shalt  }
0x43: {  	_ =	shalt  }
0x44: {  	_ =	shalt  }
0x45: {  	_ =	shalt  }
0x46: {  	_ =	shalt  }
0x47: {  	_ =	shalt  }
0x48: {  	_ =	shalt  }
0x49: {  	_ =	shalt  }
0x4a: {  	_ =	shalt  }
0x4b: {  	_ =	shalt  }
0x4c: {  	_ =	shalt  }
0x4d: {  	_ =	shalt  }
0x4e: {  	_ =	shalt  }
0x4f: {  	_ =	shalt  }
0x50: {  	_ =	shalt  }
0x51: {  	_ =	shalt  }
0x52: {  	_ =	shalt  }
0x53: {  	_ =	shalt  }
0x54: {  	_ =	shalt  }
0x55: {  	_ =	shalt  }
0x56: {  	_ =	shalt  }
0x57: {  	_ =	shalt  }
0x58: {  	_ =	shalt  }
0x59: {  	_ =	shalt  }
0x5a: {  	_ =	shalt  }
0x5b: {  	_ =	shalt  }
0x5c: {  	_ =	shalt  }
0x5d: {  	_ =	shalt  }
0x5e: {  	_ =	shalt  }
0x5f: {  	_ =	shalt  }
0x60: {  	_ =	shalt  }
0x61: {  	_ =	shalt  }
0x62: {  	_ =	shalt  }
0x63: {  	_ =	shalt  }
0x64: {  	_ =	shalt  }
0x65: {  	_ =	shalt  }
0x66: {  	_ =	shalt  }
0x67: {  	_ =	shalt  }
0x68: {  	_ =	shalt  }
0x69: {  	_ =	shalt  }
0x6a: {  	_ =	shalt  }
0x6b: {  	_ =	shalt  }
0x6c: {  	_ =	shalt  }
0x6d: {  	_ =	shalt  }
0x6e: {  	_ =	shalt  }
0x6f: {  	_ =	shalt  }
0x70: {  	_ =	shalt  }
0x71: {  	_ =	shalt  }
0x72: {  	_ =	shalt  }
0x73: {  	_ =	shalt  }
0x74: {  	_ =	shalt  }
0x75: {  	_ =	shalt  }
0x76: {  	_ =	shalt  }
0x77: {  	_ =	shalt  }
0x78: {  	_ =	shalt  }
0x79: {  	_ =	shalt  }
0x7a: {  	_ =	shalt  }
0x7b: {  	_ =	shalt  }
0x7c: {  	_ =	shalt  }
0x7d: {  	_ =	shalt  }
0x7e: {  	_ =	shalt  }
0x7f: {  	_ =	shalt  }
0x80: {  	_ =	shalt  }
0x81: {  	_ =	shalt  }
0x82: {  	_ =	shalt  }
0x83: {  	_ =	shalt  }
0x84: {  	_ =	shalt  }
0x85: {  	_ =	shalt  }
0x86: {  	_ =	shalt  }
0x87: {  	_ =	shalt  }
.Lfunc_end0:
.L_simem_size_0:
called_computation_lowered:
.L_overlay_start_0:
0x88: {  	s2 =	sld [smem:$0x3FD9]  }
0x89: {  	s3 =	sld [smem:$0x3FFE];
	_ =	sdelay $0x1  }
0x8a: {  	s1 =	srdreg.scid  }
0x8b: {  	s0 =	sand.u32 $0x1, s1  }
0x8c: {  	s16 =	sshll.u32 s0, $0xA;
	s2 =	sadd.s32 s3, s2  }
0x8d: {  	s2 =	sadd.s32 s2, s16  }
0x8e: {  	[smem:$0x3FC1] =	sst s2  }
0x8f: {  	_ = 	snop  }
0x90: {  	(tm) =	ssettm $0x1  }
0x91: {  	s17 =	sld [smem:$0x3FFB];
	_ =	sdelay $0x3  }
0x92: {  	_ =	strace s17  }
0x93: {  	s2 =	sld [smem:$0x3FFC];
	_ =	sdelay $0x3  }
0x94: {  	_ =	strace s2  }
0x95: {  	s2 =	sld [smem:$0x3FFD];
	_ =	sdelay $0x3  }
0x96: {  	_ =	strace s2  }
0x97: {  	_ =	strace $0x8FFFFFFF  }
0x98: {  	s18 =	sld [smem:$0x3FDB];
	_ =	sdelay $0x1  }
0x99: {  	s19 =	simm.s32 $_scs_section_size  }
0x9a: {  	s4 =	simm.s32 $_size__tile_overlayer_lowered;
	s5 =	simm.s32 $_tile_overlayer_lowered  }
0x9b: {  	s22 =	simm.s32 $0x1BFF;
	s21 =	sshll.u32 s5, $0x1;
	s2 =	sadd.s32 s19, s18  }
0x9c: {  	s6 =	simm.s32 $0x0;
	s20 =	sshll.u32 s4, $0x1;
	s4 =	sadd.s32 s21, s2  }
0x9d: {  	[timem:s6], [sflag:s22] =	dma.local [hbm:s4], s20  }
0x9e: {  	_ =	swait.ge [sflag:s22], s20  }
0x9f: {  	s3 =	ssub.s32 $0x0, s20;
	[sflag:s22] =	ssyncset.done $0x0  }
0xa0: {  	[sflag:s22] =	ssyncadd.s32 s3;
	_ =	sdelay $0x1  }
0xa1: {  	s23 =	simm.s32 $0x1B8B  }
0xa2: {  	_ =	swait.ge [sflag:s23], $0x1  }
0xa3: {  	[sflag:s23] =	ssyncset.done $0x0  }
0xa4: {  	s25 =	simm.s32 $0x1B8E;
	s24 =	sld [smem:$0x3FFE];
	[sflag:s23] =	ssyncadd.s32 $0xFFFFFFFF  }
0xa5: {  	s26 =	simm.s32 $execute0_lowered;
	[smem:$0x3FD2] =	sst s25  }
0xa6: {  	s4 =	sshll.u32 s26, $0x1;
	_ =	strace $0x80000046;
	[dreg:$0x1] =	wrdreg $0xFFFFFFFF  }
0xa7: {  	s28 =	simm.s32 $_size_execute0_lowered;
	s2 =	sadd.s32 s2, s4;
	[dreg:$0x0] =	wrdreg $0x0  }
0xa8: {  	s4 =	sshll.u32 s28, $0x1;
	[dreg:$0x2] =	wrdreg s2  }
0xa9: {  	[dreg:$0x3] =	wrdreg s4  }
0xaa: {  	[dreg:$0x4] =	wrdreg $0xC0  }
0xab: {  	_ =	task [dreg:s6], $0x5FFFF  }
0xac: {  	[dreg:$0x1] =	wrdreg $0xFFFFFFFF  }
0xad: {  	[dreg:$0x0] =	wrdreg $0x60  }
0xae: {  	[dreg:$0x2] =	wrdreg s24  }
0xaf: {  	[dreg:$0x3] =	wrdreg $0x0  }
0xb0: {  	[dreg:$0x4] =	wrdreg $0x9  }
0xb1: {  	_ =	task.clear_ibuf [dreg:s6], $0x5FFFF;
	_ =	strace $0x90000046  }
0xb2: {  	s29 =	simm.s32 $0x9;
	_ =	strace $0x80000048  }
0xb3: {  	_ =	swait.ge [sflag:s29], $0x1  }
0xb4: {  	[sflag:s29] =	ssyncadd.s32 $0xFFFFFFFF  }
0xb5: {  	_ =	strace $0x90000048  }
0xb6: {  	_ =	sfence  }
0xb7: {  	s30 =	sld [smem:$0x0];
	_ =	sdelay $0x2  }
0xb8: {  	s31 =	sshll.u32 s1, $0xD;
	s1 =	sshrl.u32 s1, $0x2  }
0xb9: {  	s3 =	sand.u32 $0x4000, s31;
	s1 =	sadd.s32 s1, s30  }
0xba: {  	s0 =	sor.u32 s3, s0;
	s1 =	sshll.u32 s1, $0x11  }
0xbb: {  	s0 =	sor.u32 s1, s0  }
0xbc: {  	s0 =	sadd.s32 $0x8F2B, s0  }
0xbd: {  	[sflag:s0] =	ssyncadd.remote.s32 $0x1  }
0xbe: {  	_ =	sfence.sel $0xFFFF  }
0xbf: {  	[dreg:$0x0] =	wrdreg $0xFFFFFFFF;
	(pc) =	sbr.abs _section_cstart, $3  }
0xc0: {  	[dreg:$0x1] =	wrdreg $0xFFFFFFFF  }
0xc1: {  	_ =	task.clear_ibuf [dreg:s6], $0x2FFFF;
	_ =	strace $0x9FFFFFFF  }
0xc2: {  	(tm) =	ssettm $0x7FFFFFFF  }
0xc3: {  	_ =	shalt  }
tec
execute0_lowered:
.L_overlay_start_1:
0x0: {  	(tag) =	ssettag $0x1  }
0x1: {  	s4 =	rddreg [dreg:$0x0]  }
0x2: {  	s2 =	rddreg [dreg:$0x1]  }
0x3: {  	s0 =	rddreg [dreg:$0x2]  }
0x4: {  	s5 =	srdreg.scid;
	s1 =	stileid.u32  }
0x5: {  	s3 =	simm.s32 $0x0;
	s11 =	simm.s32 $0x280;
	s6 =	smul.u32 $0x280, s1  }
0x6: {  	s12 =	simm.s32 $0x300;
	s5 =	sand.u32 $0x1, s5;
	s10 =	smul.u32 $0x500, s1  }
0x7: {  	s13 =	simm.s32 $0x80;
	s16 =	simm.s32 $0x0;
	s7 =	smul.u32 $0x2800, s5  }
0x8: {  	[smem:$0x7FF] =	sst s3;
	s14 =	sshll.u32 s1, $0x6;
	s8 =	smul.u32 $0x5000, s5  }
0x9: {  	_ =	strace $0x80000047;
	s5 =	ssub.s32 $0x2, s5;
	s14 =	sor.u32 $0x1C01, s14  }
0xa: {  	s9 =	sshrl.u32 s5, $0x1;
	s7 =	sadd.s32 s6, s7;
	s8 =	sadd.s32 s8, s4  }
0xb: {  	s9 =	ssub.s32 s5, s9;
	s7 =	sshrl.u32 s7, $0x3;
	s8 =	sadd.s32 s10, s8  }
0xc: {  	s10 =	simm.s32 $0x1;
	s7 =	sadd.s32 s7, s4;
	s4 =	sadd.s32 s6, s2  }
0xd: {  	s6 =	smax.u32 s9, $0x1;
	s9 =	simm.s32 $0x380;
	s5 =	sadd.s32 $0x1FE00, s7  }
0xe: {  	v0 =	vimm.f32 $0.0e+00;
	s7 =	sadd.s32 $0x1E00, s8;
	s8 =	sadd.s32 $0x15E00, s8;
	s15 =	sshrl.u32 s4, $0x3  }
.LBB2_1:
0xf: {  	[tilespmem:$0x380] =	vst v0  }
0x10: {  	[tilespmem:$0x390] =	vst v0  }
0x11: {  	[tilespmem:$0x3A0] =	vst v0  }
0x12: {  	[tilespmem:$0x3B0] =	vst v0  }
0x13: {  	[tilespmem:$0x3C0] =	vst v0  }
0x14: {  	[tilespmem:$0x3D0] =	vst v0  }
0x15: {  	[tilespmem:$0x3E0] =	vst v0  }
0x16: {  	[tilespmem:$0x3F0] =	vst v0  }
0x17: {  	[tilespmem:$0x400] =	vst v0  }
0x18: {  	[tilespmem:$0x410] =	vst v0  }
0x19: {  	[tilespmem:$0x420] =	vst v0  }
0x1a: {  	[tilespmem:$0x430] =	vst v0  }
0x1b: {  	[tilespmem:$0x440] =	vst v0  }
0x1c: {  	[tilespmem:$0x450] =	vst v0  }
0x1d: {  	[tilespmem:$0x460] =	vst v0  }
0x1e: {  	[tilespmem:$0x470] =	vst v0  }
0x1f: {  	[tilespmem:$0x480] =	vst v0  }
0x20: {  	[tilespmem:$0x490] =	vst v0  }
0x21: {  	[tilespmem:$0x4A0] =	vst v0  }
0x22: {  	[tilespmem:$0x4B0] =	vst v0  }
0x23: {  	[tilespmem:$0x4C0] =	vst v0  }
0x24: {  	[tilespmem:$0x4D0] =	vst v0  }
0x25: {  	[tilespmem:$0x4E0] =	vst v0  }
0x26: {  	[tilespmem:$0x4F0] =	vst v0  }
0x27: {  	[tilespmem:$0x500] =	vst v0  }
0x28: {  	[tilespmem:$0x510] =	vst v0  }
0x29: {  	[tilespmem:$0x520] =	vst v0  }
0x2a: {  	[tilespmem:$0x530] =	vst v0  }
0x2b: {  	[tilespmem:$0x540] =	vst v0  }
0x2c: {  	[tilespmem:$0x550] =	vst v0  }
0x2d: {  	[tilespmem:$0x560] =	vst v0  }
0x2e: {  	[tilespmem:$0x570] =	vst v0  }
0x2f: {  	[tilespmem:$0x580] =	vst v0  }
0x30: {  	[tilespmem:$0x590] =	vst v0  }
0x31: {  	[tilespmem:$0x5A0] =	vst v0  }
0x32: {  	[tilespmem:$0x5B0] =	vst v0  }
0x33: {  	[tilespmem:$0x5C0] =	vst v0  }
0x34: {  	[tilespmem:$0x5D0] =	vst v0  }
0x35: {  	[tilespmem:$0x5E0] =	vst v0  }
0x36: {  	[tilespmem:$0x5F0] =	vst v0  }
0x37: {  	[spmem:s4] =	stream.linear.scatter [tilespmem:s9], [sflag:$0x1], $0x280, $0x38;
	[tilespmem:$0x600] =	vst v63  }
0x38: {  	_ =	swait.ge [sflag:s10], $0x280  }
0x39: {  	[sflag:s10] =	ssyncset.done $0x0  }
0x3a: {  	[sflag:s10] =	ssyncadd.s32 $0xFFFFFD80  }
0x3b: {  	s17 =	sadd.s32 $0x0, s8;
	[bflag:$0x0] =	sbarrier.arrive $0xFFFF  }
0x3c: {  	[tilespmem:s11], [sflag:$0x1] =	stream.linear.gather [hbm4b:s17+s3], $0x80, $0x38;
	[tilespmem:$0x600] =	vst v63  }
0x3d: {  	_ =	swait.ge [sflag:s10], $0x80  }
0x3e: {  	[sflag:s10] =	ssyncset.done $0x0  }
0x3f: {  	s31 =	sadd.s32 $0x0, s7;
	[sflag:s10] =	ssyncadd.s32 $0xFFFFFF80  }
0x40: {  	[tilespmem:s12], [sflag:$0x1] =	stream.linear.gather [hbm4b:s31+s3], $0x80, $0x38;
	[tilespmem:$0x600] =	vst v63  }
0x41: {  	_ =	swait.ge [sflag:s10], $0x80  }
0x42: {  	[sflag:s10] =	ssyncset.done $0x0  }
0x43: {  	[sflag:s10] =	ssyncadd.s32 $0xFFFFFF80  }
0x44: {  	[spmem:s2] =	stream.indirect.scatter.add.f32 [tilespmem:s12], [sflag:$0x1], $0x1, s11, s13, $0xb8;
	[tilespmem:$0x600] =	vst v63  }
0x45: {  	_ =	swait.ge [sflag:s10], $0x80  }
0x46: {  	s18 =	simm.s32 $0x20;
	s17 =	simm.s32 $0x10;
	[sflag:s10] =	ssyncset.done $0x0  }
.LBB2_2:
0x47: {  	s19 =	sadd.s32 s17, s8  }
0x48: {  	[sflag:s10] =	ssyncadd.s32 $0xFFFFFF80;
	s20 =	smov.u32 s18;
	s21 =	sadd.s32 $0x10, s18  }
0x49: {  	[tilespmem:s11], [sflag:$0x1] =	stream.linear.gather [hbm4b:s19+s3], $0x80, $0x38;
	[tilespmem:$0x600] =	vst v63  }
0x4a: {  	p0 =	sne.s32 s18, $0x4F0;
	_ =	swait.ge [sflag:s10], $0x80  }
0x4b: {  	[sflag:s10] =	ssyncset.done $0x0  }
0x4c: {  	s18 =	sadd.s32 s17, s7;
	s17 =	smov.u32 s20;
	[sflag:s10] =	ssyncadd.s32 $0xFFFFFF80  }
0x4d: {  	[tilespmem:s12], [sflag:$0x1] =	stream.linear.gather [hbm4b:s18+s3], $0x80, $0x38;
	[tilespmem:$0x600] =	vst v63  }
0x4e: {  	_ =	swait.ge [sflag:s10], $0x80  }
.Ltmp0:
0x4f: {  	[sflag:s10] =	ssyncset.done $0x0;
	(pc) =	sbr.rel @p0 .LBB2_2-.Ltmp0, $4  }
0x50: {  	[sflag:s10] =	ssyncadd.s32 $0xFFFFFF80  }
0x51: {  	[spmem:s2] =	stream.indirect.scatter.add.f32 [tilespmem:s12], [sflag:$0x1], $0x1, s11, s13, $0xb8;
	[tilespmem:$0x600] =	vst v63  }
0x52: {  	_ =	swait.ge [sflag:s10], $0x80  }
0x53: {  	s18 =	smov.u32 s21;
	[sflag:s10] =	ssyncset.done $0x0  }
0x54: {  	s18 =	sadd.s32 s17, s8;
	[sflag:s10] =	ssyncadd.s32 $0xFFFFFF80  }
0x55: {  	[tilespmem:s11], [sflag:$0x1] =	stream.linear.gather [hbm4b:s18+s3], $0x80, $0x38;
	[tilespmem:$0x600] =	vst v63  }
0x56: {  	_ =	swait.ge [sflag:s10], $0x80  }
0x57: {  	[sflag:s10] =	ssyncset.done $0x0  }
0x58: {  	s31 =	sadd.s32 s17, s7;
	[sflag:s10] =	ssyncadd.s32 $0xFFFFFF80  }
0x59: {  	[tilespmem:s12], [sflag:$0x1] =	stream.linear.gather [hbm4b:s31+s3], $0x80, $0x38;
	[tilespmem:$0x600] =	vst v63  }
0x5a: {  	_ =	swait.ge [sflag:s10], $0x80  }
0x5b: {  	[sflag:s10] =	ssyncset.done $0x0  }
0x5c: {  	[sflag:s10] =	ssyncadd.s32 $0xFFFFFF80  }
0x5d: {  	[spmem:s2] =	stream.indirect.scatter.add.f32 [tilespmem:s12], [sflag:$0x1], $0x1, s11, s13, $0xb8;
	[tilespmem:$0x600] =	vst v63  }
0x5e: {  	_ =	swait.ge [sflag:s10], $0x80  }
0x5f: {  	s16 =	sadd.s32 $0x1, s16;
	[sflag:s10] =	ssyncset.done $0x0  }
0x60: {  	p0 =	sne.s32 s16, s6;
	[sflag:s10] =	ssyncadd.s32 $0xFFFFFF80  }
.Ltmp1:
0x61: {  	[bflag:$0x0] =	sbarrier.arrive $0xFFFF;
	(pc) =	sbr.rel @p0 .LBB2_1-.Ltmp1, $4  }
0x62: {  	[hbm:s5], [sflag:s14] =	dma.local [spmem:s15], $0x50  }
0x63: {  	_ =	swait.ge [sflag:s10], $0x50  }
0x64: {  	[sflag:s10] =	ssyncset.done $0x0  }
0x65: {  	[sflag:s10] =	ssyncadd.s32 $0xFFFFFFB0  }
0x66: {  	_ =	sfence.sel $0x180000  }
0x67: {  	[bflag:$0x0] =	sbarrier.arrive $0xFFFF  }
0x68: {  	p0 =	sne.s32 s1, $0x0;
	_ =	strace $0x90000047  }
0x69: {  	s0 =	sadd.s32 @!p0 $0x100000, s0;
	[bflag:$0x2] =	sbarrier.arrive $0xFFFF  }
0x6a: {  	[sflag:s0] =	ssyncadd.tile.s32 @!p0 $0x1;
	_ =	shalt  }
.Lfunc_end2:
_tile_overlayer_lowered:
.L_overlay_start_2:
0x6b: {  	(tag) =	ssettag $0x2  }
0x6c: {  	s0 =	rddreg [dreg:$0x0];
	s2 =	stileid.u32  }
0x6d: {  	s1 =	rddreg [dreg:$0x1];
	p0 =	sne.s32 s2, $0x0  }
0x6e: {  	s3 =	rddreg [dreg:$0x2];
	[bflag:$0x3] =	sbarrier.arrive $0xFFFF;
	s2 =	simm.s32 @!p0 $0x1C01  }
0x6f: {  	[timem:s3], [sflag:s2] =	dma.local @!p0 [hbm:s0], s1  }
0x70: {  	s0 =	simm.s32 @!p0 $0x1  }
0x71: {  	_ =	swait.ge @!p0 [sflag:s0], s1  }
0x72: {  	s1 =	ssub.s32 @!p0 $0x0, s1;
	[sflag:s0] =	ssyncset.done @!p0 $0x0  }
0x73: {  	[sflag:s0] =	ssyncadd.s32 @!p0 s1  }
0x74: {  	[bflag:$0x3] =	sbarrier.arrive $0xFFFF  }
0x75: {  	_ =	shalt  }

</sc_bundles>
